<compile_context>
chip_gen: v7x
topology: tpu7x:2x2x1
jax: 0.10.2.dev20260603
libtpu: 0.0.44.dev20260713+nightly
codegen_flags: <defaults>
</compile_context>

<pallas_src>
import functools

import jax
import jax.numpy as jnp
from jax import lax
from jax.experimental import pallas as pl
from jax.experimental.pallas import tpu as pltpu
from jax.experimental.pallas import tpu_sc as plsc

_NEU_IN = 100000
_NEU_OUT = 128
_THRES = 1.0
_DECAY = 2.0 ** 4

_NW = 32
_ROWS_W = 3200
_PAD_IN = _NW * _ROWS_W
_CHUNKS = _ROWS_W // 16
_GR = 160
_NB = 5
_V8 = _NEU_OUT // 16


def _sc_body(spikes_hbm, w_hbm, out_hbm, spk_v, spkf_v,
             b0, b1, b2, b3, b4, acc_v, s0, s1, s2, s3, s4):
    bufs = (b0, b1, b2, b3, b4)
    sems = (s0, s1, s2, s3, s4)

    wid = lax.axis_index("s") * 2 + lax.axis_index("c")
    base = wid * _ROWS_W
    nvalid = jnp.minimum(_ROWS_W, _NEU_IN - base)
    trips = lax.div(nvalid, _GR)
    revs = lax.div(trips, _NB)

    pltpu.sync_copy(spikes_hbm.at[pl.ds(base, _ROWS_W)], spk_v)

    def conv(c, x):
        spkf_v[pl.ds(c * 16, 16)] = spk_v[pl.ds(c * 16, 16)].astype(jnp.float32)
        return x

    lax.fori_loop(0, _CHUNKS, conv, 0)

    def fire(c, buf, sem):
        pltpu.async_copy(w_hbm.at[pl.ds(base + c * _GR, _GR)], buf, sem)

    def drain(buf, sem):
        pltpu.make_async_copy(w_hbm.at[pl.ds(0, _GR)], buf, sem).wait()

    for b in range(_NB):
        fire(b, bufs[b], sems[b])

    def accum(buf, c, acc):
        rbase = c * _GR

        def body4(q, a):
            new = list(a)
            for jj in range(4):
                ridx = jnp.full((16,), rbase + q * 4 + jj, jnp.int32)
                s = plsc.load_gather(spkf_v, [ridx])
                for v in range(_V8):
                    new[v] = new[v] + buf[q * 4 + jj, pl.ds(v * 16, 16)] * s
            return tuple(new)

        return lax.fori_loop(0, _GR // 4, body4, acc)

    init = tuple(jnp.zeros((16,), jnp.float32) for _ in range(_V8))

    def rev(i, accs):
        for b in range(_NB):
            c = i * _NB + b
            drain(bufs[b], sems[b])
            accs = accum(bufs[b], c, accs)
            cf = jnp.minimum(c + _NB, trips - 1)
            fire(cf, bufs[b], sems[b])
        return accs

    accs = lax.fori_loop(0, revs, rev, init)

    for b in range(_NB):
        drain(bufs[b], sems[b])

    for v in range(_V8):
        acc_v[0, pl.ds(v * 16, 16)] = accs[v]
    pltpu.sync_copy(acc_v, out_hbm.at[pl.ds(wid, 1)])


_sc_call = functools.partial(
    pl.kernel,
    out_type=jax.ShapeDtypeStruct((_NW, _NEU_OUT), jnp.float32),
    mesh=plsc.VectorSubcoreMesh(core_axis_name="c", subcore_axis_name="s"),
    compiler_params=pltpu.CompilerParams(needs_layout_passes=False),
    scratch_types=[
        pltpu.VMEM((_ROWS_W,), jnp.int32),
        pltpu.VMEM((_ROWS_W,), jnp.float32),
    ] + [pltpu.VMEM((_GR, _NEU_OUT), jnp.float32) for _ in range(_NB)] + [
        pltpu.VMEM((1, _NEU_OUT), jnp.float32),
    ] + [pltpu.SemaphoreType.DMA for _ in range(_NB)],
)(_sc_body)


def kernel(spikes_in, W, mempot):
    spikes_pad = (
        jnp.zeros((_PAD_IN,), jnp.int32).at[:_NEU_IN].set(spikes_in.astype(jnp.int32))
    )
    partials = _sc_call(spikes_pad, W)
    m = mempot + jnp.sum(partials, axis=0)
    spikes_out = m >= _THRES
    mnew = jnp.where(spikes_out, m - _THRES, (m * _DECAY - m) / _DECAY)
    traces_out = jnp.zeros((_NEU_OUT,), jnp.float32)
    return (spikes_out, traces_out, mnew)

# --- scband reference (transcript-rebuilt; emitter-appended) ---
"""Pipeline reference for scband-snn-linear-41583873360168 (READ-ONLY COPY).

The authoritative reference and input builder live on the scoring server;
editing this copy changes nothing except your own understanding.
"""

import jax, jax.numpy as jnp
import numpy as np

NEU_IN = 100000
NEU_OUT = 128
MEMPOT_THRES = 1.0
DECAY = 4


def setup_inputs(seed: int = 0) -> dict:
    key = jax.random.key(seed)
    k1, k2 = jax.random.split(key)
    spikes_in = jax.random.randint(k1, (NEU_IN,), 0, 2).astype(jnp.bool_)
    # weights ~ He init, matching train_ntest=True branch of the torch module
    W = jax.random.normal(k2, (NEU_IN, NEU_OUT), dtype=jnp.float32) * np.sqrt(2.0 / NEU_IN)
    mempot = jnp.zeros((NEU_OUT,), dtype=jnp.float32)  # membrane-potential state
    return {"spikes_in": spikes_in, "W": W, "mempot": mempot}


def reference(spikes_in, W, mempot):
    # mempot[post] += sum over pre with spikes_in[pre] of W[pre, post]
    # (vectorized, masked row-gather + reduce over the weight table)
    contrib = jnp.sum(W * spikes_in[:, None].astype(jnp.float32), axis=0)
    m = mempot + contrib
    spikes_out = m >= MEMPOT_THRES
    # fire: subtract threshold; else leak: (m * 2**decay - m) / 2**decay
    m_new = jnp.where(spikes_out, m - MEMPOT_THRES, (m * (2.0 ** DECAY) - m) / (2.0 ** DECAY))
    traces_out = jnp.zeros((NEU_OUT,), dtype=jnp.float32)
    return (spikes_out, traces_out, m_new)

if __name__ == "__main__":
    import jax
    _d = setup_inputs()
    print(jax.jit(kernel)(*tuple(_d.values())))

</pallas_src>

<mosaic_0001>
#map = affine_map<(d0, d1) -> (0)>
#map1 = affine_map<(d0, d1) -> (0, 0)>
module attributes {stable_mosaic.version = 14 : i64} {
  func.func @_sc_body(%arg0: i32, %arg1: i32, %arg2: memref<102400xi32, #tpu.memory_space<hbm>>, %arg3: memref<100000x128xf32, #tpu.memory_space<hbm>>, %arg4: memref<32x128xf32, #tpu.memory_space<hbm>>, %arg5: memref<3200xi32, #tpu.memory_space<vmem>>, %arg6: memref<3200xf32, #tpu.memory_space<vmem>>, %arg7: memref<160x128xf32, #tpu.memory_space<vmem>>, %arg8: memref<160x128xf32, #tpu.memory_space<vmem>>, %arg9: memref<160x128xf32, #tpu.memory_space<vmem>>, %arg10: memref<160x128xf32, #tpu.memory_space<vmem>>, %arg11: memref<160x128xf32, #tpu.memory_space<vmem>>, %arg12: memref<1x128xf32, #tpu.memory_space<vmem>>, %arg13: memref<!tpu.dma_semaphore, #tpu.memory_space<semaphore_mem>>, %arg14: memref<!tpu.dma_semaphore, #tpu.memory_space<semaphore_mem>>, %arg15: memref<!tpu.dma_semaphore, #tpu.memory_space<semaphore_mem>>, %arg16: memref<!tpu.dma_semaphore, #tpu.memory_space<semaphore_mem>>, %arg17: memref<!tpu.dma_semaphore, #tpu.memory_space<semaphore_mem>>) attributes {dimension_semantics = [#tpu.dimension_semantics<core_parallel>, #tpu.dimension_semantics<subcore_parallel>], iteration_bounds = array<i64: 2, 16>, scalar_prefetch = 0 : i64, scratch_operands = 13 : i64, tpu.core_type = #tpu.core_type<sc_vector_subcore>, window_params = [{transform_indices = #map}, {transform_indices = #map1}, {transform_indices = #map1}]} {
    %mul3A = arith.constant 2 : i32
    %mul3A_0 = arith.muli %arg1, %mul3A : i32
    %add3A = arith.addi %mul3A_0, %arg0 : i32
    %mul3A_1 = arith.constant 3200 : i32
    %mul3A_2 = arith.muli %add3A, %mul3A_1 : i32
    %sub3A = arith.constant 100000 : i32
    %sub3A_3 = arith.subi %sub3A, %mul3A_2 : i32
    %min3A = arith.constant 3200 : i32
    %min3A_4 = arith.minsi %min3A, %sub3A_3 : i32
    %div3A = arith.constant 160 : i32
    %div3A_5 = arith.divsi %min3A_4, %div3A : i32
    %div3A_6 = arith.constant 5 : i32
    %div3A_7 = arith.divsi %div3A_5, %div3A_6 : i32
    "tpu.region"() ({
      %run_scoped3A = tpu.sem_alloc : memref<!tpu.dma_semaphore, #tpu.memory_space<semaphore_mem>>
      %dma_start3A_127 = tpu.memref_slice %arg2[%mul3A_2] : memref<102400xi32, #tpu.memory_space<hbm>> -> memref<3200xi32, #tpu.memory_space<hbm>>
      %dma_start3A_128 = tpu.memref_slice %arg2[%mul3A_2] : memref<102400xi32, #tpu.memory_space<hbm>> -> memref<3200xi32, #tpu.memory_space<hbm>>
      tpu.enqueue_dma source(%dma_start3A_128 : memref<3200xi32, #tpu.memory_space<hbm>>) target(%arg5 : memref<3200xi32, #tpu.memory_space<vmem>>) target_semaphore(%run_scoped3A : memref<!tpu.dma_semaphore, #tpu.memory_space<semaphore_mem>>)
      %dma_wait3A_129 = tpu.memref_slice %arg2[%mul3A_2] : memref<102400xi32, #tpu.memory_space<hbm>> -> memref<3200xi32, #tpu.memory_space<hbm>>
      %dma_wait3A_130 = tpu.memref_slice %arg2[%mul3A_2] : memref<102400xi32, #tpu.memory_space<hbm>> -> memref<3200xi32, #tpu.memory_space<hbm>>
      tpu.wait_dma2 semaphore(%run_scoped3A : memref<!tpu.dma_semaphore, #tpu.memory_space<semaphore_mem>>) src(%dma_wait3A_130 : memref<3200xi32, #tpu.memory_space<hbm>>) dst(%arg5 : memref<3200xi32, #tpu.memory_space<vmem>>)
      tpu.yield
    }) : () -> ()
    %scan3A = arith.constant 0 : i32
    %scan3A_8 = arith.constant 0 : i32
    %scan3A_9 = arith.constant 200 : i32
    %scan3A_10 = arith.addi %scan3A_8, %scan3A_9 : i32
    %scan3A_11 = arith.constant 1 : i32
    scf.for %scan3A_127 = %scan3A_8 to %scan3A_10 step %scan3A_11  : i32 {
      %mul3A_128 = arith.constant 16 : i32
      %mul3A_129 = arith.muli %scan3A_127, %mul3A_128 : i32
      %get3A = arith.index_cast %mul3A_129 : i32 to index
      %get3A_130 = tpu.vector_load %arg5[%get3A] {strides = array<i32>} : memref<3200xi32, #tpu.memory_space<vmem>>, vector<16xi32>,
      %convert_element_type3A = arith.sitofp %get3A_130 : vector<16xi32> to vector<16xf32>
      %mul3A_131 = arith.constant 16 : i32
      %mul3A_132 = arith.muli %scan3A_127, %mul3A_131 : i32
      %swap3A_133 = arith.index_cast %mul3A_132 : i32 to index
      %swap3A_134 = tpu.vector_load %arg6[%swap3A_133] {strides = array<i32>} : memref<3200xf32, #tpu.memory_space<vmem>>, vector<16xf32>,
      tpu.vector_store %arg6[%swap3A_133], %convert_element_type3A {strides = array<i32>} : memref<3200xf32, #tpu.memory_space<vmem>>, vector<16xf32>,
    }
    %scan3A_12 = arith.constant 200 : i32
    %add3A_13 = arith.constant 0 : i32
    %add3A_14 = arith.addi %mul3A_2, %add3A_13 : i32
    %dma_start3A = arith.constant 0 : i32
    %dma_start3A_15 = tpu.memref_slice %arg3[%add3A_14, %dma_start3A] : memref<100000x128xf32, #tpu.memory_space<hbm>> -> memref<160x128xf32, #tpu.memory_space<hbm>>
    %dma_start3A_16 = arith.constant 0 : i32
    %dma_start3A_17 = tpu.memref_slice %arg3[%add3A_14, %dma_start3A_16] : memref<100000x128xf32, #tpu.memory_space<hbm>> -> memref<160x128xf32, #tpu.memory_space<hbm>>
    tpu.enqueue_dma source(%dma_start3A_17 : memref<160x128xf32, #tpu.memory_space<hbm>>) target(%arg7 : memref<160x128xf32, #tpu.memory_space<vmem>>) target_semaphore(%arg13 : memref<!tpu.dma_semaphore, #tpu.memory_space<semaphore_mem>>)
    %add3A_18 = arith.constant 160 : i32
    %add3A_19 = arith.addi %mul3A_2, %add3A_18 : i32
    %dma_start3A_20 = arith.constant 0 : i32
    %dma_start3A_21 = tpu.memref_slice %arg3[%add3A_19, %dma_start3A_20] : memref<100000x128xf32, #tpu.memory_space<hbm>> -> memref<160x128xf32, #tpu.memory_space<hbm>>
    %dma_start3A_22 = arith.constant 0 : i32
    %dma_start3A_23 = tpu.memref_slice %arg3[%add3A_19, %dma_start3A_22] : memref<100000x128xf32, #tpu.memory_space<hbm>> -> memref<160x128xf32, #tpu.memory_space<hbm>>
    tpu.enqueue_dma source(%dma_start3A_23 : memref<160x128xf32, #tpu.memory_space<hbm>>) target(%arg8 : memref<160x128xf32, #tpu.memory_space<vmem>>) target_semaphore(%arg14 : memref<!tpu.dma_semaphore, #tpu.memory_space<semaphore_mem>>)
    %add3A_24 = arith.constant 320 : i32
    %add3A_25 = arith.addi %mul3A_2, %add3A_24 : i32
    %dma_start3A_26 = arith.constant 0 : i32
    %dma_start3A_27 = tpu.memref_slice %arg3[%add3A_25, %dma_start3A_26] : memref<100000x128xf32, #tpu.memory_space<hbm>> -> memref<160x128xf32, #tpu.memory_space<hbm>>
    %dma_start3A_28 = arith.constant 0 : i32
    %dma_start3A_29 = tpu.memref_slice %arg3[%add3A_25, %dma_start3A_28] : memref<100000x128xf32, #tpu.memory_space<hbm>> -> memref<160x128xf32, #tpu.memory_space<hbm>>
    tpu.enqueue_dma source(%dma_start3A_29 : memref<160x128xf32, #tpu.memory_space<hbm>>) target(%arg9 : memref<160x128xf32, #tpu.memory_space<vmem>>) target_semaphore(%arg15 : memref<!tpu.dma_semaphore, #tpu.memory_space<semaphore_mem>>)
    %add3A_30 = arith.constant 480 : i32
    %add3A_31 = arith.addi %mul3A_2, %add3A_30 : i32
    %dma_start3A_32 = arith.constant 0 : i32
    %dma_start3A_33 = tpu.memref_slice %arg3[%add3A_31, %dma_start3A_32] : memref<100000x128xf32, #tpu.memory_space<hbm>> -> memref<160x128xf32, #tpu.memory_space<hbm>>
    %dma_start3A_34 = arith.constant 0 : i32
    %dma_start3A_35 = tpu.memref_slice %arg3[%add3A_31, %dma_start3A_34] : memref<100000x128xf32, #tpu.memory_space<hbm>> -> memref<160x128xf32, #tpu.memory_space<hbm>>
    tpu.enqueue_dma source(%dma_start3A_35 : memref<160x128xf32, #tpu.memory_space<hbm>>) target(%arg10 : memref<160x128xf32, #tpu.memory_space<vmem>>) target_semaphore(%arg16 : memref<!tpu.dma_semaphore, #tpu.memory_space<semaphore_mem>>)
    %add3A_36 = arith.constant 640 : i32
    %add3A_37 = arith.addi %mul3A_2, %add3A_36 : i32
    %dma_start3A_38 = arith.constant 0 : i32
    %dma_start3A_39 = tpu.memref_slice %arg3[%add3A_37, %dma_start3A_38] : memref<100000x128xf32, #tpu.memory_space<hbm>> -> memref<160x128xf32, #tpu.memory_space<hbm>>
    %dma_start3A_40 = arith.constant 0 : i32
    %dma_start3A_41 = tpu.memref_slice %arg3[%add3A_37, %dma_start3A_40] : memref<100000x128xf32, #tpu.memory_space<hbm>> -> memref<160x128xf32, #tpu.memory_space<hbm>>
    tpu.enqueue_dma source(%dma_start3A_41 : memref<160x128xf32, #tpu.memory_space<hbm>>) target(%arg11 : memref<160x128xf32, #tpu.memory_space<vmem>>) target_semaphore(%arg17 : memref<!tpu.dma_semaphore, #tpu.memory_space<semaphore_mem>>)
    %broadcast_in_dim3A = arith.constant 0.000000e+00 : f32
    %broadcast_in_dim3A_42 = vector.broadcast %broadcast_in_dim3A : f32 to vector<16xf32>
    %broadcast_in_dim3A_43 = arith.constant 0.000000e+00 : f32
    %broadcast_in_dim3A_44 = vector.broadcast %broadcast_in_dim3A_43 : f32 to vector<16xf32>
    %broadcast_in_dim3A_45 = arith.constant 0.000000e+00 : f32
    %broadcast_in_dim3A_46 = vector.broadcast %broadcast_in_dim3A_45 : f32 to vector<16xf32>
    %broadcast_in_dim3A_47 = arith.constant 0.000000e+00 : f32
    %broadcast_in_dim3A_48 = vector.broadcast %broadcast_in_dim3A_47 : f32 to vector<16xf32>
    %broadcast_in_dim3A_49 = arith.constant 0.000000e+00 : f32
    %broadcast_in_dim3A_50 = vector.broadcast %broadcast_in_dim3A_49 : f32 to vector<16xf32>
    %broadcast_in_dim3A_51 = arith.constant 0.000000e+00 : f32
    %broadcast_in_dim3A_52 = vector.broadcast %broadcast_in_dim3A_51 : f32 to vector<16xf32>
    %broadcast_in_dim3A_53 = arith.constant 0.000000e+00 : f32
    %broadcast_in_dim3A_54 = vector.broadcast %broadcast_in_dim3A_53 : f32 to vector<16xf32>
    %broadcast_in_dim3A_55 = arith.constant 0.000000e+00 : f32
    %broadcast_in_dim3A_56 = vector.broadcast %broadcast_in_dim3A_55 : f32 to vector<16xf32>
    %while3A = arith.constant 0 : i32
    %while3A_57 = arith.subi %div3A_7, %while3A : i32
    %while3A_58 = arith.addi %while3A, %while3A_57 : i32
    %while3A_59 = arith.constant 1 : i32
    %while3A_60 = arith.divsi %while3A_57, %while3A_59 : i32
    %while3A_61 = arith.muli %while3A_60, %while3A_59 : i32
    %while3A_62 = arith.addi %while3A, %while3A_61 : i32
    %while3A_63 = arith.constant 1 : i32
    %while3A_64:8 = scf.for %while3A_127 = %while3A to %while3A_62 step %while3A_63 iter_args(%while3A_128 = %broadcast_in_dim3A_42, %while3A_129 = %broadcast_in_dim3A_44, %while3A_130 = %broadcast_in_dim3A_46, %while3A_131 = %broadcast_in_dim3A_48, %while3A_132 = %broadcast_in_dim3A_50, %while3A_133 = %broadcast_in_dim3A_52, %while3A_134 = %broadcast_in_dim3A_54, %while3A_135 = %broadcast_in_dim3A_56) -> (vector<16xf32>, vector<16xf32>, vector<16xf32>, vector<16xf32>, vector<16xf32>, vector<16xf32>, vector<16xf32>, vector<16xf32>)  : i32 {
      %mul3A_136 = arith.constant 5 : i32
      %mul3A_137 = arith.muli %while3A_127, %mul3A_136 : i32
      %add3A_138 = arith.constant 0 : i32
      %add3A_139 = arith.addi %mul3A_137, %add3A_138 : i32
      %dma_wait3A_140 = arith.constant 0 : i32
      %dma_wait3A_141 = arith.constant 0 : i32
      %dma_wait3A_142 = tpu.memref_slice %arg3[%dma_wait3A_140, %dma_wait3A_141] : memref<100000x128xf32, #tpu.memory_space<hbm>> -> memref<160x128xf32, #tpu.memory_space<hbm>>
      %dma_wait3A_143 = arith.constant 0 : i32
      %dma_wait3A_144 = arith.constant 0 : i32
      %dma_wait3A_145 = tpu.memref_slice %arg3[%dma_wait3A_143, %dma_wait3A_144] : memref<100000x128xf32, #tpu.memory_space<hbm>> -> memref<160x128xf32, #tpu.memory_space<hbm>>
      tpu.wait_dma2 semaphore(%arg13 : memref<!tpu.dma_semaphore, #tpu.memory_space<semaphore_mem>>) src(%dma_wait3A_145 : memref<160x128xf32, #tpu.memory_space<hbm>>) dst(%arg7 : memref<160x128xf32, #tpu.memory_space<vmem>>)
      %mul3A_146 = arith.constant 160 : i32
      %mul3A_147 = arith.muli %add3A_139, %mul3A_146 : i32
      %scan3A_148 = arith.constant 0 : i32
      %scan3A_149 = arith.constant 40 : i32
      %scan3A_150 = arith.addi %scan3A_148, %scan3A_149 : i32
      %scan3A_151 = arith.constant 1 : i32
      %scan3A_152:8 = scf.for %scan3A_286 = %scan3A_148 to %scan3A_150 step %scan3A_151 iter_args(%scan3A_287 = %while3A_128, %scan3A_288 = %while3A_129, %scan3A_289 = %while3A_130, %scan3A_290 = %while3A_131, %scan3A_291 = %while3A_132, %scan3A_292 = %while3A_133, %scan3A_293 = %while3A_134, %scan3A_294 = %while3A_135) -> (vector<16xf32>, vector<16xf32>, vector<16xf32>, vector<16xf32>, vector<16xf32>, vector<16xf32>, vector<16xf32>, vector<16xf32>)  : i32 {
        %mul3A_295 = arith.constant 4 : i32
        %mul3A_296 = arith.muli %scan3A_286, %mul3A_295 : i32
        %add3A_297 = arith.addi %mul3A_147, %mul3A_296 : i32
        %add3A_298 = arith.constant 0 : i32
        %add3A_299 = arith.addi %add3A_297, %add3A_298 : i32
        %broadcast_in_dim3A_300 = vector.broadcast %add3A_299 : i32 to vector<16xi32>
        %gather3A = tpu.vector_load_idx %arg6[%broadcast_in_dim3A_300] : memref<3200xf32, #tpu.memory_space<vmem>>[vector<16xi32>], vector<16xf32>,
        %mul3A_301 = arith.constant 4 : i32
        %mul3A_302 = arith.muli %scan3A_286, %mul3A_301 : i32
        %add3A_303 = arith.constant 0 : i32
        %add3A_304 = arith.addi %mul3A_302, %add3A_303 : i32
        %get3A = arith.index_cast %add3A_304 : i32 to index
        %get3A_305 = arith.constant 0 : index
        %get3A_306 = tpu.vector_load %arg7[%get3A, %get3A_305] {strides = array<i32>} : memref<160x128xf32, #tpu.memory_space<vmem>>, vector<16xf32>,
        %mul3A_307 = arith.mulf %get3A_306, %gather3A : vector<16xf32>
        %add3A_308 = arith.addf %scan3A_287, %mul3A_307 : vector<16xf32>
        %mul3A_309 = arith.constant 4 : i32
        %mul3A_310 = arith.muli %scan3A_286, %mul3A_309 : i32
        %add3A_311 = arith.constant 0 : i32
        %add3A_312 = arith.addi %mul3A_310, %add3A_311 : i32
        %get3A_313 = arith.index_cast %add3A_312 : i32 to index
        %get3A_314 = arith.constant 16 : index
        %get3A_315 = tpu.vector_load %arg7[%get3A_313, %get3A_314] {strides = array<i32>} : memref<160x128xf32, #tpu.memory_space<vmem>>, vector<16xf32>,
        %mul3A_316 = arith.mulf %get3A_315, %gather3A : vector<16xf32>
        %add3A_317 = arith.addf %scan3A_288, %mul3A_316 : vector<16xf32>
        %mul3A_318 = arith.constant 4 : i32
        %mul3A_319 = arith.muli %scan3A_286, %mul3A_318 : i32
        %add3A_320 = arith.constant 0 : i32
        %add3A_321 = arith.addi %mul3A_319, %add3A_320 : i32
        %get3A_322 = arith.index_cast %add3A_321 : i32 to index
        %get3A_323 = arith.constant 32 : index
        %get3A_324 = tpu.vector_load %arg7[%get3A_322, %get3A_323] {strides = array<i32>} : memref<160x128xf32, #tpu.memory_space<vmem>>, vector<16xf32>,
        %mul3A_325 = arith.mulf %get3A_324, %gather3A : vector<16xf32>
        %add3A_326 = arith.addf %scan3A_289, %mul3A_325 : vector<16xf32>
        %mul3A_327 = arith.constant 4 : i32
        %mul3A_328 = arith.muli %scan3A_286, %mul3A_327 : i32
        %add3A_329 = arith.constant 0 : i32
        %add3A_330 = arith.addi %mul3A_328, %add3A_329 : i32
        %get3A_331 = arith.index_cast %add3A_330 : i32 to index
        %get3A_332 = arith.constant 48 : index
        %get3A_333 = tpu.vector_load %arg7[%get3A_331, %get3A_332] {strides = array<i32>} : memref<160x128xf32, #tpu.memory_space<vmem>>, vector<16xf32>,
        %mul3A_334 = arith.mulf %get3A_333, %gather3A : vector<16xf32>
        %add3A_335 = arith.addf %scan3A_290, %mul3A_334 : vector<16xf32>
        %mul3A_336 = arith.constant 4 : i32
        %mul3A_337 = arith.muli %scan3A_286, %mul3A_336 : i32
        %add3A_338 = arith.constant 0 : i32
        %add3A_339 = arith.addi %mul3A_337, %add3A_338 : i32
        %get3A_340 = arith.index_cast %add3A_339 : i32 to index
        %get3A_341 = arith.constant 64 : index
        %get3A_342 = tpu.vector_load %arg7[%get3A_340, %get3A_341] {strides = array<i32>} : memref<160x128xf32, #tpu.memory_space<vmem>>, vector<16xf32>,
        %mul3A_343 = arith.mulf %get3A_342, %gather3A : vector<16xf32>
        %add3A_344 = arith.addf %scan3A_291, %mul3A_343 : vector<16xf32>
        %mul3A_345 = arith.constant 4 : i32
        %mul3A_346 = arith.muli %scan3A_286, %mul3A_345 : i32
        %add3A_347 = arith.constant 0 : i32
        %add3A_348 = arith.addi %mul3A_346, %add3A_347 : i32
        %get3A_349 = arith.index_cast %add3A_348 : i32 to index
        %get3A_350 = arith.constant 80 : index
        %get3A_351 = tpu.vector_load %arg7[%get3A_349, %get3A_350] {strides = array<i32>} : memref<160x128xf32, #tpu.memory_space<vmem>>, vector<16xf32>,
        %mul3A_352 = arith.mulf %get3A_351, %gather3A : vector<16xf32>
        %add3A_353 = arith.addf %scan3A_292, %mul3A_352 : vector<16xf32>
        %mul3A_354 = arith.constant 4 : i32
        %mul3A_355 = arith.muli %scan3A_286, %mul3A_354 : i32
        %add3A_356 = arith.constant 0 : i32
        %add3A_357 = arith.addi %mul3A_355, %add3A_356 : i32
        %get3A_358 = arith.index_cast %add3A_357 : i32 to index
        %get3A_359 = arith.constant 96 : index
        %get3A_360 = tpu.vector_load %arg7[%get3A_358, %get3A_359] {strides = array<i32>} : memref<160x128xf32, #tpu.memory_space<vmem>>, vector<16xf32>,
        %mul3A_361 = arith.mulf %get3A_360, %gather3A : vector<16xf32>
        %add3A_362 = arith.addf %scan3A_293, %mul3A_361 : vector<16xf32>
        %mul3A_363 = arith.constant 4 : i32
        %mul3A_364 = arith.muli %scan3A_286, %mul3A_363 : i32
        %add3A_365 = arith.constant 0 : i32
        %add3A_366 = arith.addi %mul3A_364, %add3A_365 : i32
        %get3A_367 = arith.index_cast %add3A_366 : i32 to index
        %get3A_368 = arith.constant 112 : index
        %get3A_369 = tpu.vector_load %arg7[%get3A_367, %get3A_368] {strides = array<i32>} : memref<160x128xf32, #tpu.memory_space<vmem>>, vector<16xf32>,
        %mul3A_370 = arith.mulf %get3A_369, %gather3A : vector<16xf32>
        %add3A_371 = arith.addf %scan3A_294, %mul3A_370 : vector<16xf32>
        %mul3A_372 = arith.constant 4 : i32
        %mul3A_373 = arith.muli %scan3A_286, %mul3A_372 : i32
        %add3A_374 = arith.addi %mul3A_147, %mul3A_373 : i32
        %add3A_375 = arith.constant 1 : i32
        %add3A_376 = arith.addi %add3A_374, %add3A_375 : i32
        %broadcast_in_dim3A_377 = vector.broadcast %add3A_376 : i32 to vector<16xi32>
        %gather3A_378 = tpu.vector_load_idx %arg6[%broadcast_in_dim3A_377] : memref<3200xf32, #tpu.memory_space<vmem>>[vector<16xi32>], vector<16xf32>,
        %mul3A_379 = arith.constant 4 : i32
        %mul3A_380 = arith.muli %scan3A_286, %mul3A_379 : i32
        %add3A_381 = arith.constant 1 : i32
        %add3A_382 = arith.addi %mul3A_380, %add3A_381 : i32
        %get3A_383 = arith.index_cast %add3A_382 : i32 to index
        %get3A_384 = arith.constant 0 : index
        %get3A_385 = tpu.vector_load %arg7[%get3A_383, %get3A_384] {strides = array<i32>} : memref<160x128xf32, #tpu.memory_space<vmem>>, vector<16xf32>,
        %mul3A_386 = arith.mulf %get3A_385, %gather3A_378 : vector<16xf32>
        %add3A_387 = arith.addf %add3A_308, %mul3A_386 : vector<16xf32>
        %mul3A_388 = arith.constant 4 : i32
        %mul3A_389 = arith.muli %scan3A_286, %mul3A_388 : i32
        %add3A_390 = arith.constant 1 : i32
        %add3A_391 = arith.addi %mul3A_389, %add3A_390 : i32
        %get3A_392 = arith.index_cast %add3A_391 : i32 to index
        %get3A_393 = arith.constant 16 : index
        %get3A_394 = tpu.vector_load %arg7[%get3A_392, %get3A_393] {strides = array<i32>} : memref<160x128xf32, #tpu.memory_space<vmem>>, vector<16xf32>,
        %mul3A_395 = arith.mulf %get3A_394, %gather3A_378 : vector<16xf32>
        %add3A_396 = arith.addf %add3A_317, %mul3A_395 : vector<16xf32>
        %mul3A_397 = arith.constant 4 : i32
        %mul3A_398 = arith.muli %scan3A_286, %mul3A_397 : i32
        %add3A_399 = arith.constant 1 : i32
        %add3A_400 = arith.addi %mul3A_398, %add3A_399 : i32
        %get3A_401 = arith.index_cast %add3A_400 : i32 to index
        %get3A_402 = arith.constant 32 : index
        %get3A_403 = tpu.vector_load %arg7[%get3A_401, %get3A_402] {strides = array<i32>} : memref<160x128xf32, #tpu.memory_space<vmem>>, vector<16xf32>,
        %mul3A_404 = arith.mulf %get3A_403, %gather3A_378 : vector<16xf32>
        %add3A_405 = arith.addf %add3A_326, %mul3A_404 : vector<16xf32>
        %mul3A_406 = arith.constant 4 : i32
        %mul3A_407 = arith.muli %scan3A_286, %mul3A_406 : i32
        %add3A_408 = arith.constant 1 : i32
        %add3A_409 = arith.addi %mul3A_407, %add3A_408 : i32
        %get3A_410 = arith.index_cast %add3A_409 : i32 to index
        %get3A_411 = arith.constant 48 : index
        %get3A_412 = tpu.vector_load %arg7[%get3A_410, %get3A_411] {strides = array<i32>} : memref<160x128xf32, #tpu.memory_space<vmem>>, vector<16xf32>,
        %mul3A_413 = arith.mulf %get3A_412, %gather3A_378 : vector<16xf32>
        %add3A_414 = arith.addf %add3A_335, %mul3A_413 : vector<16xf32>
        %mul3A_415 = arith.constant 4 : i32
        %mul3A_416 = arith.muli %scan3A_286, %mul3A_415 : i32
        %add3A_417 = arith.constant 1 : i32
        %add3A_418 = arith.addi %mul3A_416, %add3A_417 : i32
        %get3A_419 = arith.index_cast %add3A_418 : i32 to index
        %get3A_420 = arith.constant 64 : index
        %get3A_421 = tpu.vector_load %arg7[%get3A_419, %get3A_420] {strides = array<i32>} : memref<160x128xf32, #tpu.memory_space<vmem>>, vector<16xf32>,
        %mul3A_422 = arith.mulf %get3A_421, %gather3A_378 : vector<16xf32>
        %add3A_423 = arith.addf %add3A_344, %mul3A_422 : vector<16xf32>
        %mul3A_424 = arith.constant 4 : i32
        %mul3A_425 = arith.muli %scan3A_286, %mul3A_424 : i32
        %add3A_426 = arith.constant 1 : i32
        %add3A_427 = arith.addi %mul3A_425, %add3A_426 : i32
        %get3A_428 = arith.index_cast %add3A_427 : i32 to index
        %get3A_429 = arith.constant 80 : index
        %get3A_430 = tpu.vector_load %arg7[%get3A_428, %get3A_429] {strides = array<i32>} : memref<160x128xf32, #tpu.memory_space<vmem>>, vector<16xf32>,
        %mul3A_431 = arith.mulf %get3A_430, %gather3A_378 : vector<16xf32>
        %add3A_432 = arith.addf %add3A_353, %mul3A_431 : vector<16xf32>
        %mul3A_433 = arith.constant 4 : i32
        %mul3A_434 = arith.muli %scan3A_286, %mul3A_433 : i32
        %add3A_435 = arith.constant 1 : i32
        %add3A_436 = arith.addi %mul3A_434, %add3A_435 : i32
        %get3A_437 = arith.index_cast %add3A_436 : i32 to index
        %get3A_438 = arith.constant 96 : index
        %get3A_439 = tpu.vector_load %arg7[%get3A_437, %get3A_438] {strides = array<i32>} : memref<160x128xf32, #tpu.memory_space<vmem>>, vector<16xf32>,
        %mul3A_440 = arith.mulf %get3A_439, %gather3A_378 : vector<16xf32>
        %add3A_441 = arith.addf %add3A_362, %mul3A_440 : vector<16xf32>
        %mul3A_442 = arith.constant 4 : i32
        %mul3A_443 = arith.muli %scan3A_286, %mul3A_442 : i32
        %add3A_444 = arith.constant 1 : i32
        %add3A_445 = arith.addi %mul3A_443, %add3A_444 : i32
        %get3A_446 = arith.index_cast %add3A_445 : i32 to index
        %get3A_447 = arith.constant 112 : index
        %get3A_448 = tpu.vector_load %arg7[%get3A_446, %get3A_447] {strides = array<i32>} : memref<160x128xf32, #tpu.memory_space<vmem>>, vector<16xf32>,
        %mul3A_449 = arith.mulf %get3A_448, %gather3A_378 : vector<16xf32>
        %add3A_450 = arith.addf %add3A_371, %mul3A_449 : vector<16xf32>
        %mul3A_451 = arith.constant 4 : i32
        %mul3A_452 = arith.muli %scan3A_286, %mul3A_451 : i32
        %add3A_453 = arith.addi %mul3A_147, %mul3A_452 : i32
        %add3A_454 = arith.constant 2 : i32
        %add3A_455 = arith.addi %add3A_453, %add3A_454 : i32
        %broadcast_in_dim3A_456 = vector.broadcast %add3A_455 : i32 to vector<16xi32>
        %gather3A_457 = tpu.vector_load_idx %arg6[%broadcast_in_dim3A_456] : memref<3200xf32, #tpu.memory_space<vmem>>[vector<16xi32>], vector<16xf32>,
        %mul3A_458 = arith.constant 4 : i32
        %mul3A_459 = arith.muli %scan3A_286, %mul3A_458 : i32
        %add3A_460 = arith.constant 2 : i32
        %add3A_461 = arith.addi %mul3A_459, %add3A_460 : i32
        %get3A_462 = arith.index_cast %add3A_461 : i32 to index
        %get3A_463 = arith.constant 0 : index
        %get3A_464 = tpu.vector_load %arg7[%get3A_462, %get3A_463] {strides = array<i32>} : memref<160x128xf32, #tpu.memory_space<vmem>>, vector<16xf32>,
        %mul3A_465 = arith.mulf %get3A_464, %gather3A_457 : vector<16xf32>
        %add3A_466 = arith.addf %add3A_387, %mul3A_465 : vector<16xf32>
        %mul3A_467 = arith.constant 4 : i32
        %mul3A_468 = arith.muli %scan3A_286, %mul3A_467 : i32
        %add3A_469 = arith.constant 2 : i32
        %add3A_470 = arith.addi %mul3A_468, %add3A_469 : i32
        %get3A_471 = arith.index_cast %add3A_470 : i32 to index
        %get3A_472 = arith.constant 16 : index
        %get3A_473 = tpu.vector_load %arg7[%get3A_471, %get3A_472] {strides = array<i32>} : memref<160x128xf32, #tpu.memory_space<vmem>>, vector<16xf32>,
        %mul3A_474 = arith.mulf %get3A_473, %gather3A_457 : vector<16xf32>
        %add3A_475 = arith.addf %add3A_396, %mul3A_474 : vector<16xf32>
        %mul3A_476 = arith.constant 4 : i32
        %mul3A_477 = arith.muli %scan3A_286, %mul3A_476 : i32
        %add3A_478 = arith.constant 2 : i32
        %add3A_479 = arith.addi %mul3A_477, %add3A_478 : i32
        %get3A_480 = arith.index_cast %add3A_479 : i32 to index
        %get3A_481 = arith.constant 32 : index
        %get3A_482 = tpu.vector_load %arg7[%get3A_480, %get3A_481] {strides = array<i32>} : memref<160x128xf32, #tpu.memory_space<vmem>>, vector<16xf32>,
        %mul3A_483 = arith.mulf %get3A_482, %gather3A_457 : vector<16xf32>
        %add3A_484 = arith.addf %add3A_405, %mul3A_483 : vector<16xf32>
        %mul3A_485 = arith.constant 4 : i32
        %mul3A_486 = arith.muli %scan3A_286, %mul3A_485 : i32
        %add3A_487 = arith.constant 2 : i32
        %add3A_488 = arith.addi %mul3A_486, %add3A_487 : i32
        %get3A_489 = arith.index_cast %add3A_488 : i32 to index
        %get3A_490 = arith.constant 48 : index
        %get3A_491 = tpu.vector_load %arg7[%get3A_489, %get3A_490] {strides = array<i32>} : memref<160x128xf32, #tpu.memory_space<vmem>>, vector<16xf32>,
        %mul3A_492 = arith.mulf %get3A_491, %gather3A_457 : vector<16xf32>
        %add3A_493 = arith.addf %add3A_414, %mul3A_492 : vector<16xf32>
        %mul3A_494 = arith.constant 4 : i32
        %mul3A_495 = arith.muli %scan3A_286, %mul3A_494 : i32
        %add3A_496 = arith.constant 2 : i32
        %add3A_497 = arith.addi %mul3A_495, %add3A_496 : i32
        %get3A_498 = arith.index_cast %add3A_497 : i32 to index
        %get3A_499 = arith.constant 64 : index
        %get3A_500 = tpu.vector_load %arg7[%get3A_498, %get3A_499] {strides = array<i32>} : memref<160x128xf32, #tpu.memory_space<vmem>>, vector<16xf32>,
        %mul3A_501 = arith.mulf %get3A_500, %gather3A_457 : vector<16xf32>
        %add3A_502 = arith.addf %add3A_423, %mul3A_501 : vector<16xf32>
        %mul3A_503 = arith.constant 4 : i32
        %mul3A_504 = arith.muli %scan3A_286, %mul3A_503 : i32
        %add3A_505 = arith.constant 2 : i32
        %add3A_506 = arith.addi %mul3A_504, %add3A_505 : i32
        %get3A_507 = arith.index_cast %add3A_506 : i32 to index
        %get3A_508 = arith.constant 80 : index
        %get3A_509 = tpu.vector_load %arg7[%get3A_507, %get3A_508] {strides = array<i32>} : memref<160x128xf32, #tpu.memory_space<vmem>>, vector<16xf32>,
        %mul3A_510 = arith.mulf %get3A_509, %gather3A_457 : vector<16xf32>
        %add3A_511 = arith.addf %add3A_432, %mul3A_510 : vector<16xf32>
        %mul3A_512 = arith.constant 4 : i32
        %mul3A_513 = arith.muli %scan3A_286, %mul3A_512 : i32
        %add3A_514 = arith.constant 2 : i32
        %add3A_515 = arith.addi %mul3A_513, %add3A_514 : i32
        %get3A_516 = arith.index_cast %add3A_515 : i32 to index
        %get3A_517 = arith.constant 96 : index
        %get3A_518 = tpu.vector_load %arg7[%get3A_516, %get3A_517] {strides = array<i32>} : memref<160x128xf32, #tpu.memory_space<vmem>>, vector<16xf32>,
        %mul3A_519 = arith.mulf %get3A_518, %gather3A_457 : vector<16xf32>
        %add3A_520 = arith.addf %add3A_441, %mul3A_519 : vector<16xf32>
        %mul3A_521 = arith.constant 4 : i32
        %mul3A_522 = arith.muli %scan3A_286, %mul3A_521 : i32
        %add3A_523 = arith.constant 2 : i32
        %add3A_524 = arith.addi %mul3A_522, %add3A_523 : i32
        %get3A_525 = arith.index_cast %add3A_524 : i32 to index
        %get3A_526 = arith.constant 112 : index
        %get3A_527 = tpu.vector_load %arg7[%get3A_525, %get3A_526] {strides = array<i32>} : memref<160x128xf32, #tpu.memory_space<vmem>>, vector<16xf32>,
        %mul3A_528 = arith.mulf %get3A_527, %gather3A_457 : vector<16xf32>
        %add3A_529 = arith.addf %add3A_450, %mul3A_528 : vector<16xf32>
        %mul3A_530 = arith.constant 4 : i32
        %mul3A_531 = arith.muli %scan3A_286, %mul3A_530 : i32
        %add3A_532 = arith.addi %mul3A_147, %mul3A_531 : i32
        %add3A_533 = arith.constant 3 : i32
        %add3A_534 = arith.addi %add3A_532, %add3A_533 : i32
        %broadcast_in_dim3A_535 = vector.broadcast %add3A_534 : i32 to vector<16xi32>
        %gather3A_536 = tpu.vector_load_idx %arg6[%broadcast_in_dim3A_535] : memref<3200xf32, #tpu.memory_space<vmem>>[vector<16xi32>], vector<16xf32>,
        %mul3A_537 = arith.constant 4 : i32
        %mul3A_538 = arith.muli %scan3A_286, %mul3A_537 : i32
        %add3A_539 = arith.constant 3 : i32
        %add3A_540 = arith.addi %mul3A_538, %add3A_539 : i32
        %get3A_541 = arith.index_cast %add3A_540 : i32 to index
        %get3A_542 = arith.constant 0 : index
        %get3A_543 = tpu.vector_load %arg7[%get3A_541, %get3A_542] {strides = array<i32>} : memref<160x128xf32, #tpu.memory_space<vmem>>, vector<16xf32>,
        %mul3A_544 = arith.mulf %get3A_543, %gather3A_536 : vector<16xf32>
        %add3A_545 = arith.addf %add3A_466, %mul3A_544 : vector<16xf32>
        %mul3A_546 = arith.constant 4 : i32
        %mul3A_547 = arith.muli %scan3A_286, %mul3A_546 : i32
        %add3A_548 = arith.constant 3 : i32
        %add3A_549 = arith.addi %mul3A_547, %add3A_548 : i32
        %get3A_550 = arith.index_cast %add3A_549 : i32 to index
        %get3A_551 = arith.constant 16 : index
        %get3A_552 = tpu.vector_load %arg7[%get3A_550, %get3A_551] {strides = array<i32>} : memref<160x128xf32, #tpu.memory_space<vmem>>, vector<16xf32>,
        %mul3A_553 = arith.mulf %get3A_552, %gather3A_536 : vector<16xf32>
        %add3A_554 = arith.addf %add3A_475, %mul3A_553 : vector<16xf32>
        %mul3A_555 = arith.constant 4 : i32
        %mul3A_556 = arith.muli %scan3A_286, %mul3A_555 : i32
        %add3A_557 = arith.constant 3 : i32
        %add3A_558 = arith.addi %mul3A_556, %add3A_557 : i32
        %get3A_559 = arith.index_cast %add3A_558 : i32 to index
        %get3A_560 = arith.constant 32 : index
        %get3A_561 = tpu.vector_load %arg7[%get3A_559, %get3A_560] {strides = array<i32>} : memref<160x128xf32, #tpu.memory_space<vmem>>, vector<16xf32>,
        %mul3A_562 = arith.mulf %get3A_561, %gather3A_536 : vector<16xf32>
        %add3A_563 = arith.addf %add3A_484, %mul3A_562 : vector<16xf32>
        %mul3A_564 = arith.constant 4 : i32
        %mul3A_565 = arith.muli %scan3A_286, %mul3A_564 : i32
        %add3A_566 = arith.constant 3 : i32
        %add3A_567 = arith.addi %mul3A_565, %add3A_566 : i32
        %get3A_568 = arith.index_cast %add3A_567 : i32 to index
        %get3A_569 = arith.constant 48 : index
        %get3A_570 = tpu.vector_load %arg7[%get3A_568, %get3A_569] {strides = array<i32>} : memref<160x128xf32, #tpu.memory_space<vmem>>, vector<16xf32>,
        %mul3A_571 = arith.mulf %get3A_570, %gather3A_536 : vector<16xf32>
        %add3A_572 = arith.addf %add3A_493, %mul3A_571 : vector<16xf32>
        %mul3A_573 = arith.constant 4 : i32
        %mul3A_574 = arith.muli %scan3A_286, %mul3A_573 : i32
        %add3A_575 = arith.constant 3 : i32
        %add3A_576 = arith.addi %mul3A_574, %add3A_575 : i32
        %get3A_577 = arith.index_cast %add3A_576 : i32 to index
        %get3A_578 = arith.constant 64 : index
        %get3A_579 = tpu.vector_load %arg7[%get3A_577, %get3A_578] {strides = array<i32>} : memref<160x128xf32, #tpu.memory_space<vmem>>, vector<16xf32>,
        %mul3A_580 = arith.mulf %get3A_579, %gather3A_536 : vector<16xf32>
        %add3A_581 = arith.addf %add3A_502, %mul3A_580 : vector<16xf32>
        %mul3A_582 = arith.constant 4 : i32
        %mul3A_583 = arith.muli %scan3A_286, %mul3A_582 : i32
        %add3A_584 = arith.constant 3 : i32
        %add3A_585 = arith.addi %mul3A_583, %add3A_584 : i32
        %get3A_586 = arith.index_cast %add3A_585 : i32 to index
        %get3A_587 = arith.constant 80 : index
        %get3A_588 = tpu.vector_load %arg7[%get3A_586, %get3A_587] {strides = array<i32>} : memref<160x128xf32, #tpu.memory_space<vmem>>, vector<16xf32>,
        %mul3A_589 = arith.mulf %get3A_588, %gather3A_536 : vector<16xf32>
        %add3A_590 = arith.addf %add3A_511, %mul3A_589 : vector<16xf32>
        %mul3A_591 = arith.constant 4 : i32
        %mul3A_592 = arith.muli %scan3A_286, %mul3A_591 : i32
        %add3A_593 = arith.constant 3 : i32
        %add3A_594 = arith.addi %mul3A_592, %add3A_593 : i32
        %get3A_595 = arith.index_cast %add3A_594 : i32 to index
        %get3A_596 = arith.constant 96 : index
        %get3A_597 = tpu.vector_load %arg7[%get3A_595, %get3A_596] {strides = array<i32>} : memref<160x128xf32, #tpu.memory_space<vmem>>, vector<16xf32>,
        %mul3A_598 = arith.mulf %get3A_597, %gather3A_536 : vector<16xf32>
        %add3A_599 = arith.addf %add3A_520, %mul3A_598 : vector<16xf32>
        %mul3A_600 = arith.constant 4 : i32
        %mul3A_601 = arith.muli %scan3A_286, %mul3A_600 : i32
        %add3A_602 = arith.constant 3 : i32
        %add3A_603 = arith.addi %mul3A_601, %add3A_602 : i32
        %get3A_604 = arith.index_cast %add3A_603 : i32 to index
        %get3A_605 = arith.constant 112 : index
        %get3A_606 = tpu.vector_load %arg7[%get3A_604, %get3A_605] {strides = array<i32>} : memref<160x128xf32, #tpu.memory_space<vmem>>, vector<16xf32>,
        %mul3A_607 = arith.mulf %get3A_606, %gather3A_536 : vector<16xf32>
        %add3A_608 = arith.addf %add3A_529, %mul3A_607 : vector<16xf32>
        scf.yield %add3A_545, %add3A_554, %add3A_563, %add3A_572, %add3A_581, %add3A_590, %add3A_599, %add3A_608 : vector<16xf32>, vector<16xf32>, vector<16xf32>, vector<16xf32>, vector<16xf32>, vector<16xf32>, vector<16xf32>, vector<16xf32>
      }
      %scan3A_153 = arith.constant 40 : i32
      %add3A_154 = arith.constant 5 : i32
      %add3A_155 = arith.addi %add3A_139, %add3A_154 : i32
      %sub3A_156 = arith.constant 1 : i32
      %sub3A_157 = arith.subi %div3A_5, %sub3A_156 : i32
      %min3A_158 = arith.minsi %add3A_155, %sub3A_157 : i32
      %mul3A_159 = arith.constant 160 : i32
      %mul3A_160 = arith.muli %min3A_158, %mul3A_159 : i32
      %add3A_161 = arith.addi %mul3A_2, %mul3A_160 : i32
      %dma_start3A_162 = arith.constant 0 : i32
      %dma_start3A_163 = tpu.memref_slice %arg3[%add3A_161, %dma_start3A_162] : memref<100000x128xf32, #tpu.memory_space<hbm>> -> memref<160x128xf32, #tpu.memory_space<hbm>>
      %dma_start3A_164 = arith.constant 0 : i32
      %dma_start3A_165 = tpu.memref_slice %arg3[%add3A_161, %dma_start3A_164] : memref<100000x128xf32, #tpu.memory_space<hbm>> -> memref<160x128xf32, #tpu.memory_space<hbm>>
      tpu.enqueue_dma source(%dma_start3A_165 : memref<160x128xf32, #tpu.memory_space<hbm>>) target(%arg7 : memref<160x128xf32, #tpu.memory_space<vmem>>) target_semaphore(%arg13 : memref<!tpu.dma_semaphore, #tpu.memory_space<semaphore_mem>>)
      %mul3A_166 = arith.constant 5 : i32
      %mul3A_167 = arith.muli %while3A_127, %mul3A_166 : i32
      %add3A_168 = arith.constant 1 : i32
      %add3A_169 = arith.addi %mul3A_167, %add3A_168 : i32
      %dma_wait3A_170 = arith.constant 0 : i32
      %dma_wait3A_171 = arith.constant 0 : i32
      %dma_wait3A_172 = tpu.memref_slice %arg3[%dma_wait3A_170, %dma_wait3A_171] : memref<100000x128xf32, #tpu.memory_space<hbm>> -> memref<160x128xf32, #tpu.memory_space<hbm>>
      %dma_wait3A_173 = arith.constant 0 : i32
      %dma_wait3A_174 = arith.constant 0 : i32
      %dma_wait3A_175 = tpu.memref_slice %arg3[%dma_wait3A_173, %dma_wait3A_174] : memref<100000x128xf32, #tpu.memory_space<hbm>> -> memref<160x128xf32, #tpu.memory_space<hbm>>
      tpu.wait_dma2 semaphore(%arg14 : memref<!tpu.dma_semaphore, #tpu.memory_space<semaphore_mem>>) src(%dma_wait3A_175 : memref<160x128xf32, #tpu.memory_space<hbm>>) dst(%arg8 : memref<160x128xf32, #tpu.memory_space<vmem>>)
      %mul3A_176 = arith.constant 160 : i32
      %mul3A_177 = arith.muli %add3A_169, %mul3A_176 : i32
      %scan3A_178 = arith.constant 0 : i32
      %scan3A_179 = arith.constant 40 : i32
      %scan3A_180 = arith.addi %scan3A_178, %scan3A_179 : i32
      %scan3A_181 = arith.constant 1 : i32
      %scan3A_182:8 = scf.for %scan3A_286 = %scan3A_178 to %scan3A_180 step %scan3A_181 iter_args(%scan3A_287 = %scan3A_152#0, %scan3A_288 = %scan3A_152#1, %scan3A_289 = %scan3A_152#2, %scan3A_290 = %scan3A_152#3, %scan3A_291 = %scan3A_152#4, %scan3A_292 = %scan3A_152#5, %scan3A_293 = %scan3A_152#6, %scan3A_294 = %scan3A_152#7) -> (vector<16xf32>, vector<16xf32>, vector<16xf32>, vector<16xf32>, vector<16xf32>, vector<16xf32>, vector<16xf32>, vector<16xf32>)  : i32 {
        %mul3A_295 = arith.constant 4 : i32
        %mul3A_296 = arith.muli %scan3A_286, %mul3A_295 : i32
        %add3A_297 = arith.addi %mul3A_177, %mul3A_296 : i32
        %add3A_298 = arith.constant 0 : i32
        %add3A_299 = arith.addi %add3A_297, %add3A_298 : i32
        %broadcast_in_dim3A_300 = vector.broadcast %add3A_299 : i32 to vector<16xi32>
        %gather3A = tpu.vector_load_idx %arg6[%broadcast_in_dim3A_300] : memref<3200xf32, #tpu.memory_space<vmem>>[vector<16xi32>], vector<16xf32>,
        %mul3A_301 = arith.constant 4 : i32
        %mul3A_302 = arith.muli %scan3A_286, %mul3A_301 : i32
        %add3A_303 = arith.constant 0 : i32
        %add3A_304 = arith.addi %mul3A_302, %add3A_303 : i32
        %get3A = arith.index_cast %add3A_304 : i32 to index
        %get3A_305 = arith.constant 0 : index
        %get3A_306 = tpu.vector_load %arg8[%get3A, %get3A_305] {strides = array<i32>} : memref<160x128xf32, #tpu.memory_space<vmem>>, vector<16xf32>,
        %mul3A_307 = arith.mulf %get3A_306, %gather3A : vector<16xf32>
        %add3A_308 = arith.addf %scan3A_287, %mul3A_307 : vector<16xf32>
        %mul3A_309 = arith.constant 4 : i32
        %mul3A_310 = arith.muli %scan3A_286, %mul3A_309 : i32
        %add3A_311 = arith.constant 0 : i32
        %add3A_312 = arith.addi %mul3A_310, %add3A_311 : i32
        %get3A_313 = arith.index_cast %add3A_312 : i32 to index
        %get3A_314 = arith.constant 16 : index
        %get3A_315 = tpu.vector_load %arg8[%get3A_313, %get3A_314] {strides = array<i32>} : memref<160x128xf32, #tpu.memory_space<vmem>>, vector<16xf32>,
        %mul3A_316 = arith.mulf %get3A_315, %gather3A : vector<16xf32>
        %add3A_317 = arith.addf %scan3A_288, %mul3A_316 : vector<16xf32>
        %mul3A_318 = arith.constant 4 : i32
        %mul3A_319 = arith.muli %scan3A_286, %mul3A_318 : i32
        %add3A_320 = arith.constant 0 : i32
        %add3A_321 = arith.addi %mul3A_319, %add3A_320 : i32
        %get3A_322 = arith.index_cast %add3A_321 : i32 to index
        %get3A_323 = arith.constant 32 : index
        %get3A_324 = tpu.vector_load %arg8[%get3A_322, %get3A_323] {strides = array<i32>} : memref<160x128xf32, #tpu.memory_space<vmem>>, vector<16xf32>,
        %mul3A_325 = arith.mulf %get3A_324, %gather3A : vector<16xf32>
        %add3A_326 = arith.addf %scan3A_289, %mul3A_325 : vector<16xf32>
        %mul3A_327 = arith.constant 4 : i32
        %mul3A_328 = arith.muli %scan3A_286, %mul3A_327 : i32
        %add3A_329 = arith.constant 0 : i32
        %add3A_330 = arith.addi %mul3A_328, %add3A_329 : i32
        %get3A_331 = arith.index_cast %add3A_330 : i32 to index
        %get3A_332 = arith.constant 48 : index
        %get3A_333 = tpu.vector_load %arg8[%get3A_331, %get3A_332] {strides = array<i32>} : memref<160x128xf32, #tpu.memory_space<vmem>>, vector<16xf32>,
        %mul3A_334 = arith.mulf %get3A_333, %gather3A : vector<16xf32>
        %add3A_335 = arith.addf %scan3A_290, %mul3A_334 : vector<16xf32>
        %mul3A_336 = arith.constant 4 : i32
        %mul3A_337 = arith.muli %scan3A_286, %mul3A_336 : i32
        %add3A_338 = arith.constant 0 : i32
        %add3A_339 = arith.addi %mul3A_337, %add3A_338 : i32
        %get3A_340 = arith.index_cast %add3A_339 : i32 to index
        %get3A_341 = arith.constant 64 : index
        %get3A_342 = tpu.vector_load %arg8[%get3A_340, %get3A_341] {strides = array<i32>} : memref<160x128xf32, #tpu.memory_space<vmem>>, vector<16xf32>,
        %mul3A_343 = arith.mulf %get3A_342, %gather3A : vector<16xf32>
        %add3A_344 = arith.addf %scan3A_291, %mul3A_343 : vector<16xf32>
        %mul3A_345 = arith.constant 4 : i32
        %mul3A_346 = arith.muli %scan3A_286, %mul3A_345 : i32
        %add3A_347 = arith.constant 0 : i32
        %add3A_348 = arith.addi %mul3A_346, %add3A_347 : i32
        %get3A_349 = arith.index_cast %add3A_348 : i32 to index
        %get3A_350 = arith.constant 80 : index
        %get3A_351 = tpu.vector_load %arg8[%get3A_349, %get3A_350] {strides = array<i32>} : memref<160x128xf32, #tpu.memory_space<vmem>>, vector<16xf32>,
        %mul3A_352 = arith.mulf %get3A_351, %gather3A : vector<16xf32>
        %add3A_353 = arith.addf %scan3A_292, %mul3A_352 : vector<16xf32>
        %mul3A_354 = arith.constant 4 : i32
        %mul3A_355 = arith.muli %scan3A_286, %mul3A_354 : i32
        %add3A_356 = arith.constant 0 : i32
        %add3A_357 = arith.addi %mul3A_355, %add3A_356 : i32
        %get3A_358 = arith.index_cast %add3A_357 : i32 to index
        %get3A_359 = arith.constant 96 : index
        %get3A_360 = tpu.vector_load %arg8[%get3A_358, %get3A_359] {strides = array<i32>} : memref<160x128xf32, #tpu.memory_space<vmem>>, vector<16xf32>,
        %mul3A_361 = arith.mulf %get3A_360, %gather3A : vector<16xf32>
        %add3A_362 = arith.addf %scan3A_293, %mul3A_361 : vector<16xf32>
        %mul3A_363 = arith.constant 4 : i32
        %mul3A_364 = arith.muli %scan3A_286, %mul3A_363 : i32
        %add3A_365 = arith.constant 0 : i32
        %add3A_366 = arith.addi %mul3A_364, %add3A_365 : i32
        %get3A_367 = arith.index_cast %add3A_366 : i32 to index
        %get3A_368 = arith.constant 112 : index
        %get3A_369 = tpu.vector_load %arg8[%get3A_367, %get3A_368] {strides = array<i32>} : memref<160x128xf32, #tpu.memory_space<vmem>>, vector<16xf32>,
        %mul3A_370 = arith.mulf %get3A_369, %gather3A : vector<16xf32>
        %add3A_371 = arith.addf %scan3A_294, %mul3A_370 : vector<16xf32>
        %mul3A_372 = arith.constant 4 : i32
        %mul3A_373 = arith.muli %scan3A_286, %mul3A_372 : i32
        %add3A_374 = arith.addi %mul3A_177, %mul3A_373 : i32
        %add3A_375 = arith.constant 1 : i32
        %add3A_376 = arith.addi %add3A_374, %add3A_375 : i32
        %broadcast_in_dim3A_377 = vector.broadcast %add3A_376 : i32 to vector<16xi32>
        %gather3A_378 = tpu.vector_load_idx %arg6[%broadcast_in_dim3A_377] : memref<3200xf32, #tpu.memory_space<vmem>>[vector<16xi32>], vector<16xf32>,
        %mul3A_379 = arith.constant 4 : i32
        %mul3A_380 = arith.muli %scan3A_286, %mul3A_379 : i32
        %add3A_381 = arith.constant 1 : i32
        %add3A_382 = arith.addi %mul3A_380, %add3A_381 : i32
        %get3A_383 = arith.index_cast %add3A_382 : i32 to index
        %get3A_384 = arith.constant 0 : index
        %get3A_385 = tpu.vector_load %arg8[%get3A_383, %get3A_384] {strides = array<i32>} : memref<160x128xf32, #tpu.memory_space<vmem>>, vector<16xf32>,
        %mul3A_386 = arith.mulf %get3A_385, %gather3A_378 : vector<16xf32>
        %add3A_387 = arith.addf %add3A_308, %mul3A_386 : vector<16xf32>
        %mul3A_388 = arith.constant 4 : i32
        %mul3A_389 = arith.muli %scan3A_286, %mul3A_388 : i32
        %add3A_390 = arith.constant 1 : i32
        %add3A_391 = arith.addi %mul3A_389, %add3A_390 : i32
        %get3A_392 = arith.index_cast %add3A_391 : i32 to index
        %get3A_393 = arith.constant 16 : index
        %get3A_394 = tpu.vector_load %arg8[%get3A_392, %get3A_393] {strides = array<i32>} : memref<160x128xf32, #tpu.memory_space<vmem>>, vector<16xf32>,
        %mul3A_395 = arith.mulf %get3A_394, %gather3A_378 : vector<16xf32>
        %add3A_396 = arith.addf %add3A_317, %mul3A_395 : vector<16xf32>
        %mul3A_397 = arith.constant 4 : i32
        %mul3A_398 = arith.muli %scan3A_286, %mul3A_397 : i32
        %add3A_399 = arith.constant 1 : i32
        %add3A_400 = arith.addi %mul3A_398, %add3A_399 : i32
        %get3A_401 = arith.index_cast %add3A_400 : i32 to index
        %get3A_402 = arith.constant 32 : index
        %get3A_403 = tpu.vector_load %arg8[%get3A_401, %get3A_402] {strides = array<i32>} : memref<160x128xf32, #tpu.memory_space<vmem>>, vector<16xf32>,
        %mul3A_404 = arith.mulf %get3A_403, %gather3A_378 : vector<16xf32>
        %add3A_405 = arith.addf %add3A_326, %mul3A_404 : vector<16xf32>
        %mul3A_406 = arith.constant 4 : i32
        %mul3A_407 = arith.muli %scan3A_286, %mul3A_406 : i32
        %add3A_408 = arith.constant 1 : i32
        %add3A_409 = arith.addi %mul3A_407, %add3A_408 : i32
        %get3A_410 = arith.index_cast %add3A_409 : i32 to index
        %get3A_411 = arith.constant 48 : index
        %get3A_412 = tpu.vector_load %arg8[%get3A_410, %get3A_411] {strides = array<i32>} : memref<160x128xf32, #tpu.memory_space<vmem>>, vector<16xf32>,
        %mul3A_413 = arith.mulf %get3A_412, %gather3A_378 : vector<16xf32>
        %add3A_414 = arith.addf %add3A_335, %mul3A_413 : vector<16xf32>
        %mul3A_415 = arith.constant 4 : i32
        %mul3A_416 = arith.muli %scan3A_286, %mul3A_415 : i32
        %add3A_417 = arith.constant 1 : i32
        %add3A_418 = arith.addi %mul3A_416, %add3A_417 : i32
        %get3A_419 = arith.index_cast %add3A_418 : i32 to index
        %get3A_420 = arith.constant 64 : index
        %get3A_421 = tpu.vector_load %arg8[%get3A_419, %get3A_420] {strides = array<i32>} : memref<160x128xf32, #tpu.memory_space<vmem>>, vector<16xf32>,
        %mul3A_422 = arith.mulf %get3A_421, %gather3A_378 : vector<16xf32>
        %add3A_423 = arith.addf %add3A_344, %mul3A_422 : vector<16xf32>
        %mul3A_424 = arith.constant 4 : i32
        %mul3A_425 = arith.muli %scan3A_286, %mul3A_424 : i32
        %add3A_426 = arith.constant 1 : i32
        %add3A_427 = arith.addi %mul3A_425, %add3A_426 : i32
        %get3A_428 = arith.index_cast %add3A_427 : i32 to index
        %get3A_429 = arith.constant 80 : index
        %get3A_430 = tpu.vector_load %arg8[%get3A_428, %get3A_429] {strides = array<i32>} : memref<160x128xf32, #tpu.memory_space<vmem>>, vector<16xf32>,
        %mul3A_431 = arith.mulf %get3A_430, %gather3A_378 : vector<16xf32>
        %add3A_432 = arith.addf %add3A_353, %mul3A_431 : vector<16xf32>
        %mul3A_433 = arith.constant 4 : i32
        %mul3A_434 = arith.muli %scan3A_286, %mul3A_433 : i32
        %add3A_435 = arith.constant 1 : i32
        %add3A_436 = arith.addi %mul3A_434, %add3A_435 : i32
        %get3A_437 = arith.index_cast %add3A_436 : i32 to index
        %get3A_438 = arith.constant 96 : index
        %get3A_439 = tpu.vector_load %arg8[%get3A_437, %get3A_438] {strides = array<i32>} : memref<160x128xf32, #tpu.memory_space<vmem>>, vector<16xf32>,
        %mul3A_440 = arith.mulf %get3A_439, %gather3A_378 : vector<16xf32>
        %add3A_441 = arith.addf %add3A_362, %mul3A_440 : vector<16xf32>
        %mul3A_442 = arith.constant 4 : i32
        %mul3A_443 = arith.muli %scan3A_286, %mul3A_442 : i32
        %add3A_444 = arith.constant 1 : i32
        %add3A_445 = arith.addi %mul3A_443, %add3A_444 : i32
        %get3A_446 = arith.index_cast %add3A_445 : i32 to index
        %get3A_447 = arith.constant 112 : index
        %get3A_448 = tpu.vector_load %arg8[%get3A_446, %get3A_447] {strides = array<i32>} : memref<160x128xf32, #tpu.memory_space<vmem>>, vector<16xf32>,
        %mul3A_449 = arith.mulf %get3A_448, %gather3A_378 : vector<16xf32>
        %add3A_450 = arith.addf %add3A_371, %mul3A_449 : vector<16xf32>
        %mul3A_451 = arith.constant 4 : i32
        %mul3A_452 = arith.muli %scan3A_286, %mul3A_451 : i32
        %add3A_453 = arith.addi %mul3A_177, %mul3A_452 : i32
        %add3A_454 = arith.constant 2 : i32
        %add3A_455 = arith.addi %add3A_453, %add3A_454 : i32
        %broadcast_in_dim3A_456 = vector.broadcast %add3A_455 : i32 to vector<16xi32>
        %gather3A_457 = tpu.vector_load_idx %arg6[%broadcast_in_dim3A_456] : memref<3200xf32, #tpu.memory_space<vmem>>[vector<16xi32>], vector<16xf32>,
        %mul3A_458 = arith.constant 4 : i32
        %mul3A_459 = arith.muli %scan3A_286, %mul3A_458 : i32
        %add3A_460 = arith.constant 2 : i32
        %add3A_461 = arith.addi %mul3A_459, %add3A_460 : i32
        %get3A_462 = arith.index_cast %add3A_461 : i32 to index
        %get3A_463 = arith.constant 0 : index
        %get3A_464 = tpu.vector_load %arg8[%get3A_462, %get3A_463] {strides = array<i32>} : memref<160x128xf32, #tpu.memory_space<vmem>>, vector<16xf32>,
        %mul3A_465 = arith.mulf %get3A_464, %gather3A_457 : vector<16xf32>
        %add3A_466 = arith.addf %add3A_387, %mul3A_465 : vector<16xf32>
        %mul3A_467 = arith.constant 4 : i32
        %mul3A_468 = arith.muli %scan3A_286, %mul3A_467 : i32
        %add3A_469 = arith.constant 2 : i32
        %add3A_470 = arith.addi %mul3A_468, %add3A_469 : i32
        %get3A_471 = arith.index_cast %add3A_470 : i32 to index
        %get3A_472 = arith.constant 16 : index
        %get3A_473 = tpu.vector_load %arg8[%get3A_471, %get3A_472] {strides = array<i32>} : memref<160x128xf32, #tpu.memory_space<vmem>>, vector<16xf32>,
        %mul3A_474 = arith.mulf %get3A_473, %gather3A_457 : vector<16xf32>
        %add3A_475 = arith.addf %add3A_396, %mul3A_474 : vector<16xf32>
        %mul3A_476 = arith.constant 4 : i32
        %mul3A_477 = arith.muli %scan3A_286, %mul3A_476 : i32
        %add3A_478 = arith.constant 2 : i32
        %add3A_479 = arith.addi %mul3A_477, %add3A_478 : i32
        %get3A_480 = arith.index_cast %add3A_479 : i32 to index
        %get3A_481 = arith.constant 32 : index
        %get3A_482 = tpu.vector_load %arg8[%get3A_480, %get3A_481] {strides = array<i32>} : memref<160x128xf32, #tpu.memory_space<vmem>>, vector<16xf32>,
        %mul3A_483 = arith.mulf %get3A_482, %gather3A_457 : vector<16xf32>
        %add3A_484 = arith.addf %add3A_405, %mul3A_483 : vector<16xf32>
        %mul3A_485 = arith.constant 4 : i32
        %mul3A_486 = arith.muli %scan3A_286, %mul3A_485 : i32
        %add3A_487 = arith.constant 2 : i32
        %add3A_488 = arith.addi %mul3A_486, %add3A_487 : i32
        %get3A_489 = arith.index_cast %add3A_488 : i32 to index
        %get3A_490 = arith.constant 48 : index
        %get3A_491 = tpu.vector_load %arg8[%get3A_489, %get3A_490] {strides = array<i32>} : memref<160x128xf32, #tpu.memory_space<vmem>>, vector<16xf32>,
        %mul3A_492 = arith.mulf %get3A_491, %gather3A_457 : vector<16xf32>
        %add3A_493 = arith.addf %add3A_414, %mul3A_492 : vector<16xf32>
        %mul3A_494 = arith.constant 4 : i32
        %mul3A_495 = arith.muli %scan3A_286, %mul3A_494 : i32
        %add3A_496 = arith.constant 2 : i32
        %add3A_497 = arith.addi %mul3A_495, %add3A_496 : i32
        %get3A_498 = arith.index_cast %add3A_497 : i32 to index
        %get3A_499 = arith.constant 64 : index
        %get3A_500 = tpu.vector_load %arg8[%get3A_498, %get3A_499] {strides = array<i32>} : memref<160x128xf32, #tpu.memory_space<vmem>>, vector<16xf32>,
        %mul3A_501 = arith.mulf %get3A_500, %gather3A_457 : vector<16xf32>
        %add3A_502 = arith.addf %add3A_423, %mul3A_501 : vector<16xf32>
        %mul3A_503 = arith.constant 4 : i32
        %mul3A_504 = arith.muli %scan3A_286, %mul3A_503 : i32
        %add3A_505 = arith.constant 2 : i32
        %add3A_506 = arith.addi %mul3A_504, %add3A_505 : i32
        %get3A_507 = arith.index_cast %add3A_506 : i32 to index
        %get3A_508 = arith.constant 80 : index
        %get3A_509 = tpu.vector_load %arg8[%get3A_507, %get3A_508] {strides = array<i32>} : memref<160x128xf32, #tpu.memory_space<vmem>>, vector<16xf32>,
        %mul3A_510 = arith.mulf %get3A_509, %gather3A_457 : vector<16xf32>
        %add3A_511 = arith.addf %add3A_432, %mul3A_510 : vector<16xf32>
        %mul3A_512 = arith.constant 4 : i32
        %mul3A_513 = arith.muli %scan3A_286, %mul3A_512 : i32
        %add3A_514 = arith.constant 2 : i32
        %add3A_515 = arith.addi %mul3A_513, %add3A_514 : i32
        %get3A_516 = arith.index_cast %add3A_515 : i32 to index
        %get3A_517 = arith.constant 96 : index
        %get3A_518 = tpu.vector_load %arg8[%get3A_516, %get3A_517] {strides = array<i32>} : memref<160x128xf32, #tpu.memory_space<vmem>>, vector<16xf32>,
        %mul3A_519 = arith.mulf %get3A_518, %gather3A_457 : vector<16xf32>
        %add3A_520 = arith.addf %add3A_441, %mul3A_519 : vector<16xf32>
        %mul3A_521 = arith.constant 4 : i32
        %mul3A_522 = arith.muli %scan3A_286, %mul3A_521 : i32
        %add3A_523 = arith.constant 2 : i32
        %add3A_524 = arith.addi %mul3A_522, %add3A_523 : i32
        %get3A_525 = arith.index_cast %add3A_524 : i32 to index
        %get3A_526 = arith.constant 112 : index
        %get3A_527 = tpu.vector_load %arg8[%get3A_525, %get3A_526] {strides = array<i32>} : memref<160x128xf32, #tpu.memory_space<vmem>>, vector<16xf32>,
        %mul3A_528 = arith.mulf %get3A_527, %gather3A_457 : vector<16xf32>
        %add3A_529 = arith.addf %add3A_450, %mul3A_528 : vector<16xf32>
        %mul3A_530 = arith.constant 4 : i32
        %mul3A_531 = arith.muli %scan3A_286, %mul3A_530 : i32
        %add3A_532 = arith.addi %mul3A_177, %mul3A_531 : i32
        %add3A_533 = arith.constant 3 : i32
        %add3A_534 = arith.addi %add3A_532, %add3A_533 : i32
        %broadcast_in_dim3A_535 = vector.broadcast %add3A_534 : i32 to vector<16xi32>
        %gather3A_536 = tpu.vector_load_idx %arg6[%broadcast_in_dim3A_535] : memref<3200xf32, #tpu.memory_space<vmem>>[vector<16xi32>], vector<16xf32>,
        %mul3A_537 = arith.constant 4 : i32
        %mul3A_538 = arith.muli %scan3A_286, %mul3A_537 : i32
        %add3A_539 = arith.constant 3 : i32
        %add3A_540 = arith.addi %mul3A_538, %add3A_539 : i32
        %get3A_541 = arith.index_cast %add3A_540 : i32 to index
        %get3A_542 = arith.constant 0 : index
        %get3A_543 = tpu.vector_load %arg8[%get3A_541, %get3A_542] {strides = array<i32>} : memref<160x128xf32, #tpu.memory_space<vmem>>, vector<16xf32>,
        %mul3A_544 = arith.mulf %get3A_543, %gather3A_536 : vector<16xf32>
        %add3A_545 = arith.addf %add3A_466, %mul3A_544 : vector<16xf32>
        %mul3A_546 = arith.constant 4 : i32
        %mul3A_547 = arith.muli %scan3A_286, %mul3A_546 : i32
        %add3A_548 = arith.constant 3 : i32
        %add3A_549 = arith.addi %mul3A_547, %add3A_548 : i32
        %get3A_550 = arith.index_cast %add3A_549 : i32 to index
        %get3A_551 = arith.constant 16 : index
        %get3A_552 = tpu.vector_load %arg8[%get3A_550, %get3A_551] {strides = array<i32>} : memref<160x128xf32, #tpu.memory_space<vmem>>, vector<16xf32>,
        %mul3A_553 = arith.mulf %get3A_552, %gather3A_536 : vector<16xf32>
        %add3A_554 = arith.addf %add3A_475, %mul3A_553 : vector<16xf32>
        %mul3A_555 = arith.constant 4 : i32
        %mul3A_556 = arith.muli %scan3A_286, %mul3A_555 : i32
        %add3A_557 = arith.constant 3 : i32
        %add3A_558 = arith.addi %mul3A_556, %add3A_557 : i32
        %get3A_559 = arith.index_cast %add3A_558 : i32 to index
        %get3A_560 = arith.constant 32 : index
        %get3A_561 = tpu.vector_load %arg8[%get3A_559, %get3A_560] {strides = array<i32>} : memref<160x128xf32, #tpu.memory_space<vmem>>, vector<16xf32>,
        %mul3A_562 = arith.mulf %get3A_561, %gather3A_536 : vector<16xf32>
        %add3A_563 = arith.addf %add3A_484, %mul3A_562 : vector<16xf32>
        %mul3A_564 = arith.constant 4 : i32
        %mul3A_565 = arith.muli %scan3A_286, %mul3A_564 : i32
        %add3A_566 = arith.constant 3 : i32
        %add3A_567 = arith.addi %mul3A_565, %add3A_566 : i32
        %get3A_568 = arith.index_cast %add3A_567 : i32 to index
        %get3A_569 = arith.constant 48 : index
        %get3A_570 = tpu.vector_load %arg8[%get3A_568, %get3A_569] {strides = array<i32>} : memref<160x128xf32, #tpu.memory_space<vmem>>, vector<16xf32>,
        %mul3A_571 = arith.mulf %get3A_570, %gather3A_536 : vector<16xf32>
        %add3A_572 = arith.addf %add3A_493, %mul3A_571 : vector<16xf32>
        %mul3A_573 = arith.constant 4 : i32
        %mul3A_574 = arith.muli %scan3A_286, %mul3A_573 : i32
        %add3A_575 = arith.constant 3 : i32
        %add3A_576 = arith.addi %mul3A_574, %add3A_575 : i32
        %get3A_577 = arith.index_cast %add3A_576 : i32 to index
        %get3A_578 = arith.constant 64 : index
        %get3A_579 = tpu.vector_load %arg8[%get3A_577, %get3A_578] {strides = array<i32>} : memref<160x128xf32, #tpu.memory_space<vmem>>, vector<16xf32>,
        %mul3A_580 = arith.mulf %get3A_579, %gather3A_536 : vector<16xf32>
        %add3A_581 = arith.addf %add3A_502, %mul3A_580 : vector<16xf32>
        %mul3A_582 = arith.constant 4 : i32
        %mul3A_583 = arith.muli %scan3A_286, %mul3A_582 : i32
        %add3A_584 = arith.constant 3 : i32
        %add3A_585 = arith.addi %mul3A_583, %add3A_584 : i32
        %get3A_586 = arith.index_cast %add3A_585 : i32 to index
        %get3A_587 = arith.constant 80 : index
        %get3A_588 = tpu.vector_load %arg8[%get3A_586, %get3A_587] {strides = array<i32>} : memref<160x128xf32, #tpu.memory_space<vmem>>, vector<16xf32>,
        %mul3A_589 = arith.mulf %get3A_588, %gather3A_536 : vector<16xf32>
        %add3A_590 = arith.addf %add3A_511, %mul3A_589 : vector<16xf32>
        %mul3A_591 = arith.constant 4 : i32
        %mul3A_592 = arith.muli %scan3A_286, %mul3A_591 : i32
        %add3A_593 = arith.constant 3 : i32
        %add3A_594 = arith.addi %mul3A_592, %add3A_593 : i32
        %get3A_595 = arith.index_cast %add3A_594 : i32 to index
        %get3A_596 = arith.constant 96 : index
        %get3A_597 = tpu.vector_load %arg8[%get3A_595, %get3A_596] {strides = array<i32>} : memref<160x128xf32, #tpu.memory_space<vmem>>, vector<16xf32>,
        %mul3A_598 = arith.mulf %get3A_597, %gather3A_536 : vector<16xf32>
        %add3A_599 = arith.addf %add3A_520, %mul3A_598 : vector<16xf32>
        %mul3A_600 = arith.constant 4 : i32
        %mul3A_601 = arith.muli %scan3A_286, %mul3A_600 : i32
        %add3A_602 = arith.constant 3 : i32
        %add3A_603 = arith.addi %mul3A_601, %add3A_602 : i32
        %get3A_604 = arith.index_cast %add3A_603 : i32 to index
        %get3A_605 = arith.constant 112 : index
        %get3A_606 = tpu.vector_load %arg8[%get3A_604, %get3A_605] {strides = array<i32>} : memref<160x128xf32, #tpu.memory_space<vmem>>, vector<16xf32>,
        %mul3A_607 = arith.mulf %get3A_606, %gather3A_536 : vector<16xf32>
        %add3A_608 = arith.addf %add3A_529, %mul3A_607 : vector<16xf32>
        scf.yield %add3A_545, %add3A_554, %add3A_563, %add3A_572, %add3A_581, %add3A_590, %add3A_599, %add3A_608 : vector<16xf32>, vector<16xf32>, vector<16xf32>, vector<16xf32>, vector<16xf32>, vector<16xf32>, vector<16xf32>, vector<16xf32>
      }
      %scan3A_183 = arith.constant 40 : i32
      %add3A_184 = arith.constant 5 : i32
      %add3A_185 = arith.addi %add3A_169, %add3A_184 : i32
      %sub3A_186 = arith.constant 1 : i32
      %sub3A_187 = arith.subi %div3A_5, %sub3A_186 : i32
      %min3A_188 = arith.minsi %add3A_185, %sub3A_187 : i32
      %mul3A_189 = arith.constant 160 : i32
      %mul3A_190 = arith.muli %min3A_188, %mul3A_189 : i32
      %add3A_191 = arith.addi %mul3A_2, %mul3A_190 : i32
      %dma_start3A_192 = arith.constant 0 : i32
      %dma_start3A_193 = tpu.memref_slice %arg3[%add3A_191, %dma_start3A_192] : memref<100000x128xf32, #tpu.memory_space<hbm>> -> memref<160x128xf32, #tpu.memory_space<hbm>>
      %dma_start3A_194 = arith.constant 0 : i32
      %dma_start3A_195 = tpu.memref_slice %arg3[%add3A_191, %dma_start3A_194] : memref<100000x128xf32, #tpu.memory_space<hbm>> -> memref<160x128xf32, #tpu.memory_space<hbm>>
      tpu.enqueue_dma source(%dma_start3A_195 : memref<160x128xf32, #tpu.memory_space<hbm>>) target(%arg8 : memref<160x128xf32, #tpu.memory_space<vmem>>) target_semaphore(%arg14 : memref<!tpu.dma_semaphore, #tpu.memory_space<semaphore_mem>>)
      %mul3A_196 = arith.constant 5 : i32
      %mul3A_197 = arith.muli %while3A_127, %mul3A_196 : i32
      %add3A_198 = arith.constant 2 : i32
      %add3A_199 = arith.addi %mul3A_197, %add3A_198 : i32
      %dma_wait3A_200 = arith.constant 0 : i32
      %dma_wait3A_201 = arith.constant 0 : i32
      %dma_wait3A_202 = tpu.memref_slice %arg3[%dma_wait3A_200, %dma_wait3A_201] : memref<100000x128xf32, #tpu.memory_space<hbm>> -> memref<160x128xf32, #tpu.memory_space<hbm>>
      %dma_wait3A_203 = arith.constant 0 : i32
      %dma_wait3A_204 = arith.constant 0 : i32
      %dma_wait3A_205 = tpu.memref_slice %arg3[%dma_wait3A_203, %dma_wait3A_204] : memref<100000x128xf32, #tpu.memory_space<hbm>> -> memref<160x128xf32, #tpu.memory_space<hbm>>
      tpu.wait_dma2 semaphore(%arg15 : memref<!tpu.dma_semaphore, #tpu.memory_space<semaphore_mem>>) src(%dma_wait3A_205 : memref<160x128xf32, #tpu.memory_space<hbm>>) dst(%arg9 : memref<160x128xf32, #tpu.memory_space<vmem>>)
      %mul3A_206 = arith.constant 160 : i32
      %mul3A_207 = arith.muli %add3A_199, %mul3A_206 : i32
      %scan3A_208 = arith.constant 0 : i32
      %scan3A_209 = arith.constant 40 : i32
      %scan3A_210 = arith.addi %scan3A_208, %scan3A_209 : i32
      %scan3A_211 = arith.constant 1 : i32
      %scan3A_212:8 = scf.for %scan3A_286 = %scan3A_208 to %scan3A_210 step %scan3A_211 iter_args(%scan3A_287 = %scan3A_182#0, %scan3A_288 = %scan3A_182#1, %scan3A_289 = %scan3A_182#2, %scan3A_290 = %scan3A_182#3, %scan3A_291 = %scan3A_182#4, %scan3A_292 = %scan3A_182#5, %scan3A_293 = %scan3A_182#6, %scan3A_294 = %scan3A_182#7) -> (vector<16xf32>, vector<16xf32>, vector<16xf32>, vector<16xf32>, vector<16xf32>, vector<16xf32>, vector<16xf32>, vector<16xf32>)  : i32 {
        %mul3A_295 = arith.constant 4 : i32
        %mul3A_296 = arith.muli %scan3A_286, %mul3A_295 : i32
        %add3A_297 = arith.addi %mul3A_207, %mul3A_296 : i32
        %add3A_298 = arith.constant 0 : i32
        %add3A_299 = arith.addi %add3A_297, %add3A_298 : i32
        %broadcast_in_dim3A_300 = vector.broadcast %add3A_299 : i32 to vector<16xi32>
        %gather3A = tpu.vector_load_idx %arg6[%broadcast_in_dim3A_300] : memref<3200xf32, #tpu.memory_space<vmem>>[vector<16xi32>], vector<16xf32>,
        %mul3A_301 = arith.constant 4 : i32
        %mul3A_302 = arith.muli %scan3A_286, %mul3A_301 : i32
        %add3A_303 = arith.constant 0 : i32
        %add3A_304 = arith.addi %mul3A_302, %add3A_303 : i32
        %get3A = arith.index_cast %add3A_304 : i32 to index
        %get3A_305 = arith.constant 0 : index
        %get3A_306 = tpu.vector_load %arg9[%get3A, %get3A_305] {strides = array<i32>} : memref<160x128xf32, #tpu.memory_space<vmem>>, vector<16xf32>,
        %mul3A_307 = arith.mulf %get3A_306, %gather3A : vector<16xf32>
        %add3A_308 = arith.addf %scan3A_287, %mul3A_307 : vector<16xf32>
        %mul3A_309 = arith.constant 4 : i32
        %mul3A_310 = arith.muli %scan3A_286, %mul3A_309 : i32
        %add3A_311 = arith.constant 0 : i32
        %add3A_312 = arith.addi %mul3A_310, %add3A_311 : i32
        %get3A_313 = arith.index_cast %add3A_312 : i32 to index
        %get3A_314 = arith.constant 16 : index
        %get3A_315 = tpu.vector_load %arg9[%get3A_313, %get3A_314] {strides = array<i32>} : memref<160x128xf32, #tpu.memory_space<vmem>>, vector<16xf32>,
        %mul3A_316 = arith.mulf %get3A_315, %gather3A : vector<16xf32>
        %add3A_317 = arith.addf %scan3A_288, %mul3A_316 : vector<16xf32>
        %mul3A_318 = arith.constant 4 : i32
        %mul3A_319 = arith.muli %scan3A_286, %mul3A_318 : i32
        %add3A_320 = arith.constant 0 : i32
        %add3A_321 = arith.addi %mul3A_319, %add3A_320 : i32
        %get3A_322 = arith.index_cast %add3A_321 : i32 to index
        %get3A_323 = arith.constant 32 : index
        %get3A_324 = tpu.vector_load %arg9[%get3A_322, %get3A_323] {strides = array<i32>} : memref<160x128xf32, #tpu.memory_space<vmem>>, vector<16xf32>,
        %mul3A_325 = arith.mulf %get3A_324, %gather3A : vector<16xf32>
        %add3A_326 = arith.addf %scan3A_289, %mul3A_325 : vector<16xf32>
        %mul3A_327 = arith.constant 4 : i32
        %mul3A_328 = arith.muli %scan3A_286, %mul3A_327 : i32
        %add3A_329 = arith.constant 0 : i32
        %add3A_330 = arith.addi %mul3A_328, %add3A_329 : i32
        %get3A_331 = arith.index_cast %add3A_330 : i32 to index
        %get3A_332 = arith.constant 48 : index
        %get3A_333 = tpu.vector_load %arg9[%get3A_331, %get3A_332] {strides = array<i32>} : memref<160x128xf32, #tpu.memory_space<vmem>>, vector<16xf32>,
        %mul3A_334 = arith.mulf %get3A_333, %gather3A : vector<16xf32>
        %add3A_335 = arith.addf %scan3A_290, %mul3A_334 : vector<16xf32>
        %mul3A_336 = arith.constant 4 : i32
        %mul3A_337 = arith.muli %scan3A_286, %mul3A_336 : i32
        %add3A_338 = arith.constant 0 : i32
        %add3A_339 = arith.addi %mul3A_337, %add3A_338 : i32
        %get3A_340 = arith.index_cast %add3A_339 : i32 to index
        %get3A_341 = arith.constant 64 : index
        %get3A_342 = tpu.vector_load %arg9[%get3A_340, %get3A_341] {strides = array<i32>} : memref<160x128xf32, #tpu.memory_space<vmem>>, vector<16xf32>,
        %mul3A_343 = arith.mulf %get3A_342, %gather3A : vector<16xf32>
        %add3A_344 = arith.addf %scan3A_291, %mul3A_343 : vector<16xf32>
        %mul3A_345 = arith.constant 4 : i32
        %mul3A_346 = arith.muli %scan3A_286, %mul3A_345 : i32
        %add3A_347 = arith.constant 0 : i32
        %add3A_348 = arith.addi %mul3A_346, %add3A_347 : i32
        %get3A_349 = arith.index_cast %add3A_348 : i32 to index
        %get3A_350 = arith.constant 80 : index
        %get3A_351 = tpu.vector_load %arg9[%get3A_349, %get3A_350] {strides = array<i32>} : memref<160x128xf32, #tpu.memory_space<vmem>>, vector<16xf32>,
        %mul3A_352 = arith.mulf %get3A_351, %gather3A : vector<16xf32>
        %add3A_353 = arith.addf %scan3A_292, %mul3A_352 : vector<16xf32>
        %mul3A_354 = arith.constant 4 : i32
        %mul3A_355 = arith.muli %scan3A_286, %mul3A_354 : i32
        %add3A_356 = arith.constant 0 : i32
        %add3A_357 = arith.addi %mul3A_355, %add3A_356 : i32
        %get3A_358 = arith.index_cast %add3A_357 : i32 to index
        %get3A_359 = arith.constant 96 : index
        %get3A_360 = tpu.vector_load %arg9[%get3A_358, %get3A_359] {strides = array<i32>} : memref<160x128xf32, #tpu.memory_space<vmem>>, vector<16xf32>,
        %mul3A_361 = arith.mulf %get3A_360, %gather3A : vector<16xf32>
        %add3A_362 = arith.addf %scan3A_293, %mul3A_361 : vector<16xf32>
        %mul3A_363 = arith.constant 4 : i32
        %mul3A_364 = arith.muli %scan3A_286, %mul3A_363 : i32
        %add3A_365 = arith.constant 0 : i32
        %add3A_366 = arith.addi %mul3A_364, %add3A_365 : i32
        %get3A_367 = arith.index_cast %add3A_366 : i32 to index
        %get3A_368 = arith.constant 112 : index
        %get3A_369 = tpu.vector_load %arg9[%get3A_367, %get3A_368] {strides = array<i32>} : memref<160x128xf32, #tpu.memory_space<vmem>>, vector<16xf32>,
        %mul3A_370 = arith.mulf %get3A_369, %gather3A : vector<16xf32>
        %add3A_371 = arith.addf %scan3A_294, %mul3A_370 : vector<16xf32>
        %mul3A_372 = arith.constant 4 : i32
        %mul3A_373 = arith.muli %scan3A_286, %mul3A_372 : i32
        %add3A_374 = arith.addi %mul3A_207, %mul3A_373 : i32
        %add3A_375 = arith.constant 1 : i32
        %add3A_376 = arith.addi %add3A_374, %add3A_375 : i32
        %broadcast_in_dim3A_377 = vector.broadcast %add3A_376 : i32 to vector<16xi32>
        %gather3A_378 = tpu.vector_load_idx %arg6[%broadcast_in_dim3A_377] : memref<3200xf32, #tpu.memory_space<vmem>>[vector<16xi32>], vector<16xf32>,
        %mul3A_379 = arith.constant 4 : i32
        %mul3A_380 = arith.muli %scan3A_286, %mul3A_379 : i32
        %add3A_381 = arith.constant 1 : i32
        %add3A_382 = arith.addi %mul3A_380, %add3A_381 : i32
        %get3A_383 = arith.index_cast %add3A_382 : i32 to index
        %get3A_384 = arith.constant 0 : index
        %get3A_385 = tpu.vector_load %arg9[%get3A_383, %get3A_384] {strides = array<i32>} : memref<160x128xf32, #tpu.memory_space<vmem>>, vector<16xf32>,
        %mul3A_386 = arith.mulf %get3A_385, %gather3A_378 : vector<16xf32>
        %add3A_387 = arith.addf %add3A_308, %mul3A_386 : vector<16xf32>
        %mul3A_388 = arith.constant 4 : i32
        %mul3A_389 = arith.muli %scan3A_286, %mul3A_388 : i32
        %add3A_390 = arith.constant 1 : i32
        %add3A_391 = arith.addi %mul3A_389, %add3A_390 : i32
        %get3A_392 = arith.index_cast %add3A_391 : i32 to index
        %get3A_393 = arith.constant 16 : index
        %get3A_394 = tpu.vector_load %arg9[%get3A_392, %get3A_393] {strides = array<i32>} : memref<160x128xf32, #tpu.memory_space<vmem>>, vector<16xf32>,
        %mul3A_395 = arith.mulf %get3A_394, %gather3A_378 : vector<16xf32>
        %add3A_396 = arith.addf %add3A_317, %mul3A_395 : vector<16xf32>
        %mul3A_397 = arith.constant 4 : i32
        %mul3A_398 = arith.muli %scan3A_286, %mul3A_397 : i32
        %add3A_399 = arith.constant 1 : i32
        %add3A_400 = arith.addi %mul3A_398, %add3A_399 : i32
        %get3A_401 = arith.index_cast %add3A_400 : i32 to index
        %get3A_402 = arith.constant 32 : index
        %get3A_403 = tpu.vector_load %arg9[%get3A_401, %get3A_402] {strides = array<i32>} : memref<160x128xf32, #tpu.memory_space<vmem>>, vector<16xf32>,
        %mul3A_404 = arith.mulf %get3A_403, %gather3A_378 : vector<16xf32>
        %add3A_405 = arith.addf %add3A_326, %mul3A_404 : vector<16xf32>
        %mul3A_406 = arith.constant 4 : i32
        %mul3A_407 = arith.muli %scan3A_286, %mul3A_406 : i32
        %add3A_408 = arith.constant 1 : i32
        %add3A_409 = arith.addi %mul3A_407, %add3A_408 : i32
        %get3A_410 = arith.index_cast %add3A_409 : i32 to index
        %get3A_411 = arith.constant 48 : index
        %get3A_412 = tpu.vector_load %arg9[%get3A_410, %get3A_411] {strides = array<i32>} : memref<160x128xf32, #tpu.memory_space<vmem>>, vector<16xf32>,
        %mul3A_413 = arith.mulf %get3A_412, %gather3A_378 : vector<16xf32>
        %add3A_414 = arith.addf %add3A_335, %mul3A_413 : vector<16xf32>
        %mul3A_415 = arith.constant 4 : i32
        %mul3A_416 = arith.muli %scan3A_286, %mul3A_415 : i32
        %add3A_417 = arith.constant 1 : i32
        %add3A_418 = arith.addi %mul3A_416, %add3A_417 : i32
        %get3A_419 = arith.index_cast %add3A_418 : i32 to index
        %get3A_420 = arith.constant 64 : index
        %get3A_421 = tpu.vector_load %arg9[%get3A_419, %get3A_420] {strides = array<i32>} : memref<160x128xf32, #tpu.memory_space<vmem>>, vector<16xf32>,
        %mul3A_422 = arith.mulf %get3A_421, %gather3A_378 : vector<16xf32>
        %add3A_423 = arith.addf %add3A_344, %mul3A_422 : vector<16xf32>
        %mul3A_424 = arith.constant 4 : i32
        %mul3A_425 = arith.muli %scan3A_286, %mul3A_424 : i32
        %add3A_426 = arith.constant 1 : i32
        %add3A_427 = arith.addi %mul3A_425, %add3A_426 : i32
        %get3A_428 = arith.index_cast %add3A_427 : i32 to index
        %get3A_429 = arith.constant 80 : index
        %get3A_430 = tpu.vector_load %arg9[%get3A_428, %get3A_429] {strides = array<i32>} : memref<160x128xf32, #tpu.memory_space<vmem>>, vector<16xf32>,
        %mul3A_431 = arith.mulf %get3A_430, %gather3A_378 : vector<16xf32>
        %add3A_432 = arith.addf %add3A_353, %mul3A_431 : vector<16xf32>
        %mul3A_433 = arith.constant 4 : i32
        %mul3A_434 = arith.muli %scan3A_286, %mul3A_433 : i32
        %add3A_435 = arith.constant 1 : i32
        %add3A_436 = arith.addi %mul3A_434, %add3A_435 : i32
        %get3A_437 = arith.index_cast %add3A_436 : i32 to index
        %get3A_438 = arith.constant 96 : index
        %get3A_439 = tpu.vector_load %arg9[%get3A_437, %get3A_438] {strides = array<i32>} : memref<160x128xf32, #tpu.memory_space<vmem>>, vector<16xf32>,
        %mul3A_440 = arith.mulf %get3A_439, %gather3A_378 : vector<16xf32>
        %add3A_441 = arith.addf %add3A_362, %mul3A_440 : vector<16xf32>
        %mul3A_442 = arith.constant 4 : i32
        %mul3A_443 = arith.muli %scan3A_286, %mul3A_442 : i32
        %add3A_444 = arith.constant 1 : i32
        %add3A_445 = arith.addi %mul3A_443, %add3A_444 : i32
        %get3A_446 = arith.index_cast %add3A_445 : i32 to index
        %get3A_447 = arith.constant 112 : index
        %get3A_448 = tpu.vector_load %arg9[%get3A_446, %get3A_447] {strides = array<i32>} : memref<160x128xf32, #tpu.memory_space<vmem>>, vector<16xf32>,
        %mul3A_449 = arith.mulf %get3A_448, %gather3A_378 : vector<16xf32>
        %add3A_450 = arith.addf %add3A_371, %mul3A_449 : vector<16xf32>
        %mul3A_451 = arith.constant 4 : i32
        %mul3A_452 = arith.muli %scan3A_286, %mul3A_451 : i32
        %add3A_453 = arith.addi %mul3A_207, %mul3A_452 : i32
        %add3A_454 = arith.constant 2 : i32
        %add3A_455 = arith.addi %add3A_453, %add3A_454 : i32
        %broadcast_in_dim3A_456 = vector.broadcast %add3A_455 : i32 to vector<16xi32>
        %gather3A_457 = tpu.vector_load_idx %arg6[%broadcast_in_dim3A_456] : memref<3200xf32, #tpu.memory_space<vmem>>[vector<16xi32>], vector<16xf32>,
        %mul3A_458 = arith.constant 4 : i32
        %mul3A_459 = arith.muli %scan3A_286, %mul3A_458 : i32
        %add3A_460 = arith.constant 2 : i32
        %add3A_461 = arith.addi %mul3A_459, %add3A_460 : i32
        %get3A_462 = arith.index_cast %add3A_461 : i32 to index
        %get3A_463 = arith.constant 0 : index
        %get3A_464 = tpu.vector_load %arg9[%get3A_462, %get3A_463] {strides = array<i32>} : memref<160x128xf32, #tpu.memory_space<vmem>>, vector<16xf32>,
        %mul3A_465 = arith.mulf %get3A_464, %gather3A_457 : vector<16xf32>
        %add3A_466 = arith.addf %add3A_387, %mul3A_465 : vector<16xf32>
        %mul3A_467 = arith.constant 4 : i32
        %mul3A_468 = arith.muli %scan3A_286, %mul3A_467 : i32
        %add3A_469 = arith.constant 2 : i32
        %add3A_470 = arith.addi %mul3A_468, %add3A_469 : i32
        %get3A_471 = arith.index_cast %add3A_470 : i32 to index
        %get3A_472 = arith.constant 16 : index
        %get3A_473 = tpu.vector_load %arg9[%get3A_471, %get3A_472] {strides = array<i32>} : memref<160x128xf32, #tpu.memory_space<vmem>>, vector<16xf32>,
        %mul3A_474 = arith.mulf %get3A_473, %gather3A_457 : vector<16xf32>
        %add3A_475 = arith.addf %add3A_396, %mul3A_474 : vector<16xf32>
        %mul3A_476 = arith.constant 4 : i32
        %mul3A_477 = arith.muli %scan3A_286, %mul3A_476 : i32
        %add3A_478 = arith.constant 2 : i32
        %add3A_479 = arith.addi %mul3A_477, %add3A_478 : i32
        %get3A_480 = arith.index_cast %add3A_479 : i32 to index
        %get3A_481 = arith.constant 32 : index
        %get3A_482 = tpu.vector_load %arg9[%get3A_480, %get3A_481] {strides = array<i32>} : memref<160x128xf32, #tpu.memory_space<vmem>>, vector<16xf32>,
        %mul3A_483 = arith.mulf %get3A_482, %gather3A_457 : vector<16xf32>
        %add3A_484 = arith.addf %add3A_405, %mul3A_483 : vector<16xf32>
        %mul3A_485 = arith.constant 4 : i32
        %mul3A_486 = arith.muli %scan3A_286, %mul3A_485 : i32
        %add3A_487 = arith.constant 2 : i32
        %add3A_488 = arith.addi %mul3A_486, %add3A_487 : i32
        %get3A_489 = arith.index_cast %add3A_488 : i32 to index
        %get3A_490 = arith.constant 48 : index
        %get3A_491 = tpu.vector_load %arg9[%get3A_489, %get3A_490] {strides = array<i32>} : memref<160x128xf32, #tpu.memory_space<vmem>>, vector<16xf32>,
        %mul3A_492 = arith.mulf %get3A_491, %gather3A_457 : vector<16xf32>
        %add3A_493 = arith.addf %add3A_414, %mul3A_492 : vector<16xf32>
        %mul3A_494 = arith.constant 4 : i32
        %mul3A_495 = arith.muli %scan3A_286, %mul3A_494 : i32
        %add3A_496 = arith.constant 2 : i32
        %add3A_497 = arith.addi %mul3A_495, %add3A_496 : i32
        %get3A_498 = arith.index_cast %add3A_497 : i32 to index
        %get3A_499 = arith.constant 64 : index
        %get3A_500 = tpu.vector_load %arg9[%get3A_498, %get3A_499] {strides = array<i32>} : memref<160x128xf32, #tpu.memory_space<vmem>>, vector<16xf32>,
        %mul3A_501 = arith.mulf %get3A_500, %gather3A_457 : vector<16xf32>
        %add3A_502 = arith.addf %add3A_423, %mul3A_501 : vector<16xf32>
        %mul3A_503 = arith.constant 4 : i32
        %mul3A_504 = arith.muli %scan3A_286, %mul3A_503 : i32
        %add3A_505 = arith.constant 2 : i32
        %add3A_506 = arith.addi %mul3A_504, %add3A_505 : i32
        %get3A_507 = arith.index_cast %add3A_506 : i32 to index
        %get3A_508 = arith.constant 80 : index
        %get3A_509 = tpu.vector_load %arg9[%get3A_507, %get3A_508] {strides = array<i32>} : memref<160x128xf32, #tpu.memory_space<vmem>>, vector<16xf32>,
        %mul3A_510 = arith.mulf %get3A_509, %gather3A_457 : vector<16xf32>
        %add3A_511 = arith.addf %add3A_432, %mul3A_510 : vector<16xf32>
        %mul3A_512 = arith.constant 4 : i32
        %mul3A_513 = arith.muli %scan3A_286, %mul3A_512 : i32
        %add3A_514 = arith.constant 2 : i32
        %add3A_515 = arith.addi %mul3A_513, %add3A_514 : i32
        %get3A_516 = arith.index_cast %add3A_515 : i32 to index
        %get3A_517 = arith.constant 96 : index
        %get3A_518 = tpu.vector_load %arg9[%get3A_516, %get3A_517] {strides = array<i32>} : memref<160x128xf32, #tpu.memory_space<vmem>>, vector<16xf32>,
        %mul3A_519 = arith.mulf %get3A_518, %gather3A_457 : vector<16xf32>
        %add3A_520 = arith.addf %add3A_441, %mul3A_519 : vector<16xf32>
        %mul3A_521 = arith.constant 4 : i32
        %mul3A_522 = arith.muli %scan3A_286, %mul3A_521 : i32
        %add3A_523 = arith.constant 2 : i32
        %add3A_524 = arith.addi %mul3A_522, %add3A_523 : i32
        %get3A_525 = arith.index_cast %add3A_524 : i32 to index
        %get3A_526 = arith.constant 112 : index
        %get3A_527 = tpu.vector_load %arg9[%get3A_525, %get3A_526] {strides = array<i32>} : memref<160x128xf32, #tpu.memory_space<vmem>>, vector<16xf32>,
        %mul3A_528 = arith.mulf %get3A_527, %gather3A_457 : vector<16xf32>
        %add3A_529 = arith.addf %add3A_450, %mul3A_528 : vector<16xf32>
        %mul3A_530 = arith.constant 4 : i32
        %mul3A_531 = arith.muli %scan3A_286, %mul3A_530 : i32
        %add3A_532 = arith.addi %mul3A_207, %mul3A_531 : i32
        %add3A_533 = arith.constant 3 : i32
        %add3A_534 = arith.addi %add3A_532, %add3A_533 : i32
        %broadcast_in_dim3A_535 = vector.broadcast %add3A_534 : i32 to vector<16xi32>
        %gather3A_536 = tpu.vector_load_idx %arg6[%broadcast_in_dim3A_535] : memref<3200xf32, #tpu.memory_space<vmem>>[vector<16xi32>], vector<16xf32>,
        %mul3A_537 = arith.constant 4 : i32
        %mul3A_538 = arith.muli %scan3A_286, %mul3A_537 : i32
        %add3A_539 = arith.constant 3 : i32
        %add3A_540 = arith.addi %mul3A_538, %add3A_539 : i32
        %get3A_541 = arith.index_cast %add3A_540 : i32 to index
        %get3A_542 = arith.constant 0 : index
        %get3A_543 = tpu.vector_load %arg9[%get3A_541, %get3A_542] {strides = array<i32>} : memref<160x128xf32, #tpu.memory_space<vmem>>, vector<16xf32>,
        %mul3A_544 = arith.mulf %get3A_543, %gather3A_536 : vector<16xf32>
        %add3A_545 = arith.addf %add3A_466, %mul3A_544 : vector<16xf32>
        %mul3A_546 = arith.constant 4 : i32
        %mul3A_547 = arith.muli %scan3A_286, %mul3A_546 : i32
        %add3A_548 = arith.constant 3 : i32
        %add3A_549 = arith.addi %mul3A_547, %add3A_548 : i32
        %get3A_550 = arith.index_cast %add3A_549 : i32 to index
        %get3A_551 = arith.constant 16 : index
        %get3A_552 = tpu.vector_load %arg9[%get3A_550, %get3A_551] {strides = array<i32>} : memref<160x128xf32, #tpu.memory_space<vmem>>, vector<16xf32>,
        %mul3A_553 = arith.mulf %get3A_552, %gather3A_536 : vector<16xf32>
        %add3A_554 = arith.addf %add3A_475, %mul3A_553 : vector<16xf32>
        %mul3A_555 = arith.constant 4 : i32
        %mul3A_556 = arith.muli %scan3A_286, %mul3A_555 : i32
        %add3A_557 = arith.constant 3 : i32
        %add3A_558 = arith.addi %mul3A_556, %add3A_557 : i32
        %get3A_559 = arith.index_cast %add3A_558 : i32 to index
        %get3A_560 = arith.constant 32 : index
        %get3A_561 = tpu.vector_load %arg9[%get3A_559, %get3A_560] {strides = array<i32>} : memref<160x128xf32, #tpu.memory_space<vmem>>, vector<16xf32>,
        %mul3A_562 = arith.mulf %get3A_561, %gather3A_536 : vector<16xf32>
        %add3A_563 = arith.addf %add3A_484, %mul3A_562 : vector<16xf32>
        %mul3A_564 = arith.constant 4 : i32
        %mul3A_565 = arith.muli %scan3A_286, %mul3A_564 : i32
        %add3A_566 = arith.constant 3 : i32
        %add3A_567 = arith.addi %mul3A_565, %add3A_566 : i32
        %get3A_568 = arith.index_cast %add3A_567 : i32 to index
        %get3A_569 = arith.constant 48 : index
        %get3A_570 = tpu.vector_load %arg9[%get3A_568, %get3A_569] {strides = array<i32>} : memref<160x128xf32, #tpu.memory_space<vmem>>, vector<16xf32>,
        %mul3A_571 = arith.mulf %get3A_570, %gather3A_536 : vector<16xf32>
        %add3A_572 = arith.addf %add3A_493, %mul3A_571 : vector<16xf32>
        %mul3A_573 = arith.constant 4 : i32
        %mul3A_574 = arith.muli %scan3A_286, %mul3A_573 : i32
        %add3A_575 = arith.constant 3 : i32
        %add3A_576 = arith.addi %mul3A_574, %add3A_575 : i32
        %get3A_577 = arith.index_cast %add3A_576 : i32 to index
        %get3A_578 = arith.constant 64 : index
        %get3A_579 = tpu.vector_load %arg9[%get3A_577, %get3A_578] {strides = array<i32>} : memref<160x128xf32, #tpu.memory_space<vmem>>, vector<16xf32>,
        %mul3A_580 = arith.mulf %get3A_579, %gather3A_536 : vector<16xf32>
        %add3A_581 = arith.addf %add3A_502, %mul3A_580 : vector<16xf32>
        %mul3A_582 = arith.constant 4 : i32
        %mul3A_583 = arith.muli %scan3A_286, %mul3A_582 : i32
        %add3A_584 = arith.constant 3 : i32
        %add3A_585 = arith.addi %mul3A_583, %add3A_584 : i32
        %get3A_586 = arith.index_cast %add3A_585 : i32 to index
        %get3A_587 = arith.constant 80 : index
        %get3A_588 = tpu.vector_load %arg9[%get3A_586, %get3A_587] {strides = array<i32>} : memref<160x128xf32, #tpu.memory_space<vmem>>, vector<16xf32>,
        %mul3A_589 = arith.mulf %get3A_588, %gather3A_536 : vector<16xf32>
        %add3A_590 = arith.addf %add3A_511, %mul3A_589 : vector<16xf32>
        %mul3A_591 = arith.constant 4 : i32
        %mul3A_592 = arith.muli %scan3A_286, %mul3A_591 : i32
        %add3A_593 = arith.constant 3 : i32
        %add3A_594 = arith.addi %mul3A_592, %add3A_593 : i32
        %get3A_595 = arith.index_cast %add3A_594 : i32 to index
        %get3A_596 = arith.constant 96 : index
        %get3A_597 = tpu.vector_load %arg9[%get3A_595, %get3A_596] {strides = array<i32>} : memref<160x128xf32, #tpu.memory_space<vmem>>, vector<16xf32>,
        %mul3A_598 = arith.mulf %get3A_597, %gather3A_536 : vector<16xf32>
        %add3A_599 = arith.addf %add3A_520, %mul3A_598 : vector<16xf32>
        %mul3A_600 = arith.constant 4 : i32
        %mul3A_601 = arith.muli %scan3A_286, %mul3A_600 : i32
        %add3A_602 = arith.constant 3 : i32
        %add3A_603 = arith.addi %mul3A_601, %add3A_602 : i32
        %get3A_604 = arith.index_cast %add3A_603 : i32 to index
        %get3A_605 = arith.constant 112 : index
        %get3A_606 = tpu.vector_load %arg9[%get3A_604, %get3A_605] {strides = array<i32>} : memref<160x128xf32, #tpu.memory_space<vmem>>, vector<16xf32>,
        %mul3A_607 = arith.mulf %get3A_606, %gather3A_536 : vector<16xf32>
        %add3A_608 = arith.addf %add3A_529, %mul3A_607 : vector<16xf32>
        scf.yield %add3A_545, %add3A_554, %add3A_563, %add3A_572, %add3A_581, %add3A_590, %add3A_599, %add3A_608 : vector<16xf32>, vector<16xf32>, vector<16xf32>, vector<16xf32>, vector<16xf32>, vector<16xf32>, vector<16xf32>, vector<16xf32>
      }
      %scan3A_213 = arith.constant 40 : i32
      %add3A_214 = arith.constant 5 : i32
      %add3A_215 = arith.addi %add3A_199, %add3A_214 : i32
      %sub3A_216 = arith.constant 1 : i32
      %sub3A_217 = arith.subi %div3A_5, %sub3A_216 : i32
      %min3A_218 = arith.minsi %add3A_215, %sub3A_217 : i32
      %mul3A_219 = arith.constant 160 : i32
      %mul3A_220 = arith.muli %min3A_218, %mul3A_219 : i32
      %add3A_221 = arith.addi %mul3A_2, %mul3A_220 : i32
      %dma_start3A_222 = arith.constant 0 : i32
      %dma_start3A_223 = tpu.memref_slice %arg3[%add3A_221, %dma_start3A_222] : memref<100000x128xf32, #tpu.memory_space<hbm>> -> memref<160x128xf32, #tpu.memory_space<hbm>>
      %dma_start3A_224 = arith.constant 0 : i32
      %dma_start3A_225 = tpu.memref_slice %arg3[%add3A_221, %dma_start3A_224] : memref<100000x128xf32, #tpu.memory_space<hbm>> -> memref<160x128xf32, #tpu.memory_space<hbm>>
      tpu.enqueue_dma source(%dma_start3A_225 : memref<160x128xf32, #tpu.memory_space<hbm>>) target(%arg9 : memref<160x128xf32, #tpu.memory_space<vmem>>) target_semaphore(%arg15 : memref<!tpu.dma_semaphore, #tpu.memory_space<semaphore_mem>>)
      %mul3A_226 = arith.constant 5 : i32
      %mul3A_227 = arith.muli %while3A_127, %mul3A_226 : i32
      %add3A_228 = arith.constant 3 : i32
      %add3A_229 = arith.addi %mul3A_227, %add3A_228 : i32
      %dma_wait3A_230 = arith.constant 0 : i32
      %dma_wait3A_231 = arith.constant 0 : i32
      %dma_wait3A_232 = tpu.memref_slice %arg3[%dma_wait3A_230, %dma_wait3A_231] : memref<100000x128xf32, #tpu.memory_space<hbm>> -> memref<160x128xf32, #tpu.memory_space<hbm>>
      %dma_wait3A_233 = arith.constant 0 : i32
      %dma_wait3A_234 = arith.constant 0 : i32
      %dma_wait3A_235 = tpu.memref_slice %arg3[%dma_wait3A_233, %dma_wait3A_234] : memref<100000x128xf32, #tpu.memory_space<hbm>> -> memref<160x128xf32, #tpu.memory_space<hbm>>
      tpu.wait_dma2 semaphore(%arg16 : memref<!tpu.dma_semaphore, #tpu.memory_space<semaphore_mem>>) src(%dma_wait3A_235 : memref<160x128xf32, #tpu.memory_space<hbm>>) dst(%arg10 : memref<160x128xf32, #tpu.memory_space<vmem>>)
      %mul3A_236 = arith.constant 160 : i32
      %mul3A_237 = arith.muli %add3A_229, %mul3A_236 : i32
      %scan3A_238 = arith.constant 0 : i32
      %scan3A_239 = arith.constant 40 : i32
      %scan3A_240 = arith.addi %scan3A_238, %scan3A_239 : i32
      %scan3A_241 = arith.constant 1 : i32
      %scan3A_242:8 = scf.for %scan3A_286 = %scan3A_238 to %scan3A_240 step %scan3A_241 iter_args(%scan3A_287 = %scan3A_212#0, %scan3A_288 = %scan3A_212#1, %scan3A_289 = %scan3A_212#2, %scan3A_290 = %scan3A_212#3, %scan3A_291 = %scan3A_212#4, %scan3A_292 = %scan3A_212#5, %scan3A_293 = %scan3A_212#6, %scan3A_294 = %scan3A_212#7) -> (vector<16xf32>, vector<16xf32>, vector<16xf32>, vector<16xf32>, vector<16xf32>, vector<16xf32>, vector<16xf32>, vector<16xf32>)  : i32 {
        %mul3A_295 = arith.constant 4 : i32
        %mul3A_296 = arith.muli %scan3A_286, %mul3A_295 : i32
        %add3A_297 = arith.addi %mul3A_237, %mul3A_296 : i32
        %add3A_298 = arith.constant 0 : i32
        %add3A_299 = arith.addi %add3A_297, %add3A_298 : i32
        %broadcast_in_dim3A_300 = vector.broadcast %add3A_299 : i32 to vector<16xi32>
        %gather3A = tpu.vector_load_idx %arg6[%broadcast_in_dim3A_300] : memref<3200xf32, #tpu.memory_space<vmem>>[vector<16xi32>], vector<16xf32>,
        %mul3A_301 = arith.constant 4 : i32
        %mul3A_302 = arith.muli %scan3A_286, %mul3A_301 : i32
        %add3A_303 = arith.constant 0 : i32
        %add3A_304 = arith.addi %mul3A_302, %add3A_303 : i32
        %get3A = arith.index_cast %add3A_304 : i32 to index
        %get3A_305 = arith.constant 0 : index
        %get3A_306 = tpu.vector_load %arg10[%get3A, %get3A_305] {strides = array<i32>} : memref<160x128xf32, #tpu.memory_space<vmem>>, vector<16xf32>,
        %mul3A_307 = arith.mulf %get3A_306, %gather3A : vector<16xf32>
        %add3A_308 = arith.addf %scan3A_287, %mul3A_307 : vector<16xf32>
        %mul3A_309 = arith.constant 4 : i32
        %mul3A_310 = arith.muli %scan3A_286, %mul3A_309 : i32
        %add3A_311 = arith.constant 0 : i32
        %add3A_312 = arith.addi %mul3A_310, %add3A_311 : i32
        %get3A_313 = arith.index_cast %add3A_312 : i32 to index
        %get3A_314 = arith.constant 16 : index
        %get3A_315 = tpu.vector_load %arg10[%get3A_313, %get3A_314] {strides = array<i32>} : memref<160x128xf32, #tpu.memory_space<vmem>>, vector<16xf32>,
        %mul3A_316 = arith.mulf %get3A_315, %gather3A : vector<16xf32>
        %add3A_317 = arith.addf %scan3A_288, %mul3A_316 : vector<16xf32>
        %mul3A_318 = arith.constant 4 : i32
        %mul3A_319 = arith.muli %scan3A_286, %mul3A_318 : i32
        %add3A_320 = arith.constant 0 : i32
        %add3A_321 = arith.addi %mul3A_319, %add3A_320 : i32
        %get3A_322 = arith.index_cast %add3A_321 : i32 to index
        %get3A_323 = arith.constant 32 : index
        %get3A_324 = tpu.vector_load %arg10[%get3A_322, %get3A_323] {strides = array<i32>} : memref<160x128xf32, #tpu.memory_space<vmem>>, vector<16xf32>,
        %mul3A_325 = arith.mulf %get3A_324, %gather3A : vector<16xf32>
        %add3A_326 = arith.addf %scan3A_289, %mul3A_325 : vector<16xf32>
        %mul3A_327 = arith.constant 4 : i32
        %mul3A_328 = arith.muli %scan3A_286, %mul3A_327 : i32
        %add3A_329 = arith.constant 0 : i32
        %add3A_330 = arith.addi %mul3A_328, %add3A_329 : i32
        %get3A_331 = arith.index_cast %add3A_330 : i32 to index
        %get3A_332 = arith.constant 48 : index
        %get3A_333 = tpu.vector_load %arg10[%get3A_331, %get3A_332] {strides = array<i32>} : memref<160x128xf32, #tpu.memory_space<vmem>>, vector<16xf32>,
        %mul3A_334 = arith.mulf %get3A_333, %gather3A : vector<16xf32>
        %add3A_335 = arith.addf %scan3A_290, %mul3A_334 : vector<16xf32>
        %mul3A_336 = arith.constant 4 : i32
        %mul3A_337 = arith.muli %scan3A_286, %mul3A_336 : i32
        %add3A_338 = arith.constant 0 : i32
        %add3A_339 = arith.addi %mul3A_337, %add3A_338 : i32
        %get3A_340 = arith.index_cast %add3A_339 : i32 to index
        %get3A_341 = arith.constant 64 : index
        %get3A_342 = tpu.vector_load %arg10[%get3A_340, %get3A_341] {strides = array<i32>} : memref<160x128xf32, #tpu.memory_space<vmem>>, vector<16xf32>,
        %mul3A_343 = arith.mulf %get3A_342, %gather3A : vector<16xf32>
        %add3A_344 = arith.addf %scan3A_291, %mul3A_343 : vector<16xf32>
        %mul3A_345 = arith.constant 4 : i32
        %mul3A_346 = arith.muli %scan3A_286, %mul3A_345 : i32
        %add3A_347 = arith.constant 0 : i32
        %add3A_348 = arith.addi %mul3A_346, %add3A_347 : i32
        %get3A_349 = arith.index_cast %add3A_348 : i32 to index
        %get3A_350 = arith.constant 80 : index
        %get3A_351 = tpu.vector_load %arg10[%get3A_349, %get3A_350] {strides = array<i32>} : memref<160x128xf32, #tpu.memory_space<vmem>>, vector<16xf32>,
        %mul3A_352 = arith.mulf %get3A_351, %gather3A : vector<16xf32>
        %add3A_353 = arith.addf %scan3A_292, %mul3A_352 : vector<16xf32>
        %mul3A_354 = arith.constant 4 : i32
        %mul3A_355 = arith.muli %scan3A_286, %mul3A_354 : i32
        %add3A_356 = arith.constant 0 : i32
        %add3A_357 = arith.addi %mul3A_355, %add3A_356 : i32
        %get3A_358 = arith.index_cast %add3A_357 : i32 to index
        %get3A_359 = arith.constant 96 : index
        %get3A_360 = tpu.vector_load %arg10[%get3A_358, %get3A_359] {strides = array<i32>} : memref<160x128xf32, #tpu.memory_space<vmem>>, vector<16xf32>,
        %mul3A_361 = arith.mulf %get3A_360, %gather3A : vector<16xf32>
        %add3A_362 = arith.addf %scan3A_293, %mul3A_361 : vector<16xf32>
        %mul3A_363 = arith.constant 4 : i32
        %mul3A_364 = arith.muli %scan3A_286, %mul3A_363 : i32
        %add3A_365 = arith.constant 0 : i32
        %add3A_366 = arith.addi %mul3A_364, %add3A_365 : i32
        %get3A_367 = arith.index_cast %add3A_366 : i32 to index
        %get3A_368 = arith.constant 112 : index
        %get3A_369 = tpu.vector_load %arg10[%get3A_367, %get3A_368] {strides = array<i32>} : memref<160x128xf32, #tpu.memory_space<vmem>>, vector<16xf32>,
        %mul3A_370 = arith.mulf %get3A_369, %gather3A : vector<16xf32>
        %add3A_371 = arith.addf %scan3A_294, %mul3A_370 : vector<16xf32>
        %mul3A_372 = arith.constant 4 : i32
        %mul3A_373 = arith.muli %scan3A_286, %mul3A_372 : i32
        %add3A_374 = arith.addi %mul3A_237, %mul3A_373 : i32
        %add3A_375 = arith.constant 1 : i32
        %add3A_376 = arith.addi %add3A_374, %add3A_375 : i32
        %broadcast_in_dim3A_377 = vector.broadcast %add3A_376 : i32 to vector<16xi32>
        %gather3A_378 = tpu.vector_load_idx %arg6[%broadcast_in_dim3A_377] : memref<3200xf32, #tpu.memory_space<vmem>>[vector<16xi32>], vector<16xf32>,
        %mul3A_379 = arith.constant 4 : i32
        %mul3A_380 = arith.muli %scan3A_286, %mul3A_379 : i32
        %add3A_381 = arith.constant 1 : i32
        %add3A_382 = arith.addi %mul3A_380, %add3A_381 : i32
        %get3A_383 = arith.index_cast %add3A_382 : i32 to index
        %get3A_384 = arith.constant 0 : index
        %get3A_385 = tpu.vector_load %arg10[%get3A_383, %get3A_384] {strides = array<i32>} : memref<160x128xf32, #tpu.memory_space<vmem>>, vector<16xf32>,
        %mul3A_386 = arith.mulf %get3A_385, %gather3A_378 : vector<16xf32>
        %add3A_387 = arith.addf %add3A_308, %mul3A_386 : vector<16xf32>
        %mul3A_388 = arith.constant 4 : i32
        %mul3A_389 = arith.muli %scan3A_286, %mul3A_388 : i32
        %add3A_390 = arith.constant 1 : i32
        %add3A_391 = arith.addi %mul3A_389, %add3A_390 : i32
        %get3A_392 = arith.index_cast %add3A_391 : i32 to index
        %get3A_393 = arith.constant 16 : index
        %get3A_394 = tpu.vector_load %arg10[%get3A_392, %get3A_393] {strides = array<i32>} : memref<160x128xf32, #tpu.memory_space<vmem>>, vector<16xf32>,
        %mul3A_395 = arith.mulf %get3A_394, %gather3A_378 : vector<16xf32>
        %add3A_396 = arith.addf %add3A_317, %mul3A_395 : vector<16xf32>
        %mul3A_397 = arith.constant 4 : i32
        %mul3A_398 = arith.muli %scan3A_286, %mul3A_397 : i32
        %add3A_399 = arith.constant 1 : i32
        %add3A_400 = arith.addi %mul3A_398, %add3A_399 : i32
        %get3A_401 = arith.index_cast %add3A_400 : i32 to index
        %get3A_402 = arith.constant 32 : index
        %get3A_403 = tpu.vector_load %arg10[%get3A_401, %get3A_402] {strides = array<i32>} : memref<160x128xf32, #tpu.memory_space<vmem>>, vector<16xf32>,
        %mul3A_404 = arith.mulf %get3A_403, %gather3A_378 : vector<16xf32>
        %add3A_405 = arith.addf %add3A_326, %mul3A_404 : vector<16xf32>
        %mul3A_406 = arith.constant 4 : i32
        %mul3A_407 = arith.muli %scan3A_286, %mul3A_406 : i32
        %add3A_408 = arith.constant 1 : i32
        %add3A_409 = arith.addi %mul3A_407, %add3A_408 : i32
        %get3A_410 = arith.index_cast %add3A_409 : i32 to index
        %get3A_411 = arith.constant 48 : index
        %get3A_412 = tpu.vector_load %arg10[%get3A_410, %get3A_411] {strides = array<i32>} : memref<160x128xf32, #tpu.memory_space<vmem>>, vector<16xf32>,
        %mul3A_413 = arith.mulf %get3A_412, %gather3A_378 : vector<16xf32>
        %add3A_414 = arith.addf %add3A_335, %mul3A_413 : vector<16xf32>
        %mul3A_415 = arith.constant 4 : i32
        %mul3A_416 = arith.muli %scan3A_286, %mul3A_415 : i32
        %add3A_417 = arith.constant 1 : i32
        %add3A_418 = arith.addi %mul3A_416, %add3A_417 : i32
        %get3A_419 = arith.index_cast %add3A_418 : i32 to index
        %get3A_420 = arith.constant 64 : index
        %get3A_421 = tpu.vector_load %arg10[%get3A_419, %get3A_420] {strides = array<i32>} : memref<160x128xf32, #tpu.memory_space<vmem>>, vector<16xf32>,
        %mul3A_422 = arith.mulf %get3A_421, %gather3A_378 : vector<16xf32>
        %add3A_423 = arith.addf %add3A_344, %mul3A_422 : vector<16xf32>
        %mul3A_424 = arith.constant 4 : i32
        %mul3A_425 = arith.muli %scan3A_286, %mul3A_424 : i32
        %add3A_426 = arith.constant 1 : i32
        %add3A_427 = arith.addi %mul3A_425, %add3A_426 : i32
        %get3A_428 = arith.index_cast %add3A_427 : i32 to index
        %get3A_429 = arith.constant 80 : index
        %get3A_430 = tpu.vector_load %arg10[%get3A_428, %get3A_429] {strides = array<i32>} : memref<160x128xf32, #tpu.memory_space<vmem>>, vector<16xf32>,
        %mul3A_431 = arith.mulf %get3A_430, %gather3A_378 : vector<16xf32>
        %add3A_432 = arith.addf %add3A_353, %mul3A_431 : vector<16xf32>
        %mul3A_433 = arith.constant 4 : i32
        %mul3A_434 = arith.muli %scan3A_286, %mul3A_433 : i32
        %add3A_435 = arith.constant 1 : i32
        %add3A_436 = arith.addi %mul3A_434, %add3A_435 : i32
        %get3A_437 = arith.index_cast %add3A_436 : i32 to index
        %get3A_438 = arith.constant 96 : index
        %get3A_439 = tpu.vector_load %arg10[%get3A_437, %get3A_438] {strides = array<i32>} : memref<160x128xf32, #tpu.memory_space<vmem>>, vector<16xf32>,
        %mul3A_440 = arith.mulf %get3A_439, %gather3A_378 : vector<16xf32>
        %add3A_441 = arith.addf %add3A_362, %mul3A_440 : vector<16xf32>
        %mul3A_442 = arith.constant 4 : i32
        %mul3A_443 = arith.muli %scan3A_286, %mul3A_442 : i32
        %add3A_444 = arith.constant 1 : i32
        %add3A_445 = arith.addi %mul3A_443, %add3A_444 : i32
        %get3A_446 = arith.index_cast %add3A_445 : i32 to index
        %get3A_447 = arith.constant 112 : index
        %get3A_448 = tpu.vector_load %arg10[%get3A_446, %get3A_447] {strides = array<i32>} : memref<160x128xf32, #tpu.memory_space<vmem>>, vector<16xf32>,
        %mul3A_449 = arith.mulf %get3A_448, %gather3A_378 : vector<16xf32>
        %add3A_450 = arith.addf %add3A_371, %mul3A_449 : vector<16xf32>
        %mul3A_451 = arith.constant 4 : i32
        %mul3A_452 = arith.muli %scan3A_286, %mul3A_451 : i32
        %add3A_453 = arith.addi %mul3A_237, %mul3A_452 : i32
        %add3A_454 = arith.constant 2 : i32
        %add3A_455 = arith.addi %add3A_453, %add3A_454 : i32
        %broadcast_in_dim3A_456 = vector.broadcast %add3A_455 : i32 to vector<16xi32>
        %gather3A_457 = tpu.vector_load_idx %arg6[%broadcast_in_dim3A_456] : memref<3200xf32, #tpu.memory_space<vmem>>[vector<16xi32>], vector<16xf32>,
        %mul3A_458 = arith.constant 4 : i32
        %mul3A_459 = arith.muli %scan3A_286, %mul3A_458 : i32
        %add3A_460 = arith.constant 2 : i32
        %add3A_461 = arith.addi %mul3A_459, %add3A_460 : i32
        %get3A_462 = arith.index_cast %add3A_461 : i32 to index
        %get3A_463 = arith.constant 0 : index
        %get3A_464 = tpu.vector_load %arg10[%get3A_462, %get3A_463] {strides = array<i32>} : memref<160x128xf32, #tpu.memory_space<vmem>>, vector<16xf32>,
        %mul3A_465 = arith.mulf %get3A_464, %gather3A_457 : vector<16xf32>
        %add3A_466 = arith.addf %add3A_387, %mul3A_465 : vector<16xf32>
        %mul3A_467 = arith.constant 4 : i32
        %mul3A_468 = arith.muli %scan3A_286, %mul3A_467 : i32
        %add3A_469 = arith.constant 2 : i32
        %add3A_470 = arith.addi %mul3A_468, %add3A_469 : i32
        %get3A_471 = arith.index_cast %add3A_470 : i32 to index
        %get3A_472 = arith.constant 16 : index
        %get3A_473 = tpu.vector_load %arg10[%get3A_471, %get3A_472] {strides = array<i32>} : memref<160x128xf32, #tpu.memory_space<vmem>>, vector<16xf32>,
        %mul3A_474 = arith.mulf %get3A_473, %gather3A_457 : vector<16xf32>
        %add3A_475 = arith.addf %add3A_396, %mul3A_474 : vector<16xf32>
        %mul3A_476 = arith.constant 4 : i32
        %mul3A_477 = arith.muli %scan3A_286, %mul3A_476 : i32
        %add3A_478 = arith.constant 2 : i32
        %add3A_479 = arith.addi %mul3A_477, %add3A_478 : i32
        %get3A_480 = arith.index_cast %add3A_479 : i32 to index
        %get3A_481 = arith.constant 32 : index
        %get3A_482 = tpu.vector_load %arg10[%get3A_480, %get3A_481] {strides = array<i32>} : memref<160x128xf32, #tpu.memory_space<vmem>>, vector<16xf32>,
        %mul3A_483 = arith.mulf %get3A_482, %gather3A_457 : vector<16xf32>
        %add3A_484 = arith.addf %add3A_405, %mul3A_483 : vector<16xf32>
        %mul3A_485 = arith.constant 4 : i32
        %mul3A_486 = arith.muli %scan3A_286, %mul3A_485 : i32
        %add3A_487 = arith.constant 2 : i32
        %add3A_488 = arith.addi %mul3A_486, %add3A_487 : i32
        %get3A_489 = arith.index_cast %add3A_488 : i32 to index
        %get3A_490 = arith.constant 48 : index
        %get3A_491 = tpu.vector_load %arg10[%get3A_489, %get3A_490] {strides = array<i32>} : memref<160x128xf32, #tpu.memory_space<vmem>>, vector<16xf32>,
        %mul3A_492 = arith.mulf %get3A_491, %gather3A_457 : vector<16xf32>
        %add3A_493 = arith.addf %add3A_414, %mul3A_492 : vector<16xf32>
        %mul3A_494 = arith.constant 4 : i32
        %mul3A_495 = arith.muli %scan3A_286, %mul3A_494 : i32
        %add3A_496 = arith.constant 2 : i32
        %add3A_497 = arith.addi %mul3A_495, %add3A_496 : i32
        %get3A_498 = arith.index_cast %add3A_497 : i32 to index
        %get3A_499 = arith.constant 64 : index
        %get3A_500 = tpu.vector_load %arg10[%get3A_498, %get3A_499] {strides = array<i32>} : memref<160x128xf32, #tpu.memory_space<vmem>>, vector<16xf32>,
        %mul3A_501 = arith.mulf %get3A_500, %gather3A_457 : vector<16xf32>
        %add3A_502 = arith.addf %add3A_423, %mul3A_501 : vector<16xf32>
        %mul3A_503 = arith.constant 4 : i32
        %mul3A_504 = arith.muli %scan3A_286, %mul3A_503 : i32
        %add3A_505 = arith.constant 2 : i32
        %add3A_506 = arith.addi %mul3A_504, %add3A_505 : i32
        %get3A_507 = arith.index_cast %add3A_506 : i32 to index
        %get3A_508 = arith.constant 80 : index
        %get3A_509 = tpu.vector_load %arg10[%get3A_507, %get3A_508] {strides = array<i32>} : memref<160x128xf32, #tpu.memory_space<vmem>>, vector<16xf32>,
        %mul3A_510 = arith.mulf %get3A_509, %gather3A_457 : vector<16xf32>
        %add3A_511 = arith.addf %add3A_432, %mul3A_510 : vector<16xf32>
        %mul3A_512 = arith.constant 4 : i32
        %mul3A_513 = arith.muli %scan3A_286, %mul3A_512 : i32
        %add3A_514 = arith.constant 2 : i32
        %add3A_515 = arith.addi %mul3A_513, %add3A_514 : i32
        %get3A_516 = arith.index_cast %add3A_515 : i32 to index
        %get3A_517 = arith.constant 96 : index
        %get3A_518 = tpu.vector_load %arg10[%get3A_516, %get3A_517] {strides = array<i32>} : memref<160x128xf32, #tpu.memory_space<vmem>>, vector<16xf32>,
        %mul3A_519 = arith.mulf %get3A_518, %gather3A_457 : vector<16xf32>
        %add3A_520 = arith.addf %add3A_441, %mul3A_519 : vector<16xf32>
        %mul3A_521 = arith.constant 4 : i32
        %mul3A_522 = arith.muli %scan3A_286, %mul3A_521 : i32
        %add3A_523 = arith.constant 2 : i32
        %add3A_524 = arith.addi %mul3A_522, %add3A_523 : i32
        %get3A_525 = arith.index_cast %add3A_524 : i32 to index
        %get3A_526 = arith.constant 112 : index
        %get3A_527 = tpu.vector_load %arg10[%get3A_525, %get3A_526] {strides = array<i32>} : memref<160x128xf32, #tpu.memory_space<vmem>>, vector<16xf32>,
        %mul3A_528 = arith.mulf %get3A_527, %gather3A_457 : vector<16xf32>
        %add3A_529 = arith.addf %add3A_450, %mul3A_528 : vector<16xf32>
        %mul3A_530 = arith.constant 4 : i32
        %mul3A_531 = arith.muli %scan3A_286, %mul3A_530 : i32
        %add3A_532 = arith.addi %mul3A_237, %mul3A_531 : i32
        %add3A_533 = arith.constant 3 : i32
        %add3A_534 = arith.addi %add3A_532, %add3A_533 : i32
        %broadcast_in_dim3A_535 = vector.broadcast %add3A_534 : i32 to vector<16xi32>
        %gather3A_536 = tpu.vector_load_idx %arg6[%broadcast_in_dim3A_535] : memref<3200xf32, #tpu.memory_space<vmem>>[vector<16xi32>], vector<16xf32>,
        %mul3A_537 = arith.constant 4 : i32
        %mul3A_538 = arith.muli %scan3A_286, %mul3A_537 : i32
        %add3A_539 = arith.constant 3 : i32
        %add3A_540 = arith.addi %mul3A_538, %add3A_539 : i32
        %get3A_541 = arith.index_cast %add3A_540 : i32 to index
        %get3A_542 = arith.constant 0 : index
        %get3A_543 = tpu.vector_load %arg10[%get3A_541, %get3A_542] {strides = array<i32>} : memref<160x128xf32, #tpu.memory_space<vmem>>, vector<16xf32>,
        %mul3A_544 = arith.mulf %get3A_543, %gather3A_536 : vector<16xf32>
        %add3A_545 = arith.addf %add3A_466, %mul3A_544 : vector<16xf32>
        %mul3A_546 = arith.constant 4 : i32
        %mul3A_547 = arith.muli %scan3A_286, %mul3A_546 : i32
        %add3A_548 = arith.constant 3 : i32
        %add3A_549 = arith.addi %mul3A_547, %add3A_548 : i32
        %get3A_550 = arith.index_cast %add3A_549 : i32 to index
        %get3A_551 = arith.constant 16 : index
        %get3A_552 = tpu.vector_load %arg10[%get3A_550, %get3A_551] {strides = array<i32>} : memref<160x128xf32, #tpu.memory_space<vmem>>, vector<16xf32>,
        %mul3A_553 = arith.mulf %get3A_552, %gather3A_536 : vector<16xf32>
        %add3A_554 = arith.addf %add3A_475, %mul3A_553 : vector<16xf32>
        %mul3A_555 = arith.constant 4 : i32
        %mul3A_556 = arith.muli %scan3A_286, %mul3A_555 : i32
        %add3A_557 = arith.constant 3 : i32
        %add3A_558 = arith.addi %mul3A_556, %add3A_557 : i32
        %get3A_559 = arith.index_cast %add3A_558 : i32 to index
        %get3A_560 = arith.constant 32 : index
        %get3A_561 = tpu.vector_load %arg10[%get3A_559, %get3A_560] {strides = array<i32>} : memref<160x128xf32, #tpu.memory_space<vmem>>, vector<16xf32>,
        %mul3A_562 = arith.mulf %get3A_561, %gather3A_536 : vector<16xf32>
        %add3A_563 = arith.addf %add3A_484, %mul3A_562 : vector<16xf32>
        %mul3A_564 = arith.constant 4 : i32
        %mul3A_565 = arith.muli %scan3A_286, %mul3A_564 : i32
        %add3A_566 = arith.constant 3 : i32
        %add3A_567 = arith.addi %mul3A_565, %add3A_566 : i32
        %get3A_568 = arith.index_cast %add3A_567 : i32 to index
        %get3A_569 = arith.constant 48 : index
        %get3A_570 = tpu.vector_load %arg10[%get3A_568, %get3A_569] {strides = array<i32>} : memref<160x128xf32, #tpu.memory_space<vmem>>, vector<16xf32>,
        %mul3A_571 = arith.mulf %get3A_570, %gather3A_536 : vector<16xf32>
        %add3A_572 = arith.addf %add3A_493, %mul3A_571 : vector<16xf32>
        %mul3A_573 = arith.constant 4 : i32
        %mul3A_574 = arith.muli %scan3A_286, %mul3A_573 : i32
        %add3A_575 = arith.constant 3 : i32
        %add3A_576 = arith.addi %mul3A_574, %add3A_575 : i32
        %get3A_577 = arith.index_cast %add3A_576 : i32 to index
        %get3A_578 = arith.constant 64 : index
        %get3A_579 = tpu.vector_load %arg10[%get3A_577, %get3A_578] {strides = array<i32>} : memref<160x128xf32, #tpu.memory_space<vmem>>, vector<16xf32>,
        %mul3A_580 = arith.mulf %get3A_579, %gather3A_536 : vector<16xf32>
        %add3A_581 = arith.addf %add3A_502, %mul3A_580 : vector<16xf32>
        %mul3A_582 = arith.constant 4 : i32
        %mul3A_583 = arith.muli %scan3A_286, %mul3A_582 : i32
        %add3A_584 = arith.constant 3 : i32
        %add3A_585 = arith.addi %mul3A_583, %add3A_584 : i32
        %get3A_586 = arith.index_cast %add3A_585 : i32 to index
        %get3A_587 = arith.constant 80 : index
        %get3A_588 = tpu.vector_load %arg10[%get3A_586, %get3A_587] {strides = array<i32>} : memref<160x128xf32, #tpu.memory_space<vmem>>, vector<16xf32>,
        %mul3A_589 = arith.mulf %get3A_588, %gather3A_536 : vector<16xf32>
        %add3A_590 = arith.addf %add3A_511, %mul3A_589 : vector<16xf32>
        %mul3A_591 = arith.constant 4 : i32
        %mul3A_592 = arith.muli %scan3A_286, %mul3A_591 : i32
        %add3A_593 = arith.constant 3 : i32
        %add3A_594 = arith.addi %mul3A_592, %add3A_593 : i32
        %get3A_595 = arith.index_cast %add3A_594 : i32 to index
        %get3A_596 = arith.constant 96 : index
        %get3A_597 = tpu.vector_load %arg10[%get3A_595, %get3A_596] {strides = array<i32>} : memref<160x128xf32, #tpu.memory_space<vmem>>, vector<16xf32>,
        %mul3A_598 = arith.mulf %get3A_597, %gather3A_536 : vector<16xf32>
        %add3A_599 = arith.addf %add3A_520, %mul3A_598 : vector<16xf32>
        %mul3A_600 = arith.constant 4 : i32
        %mul3A_601 = arith.muli %scan3A_286, %mul3A_600 : i32
        %add3A_602 = arith.constant 3 : i32
        %add3A_603 = arith.addi %mul3A_601, %add3A_602 : i32
        %get3A_604 = arith.index_cast %add3A_603 : i32 to index
        %get3A_605 = arith.constant 112 : index
        %get3A_606 = tpu.vector_load %arg10[%get3A_604, %get3A_605] {strides = array<i32>} : memref<160x128xf32, #tpu.memory_space<vmem>>, vector<16xf32>,
        %mul3A_607 = arith.mulf %get3A_606, %gather3A_536 : vector<16xf32>
        %add3A_608 = arith.addf %add3A_529, %mul3A_607 : vector<16xf32>
        scf.yield %add3A_545, %add3A_554, %add3A_563, %add3A_572, %add3A_581, %add3A_590, %add3A_599, %add3A_608 : vector<16xf32>, vector<16xf32>, vector<16xf32>, vector<16xf32>, vector<16xf32>, vector<16xf32>, vector<16xf32>, vector<16xf32>
      }
      %scan3A_243 = arith.constant 40 : i32
      %add3A_244 = arith.constant 5 : i32
      %add3A_245 = arith.addi %add3A_229, %add3A_244 : i32
      %sub3A_246 = arith.constant 1 : i32
      %sub3A_247 = arith.subi %div3A_5, %sub3A_246 : i32
      %min3A_248 = arith.minsi %add3A_245, %sub3A_247 : i32
      %mul3A_249 = arith.constant 160 : i32
      %mul3A_250 = arith.muli %min3A_248, %mul3A_249 : i32
      %add3A_251 = arith.addi %mul3A_2, %mul3A_250 : i32
      %dma_start3A_252 = arith.constant 0 : i32
      %dma_start3A_253 = tpu.memref_slice %arg3[%add3A_251, %dma_start3A_252] : memref<100000x128xf32, #tpu.memory_space<hbm>> -> memref<160x128xf32, #tpu.memory_space<hbm>>
      %dma_start3A_254 = arith.constant 0 : i32
      %dma_start3A_255 = tpu.memref_slice %arg3[%add3A_251, %dma_start3A_254] : memref<100000x128xf32, #tpu.memory_space<hbm>> -> memref<160x128xf32, #tpu.memory_space<hbm>>
      tpu.enqueue_dma source(%dma_start3A_255 : memref<160x128xf32, #tpu.memory_space<hbm>>) target(%arg10 : memref<160x128xf32, #tpu.memory_space<vmem>>) target_semaphore(%arg16 : memref<!tpu.dma_semaphore, #tpu.memory_space<semaphore_mem>>)
      %mul3A_256 = arith.constant 5 : i32
      %mul3A_257 = arith.muli %while3A_127, %mul3A_256 : i32
      %add3A_258 = arith.constant 4 : i32
      %add3A_259 = arith.addi %mul3A_257, %add3A_258 : i32
      %dma_wait3A_260 = arith.constant 0 : i32
      %dma_wait3A_261 = arith.constant 0 : i32
      %dma_wait3A_262 = tpu.memref_slice %arg3[%dma_wait3A_260, %dma_wait3A_261] : memref<100000x128xf32, #tpu.memory_space<hbm>> -> memref<160x128xf32, #tpu.memory_space<hbm>>
      %dma_wait3A_263 = arith.constant 0 : i32
      %dma_wait3A_264 = arith.constant 0 : i32
      %dma_wait3A_265 = tpu.memref_slice %arg3[%dma_wait3A_263, %dma_wait3A_264] : memref<100000x128xf32, #tpu.memory_space<hbm>> -> memref<160x128xf32, #tpu.memory_space<hbm>>
      tpu.wait_dma2 semaphore(%arg17 : memref<!tpu.dma_semaphore, #tpu.memory_space<semaphore_mem>>) src(%dma_wait3A_265 : memref<160x128xf32, #tpu.memory_space<hbm>>) dst(%arg11 : memref<160x128xf32, #tpu.memory_space<vmem>>)
      %mul3A_266 = arith.constant 160 : i32
      %mul3A_267 = arith.muli %add3A_259, %mul3A_266 : i32
      %scan3A_268 = arith.constant 0 : i32
      %scan3A_269 = arith.constant 40 : i32
      %scan3A_270 = arith.addi %scan3A_268, %scan3A_269 : i32
      %scan3A_271 = arith.constant 1 : i32
      %scan3A_272:8 = scf.for %scan3A_286 = %scan3A_268 to %scan3A_270 step %scan3A_271 iter_args(%scan3A_287 = %scan3A_242#0, %scan3A_288 = %scan3A_242#1, %scan3A_289 = %scan3A_242#2, %scan3A_290 = %scan3A_242#3, %scan3A_291 = %scan3A_242#4, %scan3A_292 = %scan3A_242#5, %scan3A_293 = %scan3A_242#6, %scan3A_294 = %scan3A_242#7) -> (vector<16xf32>, vector<16xf32>, vector<16xf32>, vector<16xf32>, vector<16xf32>, vector<16xf32>, vector<16xf32>, vector<16xf32>)  : i32 {
        %mul3A_295 = arith.constant 4 : i32
        %mul3A_296 = arith.muli %scan3A_286, %mul3A_295 : i32
        %add3A_297 = arith.addi %mul3A_267, %mul3A_296 : i32
        %add3A_298 = arith.constant 0 : i32
        %add3A_299 = arith.addi %add3A_297, %add3A_298 : i32
        %broadcast_in_dim3A_300 = vector.broadcast %add3A_299 : i32 to vector<16xi32>
        %gather3A = tpu.vector_load_idx %arg6[%broadcast_in_dim3A_300] : memref<3200xf32, #tpu.memory_space<vmem>>[vector<16xi32>], vector<16xf32>,
        %mul3A_301 = arith.constant 4 : i32
        %mul3A_302 = arith.muli %scan3A_286, %mul3A_301 : i32
        %add3A_303 = arith.constant 0 : i32
        %add3A_304 = arith.addi %mul3A_302, %add3A_303 : i32
        %get3A = arith.index_cast %add3A_304 : i32 to index
        %get3A_305 = arith.constant 0 : index
        %get3A_306 = tpu.vector_load %arg11[%get3A, %get3A_305] {strides = array<i32>} : memref<160x128xf32, #tpu.memory_space<vmem>>, vector<16xf32>,
        %mul3A_307 = arith.mulf %get3A_306, %gather3A : vector<16xf32>
        %add3A_308 = arith.addf %scan3A_287, %mul3A_307 : vector<16xf32>
        %mul3A_309 = arith.constant 4 : i32
        %mul3A_310 = arith.muli %scan3A_286, %mul3A_309 : i32
        %add3A_311 = arith.constant 0 : i32
        %add3A_312 = arith.addi %mul3A_310, %add3A_311 : i32
        %get3A_313 = arith.index_cast %add3A_312 : i32 to index
        %get3A_314 = arith.constant 16 : index
        %get3A_315 = tpu.vector_load %arg11[%get3A_313, %get3A_314] {strides = array<i32>} : memref<160x128xf32, #tpu.memory_space<vmem>>, vector<16xf32>,
        %mul3A_316 = arith.mulf %get3A_315, %gather3A : vector<16xf32>
        %add3A_317 = arith.addf %scan3A_288, %mul3A_316 : vector<16xf32>
        %mul3A_318 = arith.constant 4 : i32
        %mul3A_319 = arith.muli %scan3A_286, %mul3A_318 : i32
        %add3A_320 = arith.constant 0 : i32
        %add3A_321 = arith.addi %mul3A_319, %add3A_320 : i32
        %get3A_322 = arith.index_cast %add3A_321 : i32 to index
        %get3A_323 = arith.constant 32 : index
        %get3A_324 = tpu.vector_load %arg11[%get3A_322, %get3A_323] {strides = array<i32>} : memref<160x128xf32, #tpu.memory_space<vmem>>, vector<16xf32>,
        %mul3A_325 = arith.mulf %get3A_324, %gather3A : vector<16xf32>
        %add3A_326 = arith.addf %scan3A_289, %mul3A_325 : vector<16xf32>
        %mul3A_327 = arith.constant 4 : i32
        %mul3A_328 = arith.muli %scan3A_286, %mul3A_327 : i32
        %add3A_329 = arith.constant 0 : i32
        %add3A_330 = arith.addi %mul3A_328, %add3A_329 : i32
        %get3A_331 = arith.index_cast %add3A_330 : i32 to index
        %get3A_332 = arith.constant 48 : index
        %get3A_333 = tpu.vector_load %arg11[%get3A_331, %get3A_332] {strides = array<i32>} : memref<160x128xf32, #tpu.memory_space<vmem>>, vector<16xf32>,
        %mul3A_334 = arith.mulf %get3A_333, %gather3A : vector<16xf32>
        %add3A_335 = arith.addf %scan3A_290, %mul3A_334 : vector<16xf32>
        %mul3A_336 = arith.constant 4 : i32
        %mul3A_337 = arith.muli %scan3A_286, %mul3A_336 : i32
        %add3A_338 = arith.constant 0 : i32
        %add3A_339 = arith.addi %mul3A_337, %add3A_338 : i32
        %get3A_340 = arith.index_cast %add3A_339 : i32 to index
        %get3A_341 = arith.constant 64 : index
        %get3A_342 = tpu.vector_load %arg11[%get3A_340, %get3A_341] {strides = array<i32>} : memref<160x128xf32, #tpu.memory_space<vmem>>, vector<16xf32>,
        %mul3A_343 = arith.mulf %get3A_342, %gather3A : vector<16xf32>
        %add3A_344 = arith.addf %scan3A_291, %mul3A_343 : vector<16xf32>
        %mul3A_345 = arith.constant 4 : i32
        %mul3A_346 = arith.muli %scan3A_286, %mul3A_345 : i32
        %add3A_347 = arith.constant 0 : i32
        %add3A_348 = arith.addi %mul3A_346, %add3A_347 : i32
        %get3A_349 = arith.index_cast %add3A_348 : i32 to index
        %get3A_350 = arith.constant 80 : index
        %get3A_351 = tpu.vector_load %arg11[%get3A_349, %get3A_350] {strides = array<i32>} : memref<160x128xf32, #tpu.memory_space<vmem>>, vector<16xf32>,
        %mul3A_352 = arith.mulf %get3A_351, %gather3A : vector<16xf32>
        %add3A_353 = arith.addf %scan3A_292, %mul3A_352 : vector<16xf32>
        %mul3A_354 = arith.constant 4 : i32
        %mul3A_355 = arith.muli %scan3A_286, %mul3A_354 : i32
        %add3A_356 = arith.constant 0 : i32
        %add3A_357 = arith.addi %mul3A_355, %add3A_356 : i32
        %get3A_358 = arith.index_cast %add3A_357 : i32 to index
        %get3A_359 = arith.constant 96 : index
        %get3A_360 = tpu.vector_load %arg11[%get3A_358, %get3A_359] {strides = array<i32>} : memref<160x128xf32, #tpu.memory_space<vmem>>, vector<16xf32>,
        %mul3A_361 = arith.mulf %get3A_360, %gather3A : vector<16xf32>
        %add3A_362 = arith.addf %scan3A_293, %mul3A_361 : vector<16xf32>
        %mul3A_363 = arith.constant 4 : i32
        %mul3A_364 = arith.muli %scan3A_286, %mul3A_363 : i32
        %add3A_365 = arith.constant 0 : i32
        %add3A_366 = arith.addi %mul3A_364, %add3A_365 : i32
        %get3A_367 = arith.index_cast %add3A_366 : i32 to index
        %get3A_368 = arith.constant 112 : index
        %get3A_369 = tpu.vector_load %arg11[%get3A_367, %get3A_368] {strides = array<i32>} : memref<160x128xf32, #tpu.memory_space<vmem>>, vector<16xf32>,
        %mul3A_370 = arith.mulf %get3A_369, %gather3A : vector<16xf32>
        %add3A_371 = arith.addf %scan3A_294, %mul3A_370 : vector<16xf32>
        %mul3A_372 = arith.constant 4 : i32
        %mul3A_373 = arith.muli %scan3A_286, %mul3A_372 : i32
        %add3A_374 = arith.addi %mul3A_267, %mul3A_373 : i32
        %add3A_375 = arith.constant 1 : i32
        %add3A_376 = arith.addi %add3A_374, %add3A_375 : i32
        %broadcast_in_dim3A_377 = vector.broadcast %add3A_376 : i32 to vector<16xi32>
        %gather3A_378 = tpu.vector_load_idx %arg6[%broadcast_in_dim3A_377] : memref<3200xf32, #tpu.memory_space<vmem>>[vector<16xi32>], vector<16xf32>,
        %mul3A_379 = arith.constant 4 : i32
        %mul3A_380 = arith.muli %scan3A_286, %mul3A_379 : i32
        %add3A_381 = arith.constant 1 : i32
        %add3A_382 = arith.addi %mul3A_380, %add3A_381 : i32
        %get3A_383 = arith.index_cast %add3A_382 : i32 to index
        %get3A_384 = arith.constant 0 : index
        %get3A_385 = tpu.vector_load %arg11[%get3A_383, %get3A_384] {strides = array<i32>} : memref<160x128xf32, #tpu.memory_space<vmem>>, vector<16xf32>,
        %mul3A_386 = arith.mulf %get3A_385, %gather3A_378 : vector<16xf32>
        %add3A_387 = arith.addf %add3A_308, %mul3A_386 : vector<16xf32>
        %mul3A_388 = arith.constant 4 : i32
        %mul3A_389 = arith.muli %scan3A_286, %mul3A_388 : i32
        %add3A_390 = arith.constant 1 : i32
        %add3A_391 = arith.addi %mul3A_389, %add3A_390 : i32
        %get3A_392 = arith.index_cast %add3A_391 : i32 to index
        %get3A_393 = arith.constant 16 : index
        %get3A_394 = tpu.vector_load %arg11[%get3A_392, %get3A_393] {strides = array<i32>} : memref<160x128xf32, #tpu.memory_space<vmem>>, vector<16xf32>,
        %mul3A_395 = arith.mulf %get3A_394, %gather3A_378 : vector<16xf32>
        %add3A_396 = arith.addf %add3A_317, %mul3A_395 : vector<16xf32>
        %mul3A_397 = arith.constant 4 : i32
        %mul3A_398 = arith.muli %scan3A_286, %mul3A_397 : i32
        %add3A_399 = arith.constant 1 : i32
        %add3A_400 = arith.addi %mul3A_398, %add3A_399 : i32
        %get3A_401 = arith.index_cast %add3A_400 : i32 to index
        %get3A_402 = arith.constant 32 : index
        %get3A_403 = tpu.vector_load %arg11[%get3A_401, %get3A_402] {strides = array<i32>} : memref<160x128xf32, #tpu.memory_space<vmem>>, vector<16xf32>,
        %mul3A_404 = arith.mulf %get3A_403, %gather3A_378 : vector<16xf32>
        %add3A_405 = arith.addf %add3A_326, %mul3A_404 : vector<16xf32>
        %mul3A_406 = arith.constant 4 : i32
        %mul3A_407 = arith.muli %scan3A_286, %mul3A_406 : i32
        %add3A_408 = arith.constant 1 : i32
        %add3A_409 = arith.addi %mul3A_407, %add3A_408 : i32
        %get3A_410 = arith.index_cast %add3A_409 : i32 to index
        %get3A_411 = arith.constant 48 : index
        %get3A_412 = tpu.vector_load %arg11[%get3A_410, %get3A_411] {strides = array<i32>} : memref<160x128xf32, #tpu.memory_space<vmem>>, vector<16xf32>,
        %mul3A_413 = arith.mulf %get3A_412, %gather3A_378 : vector<16xf32>
        %add3A_414 = arith.addf %add3A_335, %mul3A_413 : vector<16xf32>
        %mul3A_415 = arith.constant 4 : i32
        %mul3A_416 = arith.muli %scan3A_286, %mul3A_415 : i32
        %add3A_417 = arith.constant 1 : i32
        %add3A_418 = arith.addi %mul3A_416, %add3A_417 : i32
        %get3A_419 = arith.index_cast %add3A_418 : i32 to index
        %get3A_420 = arith.constant 64 : index
        %get3A_421 = tpu.vector_load %arg11[%get3A_419, %get3A_420] {strides = array<i32>} : memref<160x128xf32, #tpu.memory_space<vmem>>, vector<16xf32>,
        %mul3A_422 = arith.mulf %get3A_421, %gather3A_378 : vector<16xf32>
        %add3A_423 = arith.addf %add3A_344, %mul3A_422 : vector<16xf32>
        %mul3A_424 = arith.constant 4 : i32
        %mul3A_425 = arith.muli %scan3A_286, %mul3A_424 : i32
        %add3A_426 = arith.constant 1 : i32
        %add3A_427 = arith.addi %mul3A_425, %add3A_426 : i32
        %get3A_428 = arith.index_cast %add3A_427 : i32 to index
        %get3A_429 = arith.constant 80 : index
        %get3A_430 = tpu.vector_load %arg11[%get3A_428, %get3A_429] {strides = array<i32>} : memref<160x128xf32, #tpu.memory_space<vmem>>, vector<16xf32>,
        %mul3A_431 = arith.mulf %get3A_430, %gather3A_378 : vector<16xf32>
        %add3A_432 = arith.addf %add3A_353, %mul3A_431 : vector<16xf32>
        %mul3A_433 = arith.constant 4 : i32
        %mul3A_434 = arith.muli %scan3A_286, %mul3A_433 : i32
        %add3A_435 = arith.constant 1 : i32
        %add3A_436 = arith.addi %mul3A_434, %add3A_435 : i32
        %get3A_437 = arith.index_cast %add3A_436 : i32 to index
        %get3A_438 = arith.constant 96 : index
        %get3A_439 = tpu.vector_load %arg11[%get3A_437, %get3A_438] {strides = array<i32>} : memref<160x128xf32, #tpu.memory_space<vmem>>, vector<16xf32>,
        %mul3A_440 = arith.mulf %get3A_439, %gather3A_378 : vector<16xf32>
        %add3A_441 = arith.addf %add3A_362, %mul3A_440 : vector<16xf32>
        %mul3A_442 = arith.constant 4 : i32
        %mul3A_443 = arith.muli %scan3A_286, %mul3A_442 : i32
        %add3A_444 = arith.constant 1 : i32
        %add3A_445 = arith.addi %mul3A_443, %add3A_444 : i32
        %get3A_446 = arith.index_cast %add3A_445 : i32 to index
        %get3A_447 = arith.constant 112 : index
        %get3A_448 = tpu.vector_load %arg11[%get3A_446, %get3A_447] {strides = array<i32>} : memref<160x128xf32, #tpu.memory_space<vmem>>, vector<16xf32>,
        %mul3A_449 = arith.mulf %get3A_448, %gather3A_378 : vector<16xf32>
        %add3A_450 = arith.addf %add3A_371, %mul3A_449 : vector<16xf32>
        %mul3A_451 = arith.constant 4 : i32
        %mul3A_452 = arith.muli %scan3A_286, %mul3A_451 : i32
        %add3A_453 = arith.addi %mul3A_267, %mul3A_452 : i32
        %add3A_454 = arith.constant 2 : i32
        %add3A_455 = arith.addi %add3A_453, %add3A_454 : i32
        %broadcast_in_dim3A_456 = vector.broadcast %add3A_455 : i32 to vector<16xi32>
        %gather3A_457 = tpu.vector_load_idx %arg6[%broadcast_in_dim3A_456] : memref<3200xf32, #tpu.memory_space<vmem>>[vector<16xi32>], vector<16xf32>,
        %mul3A_458 = arith.constant 4 : i32
        %mul3A_459 = arith.muli %scan3A_286, %mul3A_458 : i32
        %add3A_460 = arith.constant 2 : i32
        %add3A_461 = arith.addi %mul3A_459, %add3A_460 : i32
        %get3A_462 = arith.index_cast %add3A_461 : i32 to index
        %get3A_463 = arith.constant 0 : index
        %get3A_464 = tpu.vector_load %arg11[%get3A_462, %get3A_463] {strides = array<i32>} : memref<160x128xf32, #tpu.memory_space<vmem>>, vector<16xf32>,
        %mul3A_465 = arith.mulf %get3A_464, %gather3A_457 : vector<16xf32>
        %add3A_466 = arith.addf %add3A_387, %mul3A_465 : vector<16xf32>
        %mul3A_467 = arith.constant 4 : i32
        %mul3A_468 = arith.muli %scan3A_286, %mul3A_467 : i32
        %add3A_469 = arith.constant 2 : i32
        %add3A_470 = arith.addi %mul3A_468, %add3A_469 : i32
        %get3A_471 = arith.index_cast %add3A_470 : i32 to index
        %get3A_472 = arith.constant 16 : index
        %get3A_473 = tpu.vector_load %arg11[%get3A_471, %get3A_472] {strides = array<i32>} : memref<160x128xf32, #tpu.memory_space<vmem>>, vector<16xf32>,
        %mul3A_474 = arith.mulf %get3A_473, %gather3A_457 : vector<16xf32>
        %add3A_475 = arith.addf %add3A_396, %mul3A_474 : vector<16xf32>
        %mul3A_476 = arith.constant 4 : i32
        %mul3A_477 = arith.muli %scan3A_286, %mul3A_476 : i32
        %add3A_478 = arith.constant 2 : i32
        %add3A_479 = arith.addi %mul3A_477, %add3A_478 : i32
        %get3A_480 = arith.index_cast %add3A_479 : i32 to index
        %get3A_481 = arith.constant 32 : index
        %get3A_482 = tpu.vector_load %arg11[%get3A_480, %get3A_481] {strides = array<i32>} : memref<160x128xf32, #tpu.memory_space<vmem>>, vector<16xf32>,
        %mul3A_483 = arith.mulf %get3A_482, %gather3A_457 : vector<16xf32>
        %add3A_484 = arith.addf %add3A_405, %mul3A_483 : vector<16xf32>
        %mul3A_485 = arith.constant 4 : i32
        %mul3A_486 = arith.muli %scan3A_286, %mul3A_485 : i32
        %add3A_487 = arith.constant 2 : i32
        %add3A_488 = arith.addi %mul3A_486, %add3A_487 : i32
        %get3A_489 = arith.index_cast %add3A_488 : i32 to index
        %get3A_490 = arith.constant 48 : index
        %get3A_491 = tpu.vector_load %arg11[%get3A_489, %get3A_490] {strides = array<i32>} : memref<160x128xf32, #tpu.memory_space<vmem>>, vector<16xf32>,
        %mul3A_492 = arith.mulf %get3A_491, %gather3A_457 : vector<16xf32>
        %add3A_493 = arith.addf %add3A_414, %mul3A_492 : vector<16xf32>
        %mul3A_494 = arith.constant 4 : i32
        %mul3A_495 = arith.muli %scan3A_286, %mul3A_494 : i32
        %add3A_496 = arith.constant 2 : i32
        %add3A_497 = arith.addi %mul3A_495, %add3A_496 : i32
        %get3A_498 = arith.index_cast %add3A_497 : i32 to index
        %get3A_499 = arith.constant 64 : index
        %get3A_500 = tpu.vector_load %arg11[%get3A_498, %get3A_499] {strides = array<i32>} : memref<160x128xf32, #tpu.memory_space<vmem>>, vector<16xf32>,
        %mul3A_501 = arith.mulf %get3A_500, %gather3A_457 : vector<16xf32>
        %add3A_502 = arith.addf %add3A_423, %mul3A_501 : vector<16xf32>
        %mul3A_503 = arith.constant 4 : i32
        %mul3A_504 = arith.muli %scan3A_286, %mul3A_503 : i32
        %add3A_505 = arith.constant 2 : i32
        %add3A_506 = arith.addi %mul3A_504, %add3A_505 : i32
        %get3A_507 = arith.index_cast %add3A_506 : i32 to index
        %get3A_508 = arith.constant 80 : index
        %get3A_509 = tpu.vector_load %arg11[%get3A_507, %get3A_508] {strides = array<i32>} : memref<160x128xf32, #tpu.memory_space<vmem>>, vector<16xf32>,
        %mul3A_510 = arith.mulf %get3A_509, %gather3A_457 : vector<16xf32>
        %add3A_511 = arith.addf %add3A_432, %mul3A_510 : vector<16xf32>
        %mul3A_512 = arith.constant 4 : i32
        %mul3A_513 = arith.muli %scan3A_286, %mul3A_512 : i32
        %add3A_514 = arith.constant 2 : i32
        %add3A_515 = arith.addi %mul3A_513, %add3A_514 : i32
        %get3A_516 = arith.index_cast %add3A_515 : i32 to index
        %get3A_517 = arith.constant 96 : index
        %get3A_518 = tpu.vector_load %arg11[%get3A_516, %get3A_517] {strides = array<i32>} : memref<160x128xf32, #tpu.memory_space<vmem>>, vector<16xf32>,
        %mul3A_519 = arith.mulf %get3A_518, %gather3A_457 : vector<16xf32>
        %add3A_520 = arith.addf %add3A_441, %mul3A_519 : vector<16xf32>
        %mul3A_521 = arith.constant 4 : i32
        %mul3A_522 = arith.muli %scan3A_286, %mul3A_521 : i32
        %add3A_523 = arith.constant 2 : i32
        %add3A_524 = arith.addi %mul3A_522, %add3A_523 : i32
        %get3A_525 = arith.index_cast %add3A_524 : i32 to index
        %get3A_526 = arith.constant 112 : index
        %get3A_527 = tpu.vector_load %arg11[%get3A_525, %get3A_526] {strides = array<i32>} : memref<160x128xf32, #tpu.memory_space<vmem>>, vector<16xf32>,
        %mul3A_528 = arith.mulf %get3A_527, %gather3A_457 : vector<16xf32>
        %add3A_529 = arith.addf %add3A_450, %mul3A_528 : vector<16xf32>
        %mul3A_530 = arith.constant 4 : i32
        %mul3A_531 = arith.muli %scan3A_286, %mul3A_530 : i32
        %add3A_532 = arith.addi %mul3A_267, %mul3A_531 : i32
        %add3A_533 = arith.constant 3 : i32
        %add3A_534 = arith.addi %add3A_532, %add3A_533 : i32
        %broadcast_in_dim3A_535 = vector.broadcast %add3A_534 : i32 to vector<16xi32>
        %gather3A_536 = tpu.vector_load_idx %arg6[%broadcast_in_dim3A_535] : memref<3200xf32, #tpu.memory_space<vmem>>[vector<16xi32>], vector<16xf32>,
        %mul3A_537 = arith.constant 4 : i32
        %mul3A_538 = arith.muli %scan3A_286, %mul3A_537 : i32
        %add3A_539 = arith.constant 3 : i32
        %add3A_540 = arith.addi %mul3A_538, %add3A_539 : i32
        %get3A_541 = arith.index_cast %add3A_540 : i32 to index
        %get3A_542 = arith.constant 0 : index
        %get3A_543 = tpu.vector_load %arg11[%get3A_541, %get3A_542] {strides = array<i32>} : memref<160x128xf32, #tpu.memory_space<vmem>>, vector<16xf32>,
        %mul3A_544 = arith.mulf %get3A_543, %gather3A_536 : vector<16xf32>
        %add3A_545 = arith.addf %add3A_466, %mul3A_544 : vector<16xf32>
        %mul3A_546 = arith.constant 4 : i32
        %mul3A_547 = arith.muli %scan3A_286, %mul3A_546 : i32
        %add3A_548 = arith.constant 3 : i32
        %add3A_549 = arith.addi %mul3A_547, %add3A_548 : i32
        %get3A_550 = arith.index_cast %add3A_549 : i32 to index
        %get3A_551 = arith.constant 16 : index
        %get3A_552 = tpu.vector_load %arg11[%get3A_550, %get3A_551] {strides = array<i32>} : memref<160x128xf32, #tpu.memory_space<vmem>>, vector<16xf32>,
        %mul3A_553 = arith.mulf %get3A_552, %gather3A_536 : vector<16xf32>
        %add3A_554 = arith.addf %add3A_475, %mul3A_553 : vector<16xf32>
        %mul3A_555 = arith.constant 4 : i32
        %mul3A_556 = arith.muli %scan3A_286, %mul3A_555 : i32
        %add3A_557 = arith.constant 3 : i32
        %add3A_558 = arith.addi %mul3A_556, %add3A_557 : i32
        %get3A_559 = arith.index_cast %add3A_558 : i32 to index
        %get3A_560 = arith.constant 32 : index
        %get3A_561 = tpu.vector_load %arg11[%get3A_559, %get3A_560] {strides = array<i32>} : memref<160x128xf32, #tpu.memory_space<vmem>>, vector<16xf32>,
        %mul3A_562 = arith.mulf %get3A_561, %gather3A_536 : vector<16xf32>
        %add3A_563 = arith.addf %add3A_484, %mul3A_562 : vector<16xf32>
        %mul3A_564 = arith.constant 4 : i32
        %mul3A_565 = arith.muli %scan3A_286, %mul3A_564 : i32
        %add3A_566 = arith.constant 3 : i32
        %add3A_567 = arith.addi %mul3A_565, %add3A_566 : i32
        %get3A_568 = arith.index_cast %add3A_567 : i32 to index
        %get3A_569 = arith.constant 48 : index
        %get3A_570 = tpu.vector_load %arg11[%get3A_568, %get3A_569] {strides = array<i32>} : memref<160x128xf32, #tpu.memory_space<vmem>>, vector<16xf32>,
        %mul3A_571 = arith.mulf %get3A_570, %gather3A_536 : vector<16xf32>
        %add3A_572 = arith.addf %add3A_493, %mul3A_571 : vector<16xf32>
        %mul3A_573 = arith.constant 4 : i32
        %mul3A_574 = arith.muli %scan3A_286, %mul3A_573 : i32
        %add3A_575 = arith.constant 3 : i32
        %add3A_576 = arith.addi %mul3A_574, %add3A_575 : i32
        %get3A_577 = arith.index_cast %add3A_576 : i32 to index
        %get3A_578 = arith.constant 64 : index
        %get3A_579 = tpu.vector_load %arg11[%get3A_577, %get3A_578] {strides = array<i32>} : memref<160x128xf32, #tpu.memory_space<vmem>>, vector<16xf32>,
        %mul3A_580 = arith.mulf %get3A_579, %gather3A_536 : vector<16xf32>
        %add3A_581 = arith.addf %add3A_502, %mul3A_580 : vector<16xf32>
        %mul3A_582 = arith.constant 4 : i32
        %mul3A_583 = arith.muli %scan3A_286, %mul3A_582 : i32
        %add3A_584 = arith.constant 3 : i32
        %add3A_585 = arith.addi %mul3A_583, %add3A_584 : i32
        %get3A_586 = arith.index_cast %add3A_585 : i32 to index
        %get3A_587 = arith.constant 80 : index
        %get3A_588 = tpu.vector_load %arg11[%get3A_586, %get3A_587] {strides = array<i32>} : memref<160x128xf32, #tpu.memory_space<vmem>>, vector<16xf32>,
        %mul3A_589 = arith.mulf %get3A_588, %gather3A_536 : vector<16xf32>
        %add3A_590 = arith.addf %add3A_511, %mul3A_589 : vector<16xf32>
        %mul3A_591 = arith.constant 4 : i32
        %mul3A_592 = arith.muli %scan3A_286, %mul3A_591 : i32
        %add3A_593 = arith.constant 3 : i32
        %add3A_594 = arith.addi %mul3A_592, %add3A_593 : i32
        %get3A_595 = arith.index_cast %add3A_594 : i32 to index
        %get3A_596 = arith.constant 96 : index
        %get3A_597 = tpu.vector_load %arg11[%get3A_595, %get3A_596] {strides = array<i32>} : memref<160x128xf32, #tpu.memory_space<vmem>>, vector<16xf32>,
        %mul3A_598 = arith.mulf %get3A_597, %gather3A_536 : vector<16xf32>
        %add3A_599 = arith.addf %add3A_520, %mul3A_598 : vector<16xf32>
        %mul3A_600 = arith.constant 4 : i32
        %mul3A_601 = arith.muli %scan3A_286, %mul3A_600 : i32
        %add3A_602 = arith.constant 3 : i32
        %add3A_603 = arith.addi %mul3A_601, %add3A_602 : i32
        %get3A_604 = arith.index_cast %add3A_603 : i32 to index
        %get3A_605 = arith.constant 112 : index
        %get3A_606 = tpu.vector_load %arg11[%get3A_604, %get3A_605] {strides = array<i32>} : memref<160x128xf32, #tpu.memory_space<vmem>>, vector<16xf32>,
        %mul3A_607 = arith.mulf %get3A_606, %gather3A_536 : vector<16xf32>
        %add3A_608 = arith.addf %add3A_529, %mul3A_607 : vector<16xf32>
        scf.yield %add3A_545, %add3A_554, %add3A_563, %add3A_572, %add3A_581, %add3A_590, %add3A_599, %add3A_608 : vector<16xf32>, vector<16xf32>, vector<16xf32>, vector<16xf32>, vector<16xf32>, vector<16xf32>, vector<16xf32>, vector<16xf32>
      }
      %scan3A_273 = arith.constant 40 : i32
      %add3A_274 = arith.constant 5 : i32
      %add3A_275 = arith.addi %add3A_259, %add3A_274 : i32
      %sub3A_276 = arith.constant 1 : i32
      %sub3A_277 = arith.subi %div3A_5, %sub3A_276 : i32
      %min3A_278 = arith.minsi %add3A_275, %sub3A_277 : i32
      %mul3A_279 = arith.constant 160 : i32
      %mul3A_280 = arith.muli %min3A_278, %mul3A_279 : i32
      %add3A_281 = arith.addi %mul3A_2, %mul3A_280 : i32
      %dma_start3A_282 = arith.constant 0 : i32
      %dma_start3A_283 = tpu.memref_slice %arg3[%add3A_281, %dma_start3A_282] : memref<100000x128xf32, #tpu.memory_space<hbm>> -> memref<160x128xf32, #tpu.memory_space<hbm>>
      %dma_start3A_284 = arith.constant 0 : i32
      %dma_start3A_285 = tpu.memref_slice %arg3[%add3A_281, %dma_start3A_284] : memref<100000x128xf32, #tpu.memory_space<hbm>> -> memref<160x128xf32, #tpu.memory_space<hbm>>
      tpu.enqueue_dma source(%dma_start3A_285 : memref<160x128xf32, #tpu.memory_space<hbm>>) target(%arg11 : memref<160x128xf32, #tpu.memory_space<vmem>>) target_semaphore(%arg17 : memref<!tpu.dma_semaphore, #tpu.memory_space<semaphore_mem>>)
      scf.yield %scan3A_272#0, %scan3A_272#1, %scan3A_272#2, %scan3A_272#3, %scan3A_272#4, %scan3A_272#5, %scan3A_272#6, %scan3A_272#7 : vector<16xf32>, vector<16xf32>, vector<16xf32>, vector<16xf32>, vector<16xf32>, vector<16xf32>, vector<16xf32>, vector<16xf32>
    }
    %while3A_65 = arith.constant 1 : i32
    %while3A_66:8 = scf.for %while3A_127 = %while3A_62 to %while3A_58 step %while3A_65 iter_args(%while3A_128 = %while3A_64#0, %while3A_129 = %while3A_64#1, %while3A_130 = %while3A_64#2, %while3A_131 = %while3A_64#3, %while3A_132 = %while3A_64#4, %while3A_133 = %while3A_64#5, %while3A_134 = %while3A_64#6, %while3A_135 = %while3A_64#7) -> (vector<16xf32>, vector<16xf32>, vector<16xf32>, vector<16xf32>, vector<16xf32>, vector<16xf32>, vector<16xf32>, vector<16xf32>)  : i32 {
      %mul3A_136 = arith.constant 5 : i32
      %mul3A_137 = arith.muli %while3A_127, %mul3A_136 : i32
      %add3A_138 = arith.constant 0 : i32
      %add3A_139 = arith.addi %mul3A_137, %add3A_138 : i32
      %dma_wait3A_140 = arith.constant 0 : i32
      %dma_wait3A_141 = arith.constant 0 : i32
      %dma_wait3A_142 = tpu.memref_slice %arg3[%dma_wait3A_140, %dma_wait3A_141] : memref<100000x128xf32, #tpu.memory_space<hbm>> -> memref<160x128xf32, #tpu.memory_space<hbm>>
      %dma_wait3A_143 = arith.constant 0 : i32
      %dma_wait3A_144 = arith.constant 0 : i32
      %dma_wait3A_145 = tpu.memref_slice %arg3[%dma_wait3A_143, %dma_wait3A_144] : memref<100000x128xf32, #tpu.memory_space<hbm>> -> memref<160x128xf32, #tpu.memory_space<hbm>>
      tpu.wait_dma2 semaphore(%arg13 : memref<!tpu.dma_semaphore, #tpu.memory_space<semaphore_mem>>) src(%dma_wait3A_145 : memref<160x128xf32, #tpu.memory_space<hbm>>) dst(%arg7 : memref<160x128xf32, #tpu.memory_space<vmem>>)
      %mul3A_146 = arith.constant 160 : i32
      %mul3A_147 = arith.muli %add3A_139, %mul3A_146 : i32
      %scan3A_148 = arith.constant 0 : i32
      %scan3A_149 = arith.constant 40 : i32
      %scan3A_150 = arith.addi %scan3A_148, %scan3A_149 : i32
      %scan3A_151 = arith.constant 1 : i32
      %scan3A_152:8 = scf.for %scan3A_286 = %scan3A_148 to %scan3A_150 step %scan3A_151 iter_args(%scan3A_287 = %while3A_128, %scan3A_288 = %while3A_129, %scan3A_289 = %while3A_130, %scan3A_290 = %while3A_131, %scan3A_291 = %while3A_132, %scan3A_292 = %while3A_133, %scan3A_293 = %while3A_134, %scan3A_294 = %while3A_135) -> (vector<16xf32>, vector<16xf32>, vector<16xf32>, vector<16xf32>, vector<16xf32>, vector<16xf32>, vector<16xf32>, vector<16xf32>)  : i32 {
        %mul3A_295 = arith.constant 4 : i32
        %mul3A_296 = arith.muli %scan3A_286, %mul3A_295 : i32
        %add3A_297 = arith.addi %mul3A_147, %mul3A_296 : i32
        %add3A_298 = arith.constant 0 : i32
        %add3A_299 = arith.addi %add3A_297, %add3A_298 : i32
        %broadcast_in_dim3A_300 = vector.broadcast %add3A_299 : i32 to vector<16xi32>
        %gather3A = tpu.vector_load_idx %arg6[%broadcast_in_dim3A_300] : memref<3200xf32, #tpu.memory_space<vmem>>[vector<16xi32>], vector<16xf32>,
        %mul3A_301 = arith.constant 4 : i32
        %mul3A_302 = arith.muli %scan3A_286, %mul3A_301 : i32
        %add3A_303 = arith.constant 0 : i32
        %add3A_304 = arith.addi %mul3A_302, %add3A_303 : i32
        %get3A = arith.index_cast %add3A_304 : i32 to index
        %get3A_305 = arith.constant 0 : index
        %get3A_306 = tpu.vector_load %arg7[%get3A, %get3A_305] {strides = array<i32>} : memref<160x128xf32, #tpu.memory_space<vmem>>, vector<16xf32>,
        %mul3A_307 = arith.mulf %get3A_306, %gather3A : vector<16xf32>
        %add3A_308 = arith.addf %scan3A_287, %mul3A_307 : vector<16xf32>
        %mul3A_309 = arith.constant 4 : i32
        %mul3A_310 = arith.muli %scan3A_286, %mul3A_309 : i32
        %add3A_311 = arith.constant 0 : i32
        %add3A_312 = arith.addi %mul3A_310, %add3A_311 : i32
        %get3A_313 = arith.index_cast %add3A_312 : i32 to index
        %get3A_314 = arith.constant 16 : index
        %get3A_315 = tpu.vector_load %arg7[%get3A_313, %get3A_314] {strides = array<i32>} : memref<160x128xf32, #tpu.memory_space<vmem>>, vector<16xf32>,
        %mul3A_316 = arith.mulf %get3A_315, %gather3A : vector<16xf32>
        %add3A_317 = arith.addf %scan3A_288, %mul3A_316 : vector<16xf32>
        %mul3A_318 = arith.constant 4 : i32
        %mul3A_319 = arith.muli %scan3A_286, %mul3A_318 : i32
        %add3A_320 = arith.constant 0 : i32
        %add3A_321 = arith.addi %mul3A_319, %add3A_320 : i32
        %get3A_322 = arith.index_cast %add3A_321 : i32 to index
        %get3A_323 = arith.constant 32 : index
        %get3A_324 = tpu.vector_load %arg7[%get3A_322, %get3A_323] {strides = array<i32>} : memref<160x128xf32, #tpu.memory_space<vmem>>, vector<16xf32>,
        %mul3A_325 = arith.mulf %get3A_324, %gather3A : vector<16xf32>
        %add3A_326 = arith.addf %scan3A_289, %mul3A_325 : vector<16xf32>
        %mul3A_327 = arith.constant 4 : i32
        %mul3A_328 = arith.muli %scan3A_286, %mul3A_327 : i32
        %add3A_329 = arith.constant 0 : i32
        %add3A_330 = arith.addi %mul3A_328, %add3A_329 : i32
        %get3A_331 = arith.index_cast %add3A_330 : i32 to index
        %get3A_332 = arith.constant 48 : index
        %get3A_333 = tpu.vector_load %arg7[%get3A_331, %get3A_332] {strides = array<i32>} : memref<160x128xf32, #tpu.memory_space<vmem>>, vector<16xf32>,
        %mul3A_334 = arith.mulf %get3A_333, %gather3A : vector<16xf32>
        %add3A_335 = arith.addf %scan3A_290, %mul3A_334 : vector<16xf32>
        %mul3A_336 = arith.constant 4 : i32
        %mul3A_337 = arith.muli %scan3A_286, %mul3A_336 : i32
        %add3A_338 = arith.constant 0 : i32
        %add3A_339 = arith.addi %mul3A_337, %add3A_338 : i32
        %get3A_340 = arith.index_cast %add3A_339 : i32 to index
        %get3A_341 = arith.constant 64 : index
        %get3A_342 = tpu.vector_load %arg7[%get3A_340, %get3A_341] {strides = array<i32>} : memref<160x128xf32, #tpu.memory_space<vmem>>, vector<16xf32>,
        %mul3A_343 = arith.mulf %get3A_342, %gather3A : vector<16xf32>
        %add3A_344 = arith.addf %scan3A_291, %mul3A_343 : vector<16xf32>
        %mul3A_345 = arith.constant 4 : i32
        %mul3A_346 = arith.muli %scan3A_286, %mul3A_345 : i32
        %add3A_347 = arith.constant 0 : i32
        %add3A_348 = arith.addi %mul3A_346, %add3A_347 : i32
        %get3A_349 = arith.index_cast %add3A_348 : i32 to index
        %get3A_350 = arith.constant 80 : index
        %get3A_351 = tpu.vector_load %arg7[%get3A_349, %get3A_350] {strides = array<i32>} : memref<160x128xf32, #tpu.memory_space<vmem>>, vector<16xf32>,
        %mul3A_352 = arith.mulf %get3A_351, %gather3A : vector<16xf32>
        %add3A_353 = arith.addf %scan3A_292, %mul3A_352 : vector<16xf32>
        %mul3A_354 = arith.constant 4 : i32
        %mul3A_355 = arith.muli %scan3A_286, %mul3A_354 : i32
        %add3A_356 = arith.constant 0 : i32
        %add3A_357 = arith.addi %mul3A_355, %add3A_356 : i32
        %get3A_358 = arith.index_cast %add3A_357 : i32 to index
        %get3A_359 = arith.constant 96 : index
        %get3A_360 = tpu.vector_load %arg7[%get3A_358, %get3A_359] {strides = array<i32>} : memref<160x128xf32, #tpu.memory_space<vmem>>, vector<16xf32>,
        %mul3A_361 = arith.mulf %get3A_360, %gather3A : vector<16xf32>
        %add3A_362 = arith.addf %scan3A_293, %mul3A_361 : vector<16xf32>
        %mul3A_363 = arith.constant 4 : i32
        %mul3A_364 = arith.muli %scan3A_286, %mul3A_363 : i32
        %add3A_365 = arith.constant 0 : i32
        %add3A_366 = arith.addi %mul3A_364, %add3A_365 : i32
        %get3A_367 = arith.index_cast %add3A_366 : i32 to index
        %get3A_368 = arith.constant 112 : index
        %get3A_369 = tpu.vector_load %arg7[%get3A_367, %get3A_368] {strides = array<i32>} : memref<160x128xf32, #tpu.memory_space<vmem>>, vector<16xf32>,
        %mul3A_370 = arith.mulf %get3A_369, %gather3A : vector<16xf32>
        %add3A_371 = arith.addf %scan3A_294, %mul3A_370 : vector<16xf32>
        %mul3A_372 = arith.constant 4 : i32
        %mul3A_373 = arith.muli %scan3A_286, %mul3A_372 : i32
        %add3A_374 = arith.addi %mul3A_147, %mul3A_373 : i32
        %add3A_375 = arith.constant 1 : i32
        %add3A_376 = arith.addi %add3A_374, %add3A_375 : i32
        %broadcast_in_dim3A_377 = vector.broadcast %add3A_376 : i32 to vector<16xi32>
        %gather3A_378 = tpu.vector_load_idx %arg6[%broadcast_in_dim3A_377] : memref<3200xf32, #tpu.memory_space<vmem>>[vector<16xi32>], vector<16xf32>,
        %mul3A_379 = arith.constant 4 : i32
        %mul3A_380 = arith.muli %scan3A_286, %mul3A_379 : i32
        %add3A_381 = arith.constant 1 : i32
        %add3A_382 = arith.addi %mul3A_380, %add3A_381 : i32
        %get3A_383 = arith.index_cast %add3A_382 : i32 to index
        %get3A_384 = arith.constant 0 : index
        %get3A_385 = tpu.vector_load %arg7[%get3A_383, %get3A_384] {strides = array<i32>} : memref<160x128xf32, #tpu.memory_space<vmem>>, vector<16xf32>,
        %mul3A_386 = arith.mulf %get3A_385, %gather3A_378 : vector<16xf32>
        %add3A_387 = arith.addf %add3A_308, %mul3A_386 : vector<16xf32>
        %mul3A_388 = arith.constant 4 : i32
        %mul3A_389 = arith.muli %scan3A_286, %mul3A_388 : i32
        %add3A_390 = arith.constant 1 : i32
        %add3A_391 = arith.addi %mul3A_389, %add3A_390 : i32
        %get3A_392 = arith.index_cast %add3A_391 : i32 to index
        %get3A_393 = arith.constant 16 : index
        %get3A_394 = tpu.vector_load %arg7[%get3A_392, %get3A_393] {strides = array<i32>} : memref<160x128xf32, #tpu.memory_space<vmem>>, vector<16xf32>,
        %mul3A_395 = arith.mulf %get3A_394, %gather3A_378 : vector<16xf32>
        %add3A_396 = arith.addf %add3A_317, %mul3A_395 : vector<16xf32>
        %mul3A_397 = arith.constant 4 : i32
        %mul3A_398 = arith.muli %scan3A_286, %mul3A_397 : i32
        %add3A_399 = arith.constant 1 : i32
        %add3A_400 = arith.addi %mul3A_398, %add3A_399 : i32
        %get3A_401 = arith.index_cast %add3A_400 : i32 to index
        %get3A_402 = arith.constant 32 : index
        %get3A_403 = tpu.vector_load %arg7[%get3A_401, %get3A_402] {strides = array<i32>} : memref<160x128xf32, #tpu.memory_space<vmem>>, vector<16xf32>,
        %mul3A_404 = arith.mulf %get3A_403, %gather3A_378 : vector<16xf32>
        %add3A_405 = arith.addf %add3A_326, %mul3A_404 : vector<16xf32>
        %mul3A_406 = arith.constant 4 : i32
        %mul3A_407 = arith.muli %scan3A_286, %mul3A_406 : i32
        %add3A_408 = arith.constant 1 : i32
        %add3A_409 = arith.addi %mul3A_407, %add3A_408 : i32
        %get3A_410 = arith.index_cast %add3A_409 : i32 to index
        %get3A_411 = arith.constant 48 : index
        %get3A_412 = tpu.vector_load %arg7[%get3A_410, %get3A_411] {strides = array<i32>} : memref<160x128xf32, #tpu.memory_space<vmem>>, vector<16xf32>,
        %mul3A_413 = arith.mulf %get3A_412, %gather3A_378 : vector<16xf32>
        %add3A_414 = arith.addf %add3A_335, %mul3A_413 : vector<16xf32>
        %mul3A_415 = arith.constant 4 : i32
        %mul3A_416 = arith.muli %scan3A_286, %mul3A_415 : i32
        %add3A_417 = arith.constant 1 : i32
        %add3A_418 = arith.addi %mul3A_416, %add3A_417 : i32
        %get3A_419 = arith.index_cast %add3A_418 : i32 to index
        %get3A_420 = arith.constant 64 : index
        %get3A_421 = tpu.vector_load %arg7[%get3A_419, %get3A_420] {strides = array<i32>} : memref<160x128xf32, #tpu.memory_space<vmem>>, vector<16xf32>,
        %mul3A_422 = arith.mulf %get3A_421, %gather3A_378 : vector<16xf32>
        %add3A_423 = arith.addf %add3A_344, %mul3A_422 : vector<16xf32>
        %mul3A_424 = arith.constant 4 : i32
        %mul3A_425 = arith.muli %scan3A_286, %mul3A_424 : i32
        %add3A_426 = arith.constant 1 : i32
        %add3A_427 = arith.addi %mul3A_425, %add3A_426 : i32
        %get3A_428 = arith.index_cast %add3A_427 : i32 to index
        %get3A_429 = arith.constant 80 : index
        %get3A_430 = tpu.vector_load %arg7[%get3A_428, %get3A_429] {strides = array<i32>} : memref<160x128xf32, #tpu.memory_space<vmem>>, vector<16xf32>,
        %mul3A_431 = arith.mulf %get3A_430, %gather3A_378 : vector<16xf32>
        %add3A_432 = arith.addf %add3A_353, %mul3A_431 : vector<16xf32>
        %mul3A_433 = arith.constant 4 : i32
        %mul3A_434 = arith.muli %scan3A_286, %mul3A_433 : i32
        %add3A_435 = arith.constant 1 : i32
        %add3A_436 = arith.addi %mul3A_434, %add3A_435 : i32
        %get3A_437 = arith.index_cast %add3A_436 : i32 to index
        %get3A_438 = arith.constant 96 : index
        %get3A_439 = tpu.vector_load %arg7[%get3A_437, %get3A_438] {strides = array<i32>} : memref<160x128xf32, #tpu.memory_space<vmem>>, vector<16xf32>,
        %mul3A_440 = arith.mulf %get3A_439, %gather3A_378 : vector<16xf32>
        %add3A_441 = arith.addf %add3A_362, %mul3A_440 : vector<16xf32>
        %mul3A_442 = arith.constant 4 : i32
        %mul3A_443 = arith.muli %scan3A_286, %mul3A_442 : i32
        %add3A_444 = arith.constant 1 : i32
        %add3A_445 = arith.addi %mul3A_443, %add3A_444 : i32
        %get3A_446 = arith.index_cast %add3A_445 : i32 to index
        %get3A_447 = arith.constant 112 : index
        %get3A_448 = tpu.vector_load %arg7[%get3A_446, %get3A_447] {strides = array<i32>} : memref<160x128xf32, #tpu.memory_space<vmem>>, vector<16xf32>,
        %mul3A_449 = arith.mulf %get3A_448, %gather3A_378 : vector<16xf32>
        %add3A_450 = arith.addf %add3A_371, %mul3A_449 : vector<16xf32>
        %mul3A_451 = arith.constant 4 : i32
        %mul3A_452 = arith.muli %scan3A_286, %mul3A_451 : i32
        %add3A_453 = arith.addi %mul3A_147, %mul3A_452 : i32
        %add3A_454 = arith.constant 2 : i32
        %add3A_455 = arith.addi %add3A_453, %add3A_454 : i32
        %broadcast_in_dim3A_456 = vector.broadcast %add3A_455 : i32 to vector<16xi32>
        %gather3A_457 = tpu.vector_load_idx %arg6[%broadcast_in_dim3A_456] : memref<3200xf32, #tpu.memory_space<vmem>>[vector<16xi32>], vector<16xf32>,
        %mul3A_458 = arith.constant 4 : i32
        %mul3A_459 = arith.muli %scan3A_286, %mul3A_458 : i32
        %add3A_460 = arith.constant 2 : i32
        %add3A_461 = arith.addi %mul3A_459, %add3A_460 : i32
        %get3A_462 = arith.index_cast %add3A_461 : i32 to index
        %get3A_463 = arith.constant 0 : index
        %get3A_464 = tpu.vector_load %arg7[%get3A_462, %get3A_463] {strides = array<i32>} : memref<160x128xf32, #tpu.memory_space<vmem>>, vector<16xf32>,
        %mul3A_465 = arith.mulf %get3A_464, %gather3A_457 : vector<16xf32>
        %add3A_466 = arith.addf %add3A_387, %mul3A_465 : vector<16xf32>
        %mul3A_467 = arith.constant 4 : i32
        %mul3A_468 = arith.muli %scan3A_286, %mul3A_467 : i32
        %add3A_469 = arith.constant 2 : i32
        %add3A_470 = arith.addi %mul3A_468, %add3A_469 : i32
        %get3A_471 = arith.index_cast %add3A_470 : i32 to index
        %get3A_472 = arith.constant 16 : index
        %get3A_473 = tpu.vector_load %arg7[%get3A_471, %get3A_472] {strides = array<i32>} : memref<160x128xf32, #tpu.memory_space<vmem>>, vector<16xf32>,
        %mul3A_474 = arith.mulf %get3A_473, %gather3A_457 : vector<16xf32>
        %add3A_475 = arith.addf %add3A_396, %mul3A_474 : vector<16xf32>
        %mul3A_476 = arith.constant 4 : i32
        %mul3A_477 = arith.muli %scan3A_286, %mul3A_476 : i32
        %add3A_478 = arith.constant 2 : i32
        %add3A_479 = arith.addi %mul3A_477, %add3A_478 : i32
        %get3A_480 = arith.index_cast %add3A_479 : i32 to index
        %get3A_481 = arith.constant 32 : index
        %get3A_482 = tpu.vector_load %arg7[%get3A_480, %get3A_481] {strides = array<i32>} : memref<160x128xf32, #tpu.memory_space<vmem>>, vector<16xf32>,
        %mul3A_483 = arith.mulf %get3A_482, %gather3A_457 : vector<16xf32>
        %add3A_484 = arith.addf %add3A_405, %mul3A_483 : vector<16xf32>
        %mul3A_485 = arith.constant 4 : i32
        %mul3A_486 = arith.muli %scan3A_286, %mul3A_485 : i32
        %add3A_487 = arith.constant 2 : i32
        %add3A_488 = arith.addi %mul3A_486, %add3A_487 : i32
        %get3A_489 = arith.index_cast %add3A_488 : i32 to index
        %get3A_490 = arith.constant 48 : index
        %get3A_491 = tpu.vector_load %arg7[%get3A_489, %get3A_490] {strides = array<i32>} : memref<160x128xf32, #tpu.memory_space<vmem>>, vector<16xf32>,
        %mul3A_492 = arith.mulf %get3A_491, %gather3A_457 : vector<16xf32>
        %add3A_493 = arith.addf %add3A_414, %mul3A_492 : vector<16xf32>
        %mul3A_494 = arith.constant 4 : i32
        %mul3A_495 = arith.muli %scan3A_286, %mul3A_494 : i32
        %add3A_496 = arith.constant 2 : i32
        %add3A_497 = arith.addi %mul3A_495, %add3A_496 : i32
        %get3A_498 = arith.index_cast %add3A_497 : i32 to index
        %get3A_499 = arith.constant 64 : index
        %get3A_500 = tpu.vector_load %arg7[%get3A_498, %get3A_499] {strides = array<i32>} : memref<160x128xf32, #tpu.memory_space<vmem>>, vector<16xf32>,
        %mul3A_501 = arith.mulf %get3A_500, %gather3A_457 : vector<16xf32>
        %add3A_502 = arith.addf %add3A_423, %mul3A_501 : vector<16xf32>
        %mul3A_503 = arith.constant 4 : i32
        %mul3A_504 = arith.muli %scan3A_286, %mul3A_503 : i32
        %add3A_505 = arith.constant 2 : i32
        %add3A_506 = arith.addi %mul3A_504, %add3A_505 : i32
        %get3A_507 = arith.index_cast %add3A_506 : i32 to index
        %get3A_508 = arith.constant 80 : index
        %get3A_509 = tpu.vector_load %arg7[%get3A_507, %get3A_508] {strides = array<i32>} : memref<160x128xf32, #tpu.memory_space<vmem>>, vector<16xf32>,
        %mul3A_510 = arith.mulf %get3A_509, %gather3A_457 : vector<16xf32>
        %add3A_511 = arith.addf %add3A_432, %mul3A_510 : vector<16xf32>
        %mul3A_512 = arith.constant 4 : i32
        %mul3A_513 = arith.muli %scan3A_286, %mul3A_512 : i32
        %add3A_514 = arith.constant 2 : i32
        %add3A_515 = arith.addi %mul3A_513, %add3A_514 : i32
        %get3A_516 = arith.index_cast %add3A_515 : i32 to index
        %get3A_517 = arith.constant 96 : index
        %get3A_518 = tpu.vector_load %arg7[%get3A_516, %get3A_517] {strides = array<i32>} : memref<160x128xf32, #tpu.memory_space<vmem>>, vector<16xf32>,
        %mul3A_519 = arith.mulf %get3A_518, %gather3A_457 : vector<16xf32>
        %add3A_520 = arith.addf %add3A_441, %mul3A_519 : vector<16xf32>
        %mul3A_521 = arith.constant 4 : i32
        %mul3A_522 = arith.muli %scan3A_286, %mul3A_521 : i32
        %add3A_523 = arith.constant 2 : i32
        %add3A_524 = arith.addi %mul3A_522, %add3A_523 : i32
        %get3A_525 = arith.index_cast %add3A_524 : i32 to index
        %get3A_526 = arith.constant 112 : index
        %get3A_527 = tpu.vector_load %arg7[%get3A_525, %get3A_526] {strides = array<i32>} : memref<160x128xf32, #tpu.memory_space<vmem>>, vector<16xf32>,
        %mul3A_528 = arith.mulf %get3A_527, %gather3A_457 : vector<16xf32>
        %add3A_529 = arith.addf %add3A_450, %mul3A_528 : vector<16xf32>
        %mul3A_530 = arith.constant 4 : i32
        %mul3A_531 = arith.muli %scan3A_286, %mul3A_530 : i32
        %add3A_532 = arith.addi %mul3A_147, %mul3A_531 : i32
        %add3A_533 = arith.constant 3 : i32
        %add3A_534 = arith.addi %add3A_532, %add3A_533 : i32
        %broadcast_in_dim3A_535 = vector.broadcast %add3A_534 : i32 to vector<16xi32>
        %gather3A_536 = tpu.vector_load_idx %arg6[%broadcast_in_dim3A_535] : memref<3200xf32, #tpu.memory_space<vmem>>[vector<16xi32>], vector<16xf32>,
        %mul3A_537 = arith.constant 4 : i32
        %mul3A_538 = arith.muli %scan3A_286, %mul3A_537 : i32
        %add3A_539 = arith.constant 3 : i32
        %add3A_540 = arith.addi %mul3A_538, %add3A_539 : i32
        %get3A_541 = arith.index_cast %add3A_540 : i32 to index
        %get3A_542 = arith.constant 0 : index
        %get3A_543 = tpu.vector_load %arg7[%get3A_541, %get3A_542] {strides = array<i32>} : memref<160x128xf32, #tpu.memory_space<vmem>>, vector<16xf32>,
        %mul3A_544 = arith.mulf %get3A_543, %gather3A_536 : vector<16xf32>
        %add3A_545 = arith.addf %add3A_466, %mul3A_544 : vector<16xf32>
        %mul3A_546 = arith.constant 4 : i32
        %mul3A_547 = arith.muli %scan3A_286, %mul3A_546 : i32
        %add3A_548 = arith.constant 3 : i32
        %add3A_549 = arith.addi %mul3A_547, %add3A_548 : i32
        %get3A_550 = arith.index_cast %add3A_549 : i32 to index
        %get3A_551 = arith.constant 16 : index
        %get3A_552 = tpu.vector_load %arg7[%get3A_550, %get3A_551] {strides = array<i32>} : memref<160x128xf32, #tpu.memory_space<vmem>>, vector<16xf32>,
        %mul3A_553 = arith.mulf %get3A_552, %gather3A_536 : vector<16xf32>
        %add3A_554 = arith.addf %add3A_475, %mul3A_553 : vector<16xf32>
        %mul3A_555 = arith.constant 4 : i32
        %mul3A_556 = arith.muli %scan3A_286, %mul3A_555 : i32
        %add3A_557 = arith.constant 3 : i32
        %add3A_558 = arith.addi %mul3A_556, %add3A_557 : i32
        %get3A_559 = arith.index_cast %add3A_558 : i32 to index
        %get3A_560 = arith.constant 32 : index
        %get3A_561 = tpu.vector_load %arg7[%get3A_559, %get3A_560] {strides = array<i32>} : memref<160x128xf32, #tpu.memory_space<vmem>>, vector<16xf32>,
        %mul3A_562 = arith.mulf %get3A_561, %gather3A_536 : vector<16xf32>
        %add3A_563 = arith.addf %add3A_484, %mul3A_562 : vector<16xf32>
        %mul3A_564 = arith.constant 4 : i32
        %mul3A_565 = arith.muli %scan3A_286, %mul3A_564 : i32
        %add3A_566 = arith.constant 3 : i32
        %add3A_567 = arith.addi %mul3A_565, %add3A_566 : i32
        %get3A_568 = arith.index_cast %add3A_567 : i32 to index
        %get3A_569 = arith.constant 48 : index
        %get3A_570 = tpu.vector_load %arg7[%get3A_568, %get3A_569] {strides = array<i32>} : memref<160x128xf32, #tpu.memory_space<vmem>>, vector<16xf32>,
        %mul3A_571 = arith.mulf %get3A_570, %gather3A_536 : vector<16xf32>
        %add3A_572 = arith.addf %add3A_493, %mul3A_571 : vector<16xf32>
        %mul3A_573 = arith.constant 4 : i32
        %mul3A_574 = arith.muli %scan3A_286, %mul3A_573 : i32
        %add3A_575 = arith.constant 3 : i32
        %add3A_576 = arith.addi %mul3A_574, %add3A_575 : i32
        %get3A_577 = arith.index_cast %add3A_576 : i32 to index
        %get3A_578 = arith.constant 64 : index
        %get3A_579 = tpu.vector_load %arg7[%get3A_577, %get3A_578] {strides = array<i32>} : memref<160x128xf32, #tpu.memory_space<vmem>>, vector<16xf32>,
        %mul3A_580 = arith.mulf %get3A_579, %gather3A_536 : vector<16xf32>
        %add3A_581 = arith.addf %add3A_502, %mul3A_580 : vector<16xf32>
        %mul3A_582 = arith.constant 4 : i32
        %mul3A_583 = arith.muli %scan3A_286, %mul3A_582 : i32
        %add3A_584 = arith.constant 3 : i32
        %add3A_585 = arith.addi %mul3A_583, %add3A_584 : i32
        %get3A_586 = arith.index_cast %add3A_585 : i32 to index
        %get3A_587 = arith.constant 80 : index
        %get3A_588 = tpu.vector_load %arg7[%get3A_586, %get3A_587] {strides = array<i32>} : memref<160x128xf32, #tpu.memory_space<vmem>>, vector<16xf32>,
        %mul3A_589 = arith.mulf %get3A_588, %gather3A_536 : vector<16xf32>
        %add3A_590 = arith.addf %add3A_511, %mul3A_589 : vector<16xf32>
        %mul3A_591 = arith.constant 4 : i32
        %mul3A_592 = arith.muli %scan3A_286, %mul3A_591 : i32
        %add3A_593 = arith.constant 3 : i32
        %add3A_594 = arith.addi %mul3A_592, %add3A_593 : i32
        %get3A_595 = arith.index_cast %add3A_594 : i32 to index
        %get3A_596 = arith.constant 96 : index
        %get3A_597 = tpu.vector_load %arg7[%get3A_595, %get3A_596] {strides = array<i32>} : memref<160x128xf32, #tpu.memory_space<vmem>>, vector<16xf32>,
        %mul3A_598 = arith.mulf %get3A_597, %gather3A_536 : vector<16xf32>
        %add3A_599 = arith.addf %add3A_520, %mul3A_598 : vector<16xf32>
        %mul3A_600 = arith.constant 4 : i32
        %mul3A_601 = arith.muli %scan3A_286, %mul3A_600 : i32
        %add3A_602 = arith.constant 3 : i32
        %add3A_603 = arith.addi %mul3A_601, %add3A_602 : i32
        %get3A_604 = arith.index_cast %add3A_603 : i32 to index
        %get3A_605 = arith.constant 112 : index
        %get3A_606 = tpu.vector_load %arg7[%get3A_604, %get3A_605] {strides = array<i32>} : memref<160x128xf32, #tpu.memory_space<vmem>>, vector<16xf32>,
        %mul3A_607 = arith.mulf %get3A_606, %gather3A_536 : vector<16xf32>
        %add3A_608 = arith.addf %add3A_529, %mul3A_607 : vector<16xf32>
        scf.yield %add3A_545, %add3A_554, %add3A_563, %add3A_572, %add3A_581, %add3A_590, %add3A_599, %add3A_608 : vector<16xf32>, vector<16xf32>, vector<16xf32>, vector<16xf32>, vector<16xf32>, vector<16xf32>, vector<16xf32>, vector<16xf32>
      }
      %scan3A_153 = arith.constant 40 : i32
      %add3A_154 = arith.constant 5 : i32
      %add3A_155 = arith.addi %add3A_139, %add3A_154 : i32
      %sub3A_156 = arith.constant 1 : i32
      %sub3A_157 = arith.subi %div3A_5, %sub3A_156 : i32
      %min3A_158 = arith.minsi %add3A_155, %sub3A_157 : i32
      %mul3A_159 = arith.constant 160 : i32
      %mul3A_160 = arith.muli %min3A_158, %mul3A_159 : i32
      %add3A_161 = arith.addi %mul3A_2, %mul3A_160 : i32
      %dma_start3A_162 = arith.constant 0 : i32
      %dma_start3A_163 = tpu.memref_slice %arg3[%add3A_161, %dma_start3A_162] : memref<100000x128xf32, #tpu.memory_space<hbm>> -> memref<160x128xf32, #tpu.memory_space<hbm>>
      %dma_start3A_164 = arith.constant 0 : i32
      %dma_start3A_165 = tpu.memref_slice %arg3[%add3A_161, %dma_start3A_164] : memref<100000x128xf32, #tpu.memory_space<hbm>> -> memref<160x128xf32, #tpu.memory_space<hbm>>
      tpu.enqueue_dma source(%dma_start3A_165 : memref<160x128xf32, #tpu.memory_space<hbm>>) target(%arg7 : memref<160x128xf32, #tpu.memory_space<vmem>>) target_semaphore(%arg13 : memref<!tpu.dma_semaphore, #tpu.memory_space<semaphore_mem>>)
      %mul3A_166 = arith.constant 5 : i32
      %mul3A_167 = arith.muli %while3A_127, %mul3A_166 : i32
      %add3A_168 = arith.constant 1 : i32
      %add3A_169 = arith.addi %mul3A_167, %add3A_168 : i32
      %dma_wait3A_170 = arith.constant 0 : i32
      %dma_wait3A_171 = arith.constant 0 : i32
      %dma_wait3A_172 = tpu.memref_slice %arg3[%dma_wait3A_170, %dma_wait3A_171] : memref<100000x128xf32, #tpu.memory_space<hbm>> -> memref<160x128xf32, #tpu.memory_space<hbm>>
      %dma_wait3A_173 = arith.constant 0 : i32
      %dma_wait3A_174 = arith.constant 0 : i32
      %dma_wait3A_175 = tpu.memref_slice %arg3[%dma_wait3A_173, %dma_wait3A_174] : memref<100000x128xf32, #tpu.memory_space<hbm>> -> memref<160x128xf32, #tpu.memory_space<hbm>>
      tpu.wait_dma2 semaphore(%arg14 : memref<!tpu.dma_semaphore, #tpu.memory_space<semaphore_mem>>) src(%dma_wait3A_175 : memref<160x128xf32, #tpu.memory_space<hbm>>) dst(%arg8 : memref<160x128xf32, #tpu.memory_space<vmem>>)
      %mul3A_176 = arith.constant 160 : i32
      %mul3A_177 = arith.muli %add3A_169, %mul3A_176 : i32
      %scan3A_178 = arith.constant 0 : i32
      %scan3A_179 = arith.constant 40 : i32
      %scan3A_180 = arith.addi %scan3A_178, %scan3A_179 : i32
      %scan3A_181 = arith.constant 1 : i32
      %scan3A_182:8 = scf.for %scan3A_286 = %scan3A_178 to %scan3A_180 step %scan3A_181 iter_args(%scan3A_287 = %scan3A_152#0, %scan3A_288 = %scan3A_152#1, %scan3A_289 = %scan3A_152#2, %scan3A_290 = %scan3A_152#3, %scan3A_291 = %scan3A_152#4, %scan3A_292 = %scan3A_152#5, %scan3A_293 = %scan3A_152#6, %scan3A_294 = %scan3A_152#7) -> (vector<16xf32>, vector<16xf32>, vector<16xf32>, vector<16xf32>, vector<16xf32>, vector<16xf32>, vector<16xf32>, vector<16xf32>)  : i32 {
        %mul3A_295 = arith.constant 4 : i32
        %mul3A_296 = arith.muli %scan3A_286, %mul3A_295 : i32
        %add3A_297 = arith.addi %mul3A_177, %mul3A_296 : i32
        %add3A_298 = arith.constant 0 : i32
        %add3A_299 = arith.addi %add3A_297, %add3A_298 : i32
        %broadcast_in_dim3A_300 = vector.broadcast %add3A_299 : i32 to vector<16xi32>
        %gather3A = tpu.vector_load_idx %arg6[%broadcast_in_dim3A_300] : memref<3200xf32, #tpu.memory_space<vmem>>[vector<16xi32>], vector<16xf32>,
        %mul3A_301 = arith.constant 4 : i32
        %mul3A_302 = arith.muli %scan3A_286, %mul3A_301 : i32
        %add3A_303 = arith.constant 0 : i32
        %add3A_304 = arith.addi %mul3A_302, %add3A_303 : i32
        %get3A = arith.index_cast %add3A_304 : i32 to index
        %get3A_305 = arith.constant 0 : index
        %get3A_306 = tpu.vector_load %arg8[%get3A, %get3A_305] {strides = array<i32>} : memref<160x128xf32, #tpu.memory_space<vmem>>, vector<16xf32>,
        %mul3A_307 = arith.mulf %get3A_306, %gather3A : vector<16xf32>
        %add3A_308 = arith.addf %scan3A_287, %mul3A_307 : vector<16xf32>
        %mul3A_309 = arith.constant 4 : i32
        %mul3A_310 = arith.muli %scan3A_286, %mul3A_309 : i32
        %add3A_311 = arith.constant 0 : i32
        %add3A_312 = arith.addi %mul3A_310, %add3A_311 : i32
        %get3A_313 = arith.index_cast %add3A_312 : i32 to index
        %get3A_314 = arith.constant 16 : index
        %get3A_315 = tpu.vector_load %arg8[%get3A_313, %get3A_314] {strides = array<i32>} : memref<160x128xf32, #tpu.memory_space<vmem>>, vector<16xf32>,
        %mul3A_316 = arith.mulf %get3A_315, %gather3A : vector<16xf32>
        %add3A_317 = arith.addf %scan3A_288, %mul3A_316 : vector<16xf32>
        %mul3A_318 = arith.constant 4 : i32
        %mul3A_319 = arith.muli %scan3A_286, %mul3A_318 : i32
        %add3A_320 = arith.constant 0 : i32
        %add3A_321 = arith.addi %mul3A_319, %add3A_320 : i32
        %get3A_322 = arith.index_cast %add3A_321 : i32 to index
        %get3A_323 = arith.constant 32 : index
        %get3A_324 = tpu.vector_load %arg8[%get3A_322, %get3A_323] {strides = array<i32>} : memref<160x128xf32, #tpu.memory_space<vmem>>, vector<16xf32>,
        %mul3A_325 = arith.mulf %get3A_324, %gather3A : vector<16xf32>
        %add3A_326 = arith.addf %scan3A_289, %mul3A_325 : vector<16xf32>
        %mul3A_327 = arith.constant 4 : i32
        %mul3A_328 = arith.muli %scan3A_286, %mul3A_327 : i32
        %add3A_329 = arith.constant 0 : i32
        %add3A_330 = arith.addi %mul3A_328, %add3A_329 : i32
        %get3A_331 = arith.index_cast %add3A_330 : i32 to index
        %get3A_332 = arith.constant 48 : index
        %get3A_333 = tpu.vector_load %arg8[%get3A_331, %get3A_332] {strides = array<i32>} : memref<160x128xf32, #tpu.memory_space<vmem>>, vector<16xf32>,
        %mul3A_334 = arith.mulf %get3A_333, %gather3A : vector<16xf32>
        %add3A_335 = arith.addf %scan3A_290, %mul3A_334 : vector<16xf32>
        %mul3A_336 = arith.constant 4 : i32
        %mul3A_337 = arith.muli %scan3A_286, %mul3A_336 : i32
        %add3A_338 = arith.constant 0 : i32
        %add3A_339 = arith.addi %mul3A_337, %add3A_338 : i32
        %get3A_340 = arith.index_cast %add3A_339 : i32 to index
        %get3A_341 = arith.constant 64 : index
        %get3A_342 = tpu.vector_load %arg8[%get3A_340, %get3A_341] {strides = array<i32>} : memref<160x128xf32, #tpu.memory_space<vmem>>, vector<16xf32>,
        %mul3A_343 = arith.mulf %get3A_342, %gather3A : vector<16xf32>
        %add3A_344 = arith.addf %scan3A_291, %mul3A_343 : vector<16xf32>
        %mul3A_345 = arith.constant 4 : i32
        %mul3A_346 = arith.muli %scan3A_286, %mul3A_345 : i32
        %add3A_347 = arith.constant 0 : i32
        %add3A_348 = arith.addi %mul3A_346, %add3A_347 : i32
        %get3A_349 = arith.index_cast %add3A_348 : i32 to index
        %get3A_350 = arith.constant 80 : index
        %get3A_351 = tpu.vector_load %arg8[%get3A_349, %get3A_350] {strides = array<i32>} : memref<160x128xf32, #tpu.memory_space<vmem>>, vector<16xf32>,
        %mul3A_352 = arith.mulf %get3A_351, %gather3A : vector<16xf32>
        %add3A_353 = arith.addf %scan3A_292, %mul3A_352 : vector<16xf32>
        %mul3A_354 = arith.constant 4 : i32
        %mul3A_355 = arith.muli %scan3A_286, %mul3A_354 : i32
        %add3A_356 = arith.constant 0 : i32
        %add3A_357 = arith.addi %mul3A_355, %add3A_356 : i32
        %get3A_358 = arith.index_cast %add3A_357 : i32 to index
        %get3A_359 = arith.constant 96 : index
        %get3A_360 = tpu.vector_load %arg8[%get3A_358, %get3A_359] {strides = array<i32>} : memref<160x128xf32, #tpu.memory_space<vmem>>, vector<16xf32>,
        %mul3A_361 = arith.mulf %get3A_360, %gather3A : vector<16xf32>
        %add3A_362 = arith.addf %scan3A_293, %mul3A_361 : vector<16xf32>
        %mul3A_363 = arith.constant 4 : i32
        %mul3A_364 = arith.muli %scan3A_286, %mul3A_363 : i32
        %add3A_365 = arith.constant 0 : i32
        %add3A_366 = arith.addi %mul3A_364, %add3A_365 : i32
        %get3A_367 = arith.index_cast %add3A_366 : i32 to index
        %get3A_368 = arith.constant 112 : index
        %get3A_369 = tpu.vector_load %arg8[%get3A_367, %get3A_368] {strides = array<i32>} : memref<160x128xf32, #tpu.memory_space<vmem>>, vector<16xf32>,
        %mul3A_370 = arith.mulf %get3A_369, %gather3A : vector<16xf32>
        %add3A_371 = arith.addf %scan3A_294, %mul3A_370 : vector<16xf32>
        %mul3A_372 = arith.constant 4 : i32
        %mul3A_373 = arith.muli %scan3A_286, %mul3A_372 : i32
        %add3A_374 = arith.addi %mul3A_177, %mul3A_373 : i32
        %add3A_375 = arith.constant 1 : i32
        %add3A_376 = arith.addi %add3A_374, %add3A_375 : i32
        %broadcast_in_dim3A_377 = vector.broadcast %add3A_376 : i32 to vector<16xi32>
        %gather3A_378 = tpu.vector_load_idx %arg6[%broadcast_in_dim3A_377] : memref<3200xf32, #tpu.memory_space<vmem>>[vector<16xi32>], vector<16xf32>,
        %mul3A_379 = arith.constant 4 : i32
        %mul3A_380 = arith.muli %scan3A_286, %mul3A_379 : i32
        %add3A_381 = arith.constant 1 : i32
        %add3A_382 = arith.addi %mul3A_380, %add3A_381 : i32
        %get3A_383 = arith.index_cast %add3A_382 : i32 to index
        %get3A_384 = arith.constant 0 : index
        %get3A_385 = tpu.vector_load %arg8[%get3A_383, %get3A_384] {strides = array<i32>} : memref<160x128xf32, #tpu.memory_space<vmem>>, vector<16xf32>,
        %mul3A_386 = arith.mulf %get3A_385, %gather3A_378 : vector<16xf32>
        %add3A_387 = arith.addf %add3A_308, %mul3A_386 : vector<16xf32>
        %mul3A_388 = arith.constant 4 : i32
        %mul3A_389 = arith.muli %scan3A_286, %mul3A_388 : i32
        %add3A_390 = arith.constant 1 : i32
        %add3A_391 = arith.addi %mul3A_389, %add3A_390 : i32
        %get3A_392 = arith.index_cast %add3A_391 : i32 to index
        %get3A_393 = arith.constant 16 : index
        %get3A_394 = tpu.vector_load %arg8[%get3A_392, %get3A_393] {strides = array<i32>} : memref<160x128xf32, #tpu.memory_space<vmem>>, vector<16xf32>,
        %mul3A_395 = arith.mulf %get3A_394, %gather3A_378 : vector<16xf32>
        %add3A_396 = arith.addf %add3A_317, %mul3A_395 : vector<16xf32>
        %mul3A_397 = arith.constant 4 : i32
        %mul3A_398 = arith.muli %scan3A_286, %mul3A_397 : i32
        %add3A_399 = arith.constant 1 : i32
        %add3A_400 = arith.addi %mul3A_398, %add3A_399 : i32
        %get3A_401 = arith.index_cast %add3A_400 : i32 to index
        %get3A_402 = arith.constant 32 : index
        %get3A_403 = tpu.vector_load %arg8[%get3A_401, %get3A_402] {strides = array<i32>} : memref<160x128xf32, #tpu.memory_space<vmem>>, vector<16xf32>,
        %mul3A_404 = arith.mulf %get3A_403, %gather3A_378 : vector<16xf32>
        %add3A_405 = arith.addf %add3A_326, %mul3A_404 : vector<16xf32>
        %mul3A_406 = arith.constant 4 : i32
        %mul3A_407 = arith.muli %scan3A_286, %mul3A_406 : i32
        %add3A_408 = arith.constant 1 : i32
        %add3A_409 = arith.addi %mul3A_407, %add3A_408 : i32
        %get3A_410 = arith.index_cast %add3A_409 : i32 to index
        %get3A_411 = arith.constant 48 : index
        %get3A_412 = tpu.vector_load %arg8[%get3A_410, %get3A_411] {strides = array<i32>} : memref<160x128xf32, #tpu.memory_space<vmem>>, vector<16xf32>,
        %mul3A_413 = arith.mulf %get3A_412, %gather3A_378 : vector<16xf32>
        %add3A_414 = arith.addf %add3A_335, %mul3A_413 : vector<16xf32>
        %mul3A_415 = arith.constant 4 : i32
        %mul3A_416 = arith.muli %scan3A_286, %mul3A_415 : i32
        %add3A_417 = arith.constant 1 : i32
        %add3A_418 = arith.addi %mul3A_416, %add3A_417 : i32
        %get3A_419 = arith.index_cast %add3A_418 : i32 to index
        %get3A_420 = arith.constant 64 : index
        %get3A_421 = tpu.vector_load %arg8[%get3A_419, %get3A_420] {strides = array<i32>} : memref<160x128xf32, #tpu.memory_space<vmem>>, vector<16xf32>,
        %mul3A_422 = arith.mulf %get3A_421, %gather3A_378 : vector<16xf32>
        %add3A_423 = arith.addf %add3A_344, %mul3A_422 : vector<16xf32>
        %mul3A_424 = arith.constant 4 : i32
        %mul3A_425 = arith.muli %scan3A_286, %mul3A_424 : i32
        %add3A_426 = arith.constant 1 : i32
        %add3A_427 = arith.addi %mul3A_425, %add3A_426 : i32
        %get3A_428 = arith.index_cast %add3A_427 : i32 to index
        %get3A_429 = arith.constant 80 : index
        %get3A_430 = tpu.vector_load %arg8[%get3A_428, %get3A_429] {strides = array<i32>} : memref<160x128xf32, #tpu.memory_space<vmem>>, vector<16xf32>,
        %mul3A_431 = arith.mulf %get3A_430, %gather3A_378 : vector<16xf32>
        %add3A_432 = arith.addf %add3A_353, %mul3A_431 : vector<16xf32>
        %mul3A_433 = arith.constant 4 : i32
        %mul3A_434 = arith.muli %scan3A_286, %mul3A_433 : i32
        %add3A_435 = arith.constant 1 : i32
        %add3A_436 = arith.addi %mul3A_434, %add3A_435 : i32
        %get3A_437 = arith.index_cast %add3A_436 : i32 to index
        %get3A_438 = arith.constant 96 : index
        %get3A_439 = tpu.vector_load %arg8[%get3A_437, %get3A_438] {strides = array<i32>} : memref<160x128xf32, #tpu.memory_space<vmem>>, vector<16xf32>,
        %mul3A_440 = arith.mulf %get3A_439, %gather3A_378 : vector<16xf32>
        %add3A_441 = arith.addf %add3A_362, %mul3A_440 : vector<16xf32>
        %mul3A_442 = arith.constant 4 : i32
        %mul3A_443 = arith.muli %scan3A_286, %mul3A_442 : i32
        %add3A_444 = arith.constant 1 : i32
        %add3A_445 = arith.addi %mul3A_443, %add3A_444 : i32
        %get3A_446 = arith.index_cast %add3A_445 : i32 to index
        %get3A_447 = arith.constant 112 : index
        %get3A_448 = tpu.vector_load %arg8[%get3A_446, %get3A_447] {strides = array<i32>} : memref<160x128xf32, #tpu.memory_space<vmem>>, vector<16xf32>,
        %mul3A_449 = arith.mulf %get3A_448, %gather3A_378 : vector<16xf32>
        %add3A_450 = arith.addf %add3A_371, %mul3A_449 : vector<16xf32>
        %mul3A_451 = arith.constant 4 : i32
        %mul3A_452 = arith.muli %scan3A_286, %mul3A_451 : i32
        %add3A_453 = arith.addi %mul3A_177, %mul3A_452 : i32
        %add3A_454 = arith.constant 2 : i32
        %add3A_455 = arith.addi %add3A_453, %add3A_454 : i32
        %broadcast_in_dim3A_456 = vector.broadcast %add3A_455 : i32 to vector<16xi32>
        %gather3A_457 = tpu.vector_load_idx %arg6[%broadcast_in_dim3A_456] : memref<3200xf32, #tpu.memory_space<vmem>>[vector<16xi32>], vector<16xf32>,
        %mul3A_458 = arith.constant 4 : i32
        %mul3A_459 = arith.muli %scan3A_286, %mul3A_458 : i32
        %add3A_460 = arith.constant 2 : i32
        %add3A_461 = arith.addi %mul3A_459, %add3A_460 : i32
        %get3A_462 = arith.index_cast %add3A_461 : i32 to index
        %get3A_463 = arith.constant 0 : index
        %get3A_464 = tpu.vector_load %arg8[%get3A_462, %get3A_463] {strides = array<i32>} : memref<160x128xf32, #tpu.memory_space<vmem>>, vector<16xf32>,
        %mul3A_465 = arith.mulf %get3A_464, %gather3A_457 : vector<16xf32>
        %add3A_466 = arith.addf %add3A_387, %mul3A_465 : vector<16xf32>
        %mul3A_467 = arith.constant 4 : i32
        %mul3A_468 = arith.muli %scan3A_286, %mul3A_467 : i32
        %add3A_469 = arith.constant 2 : i32
        %add3A_470 = arith.addi %mul3A_468, %add3A_469 : i32
        %get3A_471 = arith.index_cast %add3A_470 : i32 to index
        %get3A_472 = arith.constant 16 : index
        %get3A_473 = tpu.vector_load %arg8[%get3A_471, %get3A_472] {strides = array<i32>} : memref<160x128xf32, #tpu.memory_space<vmem>>, vector<16xf32>,
        %mul3A_474 = arith.mulf %get3A_473, %gather3A_457 : vector<16xf32>
        %add3A_475 = arith.addf %add3A_396, %mul3A_474 : vector<16xf32>
        %mul3A_476 = arith.constant 4 : i32
        %mul3A_477 = arith.muli %scan3A_286, %mul3A_476 : i32
        %add3A_478 = arith.constant 2 : i32
        %add3A_479 = arith.addi %mul3A_477, %add3A_478 : i32
        %get3A_480 = arith.index_cast %add3A_479 : i32 to index
        %get3A_481 = arith.constant 32 : index
        %get3A_482 = tpu.vector_load %arg8[%get3A_480, %get3A_481] {strides = array<i32>} : memref<160x128xf32, #tpu.memory_space<vmem>>, vector<16xf32>,
        %mul3A_483 = arith.mulf %get3A_482, %gather3A_457 : vector<16xf32>
        %add3A_484 = arith.addf %add3A_405, %mul3A_483 : vector<16xf32>
        %mul3A_485 = arith.constant 4 : i32
        %mul3A_486 = arith.muli %scan3A_286, %mul3A_485 : i32
        %add3A_487 = arith.constant 2 : i32
        %add3A_488 = arith.addi %mul3A_486, %add3A_487 : i32
        %get3A_489 = arith.index_cast %add3A_488 : i32 to index
        %get3A_490 = arith.constant 48 : index
        %get3A_491 = tpu.vector_load %arg8[%get3A_489, %get3A_490] {strides = array<i32>} : memref<160x128xf32, #tpu.memory_space<vmem>>, vector<16xf32>,
        %mul3A_492 = arith.mulf %get3A_491, %gather3A_457 : vector<16xf32>
        %add3A_493 = arith.addf %add3A_414, %mul3A_492 : vector<16xf32>
        %mul3A_494 = arith.constant 4 : i32
        %mul3A_495 = arith.muli %scan3A_286, %mul3A_494 : i32
        %add3A_496 = arith.constant 2 : i32
        %add3A_497 = arith.addi %mul3A_495, %add3A_496 : i32
        %get3A_498 = arith.index_cast %add3A_497 : i32 to index
        %get3A_499 = arith.constant 64 : index
        %get3A_500 = tpu.vector_load %arg8[%get3A_498, %get3A_499] {strides = array<i32>} : memref<160x128xf32, #tpu.memory_space<vmem>>, vector<16xf32>,
        %mul3A_501 = arith.mulf %get3A_500, %gather3A_457 : vector<16xf32>
        %add3A_502 = arith.addf %add3A_423, %mul3A_501 : vector<16xf32>
        %mul3A_503 = arith.constant 4 : i32
        %mul3A_504 = arith.muli %scan3A_286, %mul3A_503 : i32
        %add3A_505 = arith.constant 2 : i32
        %add3A_506 = arith.addi %mul3A_504, %add3A_505 : i32
        %get3A_507 = arith.index_cast %add3A_506 : i32 to index
        %get3A_508 = arith.constant 80 : index
        %get3A_509 = tpu.vector_load %arg8[%get3A_507, %get3A_508] {strides = array<i32>} : memref<160x128xf32, #tpu.memory_space<vmem>>, vector<16xf32>,
        %mul3A_510 = arith.mulf %get3A_509, %gather3A_457 : vector<16xf32>
        %add3A_511 = arith.addf %add3A_432, %mul3A_510 : vector<16xf32>
        %mul3A_512 = arith.constant 4 : i32
        %mul3A_513 = arith.muli %scan3A_286, %mul3A_512 : i32
        %add3A_514 = arith.constant 2 : i32
        %add3A_515 = arith.addi %mul3A_513, %add3A_514 : i32
        %get3A_516 = arith.index_cast %add3A_515 : i32 to index
        %get3A_517 = arith.constant 96 : index
        %get3A_518 = tpu.vector_load %arg8[%get3A_516, %get3A_517] {strides = array<i32>} : memref<160x128xf32, #tpu.memory_space<vmem>>, vector<16xf32>,
        %mul3A_519 = arith.mulf %get3A_518, %gather3A_457 : vector<16xf32>
        %add3A_520 = arith.addf %add3A_441, %mul3A_519 : vector<16xf32>
        %mul3A_521 = arith.constant 4 : i32
        %mul3A_522 = arith.muli %scan3A_286, %mul3A_521 : i32
        %add3A_523 = arith.constant 2 : i32
        %add3A_524 = arith.addi %mul3A_522, %add3A_523 : i32
        %get3A_525 = arith.index_cast %add3A_524 : i32 to index
        %get3A_526 = arith.constant 112 : index
        %get3A_527 = tpu.vector_load %arg8[%get3A_525, %get3A_526] {strides = array<i32>} : memref<160x128xf32, #tpu.memory_space<vmem>>, vector<16xf32>,
        %mul3A_528 = arith.mulf %get3A_527, %gather3A_457 : vector<16xf32>
        %add3A_529 = arith.addf %add3A_450, %mul3A_528 : vector<16xf32>
        %mul3A_530 = arith.constant 4 : i32
        %mul3A_531 = arith.muli %scan3A_286, %mul3A_530 : i32
        %add3A_532 = arith.addi %mul3A_177, %mul3A_531 : i32
        %add3A_533 = arith.constant 3 : i32
        %add3A_534 = arith.addi %add3A_532, %add3A_533 : i32
        %broadcast_in_dim3A_535 = vector.broadcast %add3A_534 : i32 to vector<16xi32>
        %gather3A_536 = tpu.vector_load_idx %arg6[%broadcast_in_dim3A_535] : memref<3200xf32, #tpu.memory_space<vmem>>[vector<16xi32>], vector<16xf32>,
        %mul3A_537 = arith.constant 4 : i32
        %mul3A_538 = arith.muli %scan3A_286, %mul3A_537 : i32
        %add3A_539 = arith.constant 3 : i32
        %add3A_540 = arith.addi %mul3A_538, %add3A_539 : i32
        %get3A_541 = arith.index_cast %add3A_540 : i32 to index
        %get3A_542 = arith.constant 0 : index
        %get3A_543 = tpu.vector_load %arg8[%get3A_541, %get3A_542] {strides = array<i32>} : memref<160x128xf32, #tpu.memory_space<vmem>>, vector<16xf32>,
        %mul3A_544 = arith.mulf %get3A_543, %gather3A_536 : vector<16xf32>
        %add3A_545 = arith.addf %add3A_466, %mul3A_544 : vector<16xf32>
        %mul3A_546 = arith.constant 4 : i32
        %mul3A_547 = arith.muli %scan3A_286, %mul3A_546 : i32
        %add3A_548 = arith.constant 3 : i32
        %add3A_549 = arith.addi %mul3A_547, %add3A_548 : i32
        %get3A_550 = arith.index_cast %add3A_549 : i32 to index
        %get3A_551 = arith.constant 16 : index
        %get3A_552 = tpu.vector_load %arg8[%get3A_550, %get3A_551] {strides = array<i32>} : memref<160x128xf32, #tpu.memory_space<vmem>>, vector<16xf32>,
        %mul3A_553 = arith.mulf %get3A_552, %gather3A_536 : vector<16xf32>
        %add3A_554 = arith.addf %add3A_475, %mul3A_553 : vector<16xf32>
        %mul3A_555 = arith.constant 4 : i32
        %mul3A_556 = arith.muli %scan3A_286, %mul3A_555 : i32
        %add3A_557 = arith.constant 3 : i32
        %add3A_558 = arith.addi %mul3A_556, %add3A_557 : i32
        %get3A_559 = arith.index_cast %add3A_558 : i32 to index
        %get3A_560 = arith.constant 32 : index
        %get3A_561 = tpu.vector_load %arg8[%get3A_559, %get3A_560] {strides = array<i32>} : memref<160x128xf32, #tpu.memory_space<vmem>>, vector<16xf32>,
        %mul3A_562 = arith.mulf %get3A_561, %gather3A_536 : vector<16xf32>
        %add3A_563 = arith.addf %add3A_484, %mul3A_562 : vector<16xf32>
        %mul3A_564 = arith.constant 4 : i32
        %mul3A_565 = arith.muli %scan3A_286, %mul3A_564 : i32
        %add3A_566 = arith.constant 3 : i32
        %add3A_567 = arith.addi %mul3A_565, %add3A_566 : i32
        %get3A_568 = arith.index_cast %add3A_567 : i32 to index
        %get3A_569 = arith.constant 48 : index
        %get3A_570 = tpu.vector_load %arg8[%get3A_568, %get3A_569] {strides = array<i32>} : memref<160x128xf32, #tpu.memory_space<vmem>>, vector<16xf32>,
        %mul3A_571 = arith.mulf %get3A_570, %gather3A_536 : vector<16xf32>
        %add3A_572 = arith.addf %add3A_493, %mul3A_571 : vector<16xf32>
        %mul3A_573 = arith.constant 4 : i32
        %mul3A_574 = arith.muli %scan3A_286, %mul3A_573 : i32
        %add3A_575 = arith.constant 3 : i32
        %add3A_576 = arith.addi %mul3A_574, %add3A_575 : i32
        %get3A_577 = arith.index_cast %add3A_576 : i32 to index
        %get3A_578 = arith.constant 64 : index
        %get3A_579 = tpu.vector_load %arg8[%get3A_577, %get3A_578] {strides = array<i32>} : memref<160x128xf32, #tpu.memory_space<vmem>>, vector<16xf32>,
        %mul3A_580 = arith.mulf %get3A_579, %gather3A_536 : vector<16xf32>
        %add3A_581 = arith.addf %add3A_502, %mul3A_580 : vector<16xf32>
        %mul3A_582 = arith.constant 4 : i32
        %mul3A_583 = arith.muli %scan3A_286, %mul3A_582 : i32
        %add3A_584 = arith.constant 3 : i32
        %add3A_585 = arith.addi %mul3A_583, %add3A_584 : i32
        %get3A_586 = arith.index_cast %add3A_585 : i32 to index
        %get3A_587 = arith.constant 80 : index
        %get3A_588 = tpu.vector_load %arg8[%get3A_586, %get3A_587] {strides = array<i32>} : memref<160x128xf32, #tpu.memory_space<vmem>>, vector<16xf32>,
        %mul3A_589 = arith.mulf %get3A_588, %gather3A_536 : vector<16xf32>
        %add3A_590 = arith.addf %add3A_511, %mul3A_589 : vector<16xf32>
        %mul3A_591 = arith.constant 4 : i32
        %mul3A_592 = arith.muli %scan3A_286, %mul3A_591 : i32
        %add3A_593 = arith.constant 3 : i32
        %add3A_594 = arith.addi %mul3A_592, %add3A_593 : i32
        %get3A_595 = arith.index_cast %add3A_594 : i32 to index
        %get3A_596 = arith.constant 96 : index
        %get3A_597 = tpu.vector_load %arg8[%get3A_595, %get3A_596] {strides = array<i32>} : memref<160x128xf32, #tpu.memory_space<vmem>>, vector<16xf32>,
        %mul3A_598 = arith.mulf %get3A_597, %gather3A_536 : vector<16xf32>
        %add3A_599 = arith.addf %add3A_520, %mul3A_598 : vector<16xf32>
        %mul3A_600 = arith.constant 4 : i32
        %mul3A_601 = arith.muli %scan3A_286, %mul3A_600 : i32
        %add3A_602 = arith.constant 3 : i32
        %add3A_603 = arith.addi %mul3A_601, %add3A_602 : i32
        %get3A_604 = arith.index_cast %add3A_603 : i32 to index
        %get3A_605 = arith.constant 112 : index
        %get3A_606 = tpu.vector_load %arg8[%get3A_604, %get3A_605] {strides = array<i32>} : memref<160x128xf32, #tpu.memory_space<vmem>>, vector<16xf32>,
        %mul3A_607 = arith.mulf %get3A_606, %gather3A_536 : vector<16xf32>
        %add3A_608 = arith.addf %add3A_529, %mul3A_607 : vector<16xf32>
        scf.yield %add3A_545, %add3A_554, %add3A_563, %add3A_572, %add3A_581, %add3A_590, %add3A_599, %add3A_608 : vector<16xf32>, vector<16xf32>, vector<16xf32>, vector<16xf32>, vector<16xf32>, vector<16xf32>, vector<16xf32>, vector<16xf32>
      }
      %scan3A_183 = arith.constant 40 : i32
      %add3A_184 = arith.constant 5 : i32
      %add3A_185 = arith.addi %add3A_169, %add3A_184 : i32
      %sub3A_186 = arith.constant 1 : i32
      %sub3A_187 = arith.subi %div3A_5, %sub3A_186 : i32
      %min3A_188 = arith.minsi %add3A_185, %sub3A_187 : i32
      %mul3A_189 = arith.constant 160 : i32
      %mul3A_190 = arith.muli %min3A_188, %mul3A_189 : i32
      %add3A_191 = arith.addi %mul3A_2, %mul3A_190 : i32
      %dma_start3A_192 = arith.constant 0 : i32
      %dma_start3A_193 = tpu.memref_slice %arg3[%add3A_191, %dma_start3A_192] : memref<100000x128xf32, #tpu.memory_space<hbm>> -> memref<160x128xf32, #tpu.memory_space<hbm>>
      %dma_start3A_194 = arith.constant 0 : i32
      %dma_start3A_195 = tpu.memref_slice %arg3[%add3A_191, %dma_start3A_194] : memref<100000x128xf32, #tpu.memory_space<hbm>> -> memref<160x128xf32, #tpu.memory_space<hbm>>
      tpu.enqueue_dma source(%dma_start3A_195 : memref<160x128xf32, #tpu.memory_space<hbm>>) target(%arg8 : memref<160x128xf32, #tpu.memory_space<vmem>>) target_semaphore(%arg14 : memref<!tpu.dma_semaphore, #tpu.memory_space<semaphore_mem>>)
      %mul3A_196 = arith.constant 5 : i32
      %mul3A_197 = arith.muli %while3A_127, %mul3A_196 : i32
      %add3A_198 = arith.constant 2 : i32
      %add3A_199 = arith.addi %mul3A_197, %add3A_198 : i32
      %dma_wait3A_200 = arith.constant 0 : i32
      %dma_wait3A_201 = arith.constant 0 : i32
      %dma_wait3A_202 = tpu.memref_slice %arg3[%dma_wait3A_200, %dma_wait3A_201] : memref<100000x128xf32, #tpu.memory_space<hbm>> -> memref<160x128xf32, #tpu.memory_space<hbm>>
      %dma_wait3A_203 = arith.constant 0 : i32
      %dma_wait3A_204 = arith.constant 0 : i32
      %dma_wait3A_205 = tpu.memref_slice %arg3[%dma_wait3A_203, %dma_wait3A_204] : memref<100000x128xf32, #tpu.memory_space<hbm>> -> memref<160x128xf32, #tpu.memory_space<hbm>>
      tpu.wait_dma2 semaphore(%arg15 : memref<!tpu.dma_semaphore, #tpu.memory_space<semaphore_mem>>) src(%dma_wait3A_205 : memref<160x128xf32, #tpu.memory_space<hbm>>) dst(%arg9 : memref<160x128xf32, #tpu.memory_space<vmem>>)
      %mul3A_206 = arith.constant 160 : i32
      %mul3A_207 = arith.muli %add3A_199, %mul3A_206 : i32
      %scan3A_208 = arith.constant 0 : i32
      %scan3A_209 = arith.constant 40 : i32
      %scan3A_210 = arith.addi %scan3A_208, %scan3A_209 : i32
      %scan3A_211 = arith.constant 1 : i32
      %scan3A_212:8 = scf.for %scan3A_286 = %scan3A_208 to %scan3A_210 step %scan3A_211 iter_args(%scan3A_287 = %scan3A_182#0, %scan3A_288 = %scan3A_182#1, %scan3A_289 = %scan3A_182#2, %scan3A_290 = %scan3A_182#3, %scan3A_291 = %scan3A_182#4, %scan3A_292 = %scan3A_182#5, %scan3A_293 = %scan3A_182#6, %scan3A_294 = %scan3A_182#7) -> (vector<16xf32>, vector<16xf32>, vector<16xf32>, vector<16xf32>, vector<16xf32>, vector<16xf32>, vector<16xf32>, vector<16xf32>)  : i32 {
        %mul3A_295 = arith.constant 4 : i32
        %mul3A_296 = arith.muli %scan3A_286, %mul3A_295 : i32
        %add3A_297 = arith.addi %mul3A_207, %mul3A_296 : i32
        %add3A_298 = arith.constant 0 : i32
        %add3A_299 = arith.addi %add3A_297, %add3A_298 : i32
        %broadcast_in_dim3A_300 = vector.broadcast %add3A_299 : i32 to vector<16xi32>
        %gather3A = tpu.vector_load_idx %arg6[%broadcast_in_dim3A_300] : memref<3200xf32, #tpu.memory_space<vmem>>[vector<16xi32>], vector<16xf32>,
        %mul3A_301 = arith.constant 4 : i32
        %mul3A_302 = arith.muli %scan3A_286, %mul3A_301 : i32
        %add3A_303 = arith.constant 0 : i32
        %add3A_304 = arith.addi %mul3A_302, %add3A_303 : i32
        %get3A = arith.index_cast %add3A_304 : i32 to index
        %get3A_305 = arith.constant 0 : index
        %get3A_306 = tpu.vector_load %arg9[%get3A, %get3A_305] {strides = array<i32>} : memref<160x128xf32, #tpu.memory_space<vmem>>, vector<16xf32>,
        %mul3A_307 = arith.mulf %get3A_306, %gather3A : vector<16xf32>
        %add3A_308 = arith.addf %scan3A_287, %mul3A_307 : vector<16xf32>
        %mul3A_309 = arith.constant 4 : i32
        %mul3A_310 = arith.muli %scan3A_286, %mul3A_309 : i32
        %add3A_311 = arith.constant 0 : i32
        %add3A_312 = arith.addi %mul3A_310, %add3A_311 : i32
        %get3A_313 = arith.index_cast %add3A_312 : i32 to index
        %get3A_314 = arith.constant 16 : index
        %get3A_315 = tpu.vector_load %arg9[%get3A_313, %get3A_314] {strides = array<i32>} : memref<160x128xf32, #tpu.memory_space<vmem>>, vector<16xf32>,
        %mul3A_316 = arith.mulf %get3A_315, %gather3A : vector<16xf32>
        %add3A_317 = arith.addf %scan3A_288, %mul3A_316 : vector<16xf32>
        %mul3A_318 = arith.constant 4 : i32
        %mul3A_319 = arith.muli %scan3A_286, %mul3A_318 : i32
        %add3A_320 = arith.constant 0 : i32
        %add3A_321 = arith.addi %mul3A_319, %add3A_320 : i32
        %get3A_322 = arith.index_cast %add3A_321 : i32 to index
        %get3A_323 = arith.constant 32 : index
        %get3A_324 = tpu.vector_load %arg9[%get3A_322, %get3A_323] {strides = array<i32>} : memref<160x128xf32, #tpu.memory_space<vmem>>, vector<16xf32>,
        %mul3A_325 = arith.mulf %get3A_324, %gather3A : vector<16xf32>
        %add3A_326 = arith.addf %scan3A_289, %mul3A_325 : vector<16xf32>
        %mul3A_327 = arith.constant 4 : i32
        %mul3A_328 = arith.muli %scan3A_286, %mul3A_327 : i32
        %add3A_329 = arith.constant 0 : i32
        %add3A_330 = arith.addi %mul3A_328, %add3A_329 : i32
        %get3A_331 = arith.index_cast %add3A_330 : i32 to index
        %get3A_332 = arith.constant 48 : index
        %get3A_333 = tpu.vector_load %arg9[%get3A_331, %get3A_332] {strides = array<i32>} : memref<160x128xf32, #tpu.memory_space<vmem>>, vector<16xf32>,
        %mul3A_334 = arith.mulf %get3A_333, %gather3A : vector<16xf32>
        %add3A_335 = arith.addf %scan3A_290, %mul3A_334 : vector<16xf32>
        %mul3A_336 = arith.constant 4 : i32
        %mul3A_337 = arith.muli %scan3A_286, %mul3A_336 : i32
        %add3A_338 = arith.constant 0 : i32
        %add3A_339 = arith.addi %mul3A_337, %add3A_338 : i32
        %get3A_340 = arith.index_cast %add3A_339 : i32 to index
        %get3A_341 = arith.constant 64 : index
        %get3A_342 = tpu.vector_load %arg9[%get3A_340, %get3A_341] {strides = array<i32>} : memref<160x128xf32, #tpu.memory_space<vmem>>, vector<16xf32>,
        %mul3A_343 = arith.mulf %get3A_342, %gather3A : vector<16xf32>
        %add3A_344 = arith.addf %scan3A_291, %mul3A_343 : vector<16xf32>
        %mul3A_345 = arith.constant 4 : i32
        %mul3A_346 = arith.muli %scan3A_286, %mul3A_345 : i32
        %add3A_347 = arith.constant 0 : i32
        %add3A_348 = arith.addi %mul3A_346, %add3A_347 : i32
        %get3A_349 = arith.index_cast %add3A_348 : i32 to index
        %get3A_350 = arith.constant 80 : index
        %get3A_351 = tpu.vector_load %arg9[%get3A_349, %get3A_350] {strides = array<i32>} : memref<160x128xf32, #tpu.memory_space<vmem>>, vector<16xf32>,
        %mul3A_352 = arith.mulf %get3A_351, %gather3A : vector<16xf32>
        %add3A_353 = arith.addf %scan3A_292, %mul3A_352 : vector<16xf32>
        %mul3A_354 = arith.constant 4 : i32
        %mul3A_355 = arith.muli %scan3A_286, %mul3A_354 : i32
        %add3A_356 = arith.constant 0 : i32
        %add3A_357 = arith.addi %mul3A_355, %add3A_356 : i32
        %get3A_358 = arith.index_cast %add3A_357 : i32 to index
        %get3A_359 = arith.constant 96 : index
        %get3A_360 = tpu.vector_load %arg9[%get3A_358, %get3A_359] {strides = array<i32>} : memref<160x128xf32, #tpu.memory_space<vmem>>, vector<16xf32>,
        %mul3A_361 = arith.mulf %get3A_360, %gather3A : vector<16xf32>
        %add3A_362 = arith.addf %scan3A_293, %mul3A_361 : vector<16xf32>
        %mul3A_363 = arith.constant 4 : i32
        %mul3A_364 = arith.muli %scan3A_286, %mul3A_363 : i32
        %add3A_365 = arith.constant 0 : i32
        %add3A_366 = arith.addi %mul3A_364, %add3A_365 : i32
        %get3A_367 = arith.index_cast %add3A_366 : i32 to index
        %get3A_368 = arith.constant 112 : index
        %get3A_369 = tpu.vector_load %arg9[%get3A_367, %get3A_368] {strides = array<i32>} : memref<160x128xf32, #tpu.memory_space<vmem>>, vector<16xf32>,
        %mul3A_370 = arith.mulf %get3A_369, %gather3A : vector<16xf32>
        %add3A_371 = arith.addf %scan3A_294, %mul3A_370 : vector<16xf32>
        %mul3A_372 = arith.constant 4 : i32
        %mul3A_373 = arith.muli %scan3A_286, %mul3A_372 : i32
        %add3A_374 = arith.addi %mul3A_207, %mul3A_373 : i32
        %add3A_375 = arith.constant 1 : i32
        %add3A_376 = arith.addi %add3A_374, %add3A_375 : i32
        %broadcast_in_dim3A_377 = vector.broadcast %add3A_376 : i32 to vector<16xi32>
        %gather3A_378 = tpu.vector_load_idx %arg6[%broadcast_in_dim3A_377] : memref<3200xf32, #tpu.memory_space<vmem>>[vector<16xi32>], vector<16xf32>,
        %mul3A_379 = arith.constant 4 : i32
        %mul3A_380 = arith.muli %scan3A_286, %mul3A_379 : i32
        %add3A_381 = arith.constant 1 : i32
        %add3A_382 = arith.addi %mul3A_380, %add3A_381 : i32
        %get3A_383 = arith.index_cast %add3A_382 : i32 to index
        %get3A_384 = arith.constant 0 : index
        %get3A_385 = tpu.vector_load %arg9[%get3A_383, %get3A_384] {strides = array<i32>} : memref<160x128xf32, #tpu.memory_space<vmem>>, vector<16xf32>,
        %mul3A_386 = arith.mulf %get3A_385, %gather3A_378 : vector<16xf32>
        %add3A_387 = arith.addf %add3A_308, %mul3A_386 : vector<16xf32>
        %mul3A_388 = arith.constant 4 : i32
        %mul3A_389 = arith.muli %scan3A_286, %mul3A_388 : i32
        %add3A_390 = arith.constant 1 : i32
        %add3A_391 = arith.addi %mul3A_389, %add3A_390 : i32
        %get3A_392 = arith.index_cast %add3A_391 : i32 to index
        %get3A_393 = arith.constant 16 : index
        %get3A_394 = tpu.vector_load %arg9[%get3A_392, %get3A_393] {strides = array<i32>} : memref<160x128xf32, #tpu.memory_space<vmem>>, vector<16xf32>,
        %mul3A_395 = arith.mulf %get3A_394, %gather3A_378 : vector<16xf32>
        %add3A_396 = arith.addf %add3A_317, %mul3A_395 : vector<16xf32>
        %mul3A_397 = arith.constant 4 : i32
        %mul3A_398 = arith.muli %scan3A_286, %mul3A_397 : i32
        %add3A_399 = arith.constant 1 : i32
        %add3A_400 = arith.addi %mul3A_398, %add3A_399 : i32
        %get3A_401 = arith.index_cast %add3A_400 : i32 to index
        %get3A_402 = arith.constant 32 : index
        %get3A_403 = tpu.vector_load %arg9[%get3A_401, %get3A_402] {strides = array<i32>} : memref<160x128xf32, #tpu.memory_space<vmem>>, vector<16xf32>,
        %mul3A_404 = arith.mulf %get3A_403, %gather3A_378 : vector<16xf32>
        %add3A_405 = arith.addf %add3A_326, %mul3A_404 : vector<16xf32>
        %mul3A_406 = arith.constant 4 : i32
        %mul3A_407 = arith.muli %scan3A_286, %mul3A_406 : i32
        %add3A_408 = arith.constant 1 : i32
        %add3A_409 = arith.addi %mul3A_407, %add3A_408 : i32
        %get3A_410 = arith.index_cast %add3A_409 : i32 to index
        %get3A_411 = arith.constant 48 : index
        %get3A_412 = tpu.vector_load %arg9[%get3A_410, %get3A_411] {strides = array<i32>} : memref<160x128xf32, #tpu.memory_space<vmem>>, vector<16xf32>,
        %mul3A_413 = arith.mulf %get3A_412, %gather3A_378 : vector<16xf32>
        %add3A_414 = arith.addf %add3A_335, %mul3A_413 : vector<16xf32>
        %mul3A_415 = arith.constant 4 : i32
        %mul3A_416 = arith.muli %scan3A_286, %mul3A_415 : i32
        %add3A_417 = arith.constant 1 : i32
        %add3A_418 = arith.addi %mul3A_416, %add3A_417 : i32
        %get3A_419 = arith.index_cast %add3A_418 : i32 to index
        %get3A_420 = arith.constant 64 : index
        %get3A_421 = tpu.vector_load %arg9[%get3A_419, %get3A_420] {strides = array<i32>} : memref<160x128xf32, #tpu.memory_space<vmem>>, vector<16xf32>,
        %mul3A_422 = arith.mulf %get3A_421, %gather3A_378 : vector<16xf32>
        %add3A_423 = arith.addf %add3A_344, %mul3A_422 : vector<16xf32>
        %mul3A_424 = arith.constant 4 : i32
        %mul3A_425 = arith.muli %scan3A_286, %mul3A_424 : i32
        %add3A_426 = arith.constant 1 : i32
        %add3A_427 = arith.addi %mul3A_425, %add3A_426 : i32
        %get3A_428 = arith.index_cast %add3A_427 : i32 to index
        %get3A_429 = arith.constant 80 : index
        %get3A_430 = tpu.vector_load %arg9[%get3A_428, %get3A_429] {strides = array<i32>} : memref<160x128xf32, #tpu.memory_space<vmem>>, vector<16xf32>,
        %mul3A_431 = arith.mulf %get3A_430, %gather3A_378 : vector<16xf32>
        %add3A_432 = arith.addf %add3A_353, %mul3A_431 : vector<16xf32>
        %mul3A_433 = arith.constant 4 : i32
        %mul3A_434 = arith.muli %scan3A_286, %mul3A_433 : i32
        %add3A_435 = arith.constant 1 : i32
        %add3A_436 = arith.addi %mul3A_434, %add3A_435 : i32
        %get3A_437 = arith.index_cast %add3A_436 : i32 to index
        %get3A_438 = arith.constant 96 : index
        %get3A_439 = tpu.vector_load %arg9[%get3A_437, %get3A_438] {strides = array<i32>} : memref<160x128xf32, #tpu.memory_space<vmem>>, vector<16xf32>,
        %mul3A_440 = arith.mulf %get3A_439, %gather3A_378 : vector<16xf32>
        %add3A_441 = arith.addf %add3A_362, %mul3A_440 : vector<16xf32>
        %mul3A_442 = arith.constant 4 : i32
        %mul3A_443 = arith.muli %scan3A_286, %mul3A_442 : i32
        %add3A_444 = arith.constant 1 : i32
        %add3A_445 = arith.addi %mul3A_443, %add3A_444 : i32
        %get3A_446 = arith.index_cast %add3A_445 : i32 to index
        %get3A_447 = arith.constant 112 : index
        %get3A_448 = tpu.vector_load %arg9[%get3A_446, %get3A_447] {strides = array<i32>} : memref<160x128xf32, #tpu.memory_space<vmem>>, vector<16xf32>,
        %mul3A_449 = arith.mulf %get3A_448, %gather3A_378 : vector<16xf32>
        %add3A_450 = arith.addf %add3A_371, %mul3A_449 : vector<16xf32>
        %mul3A_451 = arith.constant 4 : i32
        %mul3A_452 = arith.muli %scan3A_286, %mul3A_451 : i32
        %add3A_453 = arith.addi %mul3A_207, %mul3A_452 : i32
        %add3A_454 = arith.constant 2 : i32
        %add3A_455 = arith.addi %add3A_453, %add3A_454 : i32
        %broadcast_in_dim3A_456 = vector.broadcast %add3A_455 : i32 to vector<16xi32>
        %gather3A_457 = tpu.vector_load_idx %arg6[%broadcast_in_dim3A_456] : memref<3200xf32, #tpu.memory_space<vmem>>[vector<16xi32>], vector<16xf32>,
        %mul3A_458 = arith.constant 4 : i32
        %mul3A_459 = arith.muli %scan3A_286, %mul3A_458 : i32
        %add3A_460 = arith.constant 2 : i32
        %add3A_461 = arith.addi %mul3A_459, %add3A_460 : i32
        %get3A_462 = arith.index_cast %add3A_461 : i32 to index
        %get3A_463 = arith.constant 0 : index
        %get3A_464 = tpu.vector_load %arg9[%get3A_462, %get3A_463] {strides = array<i32>} : memref<160x128xf32, #tpu.memory_space<vmem>>, vector<16xf32>,
        %mul3A_465 = arith.mulf %get3A_464, %gather3A_457 : vector<16xf32>
        %add3A_466 = arith.addf %add3A_387, %mul3A_465 : vector<16xf32>
        %mul3A_467 = arith.constant 4 : i32
        %mul3A_468 = arith.muli %scan3A_286, %mul3A_467 : i32
        %add3A_469 = arith.constant 2 : i32
        %add3A_470 = arith.addi %mul3A_468, %add3A_469 : i32
        %get3A_471 = arith.index_cast %add3A_470 : i32 to index
        %get3A_472 = arith.constant 16 : index
        %get3A_473 = tpu.vector_load %arg9[%get3A_471, %get3A_472] {strides = array<i32>} : memref<160x128xf32, #tpu.memory_space<vmem>>, vector<16xf32>,
        %mul3A_474 = arith.mulf %get3A_473, %gather3A_457 : vector<16xf32>
        %add3A_475 = arith.addf %add3A_396, %mul3A_474 : vector<16xf32>
        %mul3A_476 = arith.constant 4 : i32
        %mul3A_477 = arith.muli %scan3A_286, %mul3A_476 : i32
        %add3A_478 = arith.constant 2 : i32
        %add3A_479 = arith.addi %mul3A_477, %add3A_478 : i32
        %get3A_480 = arith.index_cast %add3A_479 : i32 to index
        %get3A_481 = arith.constant 32 : index
        %get3A_482 = tpu.vector_load %arg9[%get3A_480, %get3A_481] {strides = array<i32>} : memref<160x128xf32, #tpu.memory_space<vmem>>, vector<16xf32>,
        %mul3A_483 = arith.mulf %get3A_482, %gather3A_457 : vector<16xf32>
        %add3A_484 = arith.addf %add3A_405, %mul3A_483 : vector<16xf32>
        %mul3A_485 = arith.constant 4 : i32
        %mul3A_486 = arith.muli %scan3A_286, %mul3A_485 : i32
        %add3A_487 = arith.constant 2 : i32
        %add3A_488 = arith.addi %mul3A_486, %add3A_487 : i32
        %get3A_489 = arith.index_cast %add3A_488 : i32 to index
        %get3A_490 = arith.constant 48 : index
        %get3A_491 = tpu.vector_load %arg9[%get3A_489, %get3A_490] {strides = array<i32>} : memref<160x128xf32, #tpu.memory_space<vmem>>, vector<16xf32>,
        %mul3A_492 = arith.mulf %get3A_491, %gather3A_457 : vector<16xf32>
        %add3A_493 = arith.addf %add3A_414, %mul3A_492 : vector<16xf32>
        %mul3A_494 = arith.constant 4 : i32
        %mul3A_495 = arith.muli %scan3A_286, %mul3A_494 : i32
        %add3A_496 = arith.constant 2 : i32
        %add3A_497 = arith.addi %mul3A_495, %add3A_496 : i32
        %get3A_498 = arith.index_cast %add3A_497 : i32 to index
        %get3A_499 = arith.constant 64 : index
        %get3A_500 = tpu.vector_load %arg9[%get3A_498, %get3A_499] {strides = array<i32>} : memref<160x128xf32, #tpu.memory_space<vmem>>, vector<16xf32>,
        %mul3A_501 = arith.mulf %get3A_500, %gather3A_457 : vector<16xf32>
        %add3A_502 = arith.addf %add3A_423, %mul3A_501 : vector<16xf32>
        %mul3A_503 = arith.constant 4 : i32
        %mul3A_504 = arith.muli %scan3A_286, %mul3A_503 : i32
        %add3A_505 = arith.constant 2 : i32
        %add3A_506 = arith.addi %mul3A_504, %add3A_505 : i32
        %get3A_507 = arith.index_cast %add3A_506 : i32 to index
        %get3A_508 = arith.constant 80 : index
        %get3A_509 = tpu.vector_load %arg9[%get3A_507, %get3A_508] {strides = array<i32>} : memref<160x128xf32, #tpu.memory_space<vmem>>, vector<16xf32>,
        %mul3A_510 = arith.mulf %get3A_509, %gather3A_457 : vector<16xf32>
        %add3A_511 = arith.addf %add3A_432, %mul3A_510 : vector<16xf32>
        %mul3A_512 = arith.constant 4 : i32
        %mul3A_513 = arith.muli %scan3A_286, %mul3A_512 : i32
        %add3A_514 = arith.constant 2 : i32
        %add3A_515 = arith.addi %mul3A_513, %add3A_514 : i32
        %get3A_516 = arith.index_cast %add3A_515 : i32 to index
        %get3A_517 = arith.constant 96 : index
        %get3A_518 = tpu.vector_load %arg9[%get3A_516, %get3A_517] {strides = array<i32>} : memref<160x128xf32, #tpu.memory_space<vmem>>, vector<16xf32>,
        %mul3A_519 = arith.mulf %get3A_518, %gather3A_457 : vector<16xf32>
        %add3A_520 = arith.addf %add3A_441, %mul3A_519 : vector<16xf32>
        %mul3A_521 = arith.constant 4 : i32
        %mul3A_522 = arith.muli %scan3A_286, %mul3A_521 : i32
        %add3A_523 = arith.constant 2 : i32
        %add3A_524 = arith.addi %mul3A_522, %add3A_523 : i32
        %get3A_525 = arith.index_cast %add3A_524 : i32 to index
        %get3A_526 = arith.constant 112 : index
        %get3A_527 = tpu.vector_load %arg9[%get3A_525, %get3A_526] {strides = array<i32>} : memref<160x128xf32, #tpu.memory_space<vmem>>, vector<16xf32>,
        %mul3A_528 = arith.mulf %get3A_527, %gather3A_457 : vector<16xf32>
        %add3A_529 = arith.addf %add3A_450, %mul3A_528 : vector<16xf32>
        %mul3A_530 = arith.constant 4 : i32
        %mul3A_531 = arith.muli %scan3A_286, %mul3A_530 : i32
        %add3A_532 = arith.addi %mul3A_207, %mul3A_531 : i32
        %add3A_533 = arith.constant 3 : i32
        %add3A_534 = arith.addi %add3A_532, %add3A_533 : i32
        %broadcast_in_dim3A_535 = vector.broadcast %add3A_534 : i32 to vector<16xi32>
        %gather3A_536 = tpu.vector_load_idx %arg6[%broadcast_in_dim3A_535] : memref<3200xf32, #tpu.memory_space<vmem>>[vector<16xi32>], vector<16xf32>,
        %mul3A_537 = arith.constant 4 : i32
        %mul3A_538 = arith.muli %scan3A_286, %mul3A_537 : i32
        %add3A_539 = arith.constant 3 : i32
        %add3A_540 = arith.addi %mul3A_538, %add3A_539 : i32
        %get3A_541 = arith.index_cast %add3A_540 : i32 to index
        %get3A_542 = arith.constant 0 : index
        %get3A_543 = tpu.vector_load %arg9[%get3A_541, %get3A_542] {strides = array<i32>} : memref<160x128xf32, #tpu.memory_space<vmem>>, vector<16xf32>,
        %mul3A_544 = arith.mulf %get3A_543, %gather3A_536 : vector<16xf32>
        %add3A_545 = arith.addf %add3A_466, %mul3A_544 : vector<16xf32>
        %mul3A_546 = arith.constant 4 : i32
        %mul3A_547 = arith.muli %scan3A_286, %mul3A_546 : i32
        %add3A_548 = arith.constant 3 : i32
        %add3A_549 = arith.addi %mul3A_547, %add3A_548 : i32
        %get3A_550 = arith.index_cast %add3A_549 : i32 to index
        %get3A_551 = arith.constant 16 : index
        %get3A_552 = tpu.vector_load %arg9[%get3A_550, %get3A_551] {strides = array<i32>} : memref<160x128xf32, #tpu.memory_space<vmem>>, vector<16xf32>,
        %mul3A_553 = arith.mulf %get3A_552, %gather3A_536 : vector<16xf32>
        %add3A_554 = arith.addf %add3A_475, %mul3A_553 : vector<16xf32>
        %mul3A_555 = arith.constant 4 : i32
        %mul3A_556 = arith.muli %scan3A_286, %mul3A_555 : i32
        %add3A_557 = arith.constant 3 : i32
        %add3A_558 = arith.addi %mul3A_556, %add3A_557 : i32
        %get3A_559 = arith.index_cast %add3A_558 : i32 to index
        %get3A_560 = arith.constant 32 : index
        %get3A_561 = tpu.vector_load %arg9[%get3A_559, %get3A_560] {strides = array<i32>} : memref<160x128xf32, #tpu.memory_space<vmem>>, vector<16xf32>,
        %mul3A_562 = arith.mulf %get3A_561, %gather3A_536 : vector<16xf32>
        %add3A_563 = arith.addf %add3A_484, %mul3A_562 : vector<16xf32>
        %mul3A_564 = arith.constant 4 : i32
        %mul3A_565 = arith.muli %scan3A_286, %mul3A_564 : i32
        %add3A_566 = arith.constant 3 : i32
        %add3A_567 = arith.addi %mul3A_565, %add3A_566 : i32
        %get3A_568 = arith.index_cast %add3A_567 : i32 to index
        %get3A_569 = arith.constant 48 : index
        %get3A_570 = tpu.vector_load %arg9[%get3A_568, %get3A_569] {strides = array<i32>} : memref<160x128xf32, #tpu.memory_space<vmem>>, vector<16xf32>,
        %mul3A_571 = arith.mulf %get3A_570, %gather3A_536 : vector<16xf32>
        %add3A_572 = arith.addf %add3A_493, %mul3A_571 : vector<16xf32>
        %mul3A_573 = arith.constant 4 : i32
        %mul3A_574 = arith.muli %scan3A_286, %mul3A_573 : i32
        %add3A_575 = arith.constant 3 : i32
        %add3A_576 = arith.addi %mul3A_574, %add3A_575 : i32
        %get3A_577 = arith.index_cast %add3A_576 : i32 to index
        %get3A_578 = arith.constant 64 : index
        %get3A_579 = tpu.vector_load %arg9[%get3A_577, %get3A_578] {strides = array<i32>} : memref<160x128xf32, #tpu.memory_space<vmem>>, vector<16xf32>,
        %mul3A_580 = arith.mulf %get3A_579, %gather3A_536 : vector<16xf32>
        %add3A_581 = arith.addf %add3A_502, %mul3A_580 : vector<16xf32>
        %mul3A_582 = arith.constant 4 : i32
        %mul3A_583 = arith.muli %scan3A_286, %mul3A_582 : i32
        %add3A_584 = arith.constant 3 : i32
        %add3A_585 = arith.addi %mul3A_583, %add3A_584 : i32
        %get3A_586 = arith.index_cast %add3A_585 : i32 to index
        %get3A_587 = arith.constant 80 : index
        %get3A_588 = tpu.vector_load %arg9[%get3A_586, %get3A_587] {strides = array<i32>} : memref<160x128xf32, #tpu.memory_space<vmem>>, vector<16xf32>,
        %mul3A_589 = arith.mulf %get3A_588, %gather3A_536 : vector<16xf32>
        %add3A_590 = arith.addf %add3A_511, %mul3A_589 : vector<16xf32>
        %mul3A_591 = arith.constant 4 : i32
        %mul3A_592 = arith.muli %scan3A_286, %mul3A_591 : i32
        %add3A_593 = arith.constant 3 : i32
        %add3A_594 = arith.addi %mul3A_592, %add3A_593 : i32
        %get3A_595 = arith.index_cast %add3A_594 : i32 to index
        %get3A_596 = arith.constant 96 : index
        %get3A_597 = tpu.vector_load %arg9[%get3A_595, %get3A_596] {strides = array<i32>} : memref<160x128xf32, #tpu.memory_space<vmem>>, vector<16xf32>,
        %mul3A_598 = arith.mulf %get3A_597, %gather3A_536 : vector<16xf32>
        %add3A_599 = arith.addf %add3A_520, %mul3A_598 : vector<16xf32>
        %mul3A_600 = arith.constant 4 : i32
        %mul3A_601 = arith.muli %scan3A_286, %mul3A_600 : i32
        %add3A_602 = arith.constant 3 : i32
        %add3A_603 = arith.addi %mul3A_601, %add3A_602 : i32
        %get3A_604 = arith.index_cast %add3A_603 : i32 to index
        %get3A_605 = arith.constant 112 : index
        %get3A_606 = tpu.vector_load %arg9[%get3A_604, %get3A_605] {strides = array<i32>} : memref<160x128xf32, #tpu.memory_space<vmem>>, vector<16xf32>,
        %mul3A_607 = arith.mulf %get3A_606, %gather3A_536 : vector<16xf32>
        %add3A_608 = arith.addf %add3A_529, %mul3A_607 : vector<16xf32>
        scf.yield %add3A_545, %add3A_554, %add3A_563, %add3A_572, %add3A_581, %add3A_590, %add3A_599, %add3A_608 : vector<16xf32>, vector<16xf32>, vector<16xf32>, vector<16xf32>, vector<16xf32>, vector<16xf32>, vector<16xf32>, vector<16xf32>
      }
      %scan3A_213 = arith.constant 40 : i32
      %add3A_214 = arith.constant 5 : i32
      %add3A_215 = arith.addi %add3A_199, %add3A_214 : i32
      %sub3A_216 = arith.constant 1 : i32
      %sub3A_217 = arith.subi %div3A_5, %sub3A_216 : i32
      %min3A_218 = arith.minsi %add3A_215, %sub3A_217 : i32
      %mul3A_219 = arith.constant 160 : i32
      %mul3A_220 = arith.muli %min3A_218, %mul3A_219 : i32
      %add3A_221 = arith.addi %mul3A_2, %mul3A_220 : i32
      %dma_start3A_222 = arith.constant 0 : i32
      %dma_start3A_223 = tpu.memref_slice %arg3[%add3A_221, %dma_start3A_222] : memref<100000x128xf32, #tpu.memory_space<hbm>> -> memref<160x128xf32, #tpu.memory_space<hbm>>
      %dma_start3A_224 = arith.constant 0 : i32
      %dma_start3A_225 = tpu.memref_slice %arg3[%add3A_221, %dma_start3A_224] : memref<100000x128xf32, #tpu.memory_space<hbm>> -> memref<160x128xf32, #tpu.memory_space<hbm>>
      tpu.enqueue_dma source(%dma_start3A_225 : memref<160x128xf32, #tpu.memory_space<hbm>>) target(%arg9 : memref<160x128xf32, #tpu.memory_space<vmem>>) target_semaphore(%arg15 : memref<!tpu.dma_semaphore, #tpu.memory_space<semaphore_mem>>)
      %mul3A_226 = arith.constant 5 : i32
      %mul3A_227 = arith.muli %while3A_127, %mul3A_226 : i32
      %add3A_228 = arith.constant 3 : i32
      %add3A_229 = arith.addi %mul3A_227, %add3A_228 : i32
      %dma_wait3A_230 = arith.constant 0 : i32
      %dma_wait3A_231 = arith.constant 0 : i32
      %dma_wait3A_232 = tpu.memref_slice %arg3[%dma_wait3A_230, %dma_wait3A_231] : memref<100000x128xf32, #tpu.memory_space<hbm>> -> memref<160x128xf32, #tpu.memory_space<hbm>>
      %dma_wait3A_233 = arith.constant 0 : i32
      %dma_wait3A_234 = arith.constant 0 : i32
      %dma_wait3A_235 = tpu.memref_slice %arg3[%dma_wait3A_233, %dma_wait3A_234] : memref<100000x128xf32, #tpu.memory_space<hbm>> -> memref<160x128xf32, #tpu.memory_space<hbm>>
      tpu.wait_dma2 semaphore(%arg16 : memref<!tpu.dma_semaphore, #tpu.memory_space<semaphore_mem>>) src(%dma_wait3A_235 : memref<160x128xf32, #tpu.memory_space<hbm>>) dst(%arg10 : memref<160x128xf32, #tpu.memory_space<vmem>>)
      %mul3A_236 = arith.constant 160 : i32
      %mul3A_237 = arith.muli %add3A_229, %mul3A_236 : i32
      %scan3A_238 = arith.constant 0 : i32
      %scan3A_239 = arith.constant 40 : i32
      %scan3A_240 = arith.addi %scan3A_238, %scan3A_239 : i32
      %scan3A_241 = arith.constant 1 : i32
      %scan3A_242:8 = scf.for %scan3A_286 = %scan3A_238 to %scan3A_240 step %scan3A_241 iter_args(%scan3A_287 = %scan3A_212#0, %scan3A_288 = %scan3A_212#1, %scan3A_289 = %scan3A_212#2, %scan3A_290 = %scan3A_212#3, %scan3A_291 = %scan3A_212#4, %scan3A_292 = %scan3A_212#5, %scan3A_293 = %scan3A_212#6, %scan3A_294 = %scan3A_212#7) -> (vector<16xf32>, vector<16xf32>, vector<16xf32>, vector<16xf32>, vector<16xf32>, vector<16xf32>, vector<16xf32>, vector<16xf32>)  : i32 {
        %mul3A_295 = arith.constant 4 : i32
        %mul3A_296 = arith.muli %scan3A_286, %mul3A_295 : i32
        %add3A_297 = arith.addi %mul3A_237, %mul3A_296 : i32
        %add3A_298 = arith.constant 0 : i32
        %add3A_299 = arith.addi %add3A_297, %add3A_298 : i32
        %broadcast_in_dim3A_300 = vector.broadcast %add3A_299 : i32 to vector<16xi32>
        %gather3A = tpu.vector_load_idx %arg6[%broadcast_in_dim3A_300] : memref<3200xf32, #tpu.memory_space<vmem>>[vector<16xi32>], vector<16xf32>,
        %mul3A_301 = arith.constant 4 : i32
        %mul3A_302 = arith.muli %scan3A_286, %mul3A_301 : i32
        %add3A_303 = arith.constant 0 : i32
        %add3A_304 = arith.addi %mul3A_302, %add3A_303 : i32
        %get3A = arith.index_cast %add3A_304 : i32 to index
        %get3A_305 = arith.constant 0 : index
        %get3A_306 = tpu.vector_load %arg10[%get3A, %get3A_305] {strides = array<i32>} : memref<160x128xf32, #tpu.memory_space<vmem>>, vector<16xf32>,
        %mul3A_307 = arith.mulf %get3A_306, %gather3A : vector<16xf32>
        %add3A_308 = arith.addf %scan3A_287, %mul3A_307 : vector<16xf32>
        %mul3A_309 = arith.constant 4 : i32
        %mul3A_310 = arith.muli %scan3A_286, %mul3A_309 : i32
        %add3A_311 = arith.constant 0 : i32
        %add3A_312 = arith.addi %mul3A_310, %add3A_311 : i32
        %get3A_313 = arith.index_cast %add3A_312 : i32 to index
        %get3A_314 = arith.constant 16 : index
        %get3A_315 = tpu.vector_load %arg10[%get3A_313, %get3A_314] {strides = array<i32>} : memref<160x128xf32, #tpu.memory_space<vmem>>, vector<16xf32>,
        %mul3A_316 = arith.mulf %get3A_315, %gather3A : vector<16xf32>
        %add3A_317 = arith.addf %scan3A_288, %mul3A_316 : vector<16xf32>
        %mul3A_318 = arith.constant 4 : i32
        %mul3A_319 = arith.muli %scan3A_286, %mul3A_318 : i32
        %add3A_320 = arith.constant 0 : i32
        %add3A_321 = arith.addi %mul3A_319, %add3A_320 : i32
        %get3A_322 = arith.index_cast %add3A_321 : i32 to index
        %get3A_323 = arith.constant 32 : index
        %get3A_324 = tpu.vector_load %arg10[%get3A_322, %get3A_323] {strides = array<i32>} : memref<160x128xf32, #tpu.memory_space<vmem>>, vector<16xf32>,
        %mul3A_325 = arith.mulf %get3A_324, %gather3A : vector<16xf32>
        %add3A_326 = arith.addf %scan3A_289, %mul3A_325 : vector<16xf32>
        %mul3A_327 = arith.constant 4 : i32
        %mul3A_328 = arith.muli %scan3A_286, %mul3A_327 : i32
        %add3A_329 = arith.constant 0 : i32
        %add3A_330 = arith.addi %mul3A_328, %add3A_329 : i32
        %get3A_331 = arith.index_cast %add3A_330 : i32 to index
        %get3A_332 = arith.constant 48 : index
        %get3A_333 = tpu.vector_load %arg10[%get3A_331, %get3A_332] {strides = array<i32>} : memref<160x128xf32, #tpu.memory_space<vmem>>, vector<16xf32>,
        %mul3A_334 = arith.mulf %get3A_333, %gather3A : vector<16xf32>
        %add3A_335 = arith.addf %scan3A_290, %mul3A_334 : vector<16xf32>
        %mul3A_336 = arith.constant 4 : i32
        %mul3A_337 = arith.muli %scan3A_286, %mul3A_336 : i32
        %add3A_338 = arith.constant 0 : i32
        %add3A_339 = arith.addi %mul3A_337, %add3A_338 : i32
        %get3A_340 = arith.index_cast %add3A_339 : i32 to index
        %get3A_341 = arith.constant 64 : index
        %get3A_342 = tpu.vector_load %arg10[%get3A_340, %get3A_341] {strides = array<i32>} : memref<160x128xf32, #tpu.memory_space<vmem>>, vector<16xf32>,
        %mul3A_343 = arith.mulf %get3A_342, %gather3A : vector<16xf32>
        %add3A_344 = arith.addf %scan3A_291, %mul3A_343 : vector<16xf32>
        %mul3A_345 = arith.constant 4 : i32
        %mul3A_346 = arith.muli %scan3A_286, %mul3A_345 : i32
        %add3A_347 = arith.constant 0 : i32
        %add3A_348 = arith.addi %mul3A_346, %add3A_347 : i32
        %get3A_349 = arith.index_cast %add3A_348 : i32 to index
        %get3A_350 = arith.constant 80 : index
        %get3A_351 = tpu.vector_load %arg10[%get3A_349, %get3A_350] {strides = array<i32>} : memref<160x128xf32, #tpu.memory_space<vmem>>, vector<16xf32>,
        %mul3A_352 = arith.mulf %get3A_351, %gather3A : vector<16xf32>
        %add3A_353 = arith.addf %scan3A_292, %mul3A_352 : vector<16xf32>
        %mul3A_354 = arith.constant 4 : i32
        %mul3A_355 = arith.muli %scan3A_286, %mul3A_354 : i32
        %add3A_356 = arith.constant 0 : i32
        %add3A_357 = arith.addi %mul3A_355, %add3A_356 : i32
        %get3A_358 = arith.index_cast %add3A_357 : i32 to index
        %get3A_359 = arith.constant 96 : index
        %get3A_360 = tpu.vector_load %arg10[%get3A_358, %get3A_359] {strides = array<i32>} : memref<160x128xf32, #tpu.memory_space<vmem>>, vector<16xf32>,
        %mul3A_361 = arith.mulf %get3A_360, %gather3A : vector<16xf32>
        %add3A_362 = arith.addf %scan3A_293, %mul3A_361 : vector<16xf32>
        %mul3A_363 = arith.constant 4 : i32
        %mul3A_364 = arith.muli %scan3A_286, %mul3A_363 : i32
        %add3A_365 = arith.constant 0 : i32
        %add3A_366 = arith.addi %mul3A_364, %add3A_365 : i32
        %get3A_367 = arith.index_cast %add3A_366 : i32 to index
        %get3A_368 = arith.constant 112 : index
        %get3A_369 = tpu.vector_load %arg10[%get3A_367, %get3A_368] {strides = array<i32>} : memref<160x128xf32, #tpu.memory_space<vmem>>, vector<16xf32>,
        %mul3A_370 = arith.mulf %get3A_369, %gather3A : vector<16xf32>
        %add3A_371 = arith.addf %scan3A_294, %mul3A_370 : vector<16xf32>
        %mul3A_372 = arith.constant 4 : i32
        %mul3A_373 = arith.muli %scan3A_286, %mul3A_372 : i32
        %add3A_374 = arith.addi %mul3A_237, %mul3A_373 : i32
        %add3A_375 = arith.constant 1 : i32
        %add3A_376 = arith.addi %add3A_374, %add3A_375 : i32
        %broadcast_in_dim3A_377 = vector.broadcast %add3A_376 : i32 to vector<16xi32>
        %gather3A_378 = tpu.vector_load_idx %arg6[%broadcast_in_dim3A_377] : memref<3200xf32, #tpu.memory_space<vmem>>[vector<16xi32>], vector<16xf32>,
        %mul3A_379 = arith.constant 4 : i32
        %mul3A_380 = arith.muli %scan3A_286, %mul3A_379 : i32
        %add3A_381 = arith.constant 1 : i32
        %add3A_382 = arith.addi %mul3A_380, %add3A_381 : i32
        %get3A_383 = arith.index_cast %add3A_382 : i32 to index
        %get3A_384 = arith.constant 0 : index
        %get3A_385 = tpu.vector_load %arg10[%get3A_383, %get3A_384] {strides = array<i32>} : memref<160x128xf32, #tpu.memory_space<vmem>>, vector<16xf32>,
        %mul3A_386 = arith.mulf %get3A_385, %gather3A_378 : vector<16xf32>
        %add3A_387 = arith.addf %add3A_308, %mul3A_386 : vector<16xf32>
        %mul3A_388 = arith.constant 4 : i32
        %mul3A_389 = arith.muli %scan3A_286, %mul3A_388 : i32
        %add3A_390 = arith.constant 1 : i32
        %add3A_391 = arith.addi %mul3A_389, %add3A_390 : i32
        %get3A_392 = arith.index_cast %add3A_391 : i32 to index
        %get3A_393 = arith.constant 16 : index
        %get3A_394 = tpu.vector_load %arg10[%get3A_392, %get3A_393] {strides = array<i32>} : memref<160x128xf32, #tpu.memory_space<vmem>>, vector<16xf32>,
        %mul3A_395 = arith.mulf %get3A_394, %gather3A_378 : vector<16xf32>
        %add3A_396 = arith.addf %add3A_317, %mul3A_395 : vector<16xf32>
        %mul3A_397 = arith.constant 4 : i32
        %mul3A_398 = arith.muli %scan3A_286, %mul3A_397 : i32
        %add3A_399 = arith.constant 1 : i32
        %add3A_400 = arith.addi %mul3A_398, %add3A_399 : i32
        %get3A_401 = arith.index_cast %add3A_400 : i32 to index
        %get3A_402 = arith.constant 32 : index
        %get3A_403 = tpu.vector_load %arg10[%get3A_401, %get3A_402] {strides = array<i32>} : memref<160x128xf32, #tpu.memory_space<vmem>>, vector<16xf32>,
        %mul3A_404 = arith.mulf %get3A_403, %gather3A_378 : vector<16xf32>
        %add3A_405 = arith.addf %add3A_326, %mul3A_404 : vector<16xf32>
        %mul3A_406 = arith.constant 4 : i32
        %mul3A_407 = arith.muli %scan3A_286, %mul3A_406 : i32
        %add3A_408 = arith.constant 1 : i32
        %add3A_409 = arith.addi %mul3A_407, %add3A_408 : i32
        %get3A_410 = arith.index_cast %add3A_409 : i32 to index
        %get3A_411 = arith.constant 48 : index
        %get3A_412 = tpu.vector_load %arg10[%get3A_410, %get3A_411] {strides = array<i32>} : memref<160x128xf32, #tpu.memory_space<vmem>>, vector<16xf32>,
        %mul3A_413 = arith.mulf %get3A_412, %gather3A_378 : vector<16xf32>
        %add3A_414 = arith.addf %add3A_335, %mul3A_413 : vector<16xf32>
        %mul3A_415 = arith.constant 4 : i32
        %mul3A_416 = arith.muli %scan3A_286, %mul3A_415 : i32
        %add3A_417 = arith.constant 1 : i32
        %add3A_418 = arith.addi %mul3A_416, %add3A_417 : i32
        %get3A_419 = arith.index_cast %add3A_418 : i32 to index
        %get3A_420 = arith.constant 64 : index
        %get3A_421 = tpu.vector_load %arg10[%get3A_419, %get3A_420] {strides = array<i32>} : memref<160x128xf32, #tpu.memory_space<vmem>>, vector<16xf32>,
        %mul3A_422 = arith.mulf %get3A_421, %gather3A_378 : vector<16xf32>
        %add3A_423 = arith.addf %add3A_344, %mul3A_422 : vector<16xf32>
        %mul3A_424 = arith.constant 4 : i32
        %mul3A_425 = arith.muli %scan3A_286, %mul3A_424 : i32
        %add3A_426 = arith.constant 1 : i32
        %add3A_427 = arith.addi %mul3A_425, %add3A_426 : i32
        %get3A_428 = arith.index_cast %add3A_427 : i32 to index
        %get3A_429 = arith.constant 80 : index
        %get3A_430 = tpu.vector_load %arg10[%get3A_428, %get3A_429] {strides = array<i32>} : memref<160x128xf32, #tpu.memory_space<vmem>>, vector<16xf32>,
        %mul3A_431 = arith.mulf %get3A_430, %gather3A_378 : vector<16xf32>
        %add3A_432 = arith.addf %add3A_353, %mul3A_431 : vector<16xf32>
        %mul3A_433 = arith.constant 4 : i32
        %mul3A_434 = arith.muli %scan3A_286, %mul3A_433 : i32
        %add3A_435 = arith.constant 1 : i32
        %add3A_436 = arith.addi %mul3A_434, %add3A_435 : i32
        %get3A_437 = arith.index_cast %add3A_436 : i32 to index
        %get3A_438 = arith.constant 96 : index
        %get3A_439 = tpu.vector_load %arg10[%get3A_437, %get3A_438] {strides = array<i32>} : memref<160x128xf32, #tpu.memory_space<vmem>>, vector<16xf32>,
        %mul3A_440 = arith.mulf %get3A_439, %gather3A_378 : vector<16xf32>
        %add3A_441 = arith.addf %add3A_362, %mul3A_440 : vector<16xf32>
        %mul3A_442 = arith.constant 4 : i32
        %mul3A_443 = arith.muli %scan3A_286, %mul3A_442 : i32
        %add3A_444 = arith.constant 1 : i32
        %add3A_445 = arith.addi %mul3A_443, %add3A_444 : i32
        %get3A_446 = arith.index_cast %add3A_445 : i32 to index
        %get3A_447 = arith.constant 112 : index
        %get3A_448 = tpu.vector_load %arg10[%get3A_446, %get3A_447] {strides = array<i32>} : memref<160x128xf32, #tpu.memory_space<vmem>>, vector<16xf32>,
        %mul3A_449 = arith.mulf %get3A_448, %gather3A_378 : vector<16xf32>
        %add3A_450 = arith.addf %add3A_371, %mul3A_449 : vector<16xf32>
        %mul3A_451 = arith.constant 4 : i32
        %mul3A_452 = arith.muli %scan3A_286, %mul3A_451 : i32
        %add3A_453 = arith.addi %mul3A_237, %mul3A_452 : i32
        %add3A_454 = arith.constant 2 : i32
        %add3A_455 = arith.addi %add3A_453, %add3A_454 : i32
        %broadcast_in_dim3A_456 = vector.broadcast %add3A_455 : i32 to vector<16xi32>
        %gather3A_457 = tpu.vector_load_idx %arg6[%broadcast_in_dim3A_456] : memref<3200xf32, #tpu.memory_space<vmem>>[vector<16xi32>], vector<16xf32>,
        %mul3A_458 = arith.constant 4 : i32
        %mul3A_459 = arith.muli %scan3A_286, %mul3A_458 : i32
        %add3A_460 = arith.constant 2 : i32
        %add3A_461 = arith.addi %mul3A_459, %add3A_460 : i32
        %get3A_462 = arith.index_cast %add3A_461 : i32 to index
        %get3A_463 = arith.constant 0 : index
        %get3A_464 = tpu.vector_load %arg10[%get3A_462, %get3A_463] {strides = array<i32>} : memref<160x128xf32, #tpu.memory_space<vmem>>, vector<16xf32>,
        %mul3A_465 = arith.mulf %get3A_464, %gather3A_457 : vector<16xf32>
        %add3A_466 = arith.addf %add3A_387, %mul3A_465 : vector<16xf32>
        %mul3A_467 = arith.constant 4 : i32
        %mul3A_468 = arith.muli %scan3A_286, %mul3A_467 : i32
        %add3A_469 = arith.constant 2 : i32
        %add3A_470 = arith.addi %mul3A_468, %add3A_469 : i32
        %get3A_471 = arith.index_cast %add3A_470 : i32 to index
        %get3A_472 = arith.constant 16 : index
        %get3A_473 = tpu.vector_load %arg10[%get3A_471, %get3A_472] {strides = array<i32>} : memref<160x128xf32, #tpu.memory_space<vmem>>, vector<16xf32>,
        %mul3A_474 = arith.mulf %get3A_473, %gather3A_457 : vector<16xf32>
        %add3A_475 = arith.addf %add3A_396, %mul3A_474 : vector<16xf32>
        %mul3A_476 = arith.constant 4 : i32
        %mul3A_477 = arith.muli %scan3A_286, %mul3A_476 : i32
        %add3A_478 = arith.constant 2 : i32
        %add3A_479 = arith.addi %mul3A_477, %add3A_478 : i32
        %get3A_480 = arith.index_cast %add3A_479 : i32 to index
        %get3A_481 = arith.constant 32 : index
        %get3A_482 = tpu.vector_load %arg10[%get3A_480, %get3A_481] {strides = array<i32>} : memref<160x128xf32, #tpu.memory_space<vmem>>, vector<16xf32>,
        %mul3A_483 = arith.mulf %get3A_482, %gather3A_457 : vector<16xf32>
        %add3A_484 = arith.addf %add3A_405, %mul3A_483 : vector<16xf32>
        %mul3A_485 = arith.constant 4 : i32
        %mul3A_486 = arith.muli %scan3A_286, %mul3A_485 : i32
        %add3A_487 = arith.constant 2 : i32
        %add3A_488 = arith.addi %mul3A_486, %add3A_487 : i32
        %get3A_489 = arith.index_cast %add3A_488 : i32 to index
        %get3A_490 = arith.constant 48 : index
        %get3A_491 = tpu.vector_load %arg10[%get3A_489, %get3A_490] {strides = array<i32>} : memref<160x128xf32, #tpu.memory_space<vmem>>, vector<16xf32>,
        %mul3A_492 = arith.mulf %get3A_491, %gather3A_457 : vector<16xf32>
        %add3A_493 = arith.addf %add3A_414, %mul3A_492 : vector<16xf32>
        %mul3A_494 = arith.constant 4 : i32
        %mul3A_495 = arith.muli %scan3A_286, %mul3A_494 : i32
        %add3A_496 = arith.constant 2 : i32
        %add3A_497 = arith.addi %mul3A_495, %add3A_496 : i32
        %get3A_498 = arith.index_cast %add3A_497 : i32 to index
        %get3A_499 = arith.constant 64 : index
        %get3A_500 = tpu.vector_load %arg10[%get3A_498, %get3A_499] {strides = array<i32>} : memref<160x128xf32, #tpu.memory_space<vmem>>, vector<16xf32>,
        %mul3A_501 = arith.mulf %get3A_500, %gather3A_457 : vector<16xf32>
        %add3A_502 = arith.addf %add3A_423, %mul3A_501 : vector<16xf32>
        %mul3A_503 = arith.constant 4 : i32
        %mul3A_504 = arith.muli %scan3A_286, %mul3A_503 : i32
        %add3A_505 = arith.constant 2 : i32
        %add3A_506 = arith.addi %mul3A_504, %add3A_505 : i32
        %get3A_507 = arith.index_cast %add3A_506 : i32 to index
        %get3A_508 = arith.constant 80 : index
        %get3A_509 = tpu.vector_load %arg10[%get3A_507, %get3A_508] {strides = array<i32>} : memref<160x128xf32, #tpu.memory_space<vmem>>, vector<16xf32>,
        %mul3A_510 = arith.mulf %get3A_509, %gather3A_457 : vector<16xf32>
        %add3A_511 = arith.addf %add3A_432, %mul3A_510 : vector<16xf32>
        %mul3A_512 = arith.constant 4 : i32
        %mul3A_513 = arith.muli %scan3A_286, %mul3A_512 : i32
        %add3A_514 = arith.constant 2 : i32
        %add3A_515 = arith.addi %mul3A_513, %add3A_514 : i32
        %get3A_516 = arith.index_cast %add3A_515 : i32 to index
        %get3A_517 = arith.constant 96 : index
        %get3A_518 = tpu.vector_load %arg10[%get3A_516, %get3A_517] {strides = array<i32>} : memref<160x128xf32, #tpu.memory_space<vmem>>, vector<16xf32>,
        %mul3A_519 = arith.mulf %get3A_518, %gather3A_457 : vector<16xf32>
        %add3A_520 = arith.addf %add3A_441, %mul3A_519 : vector<16xf32>
        %mul3A_521 = arith.constant 4 : i32
        %mul3A_522 = arith.muli %scan3A_286, %mul3A_521 : i32
        %add3A_523 = arith.constant 2 : i32
        %add3A_524 = arith.addi %mul3A_522, %add3A_523 : i32
        %get3A_525 = arith.index_cast %add3A_524 : i32 to index
        %get3A_526 = arith.constant 112 : index
        %get3A_527 = tpu.vector_load %arg10[%get3A_525, %get3A_526] {strides = array<i32>} : memref<160x128xf32, #tpu.memory_space<vmem>>, vector<16xf32>,
        %mul3A_528 = arith.mulf %get3A_527, %gather3A_457 : vector<16xf32>
        %add3A_529 = arith.addf %add3A_450, %mul3A_528 : vector<16xf32>
        %mul3A_530 = arith.constant 4 : i32
        %mul3A_531 = arith.muli %scan3A_286, %mul3A_530 : i32
        %add3A_532 = arith.addi %mul3A_237, %mul3A_531 : i32
        %add3A_533 = arith.constant 3 : i32
        %add3A_534 = arith.addi %add3A_532, %add3A_533 : i32
        %broadcast_in_dim3A_535 = vector.broadcast %add3A_534 : i32 to vector<16xi32>
        %gather3A_536 = tpu.vector_load_idx %arg6[%broadcast_in_dim3A_535] : memref<3200xf32, #tpu.memory_space<vmem>>[vector<16xi32>], vector<16xf32>,
        %mul3A_537 = arith.constant 4 : i32
        %mul3A_538 = arith.muli %scan3A_286, %mul3A_537 : i32
        %add3A_539 = arith.constant 3 : i32
        %add3A_540 = arith.addi %mul3A_538, %add3A_539 : i32
        %get3A_541 = arith.index_cast %add3A_540 : i32 to index
        %get3A_542 = arith.constant 0 : index
        %get3A_543 = tpu.vector_load %arg10[%get3A_541, %get3A_542] {strides = array<i32>} : memref<160x128xf32, #tpu.memory_space<vmem>>, vector<16xf32>,
        %mul3A_544 = arith.mulf %get3A_543, %gather3A_536 : vector<16xf32>
        %add3A_545 = arith.addf %add3A_466, %mul3A_544 : vector<16xf32>
        %mul3A_546 = arith.constant 4 : i32
        %mul3A_547 = arith.muli %scan3A_286, %mul3A_546 : i32
        %add3A_548 = arith.constant 3 : i32
        %add3A_549 = arith.addi %mul3A_547, %add3A_548 : i32
        %get3A_550 = arith.index_cast %add3A_549 : i32 to index
        %get3A_551 = arith.constant 16 : index
        %get3A_552 = tpu.vector_load %arg10[%get3A_550, %get3A_551] {strides = array<i32>} : memref<160x128xf32, #tpu.memory_space<vmem>>, vector<16xf32>,
        %mul3A_553 = arith.mulf %get3A_552, %gather3A_536 : vector<16xf32>
        %add3A_554 = arith.addf %add3A_475, %mul3A_553 : vector<16xf32>
        %mul3A_555 = arith.constant 4 : i32
        %mul3A_556 = arith.muli %scan3A_286, %mul3A_555 : i32
        %add3A_557 = arith.constant 3 : i32
        %add3A_558 = arith.addi %mul3A_556, %add3A_557 : i32
        %get3A_559 = arith.index_cast %add3A_558 : i32 to index
        %get3A_560 = arith.constant 32 : index
        %get3A_561 = tpu.vector_load %arg10[%get3A_559, %get3A_560] {strides = array<i32>} : memref<160x128xf32, #tpu.memory_space<vmem>>, vector<16xf32>,
        %mul3A_562 = arith.mulf %get3A_561, %gather3A_536 : vector<16xf32>
        %add3A_563 = arith.addf %add3A_484, %mul3A_562 : vector<16xf32>
        %mul3A_564 = arith.constant 4 : i32
        %mul3A_565 = arith.muli %scan3A_286, %mul3A_564 : i32
        %add3A_566 = arith.constant 3 : i32
        %add3A_567 = arith.addi %mul3A_565, %add3A_566 : i32
        %get3A_568 = arith.index_cast %add3A_567 : i32 to index
        %get3A_569 = arith.constant 48 : index
        %get3A_570 = tpu.vector_load %arg10[%get3A_568, %get3A_569] {strides = array<i32>} : memref<160x128xf32, #tpu.memory_space<vmem>>, vector<16xf32>,
        %mul3A_571 = arith.mulf %get3A_570, %gather3A_536 : vector<16xf32>
        %add3A_572 = arith.addf %add3A_493, %mul3A_571 : vector<16xf32>
        %mul3A_573 = arith.constant 4 : i32
        %mul3A_574 = arith.muli %scan3A_286, %mul3A_573 : i32
        %add3A_575 = arith.constant 3 : i32
        %add3A_576 = arith.addi %mul3A_574, %add3A_575 : i32
        %get3A_577 = arith.index_cast %add3A_576 : i32 to index
        %get3A_578 = arith.constant 64 : index
        %get3A_579 = tpu.vector_load %arg10[%get3A_577, %get3A_578] {strides = array<i32>} : memref<160x128xf32, #tpu.memory_space<vmem>>, vector<16xf32>,
        %mul3A_580 = arith.mulf %get3A_579, %gather3A_536 : vector<16xf32>
        %add3A_581 = arith.addf %add3A_502, %mul3A_580 : vector<16xf32>
        %mul3A_582 = arith.constant 4 : i32
        %mul3A_583 = arith.muli %scan3A_286, %mul3A_582 : i32
        %add3A_584 = arith.constant 3 : i32
        %add3A_585 = arith.addi %mul3A_583, %add3A_584 : i32
        %get3A_586 = arith.index_cast %add3A_585 : i32 to index
        %get3A_587 = arith.constant 80 : index
        %get3A_588 = tpu.vector_load %arg10[%get3A_586, %get3A_587] {strides = array<i32>} : memref<160x128xf32, #tpu.memory_space<vmem>>, vector<16xf32>,
        %mul3A_589 = arith.mulf %get3A_588, %gather3A_536 : vector<16xf32>
        %add3A_590 = arith.addf %add3A_511, %mul3A_589 : vector<16xf32>
        %mul3A_591 = arith.constant 4 : i32
        %mul3A_592 = arith.muli %scan3A_286, %mul3A_591 : i32
        %add3A_593 = arith.constant 3 : i32
        %add3A_594 = arith.addi %mul3A_592, %add3A_593 : i32
        %get3A_595 = arith.index_cast %add3A_594 : i32 to index
        %get3A_596 = arith.constant 96 : index
        %get3A_597 = tpu.vector_load %arg10[%get3A_595, %get3A_596] {strides = array<i32>} : memref<160x128xf32, #tpu.memory_space<vmem>>, vector<16xf32>,
        %mul3A_598 = arith.mulf %get3A_597, %gather3A_536 : vector<16xf32>
        %add3A_599 = arith.addf %add3A_520, %mul3A_598 : vector<16xf32>
        %mul3A_600 = arith.constant 4 : i32
        %mul3A_601 = arith.muli %scan3A_286, %mul3A_600 : i32
        %add3A_602 = arith.constant 3 : i32
        %add3A_603 = arith.addi %mul3A_601, %add3A_602 : i32
        %get3A_604 = arith.index_cast %add3A_603 : i32 to index
        %get3A_605 = arith.constant 112 : index
        %get3A_606 = tpu.vector_load %arg10[%get3A_604, %get3A_605] {strides = array<i32>} : memref<160x128xf32, #tpu.memory_space<vmem>>, vector<16xf32>,
        %mul3A_607 = arith.mulf %get3A_606, %gather3A_536 : vector<16xf32>
        %add3A_608 = arith.addf %add3A_529, %mul3A_607 : vector<16xf32>
        scf.yield %add3A_545, %add3A_554, %add3A_563, %add3A_572, %add3A_581, %add3A_590, %add3A_599, %add3A_608 : vector<16xf32>, vector<16xf32>, vector<16xf32>, vector<16xf32>, vector<16xf32>, vector<16xf32>, vector<16xf32>, vector<16xf32>
      }
      %scan3A_243 = arith.constant 40 : i32
      %add3A_244 = arith.constant 5 : i32
      %add3A_245 = arith.addi %add3A_229, %add3A_244 : i32
      %sub3A_246 = arith.constant 1 : i32
      %sub3A_247 = arith.subi %div3A_5, %sub3A_246 : i32
      %min3A_248 = arith.minsi %add3A_245, %sub3A_247 : i32
      %mul3A_249 = arith.constant 160 : i32
      %mul3A_250 = arith.muli %min3A_248, %mul3A_249 : i32
      %add3A_251 = arith.addi %mul3A_2, %mul3A_250 : i32
      %dma_start3A_252 = arith.constant 0 : i32
      %dma_start3A_253 = tpu.memref_slice %arg3[%add3A_251, %dma_start3A_252] : memref<100000x128xf32, #tpu.memory_space<hbm>> -> memref<160x128xf32, #tpu.memory_space<hbm>>
      %dma_start3A_254 = arith.constant 0 : i32
      %dma_start3A_255 = tpu.memref_slice %arg3[%add3A_251, %dma_start3A_254] : memref<100000x128xf32, #tpu.memory_space<hbm>> -> memref<160x128xf32, #tpu.memory_space<hbm>>
      tpu.enqueue_dma source(%dma_start3A_255 : memref<160x128xf32, #tpu.memory_space<hbm>>) target(%arg10 : memref<160x128xf32, #tpu.memory_space<vmem>>) target_semaphore(%arg16 : memref<!tpu.dma_semaphore, #tpu.memory_space<semaphore_mem>>)
      %mul3A_256 = arith.constant 5 : i32
      %mul3A_257 = arith.muli %while3A_127, %mul3A_256 : i32
      %add3A_258 = arith.constant 4 : i32
      %add3A_259 = arith.addi %mul3A_257, %add3A_258 : i32
      %dma_wait3A_260 = arith.constant 0 : i32
      %dma_wait3A_261 = arith.constant 0 : i32
      %dma_wait3A_262 = tpu.memref_slice %arg3[%dma_wait3A_260, %dma_wait3A_261] : memref<100000x128xf32, #tpu.memory_space<hbm>> -> memref<160x128xf32, #tpu.memory_space<hbm>>
      %dma_wait3A_263 = arith.constant 0 : i32
      %dma_wait3A_264 = arith.constant 0 : i32
      %dma_wait3A_265 = tpu.memref_slice %arg3[%dma_wait3A_263, %dma_wait3A_264] : memref<100000x128xf32, #tpu.memory_space<hbm>> -> memref<160x128xf32, #tpu.memory_space<hbm>>
      tpu.wait_dma2 semaphore(%arg17 : memref<!tpu.dma_semaphore, #tpu.memory_space<semaphore_mem>>) src(%dma_wait3A_265 : memref<160x128xf32, #tpu.memory_space<hbm>>) dst(%arg11 : memref<160x128xf32, #tpu.memory_space<vmem>>)
      %mul3A_266 = arith.constant 160 : i32
      %mul3A_267 = arith.muli %add3A_259, %mul3A_266 : i32
      %scan3A_268 = arith.constant 0 : i32
      %scan3A_269 = arith.constant 40 : i32
      %scan3A_270 = arith.addi %scan3A_268, %scan3A_269 : i32
      %scan3A_271 = arith.constant 1 : i32
      %scan3A_272:8 = scf.for %scan3A_286 = %scan3A_268 to %scan3A_270 step %scan3A_271 iter_args(%scan3A_287 = %scan3A_242#0, %scan3A_288 = %scan3A_242#1, %scan3A_289 = %scan3A_242#2, %scan3A_290 = %scan3A_242#3, %scan3A_291 = %scan3A_242#4, %scan3A_292 = %scan3A_242#5, %scan3A_293 = %scan3A_242#6, %scan3A_294 = %scan3A_242#7) -> (vector<16xf32>, vector<16xf32>, vector<16xf32>, vector<16xf32>, vector<16xf32>, vector<16xf32>, vector<16xf32>, vector<16xf32>)  : i32 {
        %mul3A_295 = arith.constant 4 : i32
        %mul3A_296 = arith.muli %scan3A_286, %mul3A_295 : i32
        %add3A_297 = arith.addi %mul3A_267, %mul3A_296 : i32
        %add3A_298 = arith.constant 0 : i32
        %add3A_299 = arith.addi %add3A_297, %add3A_298 : i32
        %broadcast_in_dim3A_300 = vector.broadcast %add3A_299 : i32 to vector<16xi32>
        %gather3A = tpu.vector_load_idx %arg6[%broadcast_in_dim3A_300] : memref<3200xf32, #tpu.memory_space<vmem>>[vector<16xi32>], vector<16xf32>,
        %mul3A_301 = arith.constant 4 : i32
        %mul3A_302 = arith.muli %scan3A_286, %mul3A_301 : i32
        %add3A_303 = arith.constant 0 : i32
        %add3A_304 = arith.addi %mul3A_302, %add3A_303 : i32
        %get3A = arith.index_cast %add3A_304 : i32 to index
        %get3A_305 = arith.constant 0 : index
        %get3A_306 = tpu.vector_load %arg11[%get3A, %get3A_305] {strides = array<i32>} : memref<160x128xf32, #tpu.memory_space<vmem>>, vector<16xf32>,
        %mul3A_307 = arith.mulf %get3A_306, %gather3A : vector<16xf32>
        %add3A_308 = arith.addf %scan3A_287, %mul3A_307 : vector<16xf32>
        %mul3A_309 = arith.constant 4 : i32
        %mul3A_310 = arith.muli %scan3A_286, %mul3A_309 : i32
        %add3A_311 = arith.constant 0 : i32
        %add3A_312 = arith.addi %mul3A_310, %add3A_311 : i32
        %get3A_313 = arith.index_cast %add3A_312 : i32 to index
        %get3A_314 = arith.constant 16 : index
        %get3A_315 = tpu.vector_load %arg11[%get3A_313, %get3A_314] {strides = array<i32>} : memref<160x128xf32, #tpu.memory_space<vmem>>, vector<16xf32>,
        %mul3A_316 = arith.mulf %get3A_315, %gather3A : vector<16xf32>
        %add3A_317 = arith.addf %scan3A_288, %mul3A_316 : vector<16xf32>
        %mul3A_318 = arith.constant 4 : i32
        %mul3A_319 = arith.muli %scan3A_286, %mul3A_318 : i32
        %add3A_320 = arith.constant 0 : i32
        %add3A_321 = arith.addi %mul3A_319, %add3A_320 : i32
        %get3A_322 = arith.index_cast %add3A_321 : i32 to index
        %get3A_323 = arith.constant 32 : index
        %get3A_324 = tpu.vector_load %arg11[%get3A_322, %get3A_323] {strides = array<i32>} : memref<160x128xf32, #tpu.memory_space<vmem>>, vector<16xf32>,
        %mul3A_325 = arith.mulf %get3A_324, %gather3A : vector<16xf32>
        %add3A_326 = arith.addf %scan3A_289, %mul3A_325 : vector<16xf32>
        %mul3A_327 = arith.constant 4 : i32
        %mul3A_328 = arith.muli %scan3A_286, %mul3A_327 : i32
        %add3A_329 = arith.constant 0 : i32
        %add3A_330 = arith.addi %mul3A_328, %add3A_329 : i32
        %get3A_331 = arith.index_cast %add3A_330 : i32 to index
        %get3A_332 = arith.constant 48 : index
        %get3A_333 = tpu.vector_load %arg11[%get3A_331, %get3A_332] {strides = array<i32>} : memref<160x128xf32, #tpu.memory_space<vmem>>, vector<16xf32>,
        %mul3A_334 = arith.mulf %get3A_333, %gather3A : vector<16xf32>
        %add3A_335 = arith.addf %scan3A_290, %mul3A_334 : vector<16xf32>
        %mul3A_336 = arith.constant 4 : i32
        %mul3A_337 = arith.muli %scan3A_286, %mul3A_336 : i32
        %add3A_338 = arith.constant 0 : i32
        %add3A_339 = arith.addi %mul3A_337, %add3A_338 : i32
        %get3A_340 = arith.index_cast %add3A_339 : i32 to index
        %get3A_341 = arith.constant 64 : index
        %get3A_342 = tpu.vector_load %arg11[%get3A_340, %get3A_341] {strides = array<i32>} : memref<160x128xf32, #tpu.memory_space<vmem>>, vector<16xf32>,
        %mul3A_343 = arith.mulf %get3A_342, %gather3A : vector<16xf32>
        %add3A_344 = arith.addf %scan3A_291, %mul3A_343 : vector<16xf32>
        %mul3A_345 = arith.constant 4 : i32
        %mul3A_346 = arith.muli %scan3A_286, %mul3A_345 : i32
        %add3A_347 = arith.constant 0 : i32
        %add3A_348 = arith.addi %mul3A_346, %add3A_347 : i32
        %get3A_349 = arith.index_cast %add3A_348 : i32 to index
        %get3A_350 = arith.constant 80 : index
        %get3A_351 = tpu.vector_load %arg11[%get3A_349, %get3A_350] {strides = array<i32>} : memref<160x128xf32, #tpu.memory_space<vmem>>, vector<16xf32>,
        %mul3A_352 = arith.mulf %get3A_351, %gather3A : vector<16xf32>
        %add3A_353 = arith.addf %scan3A_292, %mul3A_352 : vector<16xf32>
        %mul3A_354 = arith.constant 4 : i32
        %mul3A_355 = arith.muli %scan3A_286, %mul3A_354 : i32
        %add3A_356 = arith.constant 0 : i32
        %add3A_357 = arith.addi %mul3A_355, %add3A_356 : i32
        %get3A_358 = arith.index_cast %add3A_357 : i32 to index
        %get3A_359 = arith.constant 96 : index
        %get3A_360 = tpu.vector_load %arg11[%get3A_358, %get3A_359] {strides = array<i32>} : memref<160x128xf32, #tpu.memory_space<vmem>>, vector<16xf32>,
        %mul3A_361 = arith.mulf %get3A_360, %gather3A : vector<16xf32>
        %add3A_362 = arith.addf %scan3A_293, %mul3A_361 : vector<16xf32>
        %mul3A_363 = arith.constant 4 : i32
        %mul3A_364 = arith.muli %scan3A_286, %mul3A_363 : i32
        %add3A_365 = arith.constant 0 : i32
        %add3A_366 = arith.addi %mul3A_364, %add3A_365 : i32
        %get3A_367 = arith.index_cast %add3A_366 : i32 to index
        %get3A_368 = arith.constant 112 : index
        %get3A_369 = tpu.vector_load %arg11[%get3A_367, %get3A_368] {strides = array<i32>} : memref<160x128xf32, #tpu.memory_space<vmem>>, vector<16xf32>,
        %mul3A_370 = arith.mulf %get3A_369, %gather3A : vector<16xf32>
        %add3A_371 = arith.addf %scan3A_294, %mul3A_370 : vector<16xf32>
        %mul3A_372 = arith.constant 4 : i32
        %mul3A_373 = arith.muli %scan3A_286, %mul3A_372 : i32
        %add3A_374 = arith.addi %mul3A_267, %mul3A_373 : i32
        %add3A_375 = arith.constant 1 : i32
        %add3A_376 = arith.addi %add3A_374, %add3A_375 : i32
        %broadcast_in_dim3A_377 = vector.broadcast %add3A_376 : i32 to vector<16xi32>
        %gather3A_378 = tpu.vector_load_idx %arg6[%broadcast_in_dim3A_377] : memref<3200xf32, #tpu.memory_space<vmem>>[vector<16xi32>], vector<16xf32>,
        %mul3A_379 = arith.constant 4 : i32
        %mul3A_380 = arith.muli %scan3A_286, %mul3A_379 : i32
        %add3A_381 = arith.constant 1 : i32
        %add3A_382 = arith.addi %mul3A_380, %add3A_381 : i32
        %get3A_383 = arith.index_cast %add3A_382 : i32 to index
        %get3A_384 = arith.constant 0 : index
        %get3A_385 = tpu.vector_load %arg11[%get3A_383, %get3A_384] {strides = array<i32>} : memref<160x128xf32, #tpu.memory_space<vmem>>, vector<16xf32>,
        %mul3A_386 = arith.mulf %get3A_385, %gather3A_378 : vector<16xf32>
        %add3A_387 = arith.addf %add3A_308, %mul3A_386 : vector<16xf32>
        %mul3A_388 = arith.constant 4 : i32
        %mul3A_389 = arith.muli %scan3A_286, %mul3A_388 : i32
        %add3A_390 = arith.constant 1 : i32
        %add3A_391 = arith.addi %mul3A_389, %add3A_390 : i32
        %get3A_392 = arith.index_cast %add3A_391 : i32 to index
        %get3A_393 = arith.constant 16 : index
        %get3A_394 = tpu.vector_load %arg11[%get3A_392, %get3A_393] {strides = array<i32>} : memref<160x128xf32, #tpu.memory_space<vmem>>, vector<16xf32>,
        %mul3A_395 = arith.mulf %get3A_394, %gather3A_378 : vector<16xf32>
        %add3A_396 = arith.addf %add3A_317, %mul3A_395 : vector<16xf32>
        %mul3A_397 = arith.constant 4 : i32
        %mul3A_398 = arith.muli %scan3A_286, %mul3A_397 : i32
        %add3A_399 = arith.constant 1 : i32
        %add3A_400 = arith.addi %mul3A_398, %add3A_399 : i32
        %get3A_401 = arith.index_cast %add3A_400 : i32 to index
        %get3A_402 = arith.constant 32 : index
        %get3A_403 = tpu.vector_load %arg11[%get3A_401, %get3A_402] {strides = array<i32>} : memref<160x128xf32, #tpu.memory_space<vmem>>, vector<16xf32>,
        %mul3A_404 = arith.mulf %get3A_403, %gather3A_378 : vector<16xf32>
        %add3A_405 = arith.addf %add3A_326, %mul3A_404 : vector<16xf32>
        %mul3A_406 = arith.constant 4 : i32
        %mul3A_407 = arith.muli %scan3A_286, %mul3A_406 : i32
        %add3A_408 = arith.constant 1 : i32
        %add3A_409 = arith.addi %mul3A_407, %add3A_408 : i32
        %get3A_410 = arith.index_cast %add3A_409 : i32 to index
        %get3A_411 = arith.constant 48 : index
        %get3A_412 = tpu.vector_load %arg11[%get3A_410, %get3A_411] {strides = array<i32>} : memref<160x128xf32, #tpu.memory_space<vmem>>, vector<16xf32>,
        %mul3A_413 = arith.mulf %get3A_412, %gather3A_378 : vector<16xf32>
        %add3A_414 = arith.addf %add3A_335, %mul3A_413 : vector<16xf32>
        %mul3A_415 = arith.constant 4 : i32
        %mul3A_416 = arith.muli %scan3A_286, %mul3A_415 : i32
        %add3A_417 = arith.constant 1 : i32
        %add3A_418 = arith.addi %mul3A_416, %add3A_417 : i32
        %get3A_419 = arith.index_cast %add3A_418 : i32 to index
        %get3A_420 = arith.constant 64 : index
        %get3A_421 = tpu.vector_load %arg11[%get3A_419, %get3A_420] {strides = array<i32>} : memref<160x128xf32, #tpu.memory_space<vmem>>, vector<16xf32>,
        %mul3A_422 = arith.mulf %get3A_421, %gather3A_378 : vector<16xf32>
        %add3A_423 = arith.addf %add3A_344, %mul3A_422 : vector<16xf32>
        %mul3A_424 = arith.constant 4 : i32
        %mul3A_425 = arith.muli %scan3A_286, %mul3A_424 : i32
        %add3A_426 = arith.constant 1 : i32
        %add3A_427 = arith.addi %mul3A_425, %add3A_426 : i32
        %get3A_428 = arith.index_cast %add3A_427 : i32 to index
        %get3A_429 = arith.constant 80 : index
        %get3A_430 = tpu.vector_load %arg11[%get3A_428, %get3A_429] {strides = array<i32>} : memref<160x128xf32, #tpu.memory_space<vmem>>, vector<16xf32>,
        %mul3A_431 = arith.mulf %get3A_430, %gather3A_378 : vector<16xf32>
        %add3A_432 = arith.addf %add3A_353, %mul3A_431 : vector<16xf32>
        %mul3A_433 = arith.constant 4 : i32
        %mul3A_434 = arith.muli %scan3A_286, %mul3A_433 : i32
        %add3A_435 = arith.constant 1 : i32
        %add3A_436 = arith.addi %mul3A_434, %add3A_435 : i32
        %get3A_437 = arith.index_cast %add3A_436 : i32 to index
        %get3A_438 = arith.constant 96 : index
        %get3A_439 = tpu.vector_load %arg11[%get3A_437, %get3A_438] {strides = array<i32>} : memref<160x128xf32, #tpu.memory_space<vmem>>, vector<16xf32>,
        %mul3A_440 = arith.mulf %get3A_439, %gather3A_378 : vector<16xf32>
        %add3A_441 = arith.addf %add3A_362, %mul3A_440 : vector<16xf32>
        %mul3A_442 = arith.constant 4 : i32
        %mul3A_443 = arith.muli %scan3A_286, %mul3A_442 : i32
        %add3A_444 = arith.constant 1 : i32
        %add3A_445 = arith.addi %mul3A_443, %add3A_444 : i32
        %get3A_446 = arith.index_cast %add3A_445 : i32 to index
        %get3A_447 = arith.constant 112 : index
        %get3A_448 = tpu.vector_load %arg11[%get3A_446, %get3A_447] {strides = array<i32>} : memref<160x128xf32, #tpu.memory_space<vmem>>, vector<16xf32>,
        %mul3A_449 = arith.mulf %get3A_448, %gather3A_378 : vector<16xf32>
        %add3A_450 = arith.addf %add3A_371, %mul3A_449 : vector<16xf32>
        %mul3A_451 = arith.constant 4 : i32
        %mul3A_452 = arith.muli %scan3A_286, %mul3A_451 : i32
        %add3A_453 = arith.addi %mul3A_267, %mul3A_452 : i32
        %add3A_454 = arith.constant 2 : i32
        %add3A_455 = arith.addi %add3A_453, %add3A_454 : i32
        %broadcast_in_dim3A_456 = vector.broadcast %add3A_455 : i32 to vector<16xi32>
        %gather3A_457 = tpu.vector_load_idx %arg6[%broadcast_in_dim3A_456] : memref<3200xf32, #tpu.memory_space<vmem>>[vector<16xi32>], vector<16xf32>,
        %mul3A_458 = arith.constant 4 : i32
        %mul3A_459 = arith.muli %scan3A_286, %mul3A_458 : i32
        %add3A_460 = arith.constant 2 : i32
        %add3A_461 = arith.addi %mul3A_459, %add3A_460 : i32
        %get3A_462 = arith.index_cast %add3A_461 : i32 to index
        %get3A_463 = arith.constant 0 : index
        %get3A_464 = tpu.vector_load %arg11[%get3A_462, %get3A_463] {strides = array<i32>} : memref<160x128xf32, #tpu.memory_space<vmem>>, vector<16xf32>,
        %mul3A_465 = arith.mulf %get3A_464, %gather3A_457 : vector<16xf32>
        %add3A_466 = arith.addf %add3A_387, %mul3A_465 : vector<16xf32>
        %mul3A_467 = arith.constant 4 : i32
        %mul3A_468 = arith.muli %scan3A_286, %mul3A_467 : i32
        %add3A_469 = arith.constant 2 : i32
        %add3A_470 = arith.addi %mul3A_468, %add3A_469 : i32
        %get3A_471 = arith.index_cast %add3A_470 : i32 to index
        %get3A_472 = arith.constant 16 : index
        %get3A_473 = tpu.vector_load %arg11[%get3A_471, %get3A_472] {strides = array<i32>} : memref<160x128xf32, #tpu.memory_space<vmem>>, vector<16xf32>,
        %mul3A_474 = arith.mulf %get3A_473, %gather3A_457 : vector<16xf32>
        %add3A_475 = arith.addf %add3A_396, %mul3A_474 : vector<16xf32>
        %mul3A_476 = arith.constant 4 : i32
        %mul3A_477 = arith.muli %scan3A_286, %mul3A_476 : i32
        %add3A_478 = arith.constant 2 : i32
        %add3A_479 = arith.addi %mul3A_477, %add3A_478 : i32
        %get3A_480 = arith.index_cast %add3A_479 : i32 to index
        %get3A_481 = arith.constant 32 : index
        %get3A_482 = tpu.vector_load %arg11[%get3A_480, %get3A_481] {strides = array<i32>} : memref<160x128xf32, #tpu.memory_space<vmem>>, vector<16xf32>,
        %mul3A_483 = arith.mulf %get3A_482, %gather3A_457 : vector<16xf32>
        %add3A_484 = arith.addf %add3A_405, %mul3A_483 : vector<16xf32>
        %mul3A_485 = arith.constant 4 : i32
        %mul3A_486 = arith.muli %scan3A_286, %mul3A_485 : i32
        %add3A_487 = arith.constant 2 : i32
        %add3A_488 = arith.addi %mul3A_486, %add3A_487 : i32
        %get3A_489 = arith.index_cast %add3A_488 : i32 to index
        %get3A_490 = arith.constant 48 : index
        %get3A_491 = tpu.vector_load %arg11[%get3A_489, %get3A_490] {strides = array<i32>} : memref<160x128xf32, #tpu.memory_space<vmem>>, vector<16xf32>,
        %mul3A_492 = arith.mulf %get3A_491, %gather3A_457 : vector<16xf32>
        %add3A_493 = arith.addf %add3A_414, %mul3A_492 : vector<16xf32>
        %mul3A_494 = arith.constant 4 : i32
        %mul3A_495 = arith.muli %scan3A_286, %mul3A_494 : i32
        %add3A_496 = arith.constant 2 : i32
        %add3A_497 = arith.addi %mul3A_495, %add3A_496 : i32
        %get3A_498 = arith.index_cast %add3A_497 : i32 to index
        %get3A_499 = arith.constant 64 : index
        %get3A_500 = tpu.vector_load %arg11[%get3A_498, %get3A_499] {strides = array<i32>} : memref<160x128xf32, #tpu.memory_space<vmem>>, vector<16xf32>,
        %mul3A_501 = arith.mulf %get3A_500, %gather3A_457 : vector<16xf32>
        %add3A_502 = arith.addf %add3A_423, %mul3A_501 : vector<16xf32>
        %mul3A_503 = arith.constant 4 : i32
        %mul3A_504 = arith.muli %scan3A_286, %mul3A_503 : i32
        %add3A_505 = arith.constant 2 : i32
        %add3A_506 = arith.addi %mul3A_504, %add3A_505 : i32
        %get3A_507 = arith.index_cast %add3A_506 : i32 to index
        %get3A_508 = arith.constant 80 : index
        %get3A_509 = tpu.vector_load %arg11[%get3A_507, %get3A_508] {strides = array<i32>} : memref<160x128xf32, #tpu.memory_space<vmem>>, vector<16xf32>,
        %mul3A_510 = arith.mulf %get3A_509, %gather3A_457 : vector<16xf32>
        %add3A_511 = arith.addf %add3A_432, %mul3A_510 : vector<16xf32>
        %mul3A_512 = arith.constant 4 : i32
        %mul3A_513 = arith.muli %scan3A_286, %mul3A_512 : i32
        %add3A_514 = arith.constant 2 : i32
        %add3A_515 = arith.addi %mul3A_513, %add3A_514 : i32
        %get3A_516 = arith.index_cast %add3A_515 : i32 to index
        %get3A_517 = arith.constant 96 : index
        %get3A_518 = tpu.vector_load %arg11[%get3A_516, %get3A_517] {strides = array<i32>} : memref<160x128xf32, #tpu.memory_space<vmem>>, vector<16xf32>,
        %mul3A_519 = arith.mulf %get3A_518, %gather3A_457 : vector<16xf32>
        %add3A_520 = arith.addf %add3A_441, %mul3A_519 : vector<16xf32>
        %mul3A_521 = arith.constant 4 : i32
        %mul3A_522 = arith.muli %scan3A_286, %mul3A_521 : i32
        %add3A_523 = arith.constant 2 : i32
        %add3A_524 = arith.addi %mul3A_522, %add3A_523 : i32
        %get3A_525 = arith.index_cast %add3A_524 : i32 to index
        %get3A_526 = arith.constant 112 : index
        %get3A_527 = tpu.vector_load %arg11[%get3A_525, %get3A_526] {strides = array<i32>} : memref<160x128xf32, #tpu.memory_space<vmem>>, vector<16xf32>,
        %mul3A_528 = arith.mulf %get3A_527, %gather3A_457 : vector<16xf32>
        %add3A_529 = arith.addf %add3A_450, %mul3A_528 : vector<16xf32>
        %mul3A_530 = arith.constant 4 : i32
        %mul3A_531 = arith.muli %scan3A_286, %mul3A_530 : i32
        %add3A_532 = arith.addi %mul3A_267, %mul3A_531 : i32
        %add3A_533 = arith.constant 3 : i32
        %add3A_534 = arith.addi %add3A_532, %add3A_533 : i32
        %broadcast_in_dim3A_535 = vector.broadcast %add3A_534 : i32 to vector<16xi32>
        %gather3A_536 = tpu.vector_load_idx %arg6[%broadcast_in_dim3A_535] : memref<3200xf32, #tpu.memory_space<vmem>>[vector<16xi32>], vector<16xf32>,
        %mul3A_537 = arith.constant 4 : i32
        %mul3A_538 = arith.muli %scan3A_286, %mul3A_537 : i32
        %add3A_539 = arith.constant 3 : i32
        %add3A_540 = arith.addi %mul3A_538, %add3A_539 : i32
        %get3A_541 = arith.index_cast %add3A_540 : i32 to index
        %get3A_542 = arith.constant 0 : index
        %get3A_543 = tpu.vector_load %arg11[%get3A_541, %get3A_542] {strides = array<i32>} : memref<160x128xf32, #tpu.memory_space<vmem>>, vector<16xf32>,
        %mul3A_544 = arith.mulf %get3A_543, %gather3A_536 : vector<16xf32>
        %add3A_545 = arith.addf %add3A_466, %mul3A_544 : vector<16xf32>
        %mul3A_546 = arith.constant 4 : i32
        %mul3A_547 = arith.muli %scan3A_286, %mul3A_546 : i32
        %add3A_548 = arith.constant 3 : i32
        %add3A_549 = arith.addi %mul3A_547, %add3A_548 : i32
        %get3A_550 = arith.index_cast %add3A_549 : i32 to index
        %get3A_551 = arith.constant 16 : index
        %get3A_552 = tpu.vector_load %arg11[%get3A_550, %get3A_551] {strides = array<i32>} : memref<160x128xf32, #tpu.memory_space<vmem>>, vector<16xf32>,
        %mul3A_553 = arith.mulf %get3A_552, %gather3A_536 : vector<16xf32>
        %add3A_554 = arith.addf %add3A_475, %mul3A_553 : vector<16xf32>
        %mul3A_555 = arith.constant 4 : i32
        %mul3A_556 = arith.muli %scan3A_286, %mul3A_555 : i32
        %add3A_557 = arith.constant 3 : i32
        %add3A_558 = arith.addi %mul3A_556, %add3A_557 : i32
        %get3A_559 = arith.index_cast %add3A_558 : i32 to index
        %get3A_560 = arith.constant 32 : index
        %get3A_561 = tpu.vector_load %arg11[%get3A_559, %get3A_560] {strides = array<i32>} : memref<160x128xf32, #tpu.memory_space<vmem>>, vector<16xf32>,
        %mul3A_562 = arith.mulf %get3A_561, %gather3A_536 : vector<16xf32>
        %add3A_563 = arith.addf %add3A_484, %mul3A_562 : vector<16xf32>
        %mul3A_564 = arith.constant 4 : i32
        %mul3A_565 = arith.muli %scan3A_286, %mul3A_564 : i32
        %add3A_566 = arith.constant 3 : i32
        %add3A_567 = arith.addi %mul3A_565, %add3A_566 : i32
        %get3A_568 = arith.index_cast %add3A_567 : i32 to index
        %get3A_569 = arith.constant 48 : index
        %get3A_570 = tpu.vector_load %arg11[%get3A_568, %get3A_569] {strides = array<i32>} : memref<160x128xf32, #tpu.memory_space<vmem>>, vector<16xf32>,
        %mul3A_571 = arith.mulf %get3A_570, %gather3A_536 : vector<16xf32>
        %add3A_572 = arith.addf %add3A_493, %mul3A_571 : vector<16xf32>
        %mul3A_573 = arith.constant 4 : i32
        %mul3A_574 = arith.muli %scan3A_286, %mul3A_573 : i32
        %add3A_575 = arith.constant 3 : i32
        %add3A_576 = arith.addi %mul3A_574, %add3A_575 : i32
        %get3A_577 = arith.index_cast %add3A_576 : i32 to index
        %get3A_578 = arith.constant 64 : index
        %get3A_579 = tpu.vector_load %arg11[%get3A_577, %get3A_578] {strides = array<i32>} : memref<160x128xf32, #tpu.memory_space<vmem>>, vector<16xf32>,
        %mul3A_580 = arith.mulf %get3A_579, %gather3A_536 : vector<16xf32>
        %add3A_581 = arith.addf %add3A_502, %mul3A_580 : vector<16xf32>
        %mul3A_582 = arith.constant 4 : i32
        %mul3A_583 = arith.muli %scan3A_286, %mul3A_582 : i32
        %add3A_584 = arith.constant 3 : i32
        %add3A_585 = arith.addi %mul3A_583, %add3A_584 : i32
        %get3A_586 = arith.index_cast %add3A_585 : i32 to index
        %get3A_587 = arith.constant 80 : index
        %get3A_588 = tpu.vector_load %arg11[%get3A_586, %get3A_587] {strides = array<i32>} : memref<160x128xf32, #tpu.memory_space<vmem>>, vector<16xf32>,
        %mul3A_589 = arith.mulf %get3A_588, %gather3A_536 : vector<16xf32>
        %add3A_590 = arith.addf %add3A_511, %mul3A_589 : vector<16xf32>
        %mul3A_591 = arith.constant 4 : i32
        %mul3A_592 = arith.muli %scan3A_286, %mul3A_591 : i32
        %add3A_593 = arith.constant 3 : i32
        %add3A_594 = arith.addi %mul3A_592, %add3A_593 : i32
        %get3A_595 = arith.index_cast %add3A_594 : i32 to index
        %get3A_596 = arith.constant 96 : index
        %get3A_597 = tpu.vector_load %arg11[%get3A_595, %get3A_596] {strides = array<i32>} : memref<160x128xf32, #tpu.memory_space<vmem>>, vector<16xf32>,
        %mul3A_598 = arith.mulf %get3A_597, %gather3A_536 : vector<16xf32>
        %add3A_599 = arith.addf %add3A_520, %mul3A_598 : vector<16xf32>
        %mul3A_600 = arith.constant 4 : i32
        %mul3A_601 = arith.muli %scan3A_286, %mul3A_600 : i32
        %add3A_602 = arith.constant 3 : i32
        %add3A_603 = arith.addi %mul3A_601, %add3A_602 : i32
        %get3A_604 = arith.index_cast %add3A_603 : i32 to index
        %get3A_605 = arith.constant 112 : index
        %get3A_606 = tpu.vector_load %arg11[%get3A_604, %get3A_605] {strides = array<i32>} : memref<160x128xf32, #tpu.memory_space<vmem>>, vector<16xf32>,
        %mul3A_607 = arith.mulf %get3A_606, %gather3A_536 : vector<16xf32>
        %add3A_608 = arith.addf %add3A_529, %mul3A_607 : vector<16xf32>
        scf.yield %add3A_545, %add3A_554, %add3A_563, %add3A_572, %add3A_581, %add3A_590, %add3A_599, %add3A_608 : vector<16xf32>, vector<16xf32>, vector<16xf32>, vector<16xf32>, vector<16xf32>, vector<16xf32>, vector<16xf32>, vector<16xf32>
      }
      %scan3A_273 = arith.constant 40 : i32
      %add3A_274 = arith.constant 5 : i32
      %add3A_275 = arith.addi %add3A_259, %add3A_274 : i32
      %sub3A_276 = arith.constant 1 : i32
      %sub3A_277 = arith.subi %div3A_5, %sub3A_276 : i32
      %min3A_278 = arith.minsi %add3A_275, %sub3A_277 : i32
      %mul3A_279 = arith.constant 160 : i32
      %mul3A_280 = arith.muli %min3A_278, %mul3A_279 : i32
      %add3A_281 = arith.addi %mul3A_2, %mul3A_280 : i32
      %dma_start3A_282 = arith.constant 0 : i32
      %dma_start3A_283 = tpu.memref_slice %arg3[%add3A_281, %dma_start3A_282] : memref<100000x128xf32, #tpu.memory_space<hbm>> -> memref<160x128xf32, #tpu.memory_space<hbm>>
      %dma_start3A_284 = arith.constant 0 : i32
      %dma_start3A_285 = tpu.memref_slice %arg3[%add3A_281, %dma_start3A_284] : memref<100000x128xf32, #tpu.memory_space<hbm>> -> memref<160x128xf32, #tpu.memory_space<hbm>>
      tpu.enqueue_dma source(%dma_start3A_285 : memref<160x128xf32, #tpu.memory_space<hbm>>) target(%arg11 : memref<160x128xf32, #tpu.memory_space<vmem>>) target_semaphore(%arg17 : memref<!tpu.dma_semaphore, #tpu.memory_space<semaphore_mem>>)
      scf.yield %scan3A_272#0, %scan3A_272#1, %scan3A_272#2, %scan3A_272#3, %scan3A_272#4, %scan3A_272#5, %scan3A_272#6, %scan3A_272#7 : vector<16xf32>, vector<16xf32>, vector<16xf32>, vector<16xf32>, vector<16xf32>, vector<16xf32>, vector<16xf32>, vector<16xf32>
    }
    %dma_wait3A = arith.constant 0 : i32
    %dma_wait3A_67 = arith.constant 0 : i32
    %dma_wait3A_68 = tpu.memref_slice %arg3[%dma_wait3A, %dma_wait3A_67] : memref<100000x128xf32, #tpu.memory_space<hbm>> -> memref<160x128xf32, #tpu.memory_space<hbm>>
    %dma_wait3A_69 = arith.constant 0 : i32
    %dma_wait3A_70 = arith.constant 0 : i32
    %dma_wait3A_71 = tpu.memref_slice %arg3[%dma_wait3A_69, %dma_wait3A_70] : memref<100000x128xf32, #tpu.memory_space<hbm>> -> memref<160x128xf32, #tpu.memory_space<hbm>>
    tpu.wait_dma2 semaphore(%arg13 : memref<!tpu.dma_semaphore, #tpu.memory_space<semaphore_mem>>) src(%dma_wait3A_71 : memref<160x128xf32, #tpu.memory_space<hbm>>) dst(%arg7 : memref<160x128xf32, #tpu.memory_space<vmem>>)
    %dma_wait3A_72 = arith.constant 0 : i32
    %dma_wait3A_73 = arith.constant 0 : i32
    %dma_wait3A_74 = tpu.memref_slice %arg3[%dma_wait3A_72, %dma_wait3A_73] : memref<100000x128xf32, #tpu.memory_space<hbm>> -> memref<160x128xf32, #tpu.memory_space<hbm>>
    %dma_wait3A_75 = arith.constant 0 : i32
    %dma_wait3A_76 = arith.constant 0 : i32
    %dma_wait3A_77 = tpu.memref_slice %arg3[%dma_wait3A_75, %dma_wait3A_76] : memref<100000x128xf32, #tpu.memory_space<hbm>> -> memref<160x128xf32, #tpu.memory_space<hbm>>
    tpu.wait_dma2 semaphore(%arg14 : memref<!tpu.dma_semaphore, #tpu.memory_space<semaphore_mem>>) src(%dma_wait3A_77 : memref<160x128xf32, #tpu.memory_space<hbm>>) dst(%arg8 : memref<160x128xf32, #tpu.memory_space<vmem>>)
    %dma_wait3A_78 = arith.constant 0 : i32
    %dma_wait3A_79 = arith.constant 0 : i32
    %dma_wait3A_80 = tpu.memref_slice %arg3[%dma_wait3A_78, %dma_wait3A_79] : memref<100000x128xf32, #tpu.memory_space<hbm>> -> memref<160x128xf32, #tpu.memory_space<hbm>>
    %dma_wait3A_81 = arith.constant 0 : i32
    %dma_wait3A_82 = arith.constant 0 : i32
    %dma_wait3A_83 = tpu.memref_slice %arg3[%dma_wait3A_81, %dma_wait3A_82] : memref<100000x128xf32, #tpu.memory_space<hbm>> -> memref<160x128xf32, #tpu.memory_space<hbm>>
    tpu.wait_dma2 semaphore(%arg15 : memref<!tpu.dma_semaphore, #tpu.memory_space<semaphore_mem>>) src(%dma_wait3A_83 : memref<160x128xf32, #tpu.memory_space<hbm>>) dst(%arg9 : memref<160x128xf32, #tpu.memory_space<vmem>>)
    %dma_wait3A_84 = arith.constant 0 : i32
    %dma_wait3A_85 = arith.constant 0 : i32
    %dma_wait3A_86 = tpu.memref_slice %arg3[%dma_wait3A_84, %dma_wait3A_85] : memref<100000x128xf32, #tpu.memory_space<hbm>> -> memref<160x128xf32, #tpu.memory_space<hbm>>
    %dma_wait3A_87 = arith.constant 0 : i32
    %dma_wait3A_88 = arith.constant 0 : i32
    %dma_wait3A_89 = tpu.memref_slice %arg3[%dma_wait3A_87, %dma_wait3A_88] : memref<100000x128xf32, #tpu.memory_space<hbm>> -> memref<160x128xf32, #tpu.memory_space<hbm>>
    tpu.wait_dma2 semaphore(%arg16 : memref<!tpu.dma_semaphore, #tpu.memory_space<semaphore_mem>>) src(%dma_wait3A_89 : memref<160x128xf32, #tpu.memory_space<hbm>>) dst(%arg10 : memref<160x128xf32, #tpu.memory_space<vmem>>)
    %dma_wait3A_90 = arith.constant 0 : i32
    %dma_wait3A_91 = arith.constant 0 : i32
    %dma_wait3A_92 = tpu.memref_slice %arg3[%dma_wait3A_90, %dma_wait3A_91] : memref<100000x128xf32, #tpu.memory_space<hbm>> -> memref<160x128xf32, #tpu.memory_space<hbm>>
    %dma_wait3A_93 = arith.constant 0 : i32
    %dma_wait3A_94 = arith.constant 0 : i32
    %dma_wait3A_95 = tpu.memref_slice %arg3[%dma_wait3A_93, %dma_wait3A_94] : memref<100000x128xf32, #tpu.memory_space<hbm>> -> memref<160x128xf32, #tpu.memory_space<hbm>>
    tpu.wait_dma2 semaphore(%arg17 : memref<!tpu.dma_semaphore, #tpu.memory_space<semaphore_mem>>) src(%dma_wait3A_95 : memref<160x128xf32, #tpu.memory_space<hbm>>) dst(%arg11 : memref<160x128xf32, #tpu.memory_space<vmem>>)
    %swap3A = arith.constant 0 : i32
    %swap3A_96 = arith.index_cast %swap3A : i32 to index
    %swap3A_97 = arith.constant 0 : index
    %swap3A_98 = tpu.vector_load %arg12[%swap3A_96, %swap3A_97] {strides = array<i32>} : memref<1x128xf32, #tpu.memory_space<vmem>>, vector<16xf32>,
    tpu.vector_store %arg12[%swap3A_96, %swap3A_97], %while3A_66#0 {strides = array<i32>} : memref<1x128xf32, #tpu.memory_space<vmem>>, vector<16xf32>,
    %swap3A_99 = arith.constant 0 : i32
    %swap3A_100 = arith.index_cast %swap3A_99 : i32 to index
    %swap3A_101 = arith.constant 16 : index
    %swap3A_102 = tpu.vector_load %arg12[%swap3A_100, %swap3A_101] {strides = array<i32>} : memref<1x128xf32, #tpu.memory_space<vmem>>, vector<16xf32>,
    tpu.vector_store %arg12[%swap3A_100, %swap3A_101], %while3A_66#1 {strides = array<i32>} : memref<1x128xf32, #tpu.memory_space<vmem>>, vector<16xf32>,
    %swap3A_103 = arith.constant 0 : i32
    %swap3A_104 = arith.index_cast %swap3A_103 : i32 to index
    %swap3A_105 = arith.constant 32 : index
    %swap3A_106 = tpu.vector_load %arg12[%swap3A_104, %swap3A_105] {strides = array<i32>} : memref<1x128xf32, #tpu.memory_space<vmem>>, vector<16xf32>,
    tpu.vector_store %arg12[%swap3A_104, %swap3A_105], %while3A_66#2 {strides = array<i32>} : memref<1x128xf32, #tpu.memory_space<vmem>>, vector<16xf32>,
    %swap3A_107 = arith.constant 0 : i32
    %swap3A_108 = arith.index_cast %swap3A_107 : i32 to index
    %swap3A_109 = arith.constant 48 : index
    %swap3A_110 = tpu.vector_load %arg12[%swap3A_108, %swap3A_109] {strides = array<i32>} : memref<1x128xf32, #tpu.memory_space<vmem>>, vector<16xf32>,
    tpu.vector_store %arg12[%swap3A_108, %swap3A_109], %while3A_66#3 {strides = array<i32>} : memref<1x128xf32, #tpu.memory_space<vmem>>, vector<16xf32>,
    %swap3A_111 = arith.constant 0 : i32
    %swap3A_112 = arith.index_cast %swap3A_111 : i32 to index
    %swap3A_113 = arith.constant 64 : index
    %swap3A_114 = tpu.vector_load %arg12[%swap3A_112, %swap3A_113] {strides = array<i32>} : memref<1x128xf32, #tpu.memory_space<vmem>>, vector<16xf32>,
    tpu.vector_store %arg12[%swap3A_112, %swap3A_113], %while3A_66#4 {strides = array<i32>} : memref<1x128xf32, #tpu.memory_space<vmem>>, vector<16xf32>,
    %swap3A_115 = arith.constant 0 : i32
    %swap3A_116 = arith.index_cast %swap3A_115 : i32 to index
    %swap3A_117 = arith.constant 80 : index
    %swap3A_118 = tpu.vector_load %arg12[%swap3A_116, %swap3A_117] {strides = array<i32>} : memref<1x128xf32, #tpu.memory_space<vmem>>, vector<16xf32>,
    tpu.vector_store %arg12[%swap3A_116, %swap3A_117], %while3A_66#5 {strides = array<i32>} : memref<1x128xf32, #tpu.memory_space<vmem>>, vector<16xf32>,
    %swap3A_119 = arith.constant 0 : i32
    %swap3A_120 = arith.index_cast %swap3A_119 : i32 to index
    %swap3A_121 = arith.constant 96 : index
    %swap3A_122 = tpu.vector_load %arg12[%swap3A_120, %swap3A_121] {strides = array<i32>} : memref<1x128xf32, #tpu.memory_space<vmem>>, vector<16xf32>,
    tpu.vector_store %arg12[%swap3A_120, %swap3A_121], %while3A_66#6 {strides = array<i32>} : memref<1x128xf32, #tpu.memory_space<vmem>>, vector<16xf32>,
    %swap3A_123 = arith.constant 0 : i32
    %swap3A_124 = arith.index_cast %swap3A_123 : i32 to index
    %swap3A_125 = arith.constant 112 : index
    %swap3A_126 = tpu.vector_load %arg12[%swap3A_124, %swap3A_125] {strides = array<i32>} : memref<1x128xf32, #tpu.memory_space<vmem>>, vector<16xf32>,
    tpu.vector_store %arg12[%swap3A_124, %swap3A_125], %while3A_66#7 {strides = array<i32>} : memref<1x128xf32, #tpu.memory_space<vmem>>, vector<16xf32>,
    "tpu.region"() ({
      %run_scoped3A = tpu.sem_alloc : memref<!tpu.dma_semaphore, #tpu.memory_space<semaphore_mem>>
      %dma_start3A_127 = arith.constant 0 : i32
      %dma_start3A_128 = tpu.memref_slice %arg4[%add3A, %dma_start3A_127] : memref<32x128xf32, #tpu.memory_space<hbm>> -> memref<1x128xf32, #tpu.memory_space<hbm>>
      %dma_start3A_129 = arith.constant 0 : i32
      %dma_start3A_130 = tpu.memref_slice %arg4[%add3A, %dma_start3A_129] : memref<32x128xf32, #tpu.memory_space<hbm>> -> memref<1x128xf32, #tpu.memory_space<hbm>>
      tpu.enqueue_dma source(%arg12 : memref<1x128xf32, #tpu.memory_space<vmem>>) target(%dma_start3A_130 : memref<1x128xf32, #tpu.memory_space<hbm>>) target_semaphore(%run_scoped3A : memref<!tpu.dma_semaphore, #tpu.memory_space<semaphore_mem>>)
      %dma_wait3A_131 = arith.constant 0 : i32
      %dma_wait3A_132 = tpu.memref_slice %arg4[%add3A, %dma_wait3A_131] : memref<32x128xf32, #tpu.memory_space<hbm>> -> memref<1x128xf32, #tpu.memory_space<hbm>>
      %dma_wait3A_133 = arith.constant 0 : i32
      %dma_wait3A_134 = tpu.memref_slice %arg4[%add3A, %dma_wait3A_133] : memref<32x128xf32, #tpu.memory_space<hbm>> -> memref<1x128xf32, #tpu.memory_space<hbm>>
      tpu.wait_dma2 semaphore(%run_scoped3A : memref<!tpu.dma_semaphore, #tpu.memory_space<semaphore_mem>>) src(%arg12 : memref<1x128xf32, #tpu.memory_space<vmem>>) dst(%dma_wait3A_134 : memref<1x128xf32, #tpu.memory_space<hbm>>)
      tpu.yield
    }) : () -> ()
    return
  }
}

</mosaic_0001>

<sc_bundles>
// kernel: kernel.3.cloned.1.call-start
scs
__scs_entry_jumppad:
0x0: {  	(pc) =	sbr.rel $0x88, $3  }
0x1: {  	(tag) =	ssettag $0x0;
	lr =	simm.s32 $0x1  }
0x2: {  	[smem:$0x3F9E] =	sst lr;
	_ =	strace $0xD0000000  }
0x3: {  	_ = 	snop  }
0x4: {  	_ = 	snop  }
0x5: {  	_ = 	snop  }
0x6: {  	_ = 	snop  }
0x7: {  	_ = 	snop  }
__scs_overlays_trampoline_lowered:
0x8: {  	[smem:$0x3FAD] =	sst s0  }
0x9: {  	[smem:$0x3FAE] =	sst s1  }
0xa: {  	[smem:$0x3FAF] =	sst s2  }
0xb: {  	[smem:$0x3FB0] =	sst s3  }
0xc: {  	[smem:$0x3FB1] =	sst s4  }
0xd: {  	[smem:$0x3FB2] =	sst s5  }
0xe: {  	[smem:$0x3FB3] =	sst s6  }
0xf: {  	[smem:$0x3FB4] =	sst s7  }
0x10: {  	[smem:$0x3FB5] =	sst s8  }
0x11: {  	[smem:$0x3FB6] =	sst s9;
	s0 =	simm.s32 @!p0 $0x0  }
0x12: {  	s1 =	sld [smem:$0x3F9C];
	s0 =	simm.s32 @p0 $0x1  }
0x13: {  	[smem:$0x3FB7] =	sst s0;
	s0 =	simm.s32 @!p1 $0x0  }
0x14: {  	s2 =	sld [smem:$0x3F9B];
	s0 =	simm.s32 @p1 $0x1  }
0x15: {  	[smem:$0x3FB8] =	sst s0;
	s0 =	simm.s32 @!p2 $0x0  }
0x16: {  	s3 =	sld [smem:$0x3FDB];
	s0 =	simm.s32 @p2 $0x1  }
0x17: {  	s4 =	simm.s32 $0x1BF5;
	[smem:$0x3FBA] =	sst s0  }
0x18: {  	s0 =	sld [smem:$0x3F9D];
	_ =	swait.ge [sflag:s4], $0x0  }
0x19: {  	s7 =	sld [smem:$0x3F9E]  }
0x1a: {  	s8 =	sadd.s32 $0xFFFFE003, lr  }
0x1b: {  	s9 =	sadd.s32 $0xFFFFFEF7, lr;
	s5 =	simm.s32 $0xFFFFFFFF;
	p2 =	slt.u32 s8, $0xFFFFF086  }
0x1c: {  	p1 =	slt.u32 s9, $0xF7A;
	s5 =	simm.s32 @!p2 $0x0  }
0x1d: {  	s5 =	simm.s32 @p1 $0x1;
	p0 =	seq.s32 s7, s2  }
0x1e: {  	s7 =	smul.u32 @!p0 $0xF7A, s2;
	p2 =	seq.s32 @!p0 s5, $0x0  }
0x1f: {  	s9 =	smul.u32 $0xF7A, s1;
	s8 =	simm.s32 @!p0 $0x1BF5;
	p2 =	por !p2, p0  }
0x20: {  	[sflag:s8] =	ssyncset.s32 @!p0 $0xFFFFF086;
	s6 =	sadd.s32 @!p0 s3, s7;
	s7 =	simm.s32 @!p0 $0x108  }
0x21: {  	s3 =	sadd.s32 s3, s9;
	s6 =	sadd.s32 @!p0 $0x88, s6;
	s7 =	simm.s32 @p2 $0x1082  }
0x22: {  	[simem:s7], [sflag:s8] =	dma.local @!p0 [hbm:s6], $0xF7A  }
0x23: {  	s9 =	sor.u32 $0xD0000000, s2;
	s6 =	simm.s32 $0x108;
	_ =	swait.ge @!p0 [sflag:s8], $0x0  }
0x24: {  	s3 =	sadd.s32 $0x88, s3;
	s6 =	simm.s32 @!p1 $0x1082;
	[sflag:s4] =	ssyncset.s32 $0xFFFFF086  }
0x25: {  	[simem:s6], [sflag:s4] =	dma.local [hbm:s3], $0xF7A  }
0x26: {  	[smem:$0x3F9E] =	sst s1;
	(tag) =	ssettag s2;
	_ =	strace s9  }
0x27: {  	s1 =	sld [smem:$0x3FAE]  }
0x28: {  	s2 =	sld [smem:$0x3FAF]  }
0x29: {  	s4 =	sld [smem:$0x3FB1]  }
0x2a: {  	p0 =	seq.s32 s5, $0x0;
	s5 =	sld [smem:$0x3FB2]  }
0x2b: {  	s6 =	sld [smem:$0x3FB3]  }
0x2c: {  	s7 =	sld [smem:$0x3FB4]  }
0x2d: {  	s3 =	simm.s32 $0x108;
	s8 =	sld [smem:$0x3FB5]  }
0x2e: {  	s3 =	simm.s32 @!p0 $0x1082;
	s9 =	sld [smem:$0x3FB6]  }
0x2f: {  	lr =	sadd.s32 s0, s3;
	s0 =	sld [smem:$0x3FAD]  }
0x30: {  	s3 =	sld [smem:$0x3FB0]  }
0x31: {  	[smem:$0x3FB9] =	sst s10  }
0x32: {  	s10 =	sld [smem:$0x3FB7];
	_ =	sdelay $0x3  }
0x33: {  	p0 =	seq.s32 s10, $0x1;
	s10 =	sld [smem:$0x3FB9];
	_ =	sdelay $0x3  }
0x34: {  	[smem:$0x3FB9] =	sst s10  }
0x35: {  	s10 =	sld [smem:$0x3FB8];
	_ =	sdelay $0x3  }
0x36: {  	p1 =	seq.s32 s10, $0x1;
	s10 =	sld [smem:$0x3FB9];
	_ =	sdelay $0x3  }
0x37: {  	[smem:$0x3FB9] =	sst s10  }
0x38: {  	s10 =	sld [smem:$0x3FBA]  }
0x39: {  	_ = 	snop;
	(pc) =	sbr.ind lr, $3  }
0x3a: {  	_ = 	snop  }
0x3b: {  	_ = 	snop  }
0x3c: {  	p2 =	seq.s32 s10, $0x1;
	s10 =	sld [smem:$0x3FB9]  }
0x3d: {  	_ =	shalt  }
0x3e: {  	_ =	shalt  }
0x3f: {  	_ =	shalt  }
0x40: {  	_ =	shalt  }
0x41: {  	_ =	shalt  }
0x42: {  	_ =	shalt  }
0x43: {  	_ =	shalt  }
0x44: {  	_ =	shalt  }
0x45: {  	_ =	shalt  }
0x46: {  	_ =	shalt  }
0x47: {  	_ =	shalt  }
0x48: {  	_ =	shalt  }
0x49: {  	_ =	shalt  }
0x4a: {  	_ =	shalt  }
0x4b: {  	_ =	shalt  }
0x4c: {  	_ =	shalt  }
0x4d: {  	_ =	shalt  }
0x4e: {  	_ =	shalt  }
0x4f: {  	_ =	shalt  }
0x50: {  	_ =	shalt  }
0x51: {  	_ =	shalt  }
0x52: {  	_ =	shalt  }
0x53: {  	_ =	shalt  }
0x54: {  	_ =	shalt  }
0x55: {  	_ =	shalt  }
0x56: {  	_ =	shalt  }
0x57: {  	_ =	shalt  }
0x58: {  	_ =	shalt  }
0x59: {  	_ =	shalt  }
0x5a: {  	_ =	shalt  }
0x5b: {  	_ =	shalt  }
0x5c: {  	_ =	shalt  }
0x5d: {  	_ =	shalt  }
0x5e: {  	_ =	shalt  }
0x5f: {  	_ =	shalt  }
0x60: {  	_ =	shalt  }
0x61: {  	_ =	shalt  }
0x62: {  	_ =	shalt  }
0x63: {  	_ =	shalt  }
0x64: {  	_ =	shalt  }
0x65: {  	_ =	shalt  }
0x66: {  	_ =	shalt  }
0x67: {  	_ =	shalt  }
0x68: {  	_ =	shalt  }
0x69: {  	_ =	shalt  }
0x6a: {  	_ =	shalt  }
0x6b: {  	_ =	shalt  }
0x6c: {  	_ =	shalt  }
0x6d: {  	_ =	shalt  }
0x6e: {  	_ =	shalt  }
0x6f: {  	_ =	shalt  }
0x70: {  	_ =	shalt  }
0x71: {  	_ =	shalt  }
0x72: {  	_ =	shalt  }
0x73: {  	_ =	shalt  }
0x74: {  	_ =	shalt  }
0x75: {  	_ =	shalt  }
0x76: {  	_ =	shalt  }
0x77: {  	_ =	shalt  }
0x78: {  	_ =	shalt  }
0x79: {  	_ =	shalt  }
0x7a: {  	_ =	shalt  }
0x7b: {  	_ =	shalt  }
0x7c: {  	_ =	shalt  }
0x7d: {  	_ =	shalt  }
0x7e: {  	_ =	shalt  }
0x7f: {  	_ =	shalt  }
0x80: {  	_ =	shalt  }
0x81: {  	_ =	shalt  }
0x82: {  	_ =	shalt  }
0x83: {  	_ =	shalt  }
0x84: {  	_ =	shalt  }
0x85: {  	_ =	shalt  }
0x86: {  	_ =	shalt  }
0x87: {  	_ =	shalt  }
.Lfunc_end0:
.L_simem_size_0:
called_computation_lowered:
.L_overlay_start_0:
0x88: {  	s2 =	sld [smem:$0x3FD9]  }
0x89: {  	s3 =	sld [smem:$0x3FFE];
	_ =	sdelay $0x1  }
0x8a: {  	s1 =	srdreg.scid  }
0x8b: {  	s0 =	sand.u32 $0x1, s1  }
0x8c: {  	s17 =	sshll.u32 s0, $0xA;
	s2 =	sadd.s32 s3, s2  }
0x8d: {  	s2 =	sadd.s32 s2, s17  }
0x8e: {  	[smem:$0x3FC5] =	sst s2  }
0x8f: {  	_ = 	snop  }
0x90: {  	s2 =	sld [smem:$0x3FC8];
	(tm) =	ssettm $0x1  }
0x91: {  	s18 =	sld [smem:$0x3FFB];
	_ =	sdelay $0x3  }
0x92: {  	_ =	strace s18  }
0x93: {  	s3 =	sld [smem:$0x3FFC];
	_ =	sdelay $0x3  }
0x94: {  	_ =	strace s3  }
0x95: {  	s3 =	sld [smem:$0x3FFD];
	_ =	sdelay $0x3  }
0x96: {  	_ =	strace s3  }
0x97: {  	_ =	strace $0x8FFFFFFF  }
0x98: {  	s19 =	sld [smem:$0x3FDB];
	_ =	sdelay $0x1  }
0x99: {  	s4 =	simm.s32 $_scs_section_size  }
0x9a: {  	s5 =	simm.s32 $_size__tile_overlayer_lowered;
	s6 =	simm.s32 $_tile_overlayer_lowered  }
0x9b: {  	s22 =	simm.s32 $0x1BFF;
	s21 =	sshll.u32 s6, $0x1;
	s3 =	sadd.s32 s4, s19  }
0x9c: {  	s7 =	simm.s32 $0x0;
	s20 =	sshll.u32 s5, $0x1;
	s5 =	sadd.s32 s21, s3  }
0x9d: {  	[timem:s7], [sflag:s22] =	dma.local [hbm:s5], s20  }
0x9e: {  	_ =	swait.ge [sflag:s22], s20  }
0x9f: {  	s4 =	ssub.s32 $0x0, s20;
	[sflag:s22] =	ssyncset.done $0x0  }
0xa0: {  	[sflag:s22] =	ssyncadd.s32 s4;
	_ =	sdelay $0x1  }
0xa1: {  	s23 =	simm.s32 $0x1B8B  }
0xa2: {  	_ =	swait.ge [sflag:s23], $0x1  }
0xa3: {  	[sflag:s23] =	ssyncset.done $0x0  }
0xa4: {  	s25 =	simm.s32 $0x1B8E;
	s24 =	sld [smem:$0x3FFE];
	[sflag:s23] =	ssyncadd.s32 $0xFFFFFFFF  }
0xa5: {  	s26 =	simm.s32 $execute0_lowered;
	[smem:$0x3FD2] =	sst s25  }
0xa6: {  	s5 =	sshll.u32 s26, $0x1;
	_ =	strace $0x80000046;
	[dreg:$0x1] =	wrdreg $0xFFFFFFFF  }
0xa7: {  	s28 =	simm.s32 $_size_execute0_lowered;
	s3 =	sadd.s32 s3, s5;
	[dreg:$0x0] =	wrdreg $0x0  }
0xa8: {  	s5 =	sshll.u32 s28, $0x1;
	[dreg:$0x2] =	wrdreg s3  }
0xa9: {  	[dreg:$0x3] =	wrdreg s5  }
0xaa: {  	[dreg:$0x4] =	wrdreg $0xC0  }
0xab: {  	_ =	task [dreg:s7], $0x5FFFF  }
0xac: {  	[dreg:$0x1] =	wrdreg $0xFFFFFFFF  }
0xad: {  	[dreg:$0x0] =	wrdreg $0x60  }
0xae: {  	[dreg:$0x2] =	wrdreg s24  }
0xaf: {  	[dreg:$0x3] =	wrdreg s2  }
0xb0: {  	[dreg:$0x4] =	wrdreg $0x9  }
0xb1: {  	_ =	task.clear_ibuf [dreg:s7], $0x5FFFF;
	_ =	strace $0x90000046  }
0xb2: {  	s29 =	simm.s32 $0x9;
	_ =	strace $0x80000048  }
0xb3: {  	_ =	swait.ge [sflag:s29], $0x1  }
0xb4: {  	[sflag:s29] =	ssyncadd.s32 $0xFFFFFFFF  }
0xb5: {  	_ =	strace $0x90000048  }
0xb6: {  	_ =	sfence  }
0xb7: {  	s30 =	sld [smem:$0x0];
	_ =	sdelay $0x2  }
0xb8: {  	s31 =	sshll.u32 s1, $0xD;
	s1 =	sshrl.u32 s1, $0x2  }
0xb9: {  	s3 =	sand.u32 $0x4000, s31;
	s1 =	sadd.s32 s1, s30  }
0xba: {  	s0 =	sor.u32 s3, s0;
	s1 =	sshll.u32 s1, $0x11  }
0xbb: {  	s0 =	sor.u32 s1, s0  }
0xbc: {  	s0 =	sadd.s32 $0x8F2B, s0  }
0xbd: {  	[sflag:s0] =	ssyncadd.remote.s32 $0x1  }
0xbe: {  	_ =	sfence.sel $0xFFFF  }
0xbf: {  	[dreg:$0x0] =	wrdreg $0xFFFFFFFF;
	(pc) =	sbr.abs _section_cstart, $3  }
0xc0: {  	[dreg:$0x1] =	wrdreg $0xFFFFFFFF  }
0xc1: {  	_ =	task.clear_ibuf [dreg:s7], $0x2FFFF;
	_ =	strace $0x9FFFFFFF  }
0xc2: {  	(tm) =	ssettm $0x7FFFFFFF  }
0xc3: {  	_ =	shalt  }
tec
execute0_lowered:
.L_overlay_start_1:
0x0: {  	(tag) =	ssettag $0x1  }
0x1: {  	s0 =	srdreg.scid;
	s5 =	rddreg [dreg:$0x0]  }
0x2: {  	s10 =	stileid.u32;
	s3 =	rddreg [dreg:$0x1]  }
0x3: {  	s4 =	simm.s32 $0x0;
	s15 =	simm.s32 $0x6;
	s16 =	simm.s32 $0x1900  }
0x4: {  	s17 =	simm.s32 $0x6900;
	s18 =	simm.s32 $0xB900;
	s19 =	simm.s32 $0x10900  }
0x5: {  	s20 =	simm.s32 $0x15900;
	s21 =	simm.s32 $0x1;
	s29 =	simm.s32 $0x0  }
0x6: {  	s0 =	sand.u32 $0x1, s0;
	s1 =	sshll.u32 s10, $0x1;
	s10 =	smul.u32 $0xFFFFE700, s10  }
0x7: {  	[smem:$0x7FF] =	sst s4;
	s1 =	sor.u32 s0, s1;
	s8 =	smul.u32 $0xFFFFF380, s0  }
0x8: {  	_ =	strace $0x80000047;
	s0 =	ssub.s32 $0x2, s0;
	s2 =	smul.u32 $0xC80, s1  }
0x9: {  	s9 =	sshll.u32 s1, $0x4;
	s22 =	sshrl.u32 s0, $0x1;
	s23 =	smul.u32 $0x64000, s1  }
0xa: {  	s1 =	smul.u32 $0xC800, s1;
	s12 =	sadd.s32 s9, s5;
	s0 =	ssub.s32 s0, s22  }
0xb: {  	s24 =	sadd.s32 s10, s8;
	s22 =	simm.s32 $0xC80;
	s6 =	ssub.s32 $0x186A0, s2  }
0xc: {  	s7 =	sshrl.u32 s2, $0x3;
	s25 =	sshrl.u32 s23, $0x3;
	s8 =	sadd.s32 $0x186A0, s24  }
0xd: {  	s1 =	sadd.s32 s3, s1;
	s12 =	sadd.s32 $0x3600, s12;
	s14 =	smax.u32 s0, $0x1  }
0xe: {  	s23 =	simm.s32 $0x2;
	s24 =	simm.s32 $0x3;
	s6 =	smin.u32 s6, $0xC80  }
0xf: {  	s7 =	sadd.s32 s7, s5;
	s28 =	sadd.s32 s3, s25;
	s8 =	smin.u32 s8, $0xC80  }
0x10: {  	[dreg:$0x4] =	wrdreg s1;
	s25 =	simm.s32 $0x4;
	s6 =	smul.u32 $0xCCD, s6  }
0x11: {  	s26 =	sadd.s32 $0x400, s7;
	s30 =	sadd.s32 $0xA00, s28;
	s31 =	smul.u32 $0x51F, s8  }
0x12: {  	s8 =	sadd.s32 $0x1400, s28;
	s9 =	sadd.s32 $0x1E00, s28;
	[dreg:$0x3] =	wrdreg s26  }
0x13: {  	s10 =	sadd.s32 $0x2800, s28;
	[dreg:$0x5] =	wrdreg s30;
	s11 =	sshrl.u32 s6, $0x13  }
0x14: {  	s26 =	simm.s32 $0x5;
	s13 =	sshrl.u32 s31, $0x14;
	s11 =	sadd.s32 $0xFFFFFFFF, s11  }
.LBB2_1:
0x15: {  	s0 =	rddreg [dreg:$0x3]  }
0x16: {  	[tilespmem:s4], [sflag:$0x6] =	stream.linear.gather [hbm4b:s0+s4], $0xC80, $0x38;
	[tilespmem:$0x1A980] =	vst v63  }
0x17: {  	_ =	swait.ge [sflag:s15], $0xC80  }
0x18: {  	[sflag:s15] =	ssyncset.done $0x0  }
0x19: {  	s0 =	simm.s32 $0x0;
	[sflag:s15] =	ssyncadd.s32 $0xFFFFF380  }
0x1a: {  	v0 =	vld [tilespmem:s0+$0x0]  }
0x1b: {  	s1 =	simm.s32 $0x40  }
.LBB2_2:
0x1c: {  	p0 =	sne.s32 s1, $0x31C0  }
.Ltmp0:
0x1d: {  	_ = 	snop;
	(pc) =	sbr.rel @p0 .LBB2_2-.Ltmp0, $4  }
0x1e: {  	_ = 	snop  }
0x1f: {  	s28 =	sshra.s32 s1, $0x2;
	s1 =	sadd.s32 $0x40, s1;
	v1 =	vcvt.s32.f32 v0  }
0x20: {  	v0 =	vld [tilespmem:s28+$0x0]  }
0x21: {  	[tilespmem:s0+$0xC80] =	vst v1;
	s0 =	smov.u32 s28  }
0x22: {  	_ =	sdelay $0x2  }
0x23: {  	v0 =	vcvt.s32.f32 v0;
	_ =	sdelay $0x1  }
0x24: {  	s30 =	simm.s32 $0x0;
	s7 =	rddreg [dreg:$0x4];
	[tilespmem:s0+$0xC80] =	vst v0  }
0x25: {  	[tilespmem:s16], [sflag:$0x1] =	stream.linear.gather [hbm4b:s7+s30], $0x5000, $0x38;
	[tilespmem:$0x1A980] =	vst v63  }
0x26: {  	s28 =	rddreg [dreg:$0x5]  }
0x27: {  	[tilespmem:s17], [sflag:$0x2] =	stream.linear.gather [hbm4b:s28+s30], $0x5000, $0x38;
	[tilespmem:$0x1A980] =	vst v63  }
0x28: {  	_ = 	snop  }
0x29: {  	[tilespmem:s18], [sflag:$0x3] =	stream.linear.gather [hbm4b:s8+s30], $0x5000, $0x38;
	[tilespmem:$0x1A980] =	vst v63  }
0x2a: {  	_ = 	snop  }
0x2b: {  	v1 =	vimm.f32 $0.0e+00;
	v2 =	vimm.f32 $0.0e+00;
	[tilespmem:s19], [sflag:$0x4] =	stream.linear.gather [hbm4b:s9+s30], $0x5000, $0x38;
	[tilespmem:$0x1A980] =	vst v63  }
0x2c: {  	v3 =	vimm.f32 $0.0e+00;
	v4 =	vimm.f32 $0.0e+00;
	v5 =	vimm.f32 $0.0e+00;
	s31 =	simm.s32 $0x0  }
0x2d: {  	v6 =	vimm.f32 $0.0e+00;
	v8 =	vimm.f32 $0.0e+00;
	v0 =	vimm.f32 $0.0e+00;
	[tilespmem:s20], [sflag:$0x5] =	stream.linear.gather [hbm4b:s10+s30], $0x5000, $0x38;
	[tilespmem:$0x1A980] =	vst v63  }
.LBB2_4:
0x2e: {  	_ =	swait.ge [sflag:s21], $0x5000  }
0x2f: {  	[sflag:s21] =	ssyncset.done $0x0  }
0x30: {  	s0 =	simm.s32 $0x1A00;
	[sflag:s21] =	ssyncadd.s32 $0xFFFFB000  }
0x31: {  	v9 =	vld [tilespmem:s0+$0x80]  }
0x32: {  	v14 =	vld [tilespmem:s0+$0x90]  }
0x33: {  	v15 =	vld [tilespmem:s0+$0xA0]  }
0x34: {  	v29 =	vld [tilespmem:s0+$0xB0]  }
0x35: {  	s1 =	sadd.s32 $0x0, s30;
	v12 =	vld [tilespmem:s0+$0xC0]  }
0x36: {  	v7 =	vmov s1;
	v13 =	vld [tilespmem:s0+$0xD0]  }
0x37: {  	s28 =	sadd.s32 $0x3, s1;
	v7 =	vand.u32 $0xFFFFFFFC, v7;
	v10 =	vld [tilespmem:s0+$0x0]  }
0x38: {  	v16 =	vmov s28;
	v11 =	vld [tilespmem:s0+$0x10];
	v17 =	vbroadcast v7, $0x0  }
0x39: {  	v18 =	vld [tilespmem:s0+$0xFFFFFF80]  }
0x3a: {  	v24 =	vld [tilespmem:s0+$0xFFFFFF00]  }
0x3b: {  	s7 =	sadd.s32 $0x2, s1;
	v22 =	vld [tilespmem:s0+$0xFFFFFF10]  }
0x3c: {  	s1 =	sadd.s32 $0x1, s1;
	v25 =	vld [tilespmem:s0+$0xFFFFFF20];
	v7 =	vmov s7  }
0x3d: {  	v20 =	vmov s1;
	v19 =	vand.u32 $0xFFFFFFFE, v7;
	v7 =	vld.idx.msk [tilespmem:v16+s22+$0x0], $0xffff  }
0x3e: {  	v16 =	vbroadcast v19, $0x0;
	v19 =	vld.idx.msk [tilespmem:v17+s22+$0x0], $0xffff;
	v17 =	vand.u32 $0xFFFFFFFD, v20  }
0x3f: {  	v27 =	vld [tilespmem:s0+$0xFFFFFF30];
	v28 =	vbroadcast v17, $0x0  }
0x40: {  	v23 =	vld [tilespmem:s0+$0xFFFFFF40]  }
0x41: {  	v26 =	vld [tilespmem:s0+$0xFFFFFF50]  }
0x42: {  	v21 =	vld [tilespmem:s0+$0xFFFFFF60]  }
0x43: {  	v20 =	vld [tilespmem:s0+$0xFFFFFF70];
	v17 =	vmul.f32 v9, v7;
	v14 =	vmul.f32 v14, v7  }
0x44: {  	s1 =	simm.s32 $0x4;
	v9 =	vld.idx.msk [tilespmem:v16+s22+$0x0], $0xffff;
	v16 =	vmul.f32 v15, v7;
	v15 =	vmul.f32 v29, v7  }
.LBB2_5:
0x45: {  	p0 =	sne.s32 s1, $0x9C;
	v28 =	vld.idx.msk [tilespmem:v28+s22+$0x0], $0xffff;
	v29 =	vmul.f32 v12, v7;
	v30 =	vmul.f32 v13, v7  }
0x46: {  	v12 =	vmul.f32 v24, v19;
	v13 =	vmul.f32 v22, v19;
	v22 =	vld [tilespmem:s0+$0xFFFFFF90]  }
0x47: {  	v24 =	vmul.f32 v25, v19;
	v25 =	vmul.f32 v27, v19;
	v27 =	vld [tilespmem:s0+$0xFFFFFFA0]  }
0x48: {  	v23 =	vmul.f32 v23, v19;
	v26 =	vmul.f32 v26, v19;
	v31 =	vld [tilespmem:s0+$0xFFFFFFB0]  }
0x49: {  	v21 =	vmul.f32 v21, v19;
	v19 =	vmul.f32 v20, v19;
	v20 =	vld [tilespmem:s0+$0x20]  }
0x4a: {  	v10 =	vmul.f32 v10, v9;
	v11 =	vmul.f32 v11, v9;
	v32 =	vld [tilespmem:s0+$0x30]  }
0x4b: {  	v18 =	vmul.f32 v18, v28;
	v22 =	vmul.f32 v22, v28;
	v33 =	vld [tilespmem:s0+$0x40]  }
0x4c: {  	v8 =	vadd.f32 v12, v8;
	v6 =	vadd.f32 v13, v6;
	v12 =	vmul.f32 v27, v28;
	v13 =	vld [tilespmem:s0+$0x50]  }
0x4d: {  	v5 =	vadd.f32 v24, v5;
	v4 =	vadd.f32 v25, v4;
	v24 =	vmul.f32 v31, v28;
	v25 =	vld [tilespmem:s0+$0xFFFFFFC0]  }
0x4e: {  	v8 =	vadd.f32 v18, v8;
	v6 =	vadd.f32 v22, v6;
	v18 =	vld [tilespmem:s0+$0xFFFFFFD0];
	v20 =	vmul.f32 v20, v9  }
0x4f: {  	v5 =	vadd.f32 v12, v5;
	v4 =	vadd.f32 v24, v4;
	v12 =	vld [tilespmem:s0+$0xFFFFFFE0];
	v22 =	vmul.f32 v32, v9  }
0x50: {  	v8 =	vadd.f32 v10, v8;
	v6 =	vadd.f32 v11, v6;
	v24 =	vld [tilespmem:s0+$0xFFFFFFF0];
	v10 =	vmul.f32 v33, v9  }
0x51: {  	v5 =	vadd.f32 v20, v5;
	v4 =	vadd.f32 v22, v4;
	v11 =	vmul.f32 v13, v9;
	v13 =	vld [tilespmem:s0+$0x60]  }
0x52: {  	v8 =	vadd.f32 v17, v8;
	v6 =	vadd.f32 v14, v6;
	v20 =	vmul.f32 v25, v28;
	v22 =	vld [tilespmem:s0+$0x70]  }
0x53: {  	v5 =	vadd.f32 v16, v5;
	v14 =	vmul.f32 v18, v28;
	v4 =	vadd.f32 v15, v4;
	v15 =	vld [tilespmem:s0+$0xE0]  }
0x54: {  	v3 =	vadd.f32 v23, v3;
	v2 =	vadd.f32 v26, v2;
	v12 =	vmul.f32 v12, v28;
	v16 =	vld [tilespmem:s0+$0xF0];
	s0 =	sadd.s32 $0x200, s0  }
0x55: {  	v1 =	vadd.f32 v21, v1;
	v0 =	vadd.f32 v19, v0;
	v17 =	vld [tilespmem:s0+$0x80];
	v18 =	vmul.f32 v24, v28  }
0x56: {  	v3 =	vadd.f32 v20, v3;
	v2 =	vadd.f32 v14, v2;
	v31 =	vld [tilespmem:s0+$0x90];
	v13 =	vmul.f32 v13, v9  }
0x57: {  	v1 =	vadd.f32 v12, v1;
	v32 =	vld [tilespmem:s0+$0xA0];
	v0 =	vadd.f32 v18, v0;
	v9 =	vmul.f32 v22, v9  }
0x58: {  	v3 =	vadd.f32 v10, v3;
	v2 =	vadd.f32 v11, v2;
	v33 =	vld [tilespmem:s0+$0xB0];
	v11 =	vmul.f32 v15, v7  }
0x59: {  	v1 =	vadd.f32 v13, v1;
	v12 =	vld [tilespmem:s0+$0xC0];
	v0 =	vadd.f32 v9, v0;
	v7 =	vmul.f32 v16, v7  }
0x5a: {  	s28 =	sadd.s32 s1, s30;
	v3 =	vadd.f32 v29, v3;
	v2 =	vadd.f32 v30, v2;
	v13 =	vld [tilespmem:s0+$0xD0]  }
0x5b: {  	s5 =	sadd.s32 $0x3, s28;
	v1 =	vadd.f32 v11, v1;
	v10 =	vld [tilespmem:s0+$0x0];
	v0 =	vadd.f32 v7, v0  }
0x5c: {  	v9 =	vmov s5;
	v7 =	vmov s28;
	v11 =	vld [tilespmem:s0+$0x10]  }
0x5d: {  	v7 =	vand.u32 $0xFFFFFFFC, v7;
	v18 =	vld [tilespmem:s0+$0xFFFFFF80]  }
0x5e: {  	v14 =	vbroadcast v7, $0x0;
	v24 =	vld [tilespmem:s0+$0xFFFFFF00]  }
0x5f: {  	s5 =	sadd.s32 $0x2, s28;
	v22 =	vld [tilespmem:s0+$0xFFFFFF10]  }
0x60: {  	s28 =	sadd.s32 $0x1, s28;
	v7 =	vmov s5;
	v25 =	vld [tilespmem:s0+$0xFFFFFF20]  }
0x61: {  	v15 =	vmov s28;
	v16 =	vand.u32 $0xFFFFFFFE, v7;
	v7 =	vld.idx.msk [tilespmem:v9+s22+$0x0], $0xffff  }
0x62: {  	v9 =	vand.u32 $0xFFFFFFFD, v15;
	v15 =	vbroadcast v16, $0x0;
	v27 =	vld [tilespmem:s0+$0xFFFFFF30]  }
0x63: {  	v28 =	vbroadcast v9, $0x0;
	v23 =	vld [tilespmem:s0+$0xFFFFFF40]  }
.Ltmp1:
0x64: {  	v19 =	vld.idx.msk [tilespmem:v14+s22+$0x0], $0xffff;
	(pc) =	sbr.rel @p0 .LBB2_5-.Ltmp1, $4  }
0x65: {  	v26 =	vld [tilespmem:s0+$0xFFFFFF50]  }
0x66: {  	v21 =	vld [tilespmem:s0+$0xFFFFFF60]  }
0x67: {  	v17 =	vmul.f32 v17, v7;
	v14 =	vmul.f32 v31, v7;
	v20 =	vld [tilespmem:s0+$0xFFFFFF70]  }
0x68: {  	s1 =	sadd.s32 $0x4, s1;
	v16 =	vmul.f32 v32, v7;
	v9 =	vld.idx.msk [tilespmem:v15+s22+$0x0], $0xffff;
	v15 =	vmul.f32 v33, v7  }
0x69: {  	_ =	sdelay $0x3  }
0x6a: {  	v28 =	vld.idx.msk [tilespmem:v28+s22+$0x0], $0xffff  }
0x6b: {  	v29 =	vld [tilespmem:s0+$0xFFFFFF90]  }
0x6c: {  	v30 =	vld [tilespmem:s0+$0xFFFFFFA0]  }
0x6d: {  	v31 =	vld [tilespmem:s0+$0xFFFFFFB0]  }
0x6e: {  	v32 =	vld [tilespmem:s0+$0x20]  }
0x6f: {  	v33 =	vld [tilespmem:s0+$0x30];
	s1 =	smul.u32 $0x5, s31  }
0x70: {  	v34 =	vld [tilespmem:s0+$0x40]  }
0x71: {  	v35 =	vld [tilespmem:s0+$0x50];
	s5 =	sadd.s32 $0x5, s1  }
0x72: {  	v36 =	vld [tilespmem:s0+$0xFFFFFFC0];
	s28 =	smov.u32 s11;
	p0 =	slt.s32 s5, s11  }
0x73: {  	v37 =	vld [tilespmem:s0+$0xFFFFFFD0];
	v24 =	vmul.f32 v24, v19;
	s28 =	smov.u32 @p0 s5  }
0x74: {  	v38 =	vld [tilespmem:s0+$0xFFFFFFE0];
	v25 =	vmul.f32 v25, v19;
	s5 =	smul.u32 $0xA0, s28  }
0x75: {  	v39 =	vld [tilespmem:s0+$0xFFFFFFF0];
	v8 =	vadd.f32 v24, v8;
	v24 =	vmul.f32 v27, v19  }
0x76: {  	v40 =	vld [tilespmem:s0+$0x60];
	v22 =	vmul.f32 v22, v19;
	v5 =	vadd.f32 v25, v5;
	v21 =	vmul.f32 v21, v19;
	s5 =	sadd.s32 s2, s5  }
0x77: {  	v41 =	vld [tilespmem:s0+$0x70];
	v25 =	vmul.f32 v12, v7;
	v4 =	vadd.f32 v24, v4;
	v24 =	vmul.f32 v26, v19;
	s5 =	sshll.u32 s5, $0x4  }
0x78: {  	v42 =	vld [tilespmem:s0+$0xE0];
	v10 =	vmul.f32 v10, v9;
	v11 =	vmul.f32 v11, v9;
	s6 =	sadd.s32 s3, s5  }
0x79: {  	v43 =	vld [tilespmem:s0+$0xF0];
	v6 =	vadd.f32 v22, v6;
	v18 =	vmul.f32 v18, v28;
	v22 =	vmul.f32 v29, v28;
	[tilespmem:s16], [sflag:$0x1] =	stream.linear.gather [hbm4b:s6+s4], $0x5000, $0x38  }
0x7a: {  	v1 =	vadd.f32 v21, v1;
	v21 =	vmul.f32 v38, v28;
	v27 =	vmul.f32 v39, v28;
	_ =	swait.ge [sflag:s23], $0x5000  }
0x7b: {  	v62 =	vmul.f32 v40, v9;
	v8 =	vadd.f32 v18, v8;
	v18 =	vmul.f32 v30, v28;
	[sflag:s23] =	ssyncset.done $0x0  }
0x7c: {  	s0 =	simm.s32 $0x6A00;
	v6 =	vadd.f32 v22, v6;
	v22 =	vmul.f32 v23, v19;
	v23 =	vmul.f32 v31, v28;
	[sflag:s23] =	ssyncadd.s32 $0xFFFFB000  }
0x7d: {  	v2 =	vadd.f32 v24, v2;
	v5 =	vadd.f32 v18, v5;
	v18 =	vmul.f32 v32, v9;
	v29 =	vld [tilespmem:s0+$0x80]  }
0x7e: {  	v1 =	vadd.f32 v21, v1;
	v4 =	vadd.f32 v23, v4;
	v23 =	vmul.f32 v33, v9;
	v60 =	vld [tilespmem:s0+$0x90]  }
0x7f: {  	v24 =	vmul.f32 v37, v28;
	v8 =	vadd.f32 v10, v8;
	s5 =	sadd.s32 $0xFFFFFF60, s30;
	v18 =	vadd.f32 v18, v5;
	v10 =	vld [tilespmem:s0+$0xA0]  }
0x80: {  	v19 =	vmul.f32 v20, v19;
	v6 =	vadd.f32 v11, v6;
	s28 =	sadd.s32 $0x142, s5;
	v20 =	vadd.f32 v23, v4;
	v11 =	vld [tilespmem:s0+$0xB0]  }
0x81: {  	v5 =	vadd.f32 v17, v8;
	v4 =	vadd.f32 v16, v18;
	v18 =	vmov s28;
	v12 =	vld [tilespmem:s0+$0xC0]  }
0x82: {  	v6 =	vadd.f32 v14, v6;
	v8 =	vadd.f32 v15, v20;
	v14 =	vld [tilespmem:s0+$0xD0];
	v20 =	vand.u32 $0xFFFFFFFE, v18  }
0x83: {  	v21 =	vmul.f32 v35, v9;
	v2 =	vadd.f32 v24, v2;
	v15 =	vld [tilespmem:s0+$0x0];
	v26 =	vbroadcast v20, $0x0  }
0x84: {  	v3 =	vadd.f32 v22, v3;
	v19 =	vadd.f32 v19, v0;
	s6 =	sadd.s32 $0x143, s5;
	s7 =	sadd.s32 $0x141, s5;
	v16 =	vmul.f32 v36, v28;
	v17 =	vld [tilespmem:s0+$0x10]  }
0x85: {  	v1 =	vadd.f32 v62, v1;
	v23 =	vmov s6;
	v0 =	vmov s7;
	v18 =	vld [tilespmem:s0+$0x20]  }
0x86: {  	v19 =	vadd.f32 v27, v19;
	v28 =	vmul.f32 v34, v9;
	v22 =	vld [tilespmem:s0+$0x30];
	v3 =	vadd.f32 v16, v3  }
0x87: {  	s5 =	sadd.s32 $0x140, s5;
	v27 =	vmul.f32 v42, v7;
	v0 =	vand.u32 $0xFFFFFFFD, v0;
	v9 =	vmul.f32 v41, v9;
	v24 =	vld [tilespmem:s0+$0xFFFFFF90]  }
0x88: {  	v61 =	vbroadcast v0, $0x0;
	v20 =	vld [tilespmem:s0+$0x40];
	v3 =	vadd.f32 v28, v3;
	v28 =	vmov s5  }
0x89: {  	v21 =	vadd.f32 v21, v2;
	v19 =	vadd.f32 v9, v19;
	v2 =	vld.idx.msk [tilespmem:v26+s22+$0x0], $0xffff;
	v26 =	vand.u32 $0xFFFFFFFC, v28  }
0x8a: {  	v0 =	vld.idx.msk [tilespmem:v23+s22+$0x0], $0xffff;
	v9 =	vadd.f32 v25, v3;
	v3 =	vadd.f32 v27, v1;
	v27 =	vbroadcast v26, $0x0  }
0x8b: {  	v16 =	vld [tilespmem:s0+$0x50]  }
0x8c: {  	v13 =	vmul.f32 v13, v7;
	v23 =	vld [tilespmem:s0+$0xFFFFFF80]  }
0x8d: {  	v63 =	vmul.f32 v43, v7;
	v25 =	vld [tilespmem:s0+$0xFFFFFF00]  }
0x8e: {  	v7 =	vadd.f32 v13, v21;
	v13 =	vld.idx.msk [tilespmem:v61+s22+$0x0], $0xffff  }
0x8f: {  	s28 =	simm.s32 $0xFFFFFF64;
	v1 =	vadd.f32 v63, v19;
	v21 =	vmul.f32 v29, v0;
	v19 =	vmul.f32 v60, v0;
	v26 =	vld [tilespmem:s0+$0xFFFFFF10]  }
.LBB2_7:
0x90: {  	p0 =	sne.s32 s28, $0xFFFFFFFC;
	v27 =	vld.idx.msk [tilespmem:v27+s22+$0x0], $0xffff;
	v10 =	vmul.f32 v10, v0;
	v11 =	vmul.f32 v11, v0  }
0x91: {  	v29 =	vmul.f32 v12, v0;
	v30 =	vmul.f32 v14, v0;
	v28 =	vld [tilespmem:s0+$0xFFFFFF20]  }
0x92: {  	v14 =	vmul.f32 v15, v2;
	v15 =	vmul.f32 v17, v2;
	v12 =	vld [tilespmem:s0+$0xFFFFFF30]  }
0x93: {  	v18 =	vmul.f32 v18, v2;
	v22 =	vmul.f32 v22, v2;
	v17 =	vld [tilespmem:s0+$0xFFFFFFA0]  }
0x94: {  	v20 =	vmul.f32 v20, v2;
	v16 =	vmul.f32 v16, v2;
	v31 =	vld [tilespmem:s0+$0xFFFFFFB0]  }
0x95: {  	v23 =	vmul.f32 v23, v13;
	v24 =	vmul.f32 v24, v13;
	v32 =	vld [tilespmem:s0+$0xFFFFFFC0]  }
0x96: {  	v25 =	vmul.f32 v25, v27;
	v26 =	vmul.f32 v26, v27;
	v33 =	vld [tilespmem:s0+$0xFFFFFFD0]  }
0x97: {  	v28 =	vmul.f32 v28, v27;
	v12 =	vmul.f32 v12, v27;
	v34 =	vld [tilespmem:s0+$0xFFFFFF40]  }
0x98: {  	v5 =	vadd.f32 v25, v5;
	v6 =	vadd.f32 v26, v6;
	v25 =	vld [tilespmem:s0+$0xFFFFFF50];
	v17 =	vmul.f32 v17, v13  }
0x99: {  	v4 =	vadd.f32 v28, v4;
	v8 =	vadd.f32 v12, v8;
	v12 =	vld [tilespmem:s0+$0xFFFFFF60];
	v26 =	vmul.f32 v31, v13  }
0x9a: {  	v5 =	vadd.f32 v23, v5;
	v6 =	vadd.f32 v24, v6;
	v28 =	vld [tilespmem:s0+$0xFFFFFF70];
	v23 =	vmul.f32 v32, v13  }
0x9b: {  	v4 =	vadd.f32 v17, v4;
	v8 =	vadd.f32 v26, v8;
	v17 =	vmul.f32 v33, v13;
	v24 =	vld [tilespmem:s0+$0xFFFFFFE0]  }
0x9c: {  	v5 =	vadd.f32 v14, v5;
	v6 =	vadd.f32 v15, v6;
	v26 =	vmul.f32 v34, v27;
	v31 =	vld [tilespmem:s0+$0xFFFFFFF0]  }
0x9d: {  	v4 =	vadd.f32 v18, v4;
	v14 =	vmul.f32 v25, v27;
	v8 =	vadd.f32 v22, v8;
	v15 =	vld [tilespmem:s0+$0x60]  }
0x9e: {  	v5 =	vadd.f32 v21, v5;
	v6 =	vadd.f32 v19, v6;
	v12 =	vmul.f32 v12, v27;
	v18 =	vld [tilespmem:s0+$0x70]  }
0x9f: {  	v4 =	vadd.f32 v10, v4;
	v19 =	vmul.f32 v28, v27;
	v8 =	vadd.f32 v11, v8;
	v21 =	vld [tilespmem:s0+$0xE0]  }
0xa0: {  	v9 =	vadd.f32 v26, v9;
	v7 =	vadd.f32 v14, v7;
	v11 =	vmul.f32 v24, v13;
	v14 =	vld [tilespmem:s0+$0xF0];
	s0 =	sadd.s32 $0x200, s0  }
0xa1: {  	v3 =	vadd.f32 v12, v3;
	v28 =	vld [tilespmem:s0+$0x80];
	v1 =	vadd.f32 v19, v1;
	v12 =	vmul.f32 v31, v13  }
0xa2: {  	v9 =	vadd.f32 v23, v9;
	v7 =	vadd.f32 v17, v7;
	v19 =	vld [tilespmem:s0+$0x90];
	v13 =	vmul.f32 v15, v2  }
0xa3: {  	v3 =	vadd.f32 v11, v3;
	v10 =	vld [tilespmem:s0+$0xA0];
	v1 =	vadd.f32 v12, v1;
	v2 =	vmul.f32 v18, v2  }
0xa4: {  	v9 =	vadd.f32 v20, v9;
	v7 =	vadd.f32 v16, v7;
	v11 =	vld [tilespmem:s0+$0xB0];
	v16 =	vmul.f32 v21, v0  }
0xa5: {  	v3 =	vadd.f32 v13, v3;
	v12 =	vld [tilespmem:s0+$0xC0];
	v1 =	vadd.f32 v2, v1;
	v0 =	vmul.f32 v14, v0  }
0xa6: {  	s5 =	sadd.s32 s28, s30;
	v9 =	vadd.f32 v29, v9;
	v7 =	vadd.f32 v30, v7;
	v14 =	vld [tilespmem:s0+$0xD0]  }
0xa7: {  	s6 =	sadd.s32 $0x142, s5;
	s7 =	sadd.s32 $0x143, s5;
	v3 =	vadd.f32 v16, v3;
	v15 =	vld [tilespmem:s0+$0x0];
	v1 =	vadd.f32 v0, v1  }
0xa8: {  	v2 =	vmov s7;
	v0 =	vmov s6;
	v17 =	vld [tilespmem:s0+$0x10]  }
0xa9: {  	v0 =	vand.u32 $0xFFFFFFFE, v0;
	v18 =	vld [tilespmem:s0+$0x20]  }
0xaa: {  	s6 =	sadd.s32 $0x141, s5;
	v13 =	vbroadcast v0, $0x0;
	v22 =	vld [tilespmem:s0+$0x30]  }
0xab: {  	s5 =	sadd.s32 $0x140, s5;
	v0 =	vmov s6;
	v20 =	vld [tilespmem:s0+$0x40]  }
0xac: {  	v21 =	vmov s5;
	v0 =	vand.u32 $0xFFFFFFFD, v0;
	v16 =	vld [tilespmem:s0+$0x50]  }
0xad: {  	v21 =	vand.u32 $0xFFFFFFFC, v21;
	v29 =	vbroadcast v0, $0x0;
	v0 =	vld.idx.msk [tilespmem:v2+s22+$0x0], $0xffff  }
0xae: {  	v27 =	vbroadcast v21, $0x0;
	v23 =	vld [tilespmem:s0+$0xFFFFFF80]  }
.Ltmp2:
0xaf: {  	v24 =	vld [tilespmem:s0+$0xFFFFFF90];
	(pc) =	sbr.rel @p0 .LBB2_7-.Ltmp2, $4  }
0xb0: {  	v2 =	vld.idx.msk [tilespmem:v13+s22+$0x0], $0xffff  }
0xb1: {  	v25 =	vld [tilespmem:s0+$0xFFFFFF00]  }
0xb2: {  	v26 =	vld [tilespmem:s0+$0xFFFFFF10]  }
0xb3: {  	s28 =	sadd.s32 $0x4, s28;
	v21 =	vmul.f32 v28, v0;
	v19 =	vmul.f32 v19, v0;
	v13 =	vld.idx.msk [tilespmem:v29+s22+$0x0], $0xffff  }
0xb4: {  	_ =	sdelay $0x3  }
0xb5: {  	v27 =	vld.idx.msk [tilespmem:v27+s22+$0x0], $0xffff  }
0xb6: {  	v28 =	vld [tilespmem:s0+$0xFFFFFF20]  }
0xb7: {  	v29 =	vld [tilespmem:s0+$0xFFFFFF30]  }
0xb8: {  	v30 =	vld [tilespmem:s0+$0xFFFFFFA0]  }
0xb9: {  	v31 =	vld [tilespmem:s0+$0xFFFFFFB0]  }
0xba: {  	v32 =	vld [tilespmem:s0+$0xFFFFFFC0]  }
0xbb: {  	v33 =	vld [tilespmem:s0+$0xFFFFFFD0]  }
0xbc: {  	v34 =	vld [tilespmem:s0+$0xFFFFFF40]  }
0xbd: {  	v35 =	vld [tilespmem:s0+$0xFFFFFF50];
	s5 =	sadd.s32 $0x6, s1  }
0xbe: {  	v36 =	vld [tilespmem:s0+$0xFFFFFF60];
	s6 =	smov.u32 s11;
	p0 =	slt.s32 s5, s11  }
0xbf: {  	v37 =	vld [tilespmem:s0+$0xFFFFFF70];
	s6 =	smov.u32 @p0 s5  }
0xc0: {  	v38 =	vld [tilespmem:s0+$0xFFFFFFE0];
	v10 =	vmul.f32 v10, v0;
	v58 =	vmul.f32 v14, v0;
	s5 =	smul.u32 $0xA0, s6  }
0xc1: {  	v39 =	vld [tilespmem:s0+$0xFFFFFFF0];
	v15 =	vmul.f32 v15, v2;
	v17 =	vmul.f32 v17, v2  }
0xc2: {  	v40 =	vld [tilespmem:s0+$0x60];
	v18 =	vmul.f32 v18, v2;
	v61 =	vmul.f32 v16, v2;
	s5 =	sadd.s32 s2, s5  }
0xc3: {  	v41 =	vld [tilespmem:s0+$0x70];
	v23 =	vmul.f32 v23, v13;
	v25 =	vmul.f32 v25, v27;
	s5 =	sshll.u32 s5, $0x4  }
0xc4: {  	v42 =	vld [tilespmem:s0+$0xE0];
	v24 =	vmul.f32 v24, v13;
	v26 =	vmul.f32 v26, v27;
	s6 =	sadd.s32 s3, s5  }
0xc5: {  	v28 =	vmul.f32 v28, v27;
	v29 =	vmul.f32 v29, v27;
	v5 =	vadd.f32 v25, v5;
	v25 =	vld [tilespmem:s0+$0xF0];
	[tilespmem:s17], [sflag:$0x2] =	stream.linear.gather [hbm4b:s6+s4], $0x5000, $0x38  }
0xc6: {  	v59 =	vmul.f32 v33, v13;
	v60 =	vmul.f32 v38, v13;
	v6 =	vadd.f32 v26, v6;
	_ =	swait.ge [sflag:s24], $0x5000  }
0xc7: {  	v4 =	vadd.f32 v28, v4;
	v8 =	vadd.f32 v29, v8;
	v26 =	vmul.f32 v30, v13;
	[sflag:s24] =	ssyncset.done $0x0  }
0xc8: {  	s0 =	simm.s32 $0xBA00;
	v5 =	vadd.f32 v23, v5;
	v23 =	vmul.f32 v31, v13;
	v6 =	vadd.f32 v24, v6;
	[sflag:s24] =	ssyncadd.s32 $0xFFFFB000  }
0xc9: {  	v4 =	vadd.f32 v26, v4;
	v26 =	vmul.f32 v12, v0;
	v24 =	vmul.f32 v20, v2;
	v28 =	vld [tilespmem:s0+$0x80]  }
0xca: {  	s5 =	sadd.s32 $0xFFFFFF60, s30;
	v20 =	vmul.f32 v34, v27;
	v8 =	vadd.f32 v23, v8;
	v5 =	vadd.f32 v15, v5;
	v29 =	vld [tilespmem:s0+$0x90]  }
0xcb: {  	s6 =	sadd.s32 $0x1E2, s5;
	v15 =	vmul.f32 v22, v2;
	v6 =	vadd.f32 v17, v6;
	v17 =	vmul.f32 v11, v0;
	v11 =	vld [tilespmem:s0+$0xA0]  }
0xcc: {  	v18 =	vadd.f32 v18, v4;
	v9 =	vadd.f32 v20, v9;
	v20 =	vmov s6;
	v12 =	vld [tilespmem:s0+$0xB0]  }
0xcd: {  	v14 =	vld [tilespmem:s0+$0xC0];
	v20 =	vand.u32 $0xFFFFFFFE, v20;
	v4 =	vadd.f32 v21, v5;
	v21 =	vmul.f32 v36, v27  }
0xce: {  	s7 =	sadd.s32 $0x1E3, s5;
	v22 =	vld [tilespmem:s0+$0x30];
	v5 =	vmul.f32 v35, v27;
	v6 =	vadd.f32 v19, v6;
	v19 =	vmul.f32 v37, v27  }
0xcf: {  	v16 =	vld [tilespmem:s0+$0x50];
	v27 =	vmov s7;
	v3 =	vadd.f32 v21, v3;
	v21 =	vbroadcast v20, $0x0  }
0xd0: {  	v62 =	vmul.f32 v40, v2;
	v23 =	vmul.f32 v32, v13;
	v8 =	vadd.f32 v15, v8;
	v15 =	vld [tilespmem:s0+$0xD0]  }
0xd1: {  	v13 =	vmul.f32 v39, v13;
	v10 =	vadd.f32 v10, v18;
	v18 =	vld [tilespmem:s0+$0x10];
	s7 =	sadd.s32 $0x1E1, s5;
	v19 =	vadd.f32 v19, v1  }
0xd2: {  	v2 =	vmul.f32 v41, v2;
	v9 =	vadd.f32 v23, v9;
	v23 =	vld [tilespmem:s0+$0xFFFFFF80];
	v1 =	vmov s7  }
0xd3: {  	s5 =	sadd.s32 $0x1E0, s5;
	v8 =	vadd.f32 v17, v8;
	v17 =	vld [tilespmem:s0+$0x0];
	v1 =	vand.u32 $0xFFFFFFFD, v1;
	v13 =	vadd.f32 v13, v19  }
0xd4: {  	v5 =	vadd.f32 v5, v7;
	v63 =	vbroadcast v1, $0x0;
	v1 =	vld.idx.msk [tilespmem:v27+s22+$0x0], $0xffff;
	v27 =	vmov s5  }
0xd5: {  	v13 =	vadd.f32 v2, v13;
	v2 =	vld.idx.msk [tilespmem:v21+s22+$0x0], $0xffff;
	v21 =	vand.u32 $0xFFFFFFFC, v27  }
0xd6: {  	v7 =	vld [tilespmem:s0+$0x20];
	v5 =	vadd.f32 v59, v5;
	v3 =	vadd.f32 v60, v3;
	v27 =	vbroadcast v21, $0x0  }
0xd7: {  	v20 =	vld [tilespmem:s0+$0x40];
	v9 =	vadd.f32 v24, v9  }
0xd8: {  	v24 =	vld [tilespmem:s0+$0xFFFFFF90];
	v19 =	vmul.f32 v42, v0;
	v5 =	vadd.f32 v61, v5;
	v3 =	vadd.f32 v62, v3  }
0xd9: {  	v0 =	vmul.f32 v25, v0;
	v9 =	vadd.f32 v26, v9;
	v25 =	vld [tilespmem:s0+$0xFFFFFF00]  }
0xda: {  	v26 =	vld [tilespmem:s0+$0xFFFFFF10];
	v5 =	vadd.f32 v58, v5;
	v3 =	vadd.f32 v19, v3  }
0xdb: {  	s28 =	simm.s32 $0xFFFFFF64;
	v0 =	vadd.f32 v0, v13;
	v13 =	vld.idx.msk [tilespmem:v63+s22+$0x0], $0xffff;
	v21 =	vmul.f32 v28, v1;
	v19 =	vmul.f32 v29, v1  }
.LBB2_9:
0xdc: {  	p0 =	sne.s32 s28, $0xFFFFFFFC;
	v27 =	vld.idx.msk [tilespmem:v27+s22+$0x0], $0xffff;
	v11 =	vmul.f32 v11, v1;
	v12 =	vmul.f32 v12, v1  }
0xdd: {  	v29 =	vmul.f32 v14, v1;
	v30 =	vmul.f32 v15, v1;
	v28 =	vld [tilespmem:s0+$0xFFFFFF20]  }
0xde: {  	v15 =	vmul.f32 v17, v2;
	v17 =	vmul.f32 v18, v2;
	v14 =	vld [tilespmem:s0+$0xFFFFFF30]  }
0xdf: {  	v7 =	vmul.f32 v7, v2;
	v22 =	vmul.f32 v22, v2;
	v18 =	vld [tilespmem:s0+$0xFFFFFFA0]  }
0xe0: {  	v20 =	vmul.f32 v20, v2;
	v16 =	vmul.f32 v16, v2;
	v31 =	vld [tilespmem:s0+$0xFFFFFFB0]  }
0xe1: {  	v23 =	vmul.f32 v23, v13;
	v24 =	vmul.f32 v24, v13;
	v32 =	vld [tilespmem:s0+$0xFFFFFFC0]  }
0xe2: {  	v25 =	vmul.f32 v25, v27;
	v26 =	vmul.f32 v26, v27;
	v33 =	vld [tilespmem:s0+$0xFFFFFFD0]  }
0xe3: {  	v28 =	vmul.f32 v28, v27;
	v14 =	vmul.f32 v14, v27;
	v34 =	vld [tilespmem:s0+$0xFFFFFF40]  }
0xe4: {  	v4 =	vadd.f32 v25, v4;
	v6 =	vadd.f32 v26, v6;
	v25 =	vld [tilespmem:s0+$0xFFFFFF50];
	v18 =	vmul.f32 v18, v13  }
0xe5: {  	v10 =	vadd.f32 v28, v10;
	v8 =	vadd.f32 v14, v8;
	v14 =	vld [tilespmem:s0+$0xFFFFFF60];
	v26 =	vmul.f32 v31, v13  }
0xe6: {  	v4 =	vadd.f32 v23, v4;
	v6 =	vadd.f32 v24, v6;
	v28 =	vld [tilespmem:s0+$0xFFFFFF70];
	v23 =	vmul.f32 v32, v13  }
0xe7: {  	v10 =	vadd.f32 v18, v10;
	v8 =	vadd.f32 v26, v8;
	v18 =	vmul.f32 v33, v13;
	v24 =	vld [tilespmem:s0+$0xFFFFFFE0]  }
0xe8: {  	v4 =	vadd.f32 v15, v4;
	v6 =	vadd.f32 v17, v6;
	v26 =	vmul.f32 v34, v27;
	v31 =	vld [tilespmem:s0+$0xFFFFFFF0]  }
0xe9: {  	v7 =	vadd.f32 v7, v10;
	v15 =	vmul.f32 v25, v27;
	v8 =	vadd.f32 v22, v8;
	v17 =	vld [tilespmem:s0+$0x60]  }
0xea: {  	v4 =	vadd.f32 v21, v4;
	v6 =	vadd.f32 v19, v6;
	v14 =	vmul.f32 v14, v27;
	v22 =	vld [tilespmem:s0+$0x70]  }
0xeb: {  	v10 =	vadd.f32 v11, v7;
	v19 =	vmul.f32 v28, v27;
	v8 =	vadd.f32 v12, v8;
	v7 =	vld [tilespmem:s0+$0xE0]  }
0xec: {  	v9 =	vadd.f32 v26, v9;
	v5 =	vadd.f32 v15, v5;
	v12 =	vmul.f32 v24, v13;
	v15 =	vld [tilespmem:s0+$0xF0];
	s0 =	sadd.s32 $0x200, s0  }
0xed: {  	v3 =	vadd.f32 v14, v3;
	v21 =	vld [tilespmem:s0+$0x80];
	v0 =	vadd.f32 v19, v0;
	v13 =	vmul.f32 v31, v13  }
0xee: {  	v9 =	vadd.f32 v23, v9;
	v5 =	vadd.f32 v18, v5;
	v19 =	vld [tilespmem:s0+$0x90];
	v17 =	vmul.f32 v17, v2  }
0xef: {  	v3 =	vadd.f32 v12, v3;
	v11 =	vld [tilespmem:s0+$0xA0];
	v0 =	vadd.f32 v13, v0;
	v2 =	vmul.f32 v22, v2  }
0xf0: {  	v9 =	vadd.f32 v20, v9;
	v5 =	vadd.f32 v16, v5;
	v12 =	vld [tilespmem:s0+$0xB0];
	v7 =	vmul.f32 v7, v1  }
0xf1: {  	v3 =	vadd.f32 v17, v3;
	v14 =	vld [tilespmem:s0+$0xC0];
	v0 =	vadd.f32 v2, v0;
	v1 =	vmul.f32 v15, v1  }
0xf2: {  	s5 =	sadd.s32 s28, s30;
	v9 =	vadd.f32 v29, v9;
	v5 =	vadd.f32 v30, v5;
	v15 =	vld [tilespmem:s0+$0xD0]  }
0xf3: {  	s6 =	sadd.s32 $0x1E2, s5;
	s7 =	sadd.s32 $0x1E3, s5;
	v3 =	vadd.f32 v7, v3;
	v17 =	vld [tilespmem:s0+$0x0];
	v0 =	vadd.f32 v1, v0  }
0xf4: {  	v2 =	vmov s7;
	v1 =	vmov s6;
	v18 =	vld [tilespmem:s0+$0x10]  }
0xf5: {  	v1 =	vand.u32 $0xFFFFFFFE, v1;
	v7 =	vld [tilespmem:s0+$0x20]  }
0xf6: {  	s6 =	sadd.s32 $0x1E1, s5;
	v13 =	vbroadcast v1, $0x0;
	v22 =	vld [tilespmem:s0+$0x30]  }
0xf7: {  	s5 =	sadd.s32 $0x1E0, s5;
	v1 =	vmov s6;
	v20 =	vld [tilespmem:s0+$0x40]  }
0xf8: {  	v23 =	vmov s5;
	v1 =	vand.u32 $0xFFFFFFFD, v1;
	v16 =	vld [tilespmem:s0+$0x50]  }
0xf9: {  	v23 =	vand.u32 $0xFFFFFFFC, v23;
	v28 =	vbroadcast v1, $0x0;
	v1 =	vld.idx.msk [tilespmem:v2+s22+$0x0], $0xffff  }
0xfa: {  	v27 =	vbroadcast v23, $0x0;
	v23 =	vld [tilespmem:s0+$0xFFFFFF80]  }
.Ltmp3:
0xfb: {  	v24 =	vld [tilespmem:s0+$0xFFFFFF90];
	(pc) =	sbr.rel @p0 .LBB2_9-.Ltmp3, $4  }
0xfc: {  	v2 =	vld.idx.msk [tilespmem:v13+s22+$0x0], $0xffff  }
0xfd: {  	v25 =	vld [tilespmem:s0+$0xFFFFFF00]  }
0xfe: {  	v26 =	vld [tilespmem:s0+$0xFFFFFF10]  }
0xff: {  	s28 =	sadd.s32 $0x4, s28;
	v21 =	vmul.f32 v21, v1;
	v19 =	vmul.f32 v19, v1;
	v13 =	vld.idx.msk [tilespmem:v28+s22+$0x0], $0xffff  }
0x100: {  	_ =	sdelay $0x3  }
0x101: {  	v27 =	vld.idx.msk [tilespmem:v27+s22+$0x0], $0xffff  }
0x102: {  	v28 =	vld [tilespmem:s0+$0xFFFFFF20]  }
0x103: {  	v29 =	vld [tilespmem:s0+$0xFFFFFF30]  }
0x104: {  	v30 =	vld [tilespmem:s0+$0xFFFFFFA0]  }
0x105: {  	v31 =	vld [tilespmem:s0+$0xFFFFFFB0]  }
0x106: {  	v32 =	vld [tilespmem:s0+$0xFFFFFFC0]  }
0x107: {  	v33 =	vld [tilespmem:s0+$0xFFFFFFD0]  }
0x108: {  	v34 =	vld [tilespmem:s0+$0xFFFFFF40]  }
0x109: {  	v35 =	vld [tilespmem:s0+$0xFFFFFF50];
	s5 =	sadd.s32 $0x7, s1  }
0x10a: {  	v36 =	vld [tilespmem:s0+$0xFFFFFF60];
	s6 =	smov.u32 s11;
	p0 =	slt.s32 s5, s11  }
0x10b: {  	v37 =	vld [tilespmem:s0+$0xFFFFFF70];
	s6 =	smov.u32 @p0 s5  }
0x10c: {  	v38 =	vld [tilespmem:s0+$0xFFFFFFE0];
	v58 =	vmul.f32 v15, v1;
	s5 =	smul.u32 $0xA0, s6  }
0x10d: {  	v39 =	vld [tilespmem:s0+$0xFFFFFFF0];
	v17 =	vmul.f32 v17, v2;
	v18 =	vmul.f32 v18, v2  }
0x10e: {  	v40 =	vld [tilespmem:s0+$0x60];
	v7 =	vmul.f32 v7, v2;
	v22 =	vmul.f32 v22, v2;
	s5 =	sadd.s32 s2, s5  }
0x10f: {  	v41 =	vld [tilespmem:s0+$0x70];
	v61 =	vmul.f32 v16, v2;
	v25 =	vmul.f32 v25, v27;
	s5 =	sshll.u32 s5, $0x4  }
0x110: {  	v42 =	vld [tilespmem:s0+$0xE0];
	v23 =	vmul.f32 v23, v13;
	v24 =	vmul.f32 v24, v13;
	s6 =	sadd.s32 s3, s5  }
0x111: {  	v26 =	vmul.f32 v26, v27;
	v28 =	vmul.f32 v28, v27;
	v4 =	vadd.f32 v25, v4;
	v25 =	vld [tilespmem:s0+$0xF0];
	[tilespmem:s18], [sflag:$0x3] =	stream.linear.gather [hbm4b:s6+s4], $0x5000, $0x38  }
0x112: {  	v29 =	vmul.f32 v29, v27;
	v59 =	vmul.f32 v33, v13;
	_ =	swait.ge [sflag:s25], $0x5000  }
0x113: {  	v6 =	vadd.f32 v26, v6;
	v10 =	vadd.f32 v28, v10;
	v26 =	vmul.f32 v30, v13;
	[sflag:s25] =	ssyncset.done $0x0  }
0x114: {  	v62 =	vmul.f32 v40, v2;
	v8 =	vadd.f32 v29, v8;
	s0 =	simm.s32 $0x10A00;
	v4 =	vadd.f32 v23, v4;
	[sflag:s25] =	ssyncadd.s32 $0xFFFFB000  }
0x115: {  	v23 =	vmul.f32 v31, v13;
	v10 =	vadd.f32 v26, v10;
	v26 =	vmul.f32 v14, v1;
	v28 =	vld [tilespmem:s0+$0x80]  }
0x116: {  	v6 =	vadd.f32 v24, v6;
	v24 =	vmul.f32 v20, v2;
	v20 =	vmul.f32 v34, v27;
	v29 =	vld [tilespmem:s0+$0x90]  }
0x117: {  	v8 =	vadd.f32 v23, v8;
	v4 =	vadd.f32 v17, v4;
	v17 =	vmul.f32 v11, v1;
	v11 =	vld [tilespmem:s0+$0xA0]  }
0x118: {  	v2 =	vmul.f32 v41, v2;
	v6 =	vadd.f32 v18, v6;
	v18 =	vmul.f32 v12, v1;
	v12 =	vld [tilespmem:s0+$0xB0]  }
0x119: {  	v7 =	vadd.f32 v7, v10;
	v23 =	vmul.f32 v32, v13;
	v14 =	vld [tilespmem:s0+$0xC0];
	v8 =	vadd.f32 v22, v8  }
0x11a: {  	s5 =	sadd.s32 $0xFFFFFF60, s30;
	v15 =	vld [tilespmem:s0+$0xD0];
	v4 =	vadd.f32 v21, v4;
	v21 =	vmul.f32 v35, v27;
	v22 =	vmul.f32 v36, v27  }
0x11b: {  	s7 =	sadd.s32 $0x283, s5;
	v16 =	vld [tilespmem:s0+$0x50];
	v6 =	vadd.f32 v19, v6;
	v19 =	vmul.f32 v37, v27;
	v10 =	vadd.f32 v17, v7  }
0x11c: {  	s6 =	sadd.s32 $0x282, s5;
	v17 =	vld [tilespmem:s0+$0x0];
	v27 =	vmov s7;
	v7 =	vadd.f32 v18, v8;
	v8 =	vadd.f32 v20, v9  }
0x11d: {  	v18 =	vmov s6;
	v9 =	vld [tilespmem:s0+$0x10];
	v5 =	vadd.f32 v21, v5;
	v21 =	vmul.f32 v38, v13  }
0x11e: {  	s7 =	sadd.s32 $0x281, s5;
	v3 =	vadd.f32 v22, v3;
	v22 =	vld [tilespmem:s0+$0x30];
	v19 =	vadd.f32 v19, v0;
	v20 =	vand.u32 $0xFFFFFFFE, v18  }
0x11f: {  	s5 =	sadd.s32 $0x280, s5;
	v13 =	vmul.f32 v39, v13;
	v0 =	vmov s7;
	v18 =	vld [tilespmem:s0+$0x20];
	v60 =	vbroadcast v20, $0x0  }
0x120: {  	v0 =	vand.u32 $0xFFFFFFFD, v0;
	v20 =	vld [tilespmem:s0+$0x40];
	v3 =	vadd.f32 v21, v3;
	v21 =	vmov s5  }
0x121: {  	v8 =	vadd.f32 v23, v8;
	v63 =	vbroadcast v0, $0x0;
	v23 =	vld [tilespmem:s0+$0xFFFFFF80];
	v21 =	vand.u32 $0xFFFFFFFC, v21  }
0x122: {  	v5 =	vadd.f32 v59, v5;
	v13 =	vadd.f32 v13, v19;
	v0 =	vld.idx.msk [tilespmem:v27+s22+$0x0], $0xffff;
	v27 =	vbroadcast v21, $0x0  }
0x123: {  	v19 =	vmul.f32 v42, v1;
	v1 =	vmul.f32 v25, v1;
	v25 =	vld [tilespmem:s0+$0xFFFFFF00];
	v8 =	vadd.f32 v24, v8  }
0x124: {  	v5 =	vadd.f32 v61, v5;
	v24 =	vld [tilespmem:s0+$0xFFFFFF90];
	v3 =	vadd.f32 v62, v3  }
0x125: {  	v13 =	vadd.f32 v2, v13;
	v8 =	vadd.f32 v26, v8;
	v2 =	vld.idx.msk [tilespmem:v60+s22+$0x0], $0xffff  }
0x126: {  	v5 =	vadd.f32 v58, v5;
	v3 =	vadd.f32 v19, v3;
	v26 =	vld [tilespmem:s0+$0xFFFFFF10]  }
0x127: {  	s28 =	simm.s32 $0xFFFFFF64;
	v1 =	vadd.f32 v1, v13;
	v13 =	vld.idx.msk [tilespmem:v63+s22+$0x0], $0xffff;
	v21 =	vmul.f32 v28, v0;
	v19 =	vmul.f32 v29, v0  }
.LBB2_11:
0x128: {  	p0 =	sne.s32 s28, $0xFFFFFFFC;
	v27 =	vld.idx.msk [tilespmem:v27+s22+$0x0], $0xffff;
	v11 =	vmul.f32 v11, v0;
	v12 =	vmul.f32 v12, v0  }
0x129: {  	v29 =	vmul.f32 v14, v0;
	v30 =	vmul.f32 v15, v0;
	v28 =	vld [tilespmem:s0+$0xFFFFFF20]  }
0x12a: {  	v15 =	vmul.f32 v17, v2;
	v9 =	vmul.f32 v9, v2;
	v14 =	vld [tilespmem:s0+$0xFFFFFF30]  }
0x12b: {  	v18 =	vmul.f32 v18, v2;
	v22 =	vmul.f32 v22, v2;
	v17 =	vld [tilespmem:s0+$0xFFFFFFA0]  }
0x12c: {  	v20 =	vmul.f32 v20, v2;
	v16 =	vmul.f32 v16, v2;
	v31 =	vld [tilespmem:s0+$0xFFFFFFB0]  }
0x12d: {  	v23 =	vmul.f32 v23, v13;
	v24 =	vmul.f32 v24, v13;
	v32 =	vld [tilespmem:s0+$0xFFFFFFC0]  }
0x12e: {  	v25 =	vmul.f32 v25, v27;
	v26 =	vmul.f32 v26, v27;
	v33 =	vld [tilespmem:s0+$0xFFFFFFD0]  }
0x12f: {  	v28 =	vmul.f32 v28, v27;
	v14 =	vmul.f32 v14, v27;
	v34 =	vld [tilespmem:s0+$0xFFFFFF40]  }
0x130: {  	v4 =	vadd.f32 v25, v4;
	v6 =	vadd.f32 v26, v6;
	v25 =	vld [tilespmem:s0+$0xFFFFFF50];
	v17 =	vmul.f32 v17, v13  }
0x131: {  	v10 =	vadd.f32 v28, v10;
	v7 =	vadd.f32 v14, v7;
	v14 =	vld [tilespmem:s0+$0xFFFFFF60];
	v26 =	vmul.f32 v31, v13  }
0x132: {  	v4 =	vadd.f32 v23, v4;
	v6 =	vadd.f32 v24, v6;
	v28 =	vld [tilespmem:s0+$0xFFFFFF70];
	v23 =	vmul.f32 v32, v13  }
0x133: {  	v10 =	vadd.f32 v17, v10;
	v7 =	vadd.f32 v26, v7;
	v17 =	vmul.f32 v33, v13;
	v24 =	vld [tilespmem:s0+$0xFFFFFFE0]  }
0x134: {  	v4 =	vadd.f32 v15, v4;
	v6 =	vadd.f32 v9, v6;
	v26 =	vmul.f32 v34, v27;
	v31 =	vld [tilespmem:s0+$0xFFFFFFF0]  }
0x135: {  	v10 =	vadd.f32 v18, v10;
	v9 =	vmul.f32 v25, v27;
	v7 =	vadd.f32 v22, v7;
	v15 =	vld [tilespmem:s0+$0x60]  }
0x136: {  	v4 =	vadd.f32 v21, v4;
	v6 =	vadd.f32 v19, v6;
	v14 =	vmul.f32 v14, v27;
	v18 =	vld [tilespmem:s0+$0x70]  }
0x137: {  	v10 =	vadd.f32 v11, v10;
	v19 =	vmul.f32 v28, v27;
	v7 =	vadd.f32 v12, v7;
	v21 =	vld [tilespmem:s0+$0xE0]  }
0x138: {  	v8 =	vadd.f32 v26, v8;
	v5 =	vadd.f32 v9, v5;
	v9 =	vmul.f32 v24, v13;
	v22 =	vld [tilespmem:s0+$0xF0];
	s0 =	sadd.s32 $0x200, s0  }
0x139: {  	v3 =	vadd.f32 v14, v3;
	v28 =	vld [tilespmem:s0+$0x80];
	v1 =	vadd.f32 v19, v1;
	v12 =	vmul.f32 v31, v13  }
0x13a: {  	v8 =	vadd.f32 v23, v8;
	v5 =	vadd.f32 v17, v5;
	v19 =	vld [tilespmem:s0+$0x90];
	v13 =	vmul.f32 v15, v2  }
0x13b: {  	v3 =	vadd.f32 v9, v3;
	v11 =	vld [tilespmem:s0+$0xA0];
	v1 =	vadd.f32 v12, v1;
	v2 =	vmul.f32 v18, v2  }
0x13c: {  	v8 =	vadd.f32 v20, v8;
	v5 =	vadd.f32 v16, v5;
	v12 =	vld [tilespmem:s0+$0xB0];
	v9 =	vmul.f32 v21, v0  }
0x13d: {  	v3 =	vadd.f32 v13, v3;
	v14 =	vld [tilespmem:s0+$0xC0];
	v1 =	vadd.f32 v2, v1;
	v0 =	vmul.f32 v22, v0  }
0x13e: {  	s5 =	sadd.s32 s28, s30;
	v8 =	vadd.f32 v29, v8;
	v5 =	vadd.f32 v30, v5;
	v15 =	vld [tilespmem:s0+$0xD0]  }
0x13f: {  	s6 =	sadd.s32 $0x282, s5;
	s7 =	sadd.s32 $0x283, s5;
	v3 =	vadd.f32 v9, v3;
	v17 =	vld [tilespmem:s0+$0x0];
	v1 =	vadd.f32 v0, v1  }
0x140: {  	v2 =	vmov s7;
	v0 =	vmov s6;
	v9 =	vld [tilespmem:s0+$0x10]  }
0x141: {  	v0 =	vand.u32 $0xFFFFFFFE, v0;
	v18 =	vld [tilespmem:s0+$0x20]  }
0x142: {  	s6 =	sadd.s32 $0x281, s5;
	v13 =	vbroadcast v0, $0x0;
	v22 =	vld [tilespmem:s0+$0x30]  }
0x143: {  	s5 =	sadd.s32 $0x280, s5;
	v0 =	vmov s6;
	v20 =	vld [tilespmem:s0+$0x40]  }
0x144: {  	v21 =	vmov s5;
	v0 =	vand.u32 $0xFFFFFFFD, v0;
	v16 =	vld [tilespmem:s0+$0x50]  }
0x145: {  	v21 =	vand.u32 $0xFFFFFFFC, v21;
	v29 =	vbroadcast v0, $0x0;
	v0 =	vld.idx.msk [tilespmem:v2+s22+$0x0], $0xffff  }
0x146: {  	v27 =	vbroadcast v21, $0x0;
	v23 =	vld [tilespmem:s0+$0xFFFFFF80]  }
.Ltmp4:
0x147: {  	v24 =	vld [tilespmem:s0+$0xFFFFFF90];
	(pc) =	sbr.rel @p0 .LBB2_11-.Ltmp4, $4  }
0x148: {  	v2 =	vld.idx.msk [tilespmem:v13+s22+$0x0], $0xffff  }
0x149: {  	v25 =	vld [tilespmem:s0+$0xFFFFFF00]  }
0x14a: {  	v26 =	vld [tilespmem:s0+$0xFFFFFF10]  }
0x14b: {  	s28 =	sadd.s32 $0x4, s28;
	v21 =	vmul.f32 v28, v0;
	v19 =	vmul.f32 v19, v0;
	v13 =	vld.idx.msk [tilespmem:v29+s22+$0x0], $0xffff  }
0x14c: {  	_ =	sdelay $0x3  }
0x14d: {  	v27 =	vld.idx.msk [tilespmem:v27+s22+$0x0], $0xffff  }
0x14e: {  	v28 =	vld [tilespmem:s0+$0xFFFFFF20]  }
0x14f: {  	v29 =	vld [tilespmem:s0+$0xFFFFFF30]  }
0x150: {  	v30 =	vld [tilespmem:s0+$0xFFFFFFA0]  }
0x151: {  	v31 =	vld [tilespmem:s0+$0xFFFFFFB0]  }
0x152: {  	v32 =	vld [tilespmem:s0+$0xFFFFFFC0]  }
0x153: {  	v33 =	vld [tilespmem:s0+$0xFFFFFFD0]  }
0x154: {  	v34 =	vld [tilespmem:s0+$0xFFFFFF40]  }
0x155: {  	v35 =	vld [tilespmem:s0+$0xFFFFFF50];
	s5 =	sadd.s32 $0x8, s1  }
0x156: {  	v36 =	vld [tilespmem:s0+$0xFFFFFF60];
	s6 =	smov.u32 s11;
	p0 =	slt.s32 s5, s11  }
0x157: {  	v37 =	vld [tilespmem:s0+$0xFFFFFF70];
	v11 =	vmul.f32 v11, v0;
	v17 =	vmul.f32 v17, v2;
	s6 =	smov.u32 @p0 s5  }
0x158: {  	v38 =	vld [tilespmem:s0+$0xFFFFFFE0];
	v9 =	vmul.f32 v9, v2;
	v18 =	vmul.f32 v18, v2;
	s5 =	smul.u32 $0xA0, s6  }
0x159: {  	v40 =	vld [tilespmem:s0+$0x60];
	v58 =	vmul.f32 v16, v2;
	v23 =	vmul.f32 v23, v13  }
0x15a: {  	v39 =	vld [tilespmem:s0+$0xFFFFFFF0];
	v24 =	vmul.f32 v24, v13;
	v25 =	vmul.f32 v25, v27;
	s5 =	sadd.s32 s2, s5  }
0x15b: {  	v41 =	vld [tilespmem:s0+$0x70];
	v26 =	vmul.f32 v26, v27;
	v28 =	vmul.f32 v28, v27;
	s5 =	sshll.u32 s5, $0x4  }
0x15c: {  	v42 =	vld [tilespmem:s0+$0xE0];
	v29 =	vmul.f32 v29, v27;
	v54 =	vmul.f32 v36, v27;
	s6 =	sadd.s32 s3, s5  }
0x15d: {  	v56 =	vmul.f32 v33, v13;
	v57 =	vmul.f32 v38, v13;
	v4 =	vadd.f32 v25, v4;
	v25 =	vld [tilespmem:s0+$0xF0];
	[tilespmem:s19], [sflag:$0x4] =	stream.linear.gather [hbm4b:s6+s4], $0x5000, $0x38  }
0x15e: {  	v59 =	vmul.f32 v40, v2;
	v6 =	vadd.f32 v26, v6;
	v10 =	vadd.f32 v28, v10;
	_ =	swait.ge [sflag:s26], $0x5000  }
0x15f: {  	v7 =	vadd.f32 v29, v7;
	v26 =	vmul.f32 v30, v13;
	s5 =	sadd.s32 $0xFFFFFF60, s30;
	v3 =	vadd.f32 v54, v3;
	[sflag:s26] =	ssyncset.done $0x0  }
0x160: {  	s0 =	simm.s32 $0x15A00;
	s7 =	sadd.s32 $0x323, s5;
	v4 =	vadd.f32 v23, v4;
	v23 =	vmul.f32 v31, v13;
	v6 =	vadd.f32 v24, v6;
	[sflag:s26] =	ssyncadd.s32 $0xFFFFB000  }
0x161: {  	s6 =	sadd.s32 $0x322, s5;
	v10 =	vadd.f32 v26, v10;
	v26 =	vmul.f32 v15, v0;
	v55 =	vmov s7;
	s7 =	sadd.s32 $0x321, s5;
	s5 =	sadd.s32 $0x320, s5;
	v28 =	vld [tilespmem:s0+$0x80]  }
0x162: {  	v24 =	vmul.f32 v20, v2;
	v62 =	vmov s5;
	v7 =	vadd.f32 v23, v7;
	v29 =	vld [tilespmem:s0+$0x90]  }
0x163: {  	v6 =	vadd.f32 v9, v6;
	v9 =	vmul.f32 v12, v0;
	v12 =	vmul.f32 v14, v0;
	v14 =	vld [tilespmem:s0+$0xA0]  }
0x164: {  	v4 =	vadd.f32 v17, v4;
	v17 =	vmul.f32 v22, v2;
	v23 =	vmul.f32 v32, v13;
	v15 =	vld [tilespmem:s0+$0xB0]  }
0x165: {  	v10 =	vadd.f32 v18, v10;
	v22 =	vmul.f32 v34, v27;
	v18 =	vld [tilespmem:s0+$0xD0];
	v63 =	vmul.f32 v25, v0  }
0x166: {  	v16 =	vld [tilespmem:s0+$0x50];
	v20 =	vadd.f32 v17, v7;
	v4 =	vadd.f32 v21, v4;
	v21 =	vmul.f32 v35, v27  }
0x167: {  	v25 =	vld [tilespmem:s0+$0xFFFFFF00];
	v27 =	vmul.f32 v37, v27;
	v7 =	vadd.f32 v11, v10;
	v10 =	vadd.f32 v22, v8  }
0x168: {  	v13 =	vmul.f32 v39, v13;
	v17 =	vld [tilespmem:s0+$0xC0];
	v6 =	vadd.f32 v19, v6;
	v11 =	vmov s6  }
0x169: {  	v19 =	vld [tilespmem:s0+$0x0];
	v11 =	vand.u32 $0xFFFFFFFE, v11;
	v27 =	vadd.f32 v27, v1;
	v10 =	vadd.f32 v23, v10  }
0x16a: {  	v2 =	vmul.f32 v41, v2;
	v8 =	vld [tilespmem:s0+$0x10];
	v11 =	vbroadcast v11, $0x0;
	v1 =	vmov s7  }
0x16b: {  	v22 =	vld [tilespmem:s0+$0x40];
	v1 =	vand.u32 $0xFFFFFFFD, v1;
	v13 =	vadd.f32 v13, v27;
	v27 =	vadd.f32 v24, v10  }
0x16c: {  	v9 =	vadd.f32 v9, v20;
	v5 =	vadd.f32 v21, v5;
	v20 =	vld [tilespmem:s0+$0x20];
	v60 =	vbroadcast v1, $0x0  }
0x16d: {  	v21 =	vld [tilespmem:s0+$0x30];
	v13 =	vadd.f32 v2, v13;
	v2 =	vadd.f32 v12, v27;
	v12 =	vand.u32 $0xFFFFFFFC, v62  }
0x16e: {  	v3 =	vadd.f32 v57, v3;
	v5 =	vadd.f32 v56, v5;
	v1 =	vld.idx.msk [tilespmem:v55+s22+$0x0], $0xffff;
	v27 =	vbroadcast v12, $0x0  }
0x16f: {  	v23 =	vld [tilespmem:s0+$0xFFFFFF80]  }
0x170: {  	v61 =	vmul.f32 v42, v0;
	v3 =	vadd.f32 v59, v3;
	v24 =	vld [tilespmem:s0+$0xFFFFFF90];
	v5 =	vadd.f32 v58, v5  }
0x171: {  	v10 =	vld.idx.msk [tilespmem:v11+s22+$0x0], $0xffff  }
0x172: {  	v0 =	vadd.f32 v61, v3;
	v11 =	vadd.f32 v26, v5;
	v26 =	vld [tilespmem:s0+$0xFFFFFF10]  }
0x173: {  	s28 =	simm.s32 $0xFFFFFF64;
	v3 =	vadd.f32 v63, v13;
	v5 =	vmul.f32 v28, v1;
	v13 =	vmul.f32 v29, v1;
	v12 =	vld.idx.msk [tilespmem:v60+s22+$0x0], $0xffff  }
.LBB2_13:
0x174: {  	p0 =	sne.s32 s28, $0xFFFFFFFC;
	v27 =	vld.idx.msk [tilespmem:v27+s22+$0x0], $0xffff;
	v14 =	vmul.f32 v14, v1;
	v15 =	vmul.f32 v15, v1  }
0x175: {  	v29 =	vmul.f32 v17, v1;
	v30 =	vmul.f32 v18, v1;
	v28 =	vld [tilespmem:s0+$0xFFFFFF20]  }
0x176: {  	v18 =	vmul.f32 v19, v10;
	v8 =	vmul.f32 v8, v10;
	v17 =	vld [tilespmem:s0+$0xFFFFFF30]  }
0x177: {  	v20 =	vmul.f32 v20, v10;
	v21 =	vmul.f32 v21, v10;
	v19 =	vld [tilespmem:s0+$0xFFFFFFA0]  }
0x178: {  	v22 =	vmul.f32 v22, v10;
	v16 =	vmul.f32 v16, v10;
	v31 =	vld [tilespmem:s0+$0xFFFFFFB0]  }
0x179: {  	v23 =	vmul.f32 v23, v12;
	v24 =	vmul.f32 v24, v12;
	v32 =	vld [tilespmem:s0+$0xFFFFFFC0]  }
0x17a: {  	v25 =	vmul.f32 v25, v27;
	v26 =	vmul.f32 v26, v27;
	v33 =	vld [tilespmem:s0+$0xFFFFFFD0]  }
0x17b: {  	v28 =	vmul.f32 v28, v27;
	v17 =	vmul.f32 v17, v27;
	v34 =	vld [tilespmem:s0+$0xFFFFFF40]  }
0x17c: {  	v4 =	vadd.f32 v25, v4;
	v6 =	vadd.f32 v26, v6;
	v25 =	vld [tilespmem:s0+$0xFFFFFF50];
	v19 =	vmul.f32 v19, v12  }
0x17d: {  	v7 =	vadd.f32 v28, v7;
	v9 =	vadd.f32 v17, v9;
	v17 =	vld [tilespmem:s0+$0xFFFFFF60];
	v26 =	vmul.f32 v31, v12  }
0x17e: {  	v4 =	vadd.f32 v23, v4;
	v6 =	vadd.f32 v24, v6;
	v28 =	vld [tilespmem:s0+$0xFFFFFF70];
	v23 =	vmul.f32 v32, v12  }
0x17f: {  	v7 =	vadd.f32 v19, v7;
	v9 =	vadd.f32 v26, v9;
	v19 =	vmul.f32 v33, v12;
	v24 =	vld [tilespmem:s0+$0xFFFFFFE0]  }
0x180: {  	v4 =	vadd.f32 v18, v4;
	v6 =	vadd.f32 v8, v6;
	v26 =	vmul.f32 v34, v27;
	v31 =	vld [tilespmem:s0+$0xFFFFFFF0]  }
0x181: {  	v7 =	vadd.f32 v20, v7;
	v8 =	vmul.f32 v25, v27;
	v9 =	vadd.f32 v21, v9;
	v18 =	vld [tilespmem:s0+$0x60]  }
0x182: {  	v4 =	vadd.f32 v5, v4;
	v6 =	vadd.f32 v13, v6;
	v17 =	vmul.f32 v17, v27;
	v20 =	vld [tilespmem:s0+$0x70]  }
0x183: {  	v7 =	vadd.f32 v14, v7;
	v5 =	vmul.f32 v28, v27;
	v9 =	vadd.f32 v15, v9;
	v13 =	vld [tilespmem:s0+$0xE0]  }
0x184: {  	v2 =	vadd.f32 v26, v2;
	v8 =	vadd.f32 v8, v11;
	v11 =	vmul.f32 v24, v12;
	v21 =	vld [tilespmem:s0+$0xF0];
	s0 =	sadd.s32 $0x200, s0  }
0x185: {  	v0 =	vadd.f32 v17, v0;
	v28 =	vld [tilespmem:s0+$0x80];
	v3 =	vadd.f32 v5, v3;
	v5 =	vmul.f32 v31, v12  }
0x186: {  	v2 =	vadd.f32 v23, v2;
	v8 =	vadd.f32 v19, v8;
	v31 =	vld [tilespmem:s0+$0x90];
	v12 =	vmul.f32 v18, v10  }
0x187: {  	v0 =	vadd.f32 v11, v0;
	v14 =	vld [tilespmem:s0+$0xA0];
	v3 =	vadd.f32 v5, v3;
	v5 =	vmul.f32 v20, v10  }
0x188: {  	v2 =	vadd.f32 v22, v2;
	v8 =	vadd.f32 v16, v8;
	v15 =	vld [tilespmem:s0+$0xB0];
	v10 =	vmul.f32 v13, v1  }
0x189: {  	v0 =	vadd.f32 v12, v0;
	v17 =	vld [tilespmem:s0+$0xC0];
	v3 =	vadd.f32 v5, v3;
	v1 =	vmul.f32 v21, v1  }
0x18a: {  	s5 =	sadd.s32 s28, s30;
	v2 =	vadd.f32 v29, v2;
	v11 =	vadd.f32 v30, v8;
	v18 =	vld [tilespmem:s0+$0xD0]  }
0x18b: {  	s6 =	sadd.s32 $0x322, s5;
	s7 =	sadd.s32 $0x323, s5;
	v0 =	vadd.f32 v10, v0;
	v19 =	vld [tilespmem:s0+$0x0];
	v3 =	vadd.f32 v1, v3  }
0x18c: {  	v5 =	vmov s7;
	v1 =	vmov s6;
	v8 =	vld [tilespmem:s0+$0x10]  }
0x18d: {  	v1 =	vand.u32 $0xFFFFFFFE, v1;
	v20 =	vld [tilespmem:s0+$0x20]  }
0x18e: {  	s6 =	sadd.s32 $0x321, s5;
	v10 =	vbroadcast v1, $0x0;
	v21 =	vld [tilespmem:s0+$0x30]  }
0x18f: {  	s5 =	sadd.s32 $0x320, s5;
	v1 =	vmov s6;
	v22 =	vld [tilespmem:s0+$0x40]  }
0x190: {  	v12 =	vmov s5;
	v1 =	vand.u32 $0xFFFFFFFD, v1;
	v16 =	vld [tilespmem:s0+$0x50]  }
0x191: {  	v12 =	vand.u32 $0xFFFFFFFC, v12;
	v13 =	vbroadcast v1, $0x0;
	v1 =	vld.idx.msk [tilespmem:v5+s22+$0x0], $0xffff  }
0x192: {  	v27 =	vbroadcast v12, $0x0;
	v23 =	vld [tilespmem:s0+$0xFFFFFF80]  }
.Ltmp5:
0x193: {  	v24 =	vld [tilespmem:s0+$0xFFFFFF90];
	(pc) =	sbr.rel @p0 .LBB2_13-.Ltmp5, $4  }
0x194: {  	v10 =	vld.idx.msk [tilespmem:v10+s22+$0x0], $0xffff  }
0x195: {  	v25 =	vld [tilespmem:s0+$0xFFFFFF00]  }
0x196: {  	v26 =	vld [tilespmem:s0+$0xFFFFFF10]  }
0x197: {  	s28 =	sadd.s32 $0x4, s28;
	v5 =	vmul.f32 v28, v1;
	v12 =	vld.idx.msk [tilespmem:v13+s22+$0x0], $0xffff;
	v13 =	vmul.f32 v31, v1  }
0x198: {  	_ =	sdelay $0x3  }
0x199: {  	v27 =	vld.idx.msk [tilespmem:v27+s22+$0x0], $0xffff  }
0x19a: {  	v28 =	vld [tilespmem:s0+$0xFFFFFF20]  }
0x19b: {  	v14 =	vmul.f32 v14, v1;
	v15 =	vmul.f32 v15, v1;
	v29 =	vld [tilespmem:s0+$0xFFFFFF30]  }
0x19c: {  	v30 =	vld [tilespmem:s0+$0xFFFFFFA0];
	v19 =	vmul.f32 v19, v10;
	v8 =	vmul.f32 v8, v10  }
0x19d: {  	v34 =	vld [tilespmem:s0+$0xFFFFFF40];
	v20 =	vmul.f32 v20, v10;
	v21 =	vmul.f32 v21, v10  }
0x19e: {  	v50 =	vld [tilespmem:s0+$0xFFFFFF70];
	v22 =	vmul.f32 v22, v10;
	v16 =	vmul.f32 v16, v10  }
0x19f: {  	v31 =	vld [tilespmem:s0+$0xFFFFFFB0];
	v23 =	vmul.f32 v23, v12;
	v24 =	vmul.f32 v24, v12  }
0x1a0: {  	v32 =	vld [tilespmem:s0+$0xFFFFFFC0];
	v25 =	vmul.f32 v25, v27;
	v26 =	vmul.f32 v26, v27  }
0x1a1: {  	v33 =	vld [tilespmem:s0+$0xFFFFFFD0];
	v28 =	vmul.f32 v28, v27;
	v29 =	vmul.f32 v29, v27  }
0x1a2: {  	v46 =	vld [tilespmem:s0+$0xFFFFFF50];
	v47 =	vmul.f32 v30, v12;
	v54 =	vmul.f32 v34, v27;
	v4 =	vadd.f32 v25, v4  }
0x1a3: {  	v48 =	vld [tilespmem:s0+$0xFFFFFF60];
	v60 =	vmul.f32 v50, v27;
	v6 =	vadd.f32 v26, v6;
	v7 =	vadd.f32 v28, v7  }
0x1a4: {  	v55 =	vld [tilespmem:s0+$0xFFFFFFF0];
	v49 =	vmul.f32 v31, v12;
	v9 =	vadd.f32 v29, v9;
	v2 =	vadd.f32 v54, v2  }
0x1a5: {  	v57 =	vld [tilespmem:s0+$0x60];
	v51 =	vmul.f32 v32, v12;
	v3 =	vadd.f32 v60, v3;
	v4 =	vadd.f32 v23, v4  }
0x1a6: {  	v59 =	vld [tilespmem:s0+$0x70];
	v52 =	vmul.f32 v33, v12;
	v6 =	vadd.f32 v24, v6;
	v7 =	vadd.f32 v47, v7  }
0x1a7: {  	v53 =	vld [tilespmem:s0+$0xFFFFFFE0];
	v56 =	vmul.f32 v46, v27;
	v9 =	vadd.f32 v49, v9;
	v2 =	vadd.f32 v51, v2  }
0x1a8: {  	v58 =	vmul.f32 v48, v27;
	v4 =	vadd.f32 v19, v4;
	v7 =	vadd.f32 v20, v7  }
0x1a9: {  	v62 =	vmul.f32 v55, v12;
	v6 =	vadd.f32 v8, v6;
	v9 =	vadd.f32 v21, v9  }
0x1aa: {  	s1 =	sadd.s32 $0x9, s1;
	v61 =	vld [tilespmem:s0+$0xF0];
	v63 =	vmul.f32 v57, v10;
	v8 =	vadd.f32 v5, v4;
	v5 =	vadd.f32 v14, v7  }
0x1ab: {  	s5 =	smov.u32 s11;
	p0 =	slt.s32 s1, s11;
	v10 =	vmul.f32 v59, v10;
	v4 =	vadd.f32 v15, v9;
	v7 =	vld [tilespmem:s0+$0xE0];
	v9 =	vadd.f32 v56, v11  }
0x1ac: {  	s31 =	sadd.s32 $0x1, s31;
	s5 =	smov.u32 @p0 s1;
	v0 =	vadd.f32 v58, v0;
	v3 =	vadd.f32 v62, v3;
	v11 =	vmul.f32 v53, v12  }
0x1ad: {  	p0 =	sne.s32 s31, s13;
	s1 =	smul.u32 $0xA0, s5;
	v2 =	vadd.f32 v22, v2;
	v9 =	vadd.f32 v52, v9  }
.Ltmp6:
0x1ae: {  	v17 =	vmul.f32 v17, v1;
	v10 =	vadd.f32 v10, v3;
	v0 =	vadd.f32 v11, v0;
	(pc) =	sbr.rel @p0 .LBB2_4-.Ltmp6, $4  }
0x1af: {  	v18 =	vmul.f32 v18, v1;
	s28 =	sadd.s32 s2, s1;
	v6 =	vadd.f32 v13, v6;
	v9 =	vadd.f32 v16, v9  }
0x1b0: {  	s0 =	sshll.u32 s28, $0x4;
	v11 =	vmul.f32 v61, v1;
	v0 =	vadd.f32 v63, v0;
	v7 =	vmul.f32 v7, v1  }
0x1b1: {  	s30 =	sadd.s32 $0x320, s30;
	v3 =	vadd.f32 v17, v2;
	s0 =	sadd.s32 s3, s0;
	v2 =	vadd.f32 v18, v9  }
0x1b2: {  	[tilespmem:s20], [sflag:$0x5] =	stream.linear.gather [hbm4b:s0+s4], $0x5000, $0x38;
	v1 =	vadd.f32 v7, v0;
	v0 =	vadd.f32 v11, v10;
	[tilespmem:$0x1A980] =	vst v63  }
0x1b3: {  	_ =	swait.ge [sflag:s21], $0x5000  }
0x1b4: {  	[sflag:s21] =	ssyncset.done $0x0  }
0x1b5: {  	[sflag:s21] =	ssyncadd.s32 $0xFFFFB000  }
0x1b6: {  	_ =	swait.ge [sflag:s23], $0x5000  }
0x1b7: {  	[sflag:s23] =	ssyncset.done $0x0  }
0x1b8: {  	[sflag:s23] =	ssyncadd.s32 $0xFFFFB000  }
0x1b9: {  	_ =	swait.ge [sflag:s24], $0x5000  }
0x1ba: {  	[sflag:s24] =	ssyncset.done $0x0  }
0x1bb: {  	[sflag:s24] =	ssyncadd.s32 $0xFFFFB000  }
0x1bc: {  	_ =	swait.ge [sflag:s25], $0x5000  }
0x1bd: {  	[sflag:s25] =	ssyncset.done $0x0  }
0x1be: {  	[sflag:s25] =	ssyncadd.s32 $0xFFFFB000  }
0x1bf: {  	_ =	swait.ge [sflag:s26], $0x5000  }
0x1c0: {  	[sflag:s26] =	ssyncset.done $0x0  }
0x1c1: {  	[sflag:s26] =	ssyncadd.s32 $0xFFFFB000  }
0x1c2: {  	[tilespmem:$0x1A900] =	vst v8  }
0x1c3: {  	[tilespmem:$0x1A910] =	vst v6  }
0x1c4: {  	[tilespmem:$0x1A920] =	vst v5  }
0x1c5: {  	[tilespmem:$0x1A930] =	vst v4  }
0x1c6: {  	[tilespmem:$0x1A940] =	vst v3  }
0x1c7: {  	s29 =	sadd.s32 $0x1, s29;
	[tilespmem:$0x1A950] =	vst v2  }
0x1c8: {  	p0 =	sne.s32 s29, s14;
	[tilespmem:$0x1A960] =	vst v1  }
.Ltmp7:
0x1c9: {  	s0 =	simm.s32 $0x1A900;
	[tilespmem:$0x1A970] =	vst v0;
	(pc) =	sbr.rel @p0 .LBB2_1-.Ltmp7, $4  }
0x1ca: {  	[hbm4b:s12+s4] =	stream.linear.scatter [tilespmem:s0], [sflag:$0x6], $0x80, $0x38;
	[tilespmem:$0x1A980] =	vst v63  }
0x1cb: {  	_ =	swait.ge [sflag:s15], $0x80  }
0x1cc: {  	[sflag:s15] =	ssyncset.done $0x0  }
0x1cd: {  	[sflag:s15] =	ssyncadd.s32 $0xFFFFFF80  }
0x1ce: {  	_ =	sfence.sel $0x180000  }
0x1cf: {  	[bflag:$0x0] =	sbarrier.arrive $0xFFFF  }
0x1d0: {  	_ =	strace $0x90000047  }
0x1d1: {  	s0 =	stileid.u32;
	[bflag:$0x2] =	sbarrier.arrive $0xFFFF  }
0x1d2: {  	p0 =	sne.s32 s0, $0x0;
	s0 =	rddreg [dreg:$0x2]  }
0x1d3: {  	s0 =	sadd.s32 @!p0 $0x100000, s0  }
0x1d4: {  	[sflag:s0] =	ssyncadd.tile.s32 @!p0 $0x1;
	_ =	shalt  }
.Lfunc_end2:
_tile_overlayer_lowered:
.L_overlay_start_2:
0x1d5: {  	(tag) =	ssettag $0x2  }
0x1d6: {  	s0 =	rddreg [dreg:$0x0];
	s2 =	stileid.u32  }
0x1d7: {  	s1 =	rddreg [dreg:$0x1];
	p0 =	sne.s32 s2, $0x0  }
0x1d8: {  	s3 =	rddreg [dreg:$0x2];
	[bflag:$0x3] =	sbarrier.arrive $0xFFFF;
	s2 =	simm.s32 @!p0 $0x1C06  }
0x1d9: {  	[timem:s3], [sflag:s2] =	dma.local @!p0 [hbm:s0], s1  }
0x1da: {  	s0 =	simm.s32 @!p0 $0x6  }
0x1db: {  	_ =	swait.ge @!p0 [sflag:s0], s1  }
0x1dc: {  	s1 =	ssub.s32 @!p0 $0x0, s1;
	[sflag:s0] =	ssyncset.done @!p0 $0x0  }
0x1dd: {  	[sflag:s0] =	ssyncadd.s32 @!p0 s1  }
0x1de: {  	[bflag:$0x3] =	sbarrier.arrive $0xFFFF  }
0x1df: {  	_ =	shalt  }

</sc_bundles>
